<compile_context>
chip_gen: v7x
topology: tpu7x:2x2x1
jax: 0.10.2.dev20260603
libtpu: 0.0.44.dev20260713+nightly
codegen_flags: <defaults>
</compile_context>

<pallas_src>
import jax
import jax.numpy as jnp
from jax import lax
from jax.experimental import pallas as pl
from jax.experimental.pallas import tpu as pltpu
from jax.experimental.pallas import tpu_sc as plsc

N_NODES = 10000
N_EDGES = 320000
CH = 128
LANES = 16
NG = CH // LANES
NW = 32
EPW = N_EDGES // NW
CHUNK = 128
NFULL = EPW // CHUNK
TAIL = EPW - NFULL * CHUNK

_GATHER_DNUMS = lax.GatherDimensionNumbers(
    offset_dims=(), collapsed_slice_dims=(0,), start_index_map=(0,))


def _lane_perm(x, idx):
    return lax.gather(x, idx[:, None], _GATHER_DNUMS, slice_sizes=(1,),
                      mode=lax.GatherScatterMode.PROMISE_IN_BOUNDS)


def _lane_sum(x, perms):
    for p in perms:
        x = x + _lane_perm(x, p)
    return x



def _precompute_body(x_ref, w1a_ref, w1b_ref, b1_ref, a_ref, b_ref):
    xb = x_ref[...]
    a_ref[...] = jnp.dot(xb, w1a_ref[...],
                         preferred_element_type=jnp.float32,
                         precision=lax.Precision.HIGHEST) + b1_ref[...]
    b_ref[...] = jnp.dot(xb, w1b_ref[...],
                         preferred_element_type=jnp.float32,
                         precision=lax.Precision.HIGHEST)


def _precompute(x, w1a, w1b, b1row):
    blk = 2000
    return pl.pallas_call(
        _precompute_body,
        grid=(N_NODES // blk,),
        in_specs=[
            pl.BlockSpec((blk, CH), lambda i: (i, 0)),
            pl.BlockSpec((CH, CH), lambda i: (0, 0)),
            pl.BlockSpec((CH, CH), lambda i: (0, 0)),
            pl.BlockSpec((1, CH), lambda i: (0, 0)),
        ],
        out_specs=[
            pl.BlockSpec((blk, CH), lambda i: (i, 0)),
            pl.BlockSpec((blk, CH), lambda i: (i, 0)),
        ],
        out_shape=[
            jax.ShapeDtypeStruct((N_NODES, CH), jnp.float32),
            jax.ShapeDtypeStruct((N_NODES, CH), jnp.float32),
        ],
    )(x, w1a, w1b, b1row)



def _edge_body(a_hbm, b_hbm, row_hbm, col_hbm, w2_hbm, b2_hbm, out_hbm,
               ridx_v, cidx_v, a0_v, b0_v, a1_v, b1_v, at_v, bt_v,
               w2_v, b2_v, out_v, stage_v, sem_a0, sem_b0, sem_a1, sem_b1):
    wid = lax.axis_index("s") * 2 + lax.axis_index("c")
    base = wid * EPW

    pltpu.sync_copy(row_hbm.at[pl.ds(base, EPW)], ridx_v)
    pltpu.sync_copy(col_hbm.at[pl.ds(base, EPW)], cidx_v)
    pltpu.sync_copy(w2_hbm, w2_v)
    pltpu.sync_copy(b2_hbm, b2_v)

    w2g = [w2_v[pl.ds(j * LANES, LANES)] for j in range(NG)]
    acc0 = b2_v[...]
    lane = lax.iota(jnp.int32, LANES)
    perms = [lane ^ s for s in (1, 2, 4, 8)]
    lmasks = [lane == i for i in range(LANES)]
    zero = jnp.zeros((LANES,), jnp.float32)

    def issue(off, n, a_buf, b_buf, sem_a, sem_b):
        pltpu.async_copy(a_hbm.at[ridx_v.at[pl.ds(off, n)]], a_buf, sem_a)
        pltpu.async_copy(b_hbm.at[cidx_v.at[pl.ds(off, n)]], b_buf, sem_b)

    def drain(off, n, a_buf, b_buf, sem_a, sem_b):
        pltpu.make_async_copy(
            a_hbm.at[ridx_v.at[pl.ds(off, n)]], a_buf, sem_a).wait()
        pltpu.make_async_copy(
            b_hbm.at[cidx_v.at[pl.ds(off, n)]], b_buf, sem_b).wait()

    def compute(off, n, a_buf, b_buf):
        @plsc.parallel_loop(0, n, unroll=8)
        def edge_body(i):
            acc_lo = acc0
            acc_hi = zero
            for j in range(NG // 2):
                va = a_buf[i, pl.ds(j * LANES, LANES)]
                vb = b_buf[i, pl.ds(j * LANES, LANES)]
                acc_lo = acc_lo + jnp.maximum(va + vb, 0.0) * w2g[j]
                jh = j + NG // 2
                va2 = a_buf[i, pl.ds(jh * LANES, LANES)]
                vb2 = b_buf[i, pl.ds(jh * LANES, LANES)]
                acc_hi = acc_hi + jnp.maximum(va2 + vb2, 0.0) * w2g[jh]
            s = _lane_sum(acc_lo + acc_hi, perms)
            stage_v[i, :] = s

        @plsc.parallel_loop(0, n // LANES, unroll=1)
        def gather_out_body(t):
            v = zero
            for i in range(LANES):
                v = jnp.where(lmasks[i], stage_v[t * LANES + i, :], v)
            out_v[pl.ds(off + t * LANES, LANES)] = (
                1.0 / (1.0 + jnp.exp(-v)))

    issue(0, CHUNK, a0_v, b0_v, sem_a0, sem_b0)

    def pair_body(t, carry):
        c0 = 2 * t
        o0 = c0 * CHUNK
        issue(o0 + CHUNK, CHUNK, a1_v, b1_v, sem_a1, sem_b1)
        drain(o0, CHUNK, a0_v, b0_v, sem_a0, sem_b0)
        compute(o0, CHUNK, a0_v, b0_v)
        issue(o0 + 2 * CHUNK, CHUNK, a0_v, b0_v, sem_a0, sem_b0)
        drain(o0 + CHUNK, CHUNK, a1_v, b1_v, sem_a1, sem_b1)
        compute(o0 + CHUNK, CHUNK, a1_v, b1_v)
        return carry

    lax.fori_loop(0, NFULL // 2 - 1, pair_body, 0)
    oA = (NFULL - 2) * CHUNK
    oB = (NFULL - 1) * CHUNK
    oT = NFULL * CHUNK
    issue(oB, CHUNK, a1_v, b1_v, sem_a1, sem_b1)
    drain(oA, CHUNK, a0_v, b0_v, sem_a0, sem_b0)
    compute(oA, CHUNK, a0_v, b0_v)
    issue(oT, TAIL, at_v, bt_v, sem_a0, sem_b0)
    drain(oB, CHUNK, a1_v, b1_v, sem_a1, sem_b1)
    compute(oB, CHUNK, a1_v, b1_v)
    drain(oT, TAIL, at_v, bt_v, sem_a0, sem_b0)
    compute(oT, TAIL, at_v, bt_v)

    pltpu.sync_copy(out_v, out_hbm.at[pl.ds(base, EPW)])


def _edge_call(a, b, row1d, col1d, w2, b2pad):
    mesh = plsc.VectorSubcoreMesh(core_axis_name="c", subcore_axis_name="s")
    fn = pl.kernel(
        _edge_body,
        mesh=mesh,
        out_type=jax.ShapeDtypeStruct((N_EDGES,), jnp.float32),
        scratch_types=[
            pltpu.VMEM((EPW,), jnp.int32),
            pltpu.VMEM((EPW,), jnp.int32),
            pltpu.VMEM((CHUNK, CH), jnp.float32),
            pltpu.VMEM((CHUNK, CH), jnp.float32),
            pltpu.VMEM((CHUNK, CH), jnp.float32),
            pltpu.VMEM((CHUNK, CH), jnp.float32),
            pltpu.VMEM((TAIL, CH), jnp.float32),
            pltpu.VMEM((TAIL, CH), jnp.float32),
            pltpu.VMEM((CH,), jnp.float32),
            pltpu.VMEM((LANES,), jnp.float32),
            pltpu.VMEM((EPW,), jnp.float32),
            pltpu.VMEM((CHUNK, LANES), jnp.float32),
            pltpu.SemaphoreType.DMA,
            pltpu.SemaphoreType.DMA,
            pltpu.SemaphoreType.DMA,
            pltpu.SemaphoreType.DMA,
        ],
    )
    return fn(a, b, row1d, col1d, w2, b2pad)


def kernel(x, edge_index, W1, b1, W2, b2):
    ei = edge_index.astype(jnp.int32)
    row1d = ei[0]
    col1d = ei[1]
    w1a = W1[:CH]
    w1b = W1[CH:]
    b1row = b1.reshape(1, CH)
    a, b = _precompute(x, w1a, w1b, b1row)
    w2 = W2.reshape(CH)
    b2pad = jnp.pad(b2.astype(jnp.float32), (0, LANES - 1))
    out = _edge_call(a, b, row1d, col1d, w2, b2pad)
    return out.reshape(N_EDGES, 1)

# --- scband reference (transcript-rebuilt; emitter-appended) ---
"""Pipeline reference for scband-mycelium-edge-conv-72078141162164 (READ-ONLY COPY).

The authoritative reference and input builder live on the scoring server;
editing this copy changes nothing except your own understanding.
"""

import jax, jax.numpy as jnp
import numpy as np

IN_CH = 128
OUT_CH = 128
N_NODES = 10000
N_EDGES = 320000

def setup_inputs(seed: int = 0) -> dict:
    key = jax.random.key(seed)
    k_x, k_ei, k_w1, k_b1, k_w2, k_b2 = jax.random.split(key, 6)
    x = jax.random.normal(k_x, (N_NODES, IN_CH), dtype=jnp.float32)
    edge_index = jax.random.randint(k_ei, (2, N_EDGES), 0, N_NODES, dtype=jnp.int64)
    # MLP params: Linear(2*in_channels, out_channels) -> ReLU -> Linear(out_channels, 1)
    lim1 = 1.0 / np.sqrt(2 * IN_CH)
    W1 = jax.random.uniform(k_w1, (2 * IN_CH, OUT_CH), minval=-lim1, maxval=lim1, dtype=jnp.float32)
    b1 = jax.random.uniform(k_b1, (OUT_CH,), minval=-lim1, maxval=lim1, dtype=jnp.float32)
    lim2 = 1.0 / np.sqrt(OUT_CH)
    W2 = jax.random.uniform(k_w2, (OUT_CH, 1), minval=-lim2, maxval=lim2, dtype=jnp.float32)
    b2 = jax.random.uniform(k_b2, (1,), minval=-lim2, maxval=lim2, dtype=jnp.float32)
    return {"x": x, "edge_index": edge_index, "W1": W1, "b1": b1, "W2": W2, "b2": b2}

def reference(x, edge_index, W1, b1, W2, b2):
    row = edge_index[0]
    col = edge_index[1]
    # gather source and destination node features per edge (memory-bound gather)
    edge_feat = jnp.concatenate([jnp.take(x, row, axis=0), jnp.take(x, col, axis=0)], axis=-1)
    h = jax.nn.relu(edge_feat @ W1 + b1)
    out = jax.nn.sigmoid(h @ W2 + b2)
    return out

if __name__ == "__main__":
    import jax
    _d = setup_inputs()
    print(jax.jit(kernel)(*tuple(_d.values())))

</pallas_src>

<mosaic_0001>
#map = affine_map<(d0, d1) -> (0, 0)>
#map1 = affine_map<(d0, d1) -> (0)>
module attributes {stable_mosaic.version = 14 : i64} {
  func.func @_edge_body(%arg0: i32, %arg1: i32, %arg2: memref<10000x128xf32, #tpu.memory_space<hbm>>, %arg3: memref<10000x128xf32, #tpu.memory_space<hbm>>, %arg4: memref<320000xi32, #tpu.memory_space<hbm>>, %arg5: memref<320000xi32, #tpu.memory_space<hbm>>, %arg6: memref<128xf32, #tpu.memory_space<hbm>>, %arg7: memref<16xf32, #tpu.memory_space<hbm>>, %arg8: memref<320000xf32, #tpu.memory_space<hbm>>, %arg9: memref<10000xi32, #tpu.memory_space<vmem>>, %arg10: memref<10000xi32, #tpu.memory_space<vmem>>, %arg11: memref<128x128xf32, #tpu.memory_space<vmem>>, %arg12: memref<128x128xf32, #tpu.memory_space<vmem>>, %arg13: memref<128x128xf32, #tpu.memory_space<vmem>>, %arg14: memref<128x128xf32, #tpu.memory_space<vmem>>, %arg15: memref<16x128xf32, #tpu.memory_space<vmem>>, %arg16: memref<16x128xf32, #tpu.memory_space<vmem>>, %arg17: memref<128xf32, #tpu.memory_space<vmem>>, %arg18: memref<16xf32, #tpu.memory_space<vmem>>, %arg19: memref<10000xf32, #tpu.memory_space<vmem>>, %arg20: memref<128x16xf32, #tpu.memory_space<vmem>>, %arg21: memref<!tpu.dma_semaphore, #tpu.memory_space<semaphore_mem>>, %arg22: memref<!tpu.dma_semaphore, #tpu.memory_space<semaphore_mem>>, %arg23: memref<!tpu.dma_semaphore, #tpu.memory_space<semaphore_mem>>, %arg24: memref<!tpu.dma_semaphore, #tpu.memory_space<semaphore_mem>>) attributes {dimension_semantics = [#tpu.dimension_semantics<core_parallel>, #tpu.dimension_semantics<subcore_parallel>], iteration_bounds = array<i64: 2, 16>, scalar_prefetch = 0 : i64, scratch_operands = 16 : i64, tpu.core_type = #tpu.core_type<sc_vector_subcore>, window_params = [{transform_indices = #map}, {transform_indices = #map}, {transform_indices = #map1}, {transform_indices = #map1}, {transform_indices = #map1}, {transform_indices = #map1}, {transform_indices = #map1}]} {
    %mul3A = arith.constant 2 : i32
    %mul3A_0 = arith.muli %arg1, %mul3A : i32
    %add3A = arith.addi %mul3A_0, %arg0 : i32
    %mul3A_1 = arith.constant 10000 : i32
    %mul3A_2 = arith.muli %add3A, %mul3A_1 : i32
    "tpu.region"() ({
      %run_scoped3A = tpu.sem_alloc : memref<!tpu.dma_semaphore, #tpu.memory_space<semaphore_mem>>
      %dma_start3A_168 = tpu.memref_slice %arg4[%mul3A_2] : memref<320000xi32, #tpu.memory_space<hbm>> -> memref<10000xi32, #tpu.memory_space<hbm>>
      %dma_start3A_169 = tpu.memref_slice %arg4[%mul3A_2] : memref<320000xi32, #tpu.memory_space<hbm>> -> memref<10000xi32, #tpu.memory_space<hbm>>
      tpu.enqueue_dma source(%dma_start3A_169 : memref<10000xi32, #tpu.memory_space<hbm>>) target(%arg9 : memref<10000xi32, #tpu.memory_space<vmem>>) target_semaphore(%run_scoped3A : memref<!tpu.dma_semaphore, #tpu.memory_space<semaphore_mem>>)
      %dma_wait3A_170 = tpu.memref_slice %arg4[%mul3A_2] : memref<320000xi32, #tpu.memory_space<hbm>> -> memref<10000xi32, #tpu.memory_space<hbm>>
      %dma_wait3A_171 = tpu.memref_slice %arg4[%mul3A_2] : memref<320000xi32, #tpu.memory_space<hbm>> -> memref<10000xi32, #tpu.memory_space<hbm>>
      tpu.wait_dma2 semaphore(%run_scoped3A : memref<!tpu.dma_semaphore, #tpu.memory_space<semaphore_mem>>) src(%dma_wait3A_171 : memref<10000xi32, #tpu.memory_space<hbm>>) dst(%arg9 : memref<10000xi32, #tpu.memory_space<vmem>>)
      tpu.yield
    }) : () -> ()
    "tpu.region"() ({
      %run_scoped3A = tpu.sem_alloc : memref<!tpu.dma_semaphore, #tpu.memory_space<semaphore_mem>>
      %dma_start3A_168 = tpu.memref_slice %arg5[%mul3A_2] : memref<320000xi32, #tpu.memory_space<hbm>> -> memref<10000xi32, #tpu.memory_space<hbm>>
      %dma_start3A_169 = tpu.memref_slice %arg5[%mul3A_2] : memref<320000xi32, #tpu.memory_space<hbm>> -> memref<10000xi32, #tpu.memory_space<hbm>>
      tpu.enqueue_dma source(%dma_start3A_169 : memref<10000xi32, #tpu.memory_space<hbm>>) target(%arg10 : memref<10000xi32, #tpu.memory_space<vmem>>) target_semaphore(%run_scoped3A : memref<!tpu.dma_semaphore, #tpu.memory_space<semaphore_mem>>)
      %dma_wait3A_170 = tpu.memref_slice %arg5[%mul3A_2] : memref<320000xi32, #tpu.memory_space<hbm>> -> memref<10000xi32, #tpu.memory_space<hbm>>
      %dma_wait3A_171 = tpu.memref_slice %arg5[%mul3A_2] : memref<320000xi32, #tpu.memory_space<hbm>> -> memref<10000xi32, #tpu.memory_space<hbm>>
      tpu.wait_dma2 semaphore(%run_scoped3A : memref<!tpu.dma_semaphore, #tpu.memory_space<semaphore_mem>>) src(%dma_wait3A_171 : memref<10000xi32, #tpu.memory_space<hbm>>) dst(%arg10 : memref<10000xi32, #tpu.memory_space<vmem>>)
      tpu.yield
    }) : () -> ()
    "tpu.region"() ({
      %run_scoped3A = tpu.sem_alloc : memref<!tpu.dma_semaphore, #tpu.memory_space<semaphore_mem>>
      tpu.enqueue_dma source(%arg6 : memref<128xf32, #tpu.memory_space<hbm>>) target(%arg17 : memref<128xf32, #tpu.memory_space<vmem>>) target_semaphore(%run_scoped3A : memref<!tpu.dma_semaphore, #tpu.memory_space<semaphore_mem>>)
      tpu.wait_dma2 semaphore(%run_scoped3A : memref<!tpu.dma_semaphore, #tpu.memory_space<semaphore_mem>>) src(%arg6 : memref<128xf32, #tpu.memory_space<hbm>>) dst(%arg17 : memref<128xf32, #tpu.memory_space<vmem>>)
      tpu.yield
    }) : () -> ()
    "tpu.region"() ({
      %run_scoped3A = tpu.sem_alloc : memref<!tpu.dma_semaphore, #tpu.memory_space<semaphore_mem>>
      tpu.enqueue_dma source(%arg7 : memref<16xf32, #tpu.memory_space<hbm>>) target(%arg18 : memref<16xf32, #tpu.memory_space<vmem>>) target_semaphore(%run_scoped3A : memref<!tpu.dma_semaphore, #tpu.memory_space<semaphore_mem>>)
      tpu.wait_dma2 semaphore(%run_scoped3A : memref<!tpu.dma_semaphore, #tpu.memory_space<semaphore_mem>>) src(%arg7 : memref<16xf32, #tpu.memory_space<hbm>>) dst(%arg18 : memref<16xf32, #tpu.memory_space<vmem>>)
      tpu.yield
    }) : () -> ()
    %get3A = arith.constant 0 : index
    %get3A_3 = tpu.vector_load %arg17[%get3A] {strides = array<i32>} : memref<128xf32, #tpu.memory_space<vmem>>, vector<16xf32>,
    %get3A_4 = vector.shape_cast %get3A_3 : vector<16xf32> to vector<16xf32>
    %get3A_5 = arith.constant 16 : index
    %get3A_6 = tpu.vector_load %arg17[%get3A_5] {strides = array<i32>} : memref<128xf32, #tpu.memory_space<vmem>>, vector<16xf32>,
    %get3A_7 = vector.shape_cast %get3A_6 : vector<16xf32> to vector<16xf32>
    %get3A_8 = arith.constant 32 : index
    %get3A_9 = tpu.vector_load %arg17[%get3A_8] {strides = array<i32>} : memref<128xf32, #tpu.memory_space<vmem>>, vector<16xf32>,
    %get3A_10 = vector.shape_cast %get3A_9 : vector<16xf32> to vector<16xf32>
    %get3A_11 = arith.constant 48 : index
    %get3A_12 = tpu.vector_load %arg17[%get3A_11] {strides = array<i32>} : memref<128xf32, #tpu.memory_space<vmem>>, vector<16xf32>,
    %get3A_13 = vector.shape_cast %get3A_12 : vector<16xf32> to vector<16xf32>
    %get3A_14 = arith.constant 64 : index
    %get3A_15 = tpu.vector_load %arg17[%get3A_14] {strides = array<i32>} : memref<128xf32, #tpu.memory_space<vmem>>, vector<16xf32>,
    %get3A_16 = vector.shape_cast %get3A_15 : vector<16xf32> to vector<16xf32>
    %get3A_17 = arith.constant 80 : index
    %get3A_18 = tpu.vector_load %arg17[%get3A_17] {strides = array<i32>} : memref<128xf32, #tpu.memory_space<vmem>>, vector<16xf32>,
    %get3A_19 = vector.shape_cast %get3A_18 : vector<16xf32> to vector<16xf32>
    %get3A_20 = arith.constant 96 : index
    %get3A_21 = tpu.vector_load %arg17[%get3A_20] {strides = array<i32>} : memref<128xf32, #tpu.memory_space<vmem>>, vector<16xf32>,
    %get3A_22 = vector.shape_cast %get3A_21 : vector<16xf32> to vector<16xf32>
    %get3A_23 = arith.constant 112 : index
    %get3A_24 = tpu.vector_load %arg17[%get3A_23] {strides = array<i32>} : memref<128xf32, #tpu.memory_space<vmem>>, vector<16xf32>,
    %get3A_25 = vector.shape_cast %get3A_24 : vector<16xf32> to vector<16xf32>
    %get3A_26 = arith.constant 0 : index
    %get3A_27 = tpu.vector_load %arg18[%get3A_26] {strides = array<i32>} : memref<16xf32, #tpu.memory_space<vmem>>, vector<16xf32>,
    %get3A_28 = vector.shape_cast %get3A_27 : vector<16xf32> to vector<16xf32>
    %iota3A = tpu.iota {dimensions = array<i32: 0>} : vector<16xi32>
    %xor3A = arith.constant 1 : i32
    %xor3A_29 = vector.broadcast %xor3A : i32 to vector<16xi32>
    %xor3A_30 = arith.xori %iota3A, %xor3A_29 : vector<16xi32>
    %xor3A_31 = arith.constant 2 : i32
    %xor3A_32 = vector.broadcast %xor3A_31 : i32 to vector<16xi32>
    %xor3A_33 = arith.xori %iota3A, %xor3A_32 : vector<16xi32>
    %xor3A_34 = arith.constant 4 : i32
    %xor3A_35 = vector.broadcast %xor3A_34 : i32 to vector<16xi32>
    %xor3A_36 = arith.xori %iota3A, %xor3A_35 : vector<16xi32>
    %xor3A_37 = arith.constant 8 : i32
    %xor3A_38 = vector.broadcast %xor3A_37 : i32 to vector<16xi32>
    %xor3A_39 = arith.xori %iota3A, %xor3A_38 : vector<16xi32>
    %eq3A = arith.constant 0 : i32
    %eq3A_40 = vector.broadcast %eq3A : i32 to vector<16xi32>
    %eq3A_41 = arith.cmpi eq, %iota3A, %eq3A_40 : vector<16xi32>
    %eq3A_42 = arith.constant 1 : i32
    %eq3A_43 = vector.broadcast %eq3A_42 : i32 to vector<16xi32>
    %eq3A_44 = arith.cmpi eq, %iota3A, %eq3A_43 : vector<16xi32>
    %eq3A_45 = arith.constant 2 : i32
    %eq3A_46 = vector.broadcast %eq3A_45 : i32 to vector<16xi32>
    %eq3A_47 = arith.cmpi eq, %iota3A, %eq3A_46 : vector<16xi32>
    %eq3A_48 = arith.constant 3 : i32
    %eq3A_49 = vector.broadcast %eq3A_48 : i32 to vector<16xi32>
    %eq3A_50 = arith.cmpi eq, %iota3A, %eq3A_49 : vector<16xi32>
    %eq3A_51 = arith.constant 4 : i32
    %eq3A_52 = vector.broadcast %eq3A_51 : i32 to vector<16xi32>
    %eq3A_53 = arith.cmpi eq, %iota3A, %eq3A_52 : vector<16xi32>
    %eq3A_54 = arith.constant 5 : i32
    %eq3A_55 = vector.broadcast %eq3A_54 : i32 to vector<16xi32>
    %eq3A_56 = arith.cmpi eq, %iota3A, %eq3A_55 : vector<16xi32>
    %eq3A_57 = arith.constant 6 : i32
    %eq3A_58 = vector.broadcast %eq3A_57 : i32 to vector<16xi32>
    %eq3A_59 = arith.cmpi eq, %iota3A, %eq3A_58 : vector<16xi32>
    %eq3A_60 = arith.constant 7 : i32
    %eq3A_61 = vector.broadcast %eq3A_60 : i32 to vector<16xi32>
    %eq3A_62 = arith.cmpi eq, %iota3A, %eq3A_61 : vector<16xi32>
    %eq3A_63 = arith.constant 8 : i32
    %eq3A_64 = vector.broadcast %eq3A_63 : i32 to vector<16xi32>
    %eq3A_65 = arith.cmpi eq, %iota3A, %eq3A_64 : vector<16xi32>
    %eq3A_66 = arith.constant 9 : i32
    %eq3A_67 = vector.broadcast %eq3A_66 : i32 to vector<16xi32>
    %eq3A_68 = arith.cmpi eq, %iota3A, %eq3A_67 : vector<16xi32>
    %eq3A_69 = arith.constant 10 : i32
    %eq3A_70 = vector.broadcast %eq3A_69 : i32 to vector<16xi32>
    %eq3A_71 = arith.cmpi eq, %iota3A, %eq3A_70 : vector<16xi32>
    %eq3A_72 = arith.constant 11 : i32
    %eq3A_73 = vector.broadcast %eq3A_72 : i32 to vector<16xi32>
    %eq3A_74 = arith.cmpi eq, %iota3A, %eq3A_73 : vector<16xi32>
    %eq3A_75 = arith.constant 12 : i32
    %eq3A_76 = vector.broadcast %eq3A_75 : i32 to vector<16xi32>
    %eq3A_77 = arith.cmpi eq, %iota3A, %eq3A_76 : vector<16xi32>
    %eq3A_78 = arith.constant 13 : i32
    %eq3A_79 = vector.broadcast %eq3A_78 : i32 to vector<16xi32>
    %eq3A_80 = arith.cmpi eq, %iota3A, %eq3A_79 : vector<16xi32>
    %eq3A_81 = arith.constant 14 : i32
    %eq3A_82 = vector.broadcast %eq3A_81 : i32 to vector<16xi32>
    %eq3A_83 = arith.cmpi eq, %iota3A, %eq3A_82 : vector<16xi32>
    %eq3A_84 = arith.constant 15 : i32
    %eq3A_85 = vector.broadcast %eq3A_84 : i32 to vector<16xi32>
    %eq3A_86 = arith.cmpi eq, %iota3A, %eq3A_85 : vector<16xi32>
    %broadcast_in_dim3A = arith.constant 0.000000e+00 : f32
    %broadcast_in_dim3A_87 = vector.broadcast %broadcast_in_dim3A : f32 to vector<16xf32>
    %dma_start3A = arith.constant 0 : i32
    %dma_start3A_88 = tpu.memref_slice %arg9[%dma_start3A] : memref<10000xi32, #tpu.memory_space<vmem>> -> memref<128xi32, #tpu.memory_space<vmem>>
    %dma_start3A_89 = arith.constant 0 : i32
    %dma_start3A_90 = arith.constant 0 : i32
    %dma_start3A_91 = tpu.memref_slice %arg2[%dma_start3A_89, %dma_start3A_90] : memref<10000x128xf32, #tpu.memory_space<hbm>> -> memref<10000x128xf32, #tpu.memory_space<hbm>>
    tpu.enqueue_indirect_dma source(%dma_start3A_91 : memref<10000x128xf32, #tpu.memory_space<hbm>>) target(%arg11 : memref<128x128xf32, #tpu.memory_space<vmem>>) offsets(%dma_start3A_88 : memref<128xi32, #tpu.memory_space<vmem>>) semaphore(%arg21 : memref<!tpu.dma_semaphore, #tpu.memory_space<semaphore_mem>>)
    %dma_start3A_92 = arith.constant 0 : i32
    %dma_start3A_93 = tpu.memref_slice %arg10[%dma_start3A_92] : memref<10000xi32, #tpu.memory_space<vmem>> -> memref<128xi32, #tpu.memory_space<vmem>>
    %dma_start3A_94 = arith.constant 0 : i32
    %dma_start3A_95 = arith.constant 0 : i32
    %dma_start3A_96 = tpu.memref_slice %arg3[%dma_start3A_94, %dma_start3A_95] : memref<10000x128xf32, #tpu.memory_space<hbm>> -> memref<10000x128xf32, #tpu.memory_space<hbm>>
    tpu.enqueue_indirect_dma source(%dma_start3A_96 : memref<10000x128xf32, #tpu.memory_space<hbm>>) target(%arg12 : memref<128x128xf32, #tpu.memory_space<vmem>>) offsets(%dma_start3A_93 : memref<128xi32, #tpu.memory_space<vmem>>) semaphore(%arg22 : memref<!tpu.dma_semaphore, #tpu.memory_space<semaphore_mem>>)
    %scan3A = arith.constant 0 : i32
    %scan3A_97 = arith.constant 0 : i32
    %scan3A_98 = arith.constant 38 : i32
    %scan3A_99 = arith.addi %scan3A_97, %scan3A_98 : i32
    %scan3A_100 = arith.constant 1 : i32
    scf.for %scan3A_168 = %scan3A_97 to %scan3A_99 step %scan3A_100  : i32 {
      %mul3A_169 = arith.constant 2 : i32
      %mul3A_170 = arith.muli %mul3A_169, %scan3A_168 : i32
      %mul3A_171 = arith.constant 128 : i32
      %mul3A_172 = arith.muli %mul3A_170, %mul3A_171 : i32
      %add3A_173 = arith.constant 128 : i32
      %add3A_174 = arith.addi %mul3A_172, %add3A_173 : i32
      %dma_start3A_175 = tpu.memref_slice %arg9[%add3A_174] : memref<10000xi32, #tpu.memory_space<vmem>> -> memref<128xi32, #tpu.memory_space<vmem>>
      %dma_start3A_176 = arith.constant 0 : i32
      %dma_start3A_177 = arith.constant 0 : i32
      %dma_start3A_178 = tpu.memref_slice %arg2[%dma_start3A_176, %dma_start3A_177] : memref<10000x128xf32, #tpu.memory_space<hbm>> -> memref<10000x128xf32, #tpu.memory_space<hbm>>
      tpu.enqueue_indirect_dma source(%dma_start3A_178 : memref<10000x128xf32, #tpu.memory_space<hbm>>) target(%arg13 : memref<128x128xf32, #tpu.memory_space<vmem>>) offsets(%dma_start3A_175 : memref<128xi32, #tpu.memory_space<vmem>>) semaphore(%arg23 : memref<!tpu.dma_semaphore, #tpu.memory_space<semaphore_mem>>)
      %dma_start3A_179 = tpu.memref_slice %arg10[%add3A_174] : memref<10000xi32, #tpu.memory_space<vmem>> -> memref<128xi32, #tpu.memory_space<vmem>>
      %dma_start3A_180 = arith.constant 0 : i32
      %dma_start3A_181 = arith.constant 0 : i32
      %dma_start3A_182 = tpu.memref_slice %arg3[%dma_start3A_180, %dma_start3A_181] : memref<10000x128xf32, #tpu.memory_space<hbm>> -> memref<10000x128xf32, #tpu.memory_space<hbm>>
      tpu.enqueue_indirect_dma source(%dma_start3A_182 : memref<10000x128xf32, #tpu.memory_space<hbm>>) target(%arg14 : memref<128x128xf32, #tpu.memory_space<vmem>>) offsets(%dma_start3A_179 : memref<128xi32, #tpu.memory_space<vmem>>) semaphore(%arg24 : memref<!tpu.dma_semaphore, #tpu.memory_space<semaphore_mem>>)
      %dma_wait3A_183 = tpu.memref_slice %arg9[%mul3A_172] : memref<10000xi32, #tpu.memory_space<vmem>> -> memref<128xi32, #tpu.memory_space<vmem>>
      %dma_wait3A_184 = arith.constant 0 : i32
      %dma_wait3A_185 = arith.constant 0 : i32
      %dma_wait3A_186 = tpu.memref_slice %arg2[%dma_wait3A_184, %dma_wait3A_185] : memref<10000x128xf32, #tpu.memory_space<hbm>> -> memref<10000x128xf32, #tpu.memory_space<hbm>>
      tpu.wait_indirect_dma semaphore(%arg21 : memref<!tpu.dma_semaphore, #tpu.memory_space<semaphore_mem>>) src(%dma_wait3A_186 : memref<10000x128xf32, #tpu.memory_space<hbm>>) dst(%arg11 : memref<128x128xf32, #tpu.memory_space<vmem>>)
      %dma_wait3A_187 = tpu.memref_slice %arg10[%mul3A_172] : memref<10000xi32, #tpu.memory_space<vmem>> -> memref<128xi32, #tpu.memory_space<vmem>>
      %dma_wait3A_188 = arith.constant 0 : i32
      %dma_wait3A_189 = arith.constant 0 : i32
      %dma_wait3A_190 = tpu.memref_slice %arg3[%dma_wait3A_188, %dma_wait3A_189] : memref<10000x128xf32, #tpu.memory_space<hbm>> -> memref<10000x128xf32, #tpu.memory_space<hbm>>
      tpu.wait_indirect_dma semaphore(%arg22 : memref<!tpu.dma_semaphore, #tpu.memory_space<semaphore_mem>>) src(%dma_wait3A_190 : memref<10000x128xf32, #tpu.memory_space<hbm>>) dst(%arg12 : memref<128x128xf32, #tpu.memory_space<vmem>>)
      %parallel_loop3A_191 = arith.constant 0 : i32
      %parallel_loop3A_192 = arith.constant 128 : i32
      %parallel_loop3A_193 = arith.constant 1 : i32
      scf.for %parallel_loop3A_225 = %parallel_loop3A_191 to %parallel_loop3A_192 step %parallel_loop3A_193  : i32 {
        %parallel_loop3A_226 = arith.index_cast %parallel_loop3A_225 : i32 to index
        %parallel_loop3A_227 = arith.constant 0 : index
        %parallel_loop3A_228 = tpu.vector_load %arg11[%parallel_loop3A_226, %parallel_loop3A_227] {strides = array<i32>} : memref<128x128xf32, #tpu.memory_space<vmem>>, vector<1x16xf32>,
        %parallel_loop3A_229 = vector.shape_cast %parallel_loop3A_228 : vector<1x16xf32> to vector<16xf32>
        %parallel_loop3A_230 = arith.index_cast %parallel_loop3A_225 : i32 to index
        %parallel_loop3A_231 = arith.constant 0 : index
        %parallel_loop3A_232 = tpu.vector_load %arg12[%parallel_loop3A_230, %parallel_loop3A_231] {strides = array<i32>} : memref<128x128xf32, #tpu.memory_space<vmem>>, vector<1x16xf32>,
        %parallel_loop3A_233 = vector.shape_cast %parallel_loop3A_232 : vector<1x16xf32> to vector<16xf32>
        %parallel_loop3A_234 = arith.addf %parallel_loop3A_229, %parallel_loop3A_233 : vector<16xf32>
        %parallel_loop3A_235 = arith.constant 0.000000e+00 : f32
        %parallel_loop3A_236 = vector.broadcast %parallel_loop3A_235 : f32 to vector<16xf32>
        %parallel_loop3A_237 = arith.maximumf %parallel_loop3A_234, %parallel_loop3A_236 : vector<16xf32>
        %parallel_loop3A_238 = arith.mulf %parallel_loop3A_237, %get3A_4 : vector<16xf32>
        %parallel_loop3A_239 = arith.addf %get3A_28, %parallel_loop3A_238 : vector<16xf32>
        %parallel_loop3A_240 = arith.index_cast %parallel_loop3A_225 : i32 to index
        %parallel_loop3A_241 = arith.constant 64 : index
        %parallel_loop3A_242 = tpu.vector_load %arg11[%parallel_loop3A_240, %parallel_loop3A_241] {strides = array<i32>} : memref<128x128xf32, #tpu.memory_space<vmem>>, vector<1x16xf32>,
        %parallel_loop3A_243 = vector.shape_cast %parallel_loop3A_242 : vector<1x16xf32> to vector<16xf32>
        %parallel_loop3A_244 = arith.index_cast %parallel_loop3A_225 : i32 to index
        %parallel_loop3A_245 = arith.constant 64 : index
        %parallel_loop3A_246 = tpu.vector_load %arg12[%parallel_loop3A_244, %parallel_loop3A_245] {strides = array<i32>} : memref<128x128xf32, #tpu.memory_space<vmem>>, vector<1x16xf32>,
        %parallel_loop3A_247 = vector.shape_cast %parallel_loop3A_246 : vector<1x16xf32> to vector<16xf32>
        %parallel_loop3A_248 = arith.addf %parallel_loop3A_243, %parallel_loop3A_247 : vector<16xf32>
        %parallel_loop3A_249 = arith.constant 0.000000e+00 : f32
        %parallel_loop3A_250 = vector.broadcast %parallel_loop3A_249 : f32 to vector<16xf32>
        %parallel_loop3A_251 = arith.maximumf %parallel_loop3A_248, %parallel_loop3A_250 : vector<16xf32>
        %parallel_loop3A_252 = arith.mulf %parallel_loop3A_251, %get3A_16 : vector<16xf32>
        %parallel_loop3A_253 = arith.addf %broadcast_in_dim3A_87, %parallel_loop3A_252 : vector<16xf32>
        %parallel_loop3A_254 = arith.index_cast %parallel_loop3A_225 : i32 to index
        %parallel_loop3A_255 = arith.constant 16 : index
        %parallel_loop3A_256 = tpu.vector_load %arg11[%parallel_loop3A_254, %parallel_loop3A_255] {strides = array<i32>} : memref<128x128xf32, #tpu.memory_space<vmem>>, vector<1x16xf32>,
        %parallel_loop3A_257 = vector.shape_cast %parallel_loop3A_256 : vector<1x16xf32> to vector<16xf32>
        %parallel_loop3A_258 = arith.index_cast %parallel_loop3A_225 : i32 to index
        %parallel_loop3A_259 = arith.constant 16 : index
        %parallel_loop3A_260 = tpu.vector_load %arg12[%parallel_loop3A_258, %parallel_loop3A_259] {strides = array<i32>} : memref<128x128xf32, #tpu.memory_space<vmem>>, vector<1x16xf32>,
        %parallel_loop3A_261 = vector.shape_cast %parallel_loop3A_260 : vector<1x16xf32> to vector<16xf32>
        %parallel_loop3A_262 = arith.addf %parallel_loop3A_257, %parallel_loop3A_261 : vector<16xf32>
        %parallel_loop3A_263 = arith.constant 0.000000e+00 : f32
        %parallel_loop3A_264 = vector.broadcast %parallel_loop3A_263 : f32 to vector<16xf32>
        %parallel_loop3A_265 = arith.maximumf %parallel_loop3A_262, %parallel_loop3A_264 : vector<16xf32>
        %parallel_loop3A_266 = arith.mulf %parallel_loop3A_265, %get3A_7 : vector<16xf32>
        %parallel_loop3A_267 = arith.addf %parallel_loop3A_239, %parallel_loop3A_266 : vector<16xf32>
        %parallel_loop3A_268 = arith.index_cast %parallel_loop3A_225 : i32 to index
        %parallel_loop3A_269 = arith.constant 80 : index
        %parallel_loop3A_270 = tpu.vector_load %arg11[%parallel_loop3A_268, %parallel_loop3A_269] {strides = array<i32>} : memref<128x128xf32, #tpu.memory_space<vmem>>, vector<1x16xf32>,
        %parallel_loop3A_271 = vector.shape_cast %parallel_loop3A_270 : vector<1x16xf32> to vector<16xf32>
        %parallel_loop3A_272 = arith.index_cast %parallel_loop3A_225 : i32 to index
        %parallel_loop3A_273 = arith.constant 80 : index
        %parallel_loop3A_274 = tpu.vector_load %arg12[%parallel_loop3A_272, %parallel_loop3A_273] {strides = array<i32>} : memref<128x128xf32, #tpu.memory_space<vmem>>, vector<1x16xf32>,
        %parallel_loop3A_275 = vector.shape_cast %parallel_loop3A_274 : vector<1x16xf32> to vector<16xf32>
        %parallel_loop3A_276 = arith.addf %parallel_loop3A_271, %parallel_loop3A_275 : vector<16xf32>
        %parallel_loop3A_277 = arith.constant 0.000000e+00 : f32
        %parallel_loop3A_278 = vector.broadcast %parallel_loop3A_277 : f32 to vector<16xf32>
        %parallel_loop3A_279 = arith.maximumf %parallel_loop3A_276, %parallel_loop3A_278 : vector<16xf32>
        %parallel_loop3A_280 = arith.mulf %parallel_loop3A_279, %get3A_19 : vector<16xf32>
        %parallel_loop3A_281 = arith.addf %parallel_loop3A_253, %parallel_loop3A_280 : vector<16xf32>
        %parallel_loop3A_282 = arith.index_cast %parallel_loop3A_225 : i32 to index
        %parallel_loop3A_283 = arith.constant 32 : index
        %parallel_loop3A_284 = tpu.vector_load %arg11[%parallel_loop3A_282, %parallel_loop3A_283] {strides = array<i32>} : memref<128x128xf32, #tpu.memory_space<vmem>>, vector<1x16xf32>,
        %parallel_loop3A_285 = vector.shape_cast %parallel_loop3A_284 : vector<1x16xf32> to vector<16xf32>
        %parallel_loop3A_286 = arith.index_cast %parallel_loop3A_225 : i32 to index
        %parallel_loop3A_287 = arith.constant 32 : index
        %parallel_loop3A_288 = tpu.vector_load %arg12[%parallel_loop3A_286, %parallel_loop3A_287] {strides = array<i32>} : memref<128x128xf32, #tpu.memory_space<vmem>>, vector<1x16xf32>,
        %parallel_loop3A_289 = vector.shape_cast %parallel_loop3A_288 : vector<1x16xf32> to vector<16xf32>
        %parallel_loop3A_290 = arith.addf %parallel_loop3A_285, %parallel_loop3A_289 : vector<16xf32>
        %parallel_loop3A_291 = arith.constant 0.000000e+00 : f32
        %parallel_loop3A_292 = vector.broadcast %parallel_loop3A_291 : f32 to vector<16xf32>
        %parallel_loop3A_293 = arith.maximumf %parallel_loop3A_290, %parallel_loop3A_292 : vector<16xf32>
        %parallel_loop3A_294 = arith.mulf %parallel_loop3A_293, %get3A_10 : vector<16xf32>
        %parallel_loop3A_295 = arith.addf %parallel_loop3A_267, %parallel_loop3A_294 : vector<16xf32>
        %parallel_loop3A_296 = arith.index_cast %parallel_loop3A_225 : i32 to index
        %parallel_loop3A_297 = arith.constant 96 : index
        %parallel_loop3A_298 = tpu.vector_load %arg11[%parallel_loop3A_296, %parallel_loop3A_297] {strides = array<i32>} : memref<128x128xf32, #tpu.memory_space<vmem>>, vector<1x16xf32>,
        %parallel_loop3A_299 = vector.shape_cast %parallel_loop3A_298 : vector<1x16xf32> to vector<16xf32>
        %parallel_loop3A_300 = arith.index_cast %parallel_loop3A_225 : i32 to index
        %parallel_loop3A_301 = arith.constant 96 : index
        %parallel_loop3A_302 = tpu.vector_load %arg12[%parallel_loop3A_300, %parallel_loop3A_301] {strides = array<i32>} : memref<128x128xf32, #tpu.memory_space<vmem>>, vector<1x16xf32>,
        %parallel_loop3A_303 = vector.shape_cast %parallel_loop3A_302 : vector<1x16xf32> to vector<16xf32>
        %parallel_loop3A_304 = arith.addf %parallel_loop3A_299, %parallel_loop3A_303 : vector<16xf32>
        %parallel_loop3A_305 = arith.constant 0.000000e+00 : f32
        %parallel_loop3A_306 = vector.broadcast %parallel_loop3A_305 : f32 to vector<16xf32>
        %parallel_loop3A_307 = arith.maximumf %parallel_loop3A_304, %parallel_loop3A_306 : vector<16xf32>
        %parallel_loop3A_308 = arith.mulf %parallel_loop3A_307, %get3A_22 : vector<16xf32>
        %parallel_loop3A_309 = arith.addf %parallel_loop3A_281, %parallel_loop3A_308 : vector<16xf32>
        %parallel_loop3A_310 = arith.index_cast %parallel_loop3A_225 : i32 to index
        %parallel_loop3A_311 = arith.constant 48 : index
        %parallel_loop3A_312 = tpu.vector_load %arg11[%parallel_loop3A_310, %parallel_loop3A_311] {strides = array<i32>} : memref<128x128xf32, #tpu.memory_space<vmem>>, vector<1x16xf32>,
        %parallel_loop3A_313 = vector.shape_cast %parallel_loop3A_312 : vector<1x16xf32> to vector<16xf32>
        %parallel_loop3A_314 = arith.index_cast %parallel_loop3A_225 : i32 to index
        %parallel_loop3A_315 = arith.constant 48 : index
        %parallel_loop3A_316 = tpu.vector_load %arg12[%parallel_loop3A_314, %parallel_loop3A_315] {strides = array<i32>} : memref<128x128xf32, #tpu.memory_space<vmem>>, vector<1x16xf32>,
        %parallel_loop3A_317 = vector.shape_cast %parallel_loop3A_316 : vector<1x16xf32> to vector<16xf32>
        %parallel_loop3A_318 = arith.addf %parallel_loop3A_313, %parallel_loop3A_317 : vector<16xf32>
        %parallel_loop3A_319 = arith.constant 0.000000e+00 : f32
        %parallel_loop3A_320 = vector.broadcast %parallel_loop3A_319 : f32 to vector<16xf32>
        %parallel_loop3A_321 = arith.maximumf %parallel_loop3A_318, %parallel_loop3A_320 : vector<16xf32>
        %parallel_loop3A_322 = arith.mulf %parallel_loop3A_321, %get3A_13 : vector<16xf32>
        %parallel_loop3A_323 = arith.addf %parallel_loop3A_295, %parallel_loop3A_322 : vector<16xf32>
        %parallel_loop3A_324 = arith.index_cast %parallel_loop3A_225 : i32 to index
        %parallel_loop3A_325 = arith.constant 112 : index
        %parallel_loop3A_326 = tpu.vector_load %arg11[%parallel_loop3A_324, %parallel_loop3A_325] {strides = array<i32>} : memref<128x128xf32, #tpu.memory_space<vmem>>, vector<1x16xf32>,
        %parallel_loop3A_327 = vector.shape_cast %parallel_loop3A_326 : vector<1x16xf32> to vector<16xf32>
        %parallel_loop3A_328 = arith.index_cast %parallel_loop3A_225 : i32 to index
        %parallel_loop3A_329 = arith.constant 112 : index
        %parallel_loop3A_330 = tpu.vector_load %arg12[%parallel_loop3A_328, %parallel_loop3A_329] {strides = array<i32>} : memref<128x128xf32, #tpu.memory_space<vmem>>, vector<1x16xf32>,
        %parallel_loop3A_331 = vector.shape_cast %parallel_loop3A_330 : vector<1x16xf32> to vector<16xf32>
        %parallel_loop3A_332 = arith.addf %parallel_loop3A_327, %parallel_loop3A_331 : vector<16xf32>
        %parallel_loop3A_333 = arith.constant 0.000000e+00 : f32
        %parallel_loop3A_334 = vector.broadcast %parallel_loop3A_333 : f32 to vector<16xf32>
        %parallel_loop3A_335 = arith.maximumf %parallel_loop3A_332, %parallel_loop3A_334 : vector<16xf32>
        %parallel_loop3A_336 = arith.mulf %parallel_loop3A_335, %get3A_25 : vector<16xf32>
        %parallel_loop3A_337 = arith.addf %parallel_loop3A_309, %parallel_loop3A_336 : vector<16xf32>
        %parallel_loop3A_338 = arith.addf %parallel_loop3A_323, %parallel_loop3A_337 : vector<16xf32>
        %parallel_loop3A_339 = vector.shape_cast %xor3A_30 : vector<16xi32> to vector<16x1xi32>
        %parallel_loop3A_340 = vector.shape_cast %parallel_loop3A_339 : vector<16x1xi32> to vector<16xi32>
        %parallel_loop3A_341 = tpu.dynamic_gather %parallel_loop3A_338[%parallel_loop3A_340] in [0] : vector<16xf32>, vector<16xi32> -> vector<16xf32>
        %parallel_loop3A_342 = arith.addf %parallel_loop3A_338, %parallel_loop3A_341 : vector<16xf32>
        %parallel_loop3A_343 = vector.shape_cast %xor3A_33 : vector<16xi32> to vector<16x1xi32>
        %parallel_loop3A_344 = vector.shape_cast %parallel_loop3A_343 : vector<16x1xi32> to vector<16xi32>
        %parallel_loop3A_345 = tpu.dynamic_gather %parallel_loop3A_342[%parallel_loop3A_344] in [0] : vector<16xf32>, vector<16xi32> -> vector<16xf32>
        %parallel_loop3A_346 = arith.addf %parallel_loop3A_342, %parallel_loop3A_345 : vector<16xf32>
        %parallel_loop3A_347 = vector.shape_cast %xor3A_36 : vector<16xi32> to vector<16x1xi32>
        %parallel_loop3A_348 = vector.shape_cast %parallel_loop3A_347 : vector<16x1xi32> to vector<16xi32>
        %parallel_loop3A_349 = tpu.dynamic_gather %parallel_loop3A_346[%parallel_loop3A_348] in [0] : vector<16xf32>, vector<16xi32> -> vector<16xf32>
        %parallel_loop3A_350 = arith.addf %parallel_loop3A_346, %parallel_loop3A_349 : vector<16xf32>
        %parallel_loop3A_351 = vector.shape_cast %xor3A_39 : vector<16xi32> to vector<16x1xi32>
        %parallel_loop3A_352 = vector.shape_cast %parallel_loop3A_351 : vector<16x1xi32> to vector<16xi32>
        %parallel_loop3A_353 = tpu.dynamic_gather %parallel_loop3A_350[%parallel_loop3A_352] in [0] : vector<16xf32>, vector<16xi32> -> vector<16xf32>
        %parallel_loop3A_354 = arith.addf %parallel_loop3A_350, %parallel_loop3A_353 : vector<16xf32>
        %parallel_loop3A_355 = arith.index_cast %parallel_loop3A_225 : i32 to index
        %parallel_loop3A_356 = arith.constant 0 : index
        %parallel_loop3A_357 = tpu.vector_load %arg20[%parallel_loop3A_355, %parallel_loop3A_356] {strides = array<i32>} : memref<128x16xf32, #tpu.memory_space<vmem>>, vector<1x16xf32>,
        %parallel_loop3A_358 = vector.shape_cast %parallel_loop3A_357 : vector<1x16xf32> to vector<16xf32>
        %parallel_loop3A_359 = vector.shape_cast %parallel_loop3A_354 : vector<16xf32> to vector<1x16xf32>
        tpu.vector_store %arg20[%parallel_loop3A_355, %parallel_loop3A_356], %parallel_loop3A_359 {strides = array<i32>} : memref<128x16xf32, #tpu.memory_space<vmem>>, vector<1x16xf32>,
      } {sc.loop_unroll_factor = 8 : i64, sc.parallel_access}
      %parallel_loop3A_194 = arith.constant 0 : i32
      %parallel_loop3A_195 = arith.constant 8 : i32
      %parallel_loop3A_196 = arith.constant 1 : i32
      scf.for %parallel_loop3A_225 = %parallel_loop3A_194 to %parallel_loop3A_195 step %parallel_loop3A_196  : i32 {
        %parallel_loop3A_226 = arith.constant 16 : i32
        %parallel_loop3A_227 = arith.muli %parallel_loop3A_225, %parallel_loop3A_226 : i32
        %parallel_loop3A_228 = arith.constant 0 : i32
        %parallel_loop3A_229 = arith.addi %parallel_loop3A_227, %parallel_loop3A_228 : i32
        %parallel_loop3A_230 = arith.index_cast %parallel_loop3A_229 : i32 to index
        %parallel_loop3A_231 = arith.constant 0 : index
        %parallel_loop3A_232 = tpu.vector_load %arg20[%parallel_loop3A_230, %parallel_loop3A_231] {strides = array<i32>} : memref<128x16xf32, #tpu.memory_space<vmem>>, vector<1x16xf32>,
        %parallel_loop3A_233 = vector.shape_cast %parallel_loop3A_232 : vector<1x16xf32> to vector<16xf32>
        %parallel_loop3A_234 = arith.select %eq3A_41, %parallel_loop3A_233, %broadcast_in_dim3A_87 : vector<16xi1>, vector<16xf32>
        %parallel_loop3A_235 = arith.constant 16 : i32
        %parallel_loop3A_236 = arith.muli %parallel_loop3A_225, %parallel_loop3A_235 : i32
        %parallel_loop3A_237 = arith.constant 1 : i32
        %parallel_loop3A_238 = arith.addi %parallel_loop3A_236, %parallel_loop3A_237 : i32
        %parallel_loop3A_239 = arith.index_cast %parallel_loop3A_238 : i32 to index
        %parallel_loop3A_240 = arith.constant 0 : index
        %parallel_loop3A_241 = tpu.vector_load %arg20[%parallel_loop3A_239, %parallel_loop3A_240] {strides = array<i32>} : memref<128x16xf32, #tpu.memory_space<vmem>>, vector<1x16xf32>,
        %parallel_loop3A_242 = vector.shape_cast %parallel_loop3A_241 : vector<1x16xf32> to vector<16xf32>
        %parallel_loop3A_243 = arith.select %eq3A_44, %parallel_loop3A_242, %parallel_loop3A_234 : vector<16xi1>, vector<16xf32>
        %parallel_loop3A_244 = arith.constant 16 : i32
        %parallel_loop3A_245 = arith.muli %parallel_loop3A_225, %parallel_loop3A_244 : i32
        %parallel_loop3A_246 = arith.constant 2 : i32
        %parallel_loop3A_247 = arith.addi %parallel_loop3A_245, %parallel_loop3A_246 : i32
        %parallel_loop3A_248 = arith.index_cast %parallel_loop3A_247 : i32 to index
        %parallel_loop3A_249 = arith.constant 0 : index
        %parallel_loop3A_250 = tpu.vector_load %arg20[%parallel_loop3A_248, %parallel_loop3A_249] {strides = array<i32>} : memref<128x16xf32, #tpu.memory_space<vmem>>, vector<1x16xf32>,
        %parallel_loop3A_251 = vector.shape_cast %parallel_loop3A_250 : vector<1x16xf32> to vector<16xf32>
        %parallel_loop3A_252 = arith.select %eq3A_47, %parallel_loop3A_251, %parallel_loop3A_243 : vector<16xi1>, vector<16xf32>
        %parallel_loop3A_253 = arith.constant 16 : i32
        %parallel_loop3A_254 = arith.muli %parallel_loop3A_225, %parallel_loop3A_253 : i32
        %parallel_loop3A_255 = arith.constant 3 : i32
        %parallel_loop3A_256 = arith.addi %parallel_loop3A_254, %parallel_loop3A_255 : i32
        %parallel_loop3A_257 = arith.index_cast %parallel_loop3A_256 : i32 to index
        %parallel_loop3A_258 = arith.constant 0 : index
        %parallel_loop3A_259 = tpu.vector_load %arg20[%parallel_loop3A_257, %parallel_loop3A_258] {strides = array<i32>} : memref<128x16xf32, #tpu.memory_space<vmem>>, vector<1x16xf32>,
        %parallel_loop3A_260 = vector.shape_cast %parallel_loop3A_259 : vector<1x16xf32> to vector<16xf32>
        %parallel_loop3A_261 = arith.select %eq3A_50, %parallel_loop3A_260, %parallel_loop3A_252 : vector<16xi1>, vector<16xf32>
        %parallel_loop3A_262 = arith.constant 16 : i32
        %parallel_loop3A_263 = arith.muli %parallel_loop3A_225, %parallel_loop3A_262 : i32
        %parallel_loop3A_264 = arith.constant 4 : i32
        %parallel_loop3A_265 = arith.addi %parallel_loop3A_263, %parallel_loop3A_264 : i32
        %parallel_loop3A_266 = arith.index_cast %parallel_loop3A_265 : i32 to index
        %parallel_loop3A_267 = arith.constant 0 : index
        %parallel_loop3A_268 = tpu.vector_load %arg20[%parallel_loop3A_266, %parallel_loop3A_267] {strides = array<i32>} : memref<128x16xf32, #tpu.memory_space<vmem>>, vector<1x16xf32>,
        %parallel_loop3A_269 = vector.shape_cast %parallel_loop3A_268 : vector<1x16xf32> to vector<16xf32>
        %parallel_loop3A_270 = arith.select %eq3A_53, %parallel_loop3A_269, %parallel_loop3A_261 : vector<16xi1>, vector<16xf32>
        %parallel_loop3A_271 = arith.constant 16 : i32
        %parallel_loop3A_272 = arith.muli %parallel_loop3A_225, %parallel_loop3A_271 : i32
        %parallel_loop3A_273 = arith.constant 5 : i32
        %parallel_loop3A_274 = arith.addi %parallel_loop3A_272, %parallel_loop3A_273 : i32
        %parallel_loop3A_275 = arith.index_cast %parallel_loop3A_274 : i32 to index
        %parallel_loop3A_276 = arith.constant 0 : index
        %parallel_loop3A_277 = tpu.vector_load %arg20[%parallel_loop3A_275, %parallel_loop3A_276] {strides = array<i32>} : memref<128x16xf32, #tpu.memory_space<vmem>>, vector<1x16xf32>,
        %parallel_loop3A_278 = vector.shape_cast %parallel_loop3A_277 : vector<1x16xf32> to vector<16xf32>
        %parallel_loop3A_279 = arith.select %eq3A_56, %parallel_loop3A_278, %parallel_loop3A_270 : vector<16xi1>, vector<16xf32>
        %parallel_loop3A_280 = arith.constant 16 : i32
        %parallel_loop3A_281 = arith.muli %parallel_loop3A_225, %parallel_loop3A_280 : i32
        %parallel_loop3A_282 = arith.constant 6 : i32
        %parallel_loop3A_283 = arith.addi %parallel_loop3A_281, %parallel_loop3A_282 : i32
        %parallel_loop3A_284 = arith.index_cast %parallel_loop3A_283 : i32 to index
        %parallel_loop3A_285 = arith.constant 0 : index
        %parallel_loop3A_286 = tpu.vector_load %arg20[%parallel_loop3A_284, %parallel_loop3A_285] {strides = array<i32>} : memref<128x16xf32, #tpu.memory_space<vmem>>, vector<1x16xf32>,
        %parallel_loop3A_287 = vector.shape_cast %parallel_loop3A_286 : vector<1x16xf32> to vector<16xf32>
        %parallel_loop3A_288 = arith.select %eq3A_59, %parallel_loop3A_287, %parallel_loop3A_279 : vector<16xi1>, vector<16xf32>
        %parallel_loop3A_289 = arith.constant 16 : i32
        %parallel_loop3A_290 = arith.muli %parallel_loop3A_225, %parallel_loop3A_289 : i32
        %parallel_loop3A_291 = arith.constant 7 : i32
        %parallel_loop3A_292 = arith.addi %parallel_loop3A_290, %parallel_loop3A_291 : i32
        %parallel_loop3A_293 = arith.index_cast %parallel_loop3A_292 : i32 to index
        %parallel_loop3A_294 = arith.constant 0 : index
        %parallel_loop3A_295 = tpu.vector_load %arg20[%parallel_loop3A_293, %parallel_loop3A_294] {strides = array<i32>} : memref<128x16xf32, #tpu.memory_space<vmem>>, vector<1x16xf32>,
        %parallel_loop3A_296 = vector.shape_cast %parallel_loop3A_295 : vector<1x16xf32> to vector<16xf32>
        %parallel_loop3A_297 = arith.select %eq3A_62, %parallel_loop3A_296, %parallel_loop3A_288 : vector<16xi1>, vector<16xf32>
        %parallel_loop3A_298 = arith.constant 16 : i32
        %parallel_loop3A_299 = arith.muli %parallel_loop3A_225, %parallel_loop3A_298 : i32
        %parallel_loop3A_300 = arith.constant 8 : i32
        %parallel_loop3A_301 = arith.addi %parallel_loop3A_299, %parallel_loop3A_300 : i32
        %parallel_loop3A_302 = arith.index_cast %parallel_loop3A_301 : i32 to index
        %parallel_loop3A_303 = arith.constant 0 : index
        %parallel_loop3A_304 = tpu.vector_load %arg20[%parallel_loop3A_302, %parallel_loop3A_303] {strides = array<i32>} : memref<128x16xf32, #tpu.memory_space<vmem>>, vector<1x16xf32>,
        %parallel_loop3A_305 = vector.shape_cast %parallel_loop3A_304 : vector<1x16xf32> to vector<16xf32>
        %parallel_loop3A_306 = arith.select %eq3A_65, %parallel_loop3A_305, %parallel_loop3A_297 : vector<16xi1>, vector<16xf32>
        %parallel_loop3A_307 = arith.constant 16 : i32
        %parallel_loop3A_308 = arith.muli %parallel_loop3A_225, %parallel_loop3A_307 : i32
        %parallel_loop3A_309 = arith.constant 9 : i32
        %parallel_loop3A_310 = arith.addi %parallel_loop3A_308, %parallel_loop3A_309 : i32
        %parallel_loop3A_311 = arith.index_cast %parallel_loop3A_310 : i32 to index
        %parallel_loop3A_312 = arith.constant 0 : index
        %parallel_loop3A_313 = tpu.vector_load %arg20[%parallel_loop3A_311, %parallel_loop3A_312] {strides = array<i32>} : memref<128x16xf32, #tpu.memory_space<vmem>>, vector<1x16xf32>,
        %parallel_loop3A_314 = vector.shape_cast %parallel_loop3A_313 : vector<1x16xf32> to vector<16xf32>
        %parallel_loop3A_315 = arith.select %eq3A_68, %parallel_loop3A_314, %parallel_loop3A_306 : vector<16xi1>, vector<16xf32>
        %parallel_loop3A_316 = arith.constant 16 : i32
        %parallel_loop3A_317 = arith.muli %parallel_loop3A_225, %parallel_loop3A_316 : i32
        %parallel_loop3A_318 = arith.constant 10 : i32
        %parallel_loop3A_319 = arith.addi %parallel_loop3A_317, %parallel_loop3A_318 : i32
        %parallel_loop3A_320 = arith.index_cast %parallel_loop3A_319 : i32 to index
        %parallel_loop3A_321 = arith.constant 0 : index
        %parallel_loop3A_322 = tpu.vector_load %arg20[%parallel_loop3A_320, %parallel_loop3A_321] {strides = array<i32>} : memref<128x16xf32, #tpu.memory_space<vmem>>, vector<1x16xf32>,
        %parallel_loop3A_323 = vector.shape_cast %parallel_loop3A_322 : vector<1x16xf32> to vector<16xf32>
        %parallel_loop3A_324 = arith.select %eq3A_71, %parallel_loop3A_323, %parallel_loop3A_315 : vector<16xi1>, vector<16xf32>
        %parallel_loop3A_325 = arith.constant 16 : i32
        %parallel_loop3A_326 = arith.muli %parallel_loop3A_225, %parallel_loop3A_325 : i32
        %parallel_loop3A_327 = arith.constant 11 : i32
        %parallel_loop3A_328 = arith.addi %parallel_loop3A_326, %parallel_loop3A_327 : i32
        %parallel_loop3A_329 = arith.index_cast %parallel_loop3A_328 : i32 to index
        %parallel_loop3A_330 = arith.constant 0 : index
        %parallel_loop3A_331 = tpu.vector_load %arg20[%parallel_loop3A_329, %parallel_loop3A_330] {strides = array<i32>} : memref<128x16xf32, #tpu.memory_space<vmem>>, vector<1x16xf32>,
        %parallel_loop3A_332 = vector.shape_cast %parallel_loop3A_331 : vector<1x16xf32> to vector<16xf32>
        %parallel_loop3A_333 = arith.select %eq3A_74, %parallel_loop3A_332, %parallel_loop3A_324 : vector<16xi1>, vector<16xf32>
        %parallel_loop3A_334 = arith.constant 16 : i32
        %parallel_loop3A_335 = arith.muli %parallel_loop3A_225, %parallel_loop3A_334 : i32
        %parallel_loop3A_336 = arith.constant 12 : i32
        %parallel_loop3A_337 = arith.addi %parallel_loop3A_335, %parallel_loop3A_336 : i32
        %parallel_loop3A_338 = arith.index_cast %parallel_loop3A_337 : i32 to index
        %parallel_loop3A_339 = arith.constant 0 : index
        %parallel_loop3A_340 = tpu.vector_load %arg20[%parallel_loop3A_338, %parallel_loop3A_339] {strides = array<i32>} : memref<128x16xf32, #tpu.memory_space<vmem>>, vector<1x16xf32>,
        %parallel_loop3A_341 = vector.shape_cast %parallel_loop3A_340 : vector<1x16xf32> to vector<16xf32>
        %parallel_loop3A_342 = arith.select %eq3A_77, %parallel_loop3A_341, %parallel_loop3A_333 : vector<16xi1>, vector<16xf32>
        %parallel_loop3A_343 = arith.constant 16 : i32
        %parallel_loop3A_344 = arith.muli %parallel_loop3A_225, %parallel_loop3A_343 : i32
        %parallel_loop3A_345 = arith.constant 13 : i32
        %parallel_loop3A_346 = arith.addi %parallel_loop3A_344, %parallel_loop3A_345 : i32
        %parallel_loop3A_347 = arith.index_cast %parallel_loop3A_346 : i32 to index
        %parallel_loop3A_348 = arith.constant 0 : index
        %parallel_loop3A_349 = tpu.vector_load %arg20[%parallel_loop3A_347, %parallel_loop3A_348] {strides = array<i32>} : memref<128x16xf32, #tpu.memory_space<vmem>>, vector<1x16xf32>,
        %parallel_loop3A_350 = vector.shape_cast %parallel_loop3A_349 : vector<1x16xf32> to vector<16xf32>
        %parallel_loop3A_351 = arith.select %eq3A_80, %parallel_loop3A_350, %parallel_loop3A_342 : vector<16xi1>, vector<16xf32>
        %parallel_loop3A_352 = arith.constant 16 : i32
        %parallel_loop3A_353 = arith.muli %parallel_loop3A_225, %parallel_loop3A_352 : i32
        %parallel_loop3A_354 = arith.constant 14 : i32
        %parallel_loop3A_355 = arith.addi %parallel_loop3A_353, %parallel_loop3A_354 : i32
        %parallel_loop3A_356 = arith.index_cast %parallel_loop3A_355 : i32 to index
        %parallel_loop3A_357 = arith.constant 0 : index
        %parallel_loop3A_358 = tpu.vector_load %arg20[%parallel_loop3A_356, %parallel_loop3A_357] {strides = array<i32>} : memref<128x16xf32, #tpu.memory_space<vmem>>, vector<1x16xf32>,
        %parallel_loop3A_359 = vector.shape_cast %parallel_loop3A_358 : vector<1x16xf32> to vector<16xf32>
        %parallel_loop3A_360 = arith.select %eq3A_83, %parallel_loop3A_359, %parallel_loop3A_351 : vector<16xi1>, vector<16xf32>
        %parallel_loop3A_361 = arith.constant 16 : i32
        %parallel_loop3A_362 = arith.muli %parallel_loop3A_225, %parallel_loop3A_361 : i32
        %parallel_loop3A_363 = arith.constant 15 : i32
        %parallel_loop3A_364 = arith.addi %parallel_loop3A_362, %parallel_loop3A_363 : i32
        %parallel_loop3A_365 = arith.index_cast %parallel_loop3A_364 : i32 to index
        %parallel_loop3A_366 = arith.constant 0 : index
        %parallel_loop3A_367 = tpu.vector_load %arg20[%parallel_loop3A_365, %parallel_loop3A_366] {strides = array<i32>} : memref<128x16xf32, #tpu.memory_space<vmem>>, vector<1x16xf32>,
        %parallel_loop3A_368 = vector.shape_cast %parallel_loop3A_367 : vector<1x16xf32> to vector<16xf32>
        %parallel_loop3A_369 = arith.select %eq3A_86, %parallel_loop3A_368, %parallel_loop3A_360 : vector<16xi1>, vector<16xf32>
        %parallel_loop3A_370 = arith.constant 0.000000e+00 : f32
        %parallel_loop3A_371 = vector.broadcast %parallel_loop3A_370 : f32 to vector<16xf32>
        %parallel_loop3A_372 = arith.subf %parallel_loop3A_371, %parallel_loop3A_369 : vector<16xf32>
        %parallel_loop3A_373 = math.exp %parallel_loop3A_372 : vector<16xf32>
        %parallel_loop3A_374 = arith.constant 1.000000e+00 : f32
        %parallel_loop3A_375 = vector.broadcast %parallel_loop3A_374 : f32 to vector<16xf32>
        %parallel_loop3A_376 = arith.addf %parallel_loop3A_375, %parallel_loop3A_373 : vector<16xf32>
        %parallel_loop3A_377 = arith.constant 1.000000e+00 : f32
        %parallel_loop3A_378 = vector.broadcast %parallel_loop3A_377 : f32 to vector<16xf32>
        %parallel_loop3A_379 = arith.divf %parallel_loop3A_378, %parallel_loop3A_376 : vector<16xf32>
        %parallel_loop3A_380 = arith.constant 16 : i32
        %parallel_loop3A_381 = arith.muli %parallel_loop3A_225, %parallel_loop3A_380 : i32
        %parallel_loop3A_382 = arith.addi %mul3A_172, %parallel_loop3A_381 : i32
        %parallel_loop3A_383 = arith.index_cast %parallel_loop3A_382 : i32 to index
        %parallel_loop3A_384 = tpu.vector_load %arg19[%parallel_loop3A_383] {strides = array<i32>} : memref<10000xf32, #tpu.memory_space<vmem>>, vector<16xf32>,
        %parallel_loop3A_385 = vector.shape_cast %parallel_loop3A_384 : vector<16xf32> to vector<16xf32>
        %parallel_loop3A_386 = vector.shape_cast %parallel_loop3A_379 : vector<16xf32> to vector<16xf32>
        tpu.vector_store %arg19[%parallel_loop3A_383], %parallel_loop3A_386 {strides = array<i32>} : memref<10000xf32, #tpu.memory_space<vmem>>, vector<16xf32>,
      } {sc.loop_unroll_factor = 1 : i64, sc.parallel_access}
      %add3A_197 = arith.constant 256 : i32
      %add3A_198 = arith.addi %mul3A_172, %add3A_197 : i32
      %dma_start3A_199 = tpu.memref_slice %arg9[%add3A_198] : memref<10000xi32, #tpu.memory_space<vmem>> -> memref<128xi32, #tpu.memory_space<vmem>>
      %dma_start3A_200 = arith.constant 0 : i32
      %dma_start3A_201 = arith.constant 0 : i32
      %dma_start3A_202 = tpu.memref_slice %arg2[%dma_start3A_200, %dma_start3A_201] : memref<10000x128xf32, #tpu.memory_space<hbm>> -> memref<10000x128xf32, #tpu.memory_space<hbm>>
      tpu.enqueue_indirect_dma source(%dma_start3A_202 : memref<10000x128xf32, #tpu.memory_space<hbm>>) target(%arg11 : memref<128x128xf32, #tpu.memory_space<vmem>>) offsets(%dma_start3A_199 : memref<128xi32, #tpu.memory_space<vmem>>) semaphore(%arg21 : memref<!tpu.dma_semaphore, #tpu.memory_space<semaphore_mem>>)
      %dma_start3A_203 = tpu.memref_slice %arg10[%add3A_198] : memref<10000xi32, #tpu.memory_space<vmem>> -> memref<128xi32, #tpu.memory_space<vmem>>
      %dma_start3A_204 = arith.constant 0 : i32
      %dma_start3A_205 = arith.constant 0 : i32
      %dma_start3A_206 = tpu.memref_slice %arg3[%dma_start3A_204, %dma_start3A_205] : memref<10000x128xf32, #tpu.memory_space<hbm>> -> memref<10000x128xf32, #tpu.memory_space<hbm>>
      tpu.enqueue_indirect_dma source(%dma_start3A_206 : memref<10000x128xf32, #tpu.memory_space<hbm>>) target(%arg12 : memref<128x128xf32, #tpu.memory_space<vmem>>) offsets(%dma_start3A_203 : memref<128xi32, #tpu.memory_space<vmem>>) semaphore(%arg22 : memref<!tpu.dma_semaphore, #tpu.memory_space<semaphore_mem>>)
      %add3A_207 = arith.constant 128 : i32
      %add3A_208 = arith.addi %mul3A_172, %add3A_207 : i32
      %dma_wait3A_209 = tpu.memref_slice %arg9[%add3A_208] : memref<10000xi32, #tpu.memory_space<vmem>> -> memref<128xi32, #tpu.memory_space<vmem>>
      %dma_wait3A_210 = arith.constant 0 : i32
      %dma_wait3A_211 = arith.constant 0 : i32
      %dma_wait3A_212 = tpu.memref_slice %arg2[%dma_wait3A_210, %dma_wait3A_211] : memref<10000x128xf32, #tpu.memory_space<hbm>> -> memref<10000x128xf32, #tpu.memory_space<hbm>>
      tpu.wait_indirect_dma semaphore(%arg23 : memref<!tpu.dma_semaphore, #tpu.memory_space<semaphore_mem>>) src(%dma_wait3A_212 : memref<10000x128xf32, #tpu.memory_space<hbm>>) dst(%arg13 : memref<128x128xf32, #tpu.memory_space<vmem>>)
      %dma_wait3A_213 = tpu.memref_slice %arg10[%add3A_208] : memref<10000xi32, #tpu.memory_space<vmem>> -> memref<128xi32, #tpu.memory_space<vmem>>
      %dma_wait3A_214 = arith.constant 0 : i32
      %dma_wait3A_215 = arith.constant 0 : i32
      %dma_wait3A_216 = tpu.memref_slice %arg3[%dma_wait3A_214, %dma_wait3A_215] : memref<10000x128xf32, #tpu.memory_space<hbm>> -> memref<10000x128xf32, #tpu.memory_space<hbm>>
      tpu.wait_indirect_dma semaphore(%arg24 : memref<!tpu.dma_semaphore, #tpu.memory_space<semaphore_mem>>) src(%dma_wait3A_216 : memref<10000x128xf32, #tpu.memory_space<hbm>>) dst(%arg14 : memref<128x128xf32, #tpu.memory_space<vmem>>)
      %add3A_217 = arith.constant 128 : i32
      %add3A_218 = arith.addi %mul3A_172, %add3A_217 : i32
      %parallel_loop3A_219 = arith.constant 0 : i32
      %parallel_loop3A_220 = arith.constant 128 : i32
      %parallel_loop3A_221 = arith.constant 1 : i32
      scf.for %parallel_loop3A_225 = %parallel_loop3A_219 to %parallel_loop3A_220 step %parallel_loop3A_221  : i32 {
        %parallel_loop3A_226 = arith.index_cast %parallel_loop3A_225 : i32 to index
        %parallel_loop3A_227 = arith.constant 0 : index
        %parallel_loop3A_228 = tpu.vector_load %arg13[%parallel_loop3A_226, %parallel_loop3A_227] {strides = array<i32>} : memref<128x128xf32, #tpu.memory_space<vmem>>, vector<1x16xf32>,
        %parallel_loop3A_229 = vector.shape_cast %parallel_loop3A_228 : vector<1x16xf32> to vector<16xf32>
        %parallel_loop3A_230 = arith.index_cast %parallel_loop3A_225 : i32 to index
        %parallel_loop3A_231 = arith.constant 0 : index
        %parallel_loop3A_232 = tpu.vector_load %arg14[%parallel_loop3A_230, %parallel_loop3A_231] {strides = array<i32>} : memref<128x128xf32, #tpu.memory_space<vmem>>, vector<1x16xf32>,
        %parallel_loop3A_233 = vector.shape_cast %parallel_loop3A_232 : vector<1x16xf32> to vector<16xf32>
        %parallel_loop3A_234 = arith.addf %parallel_loop3A_229, %parallel_loop3A_233 : vector<16xf32>
        %parallel_loop3A_235 = arith.constant 0.000000e+00 : f32
        %parallel_loop3A_236 = vector.broadcast %parallel_loop3A_235 : f32 to vector<16xf32>
        %parallel_loop3A_237 = arith.maximumf %parallel_loop3A_234, %parallel_loop3A_236 : vector<16xf32>
        %parallel_loop3A_238 = arith.mulf %parallel_loop3A_237, %get3A_4 : vector<16xf32>
        %parallel_loop3A_239 = arith.addf %get3A_28, %parallel_loop3A_238 : vector<16xf32>
        %parallel_loop3A_240 = arith.index_cast %parallel_loop3A_225 : i32 to index
        %parallel_loop3A_241 = arith.constant 64 : index
        %parallel_loop3A_242 = tpu.vector_load %arg13[%parallel_loop3A_240, %parallel_loop3A_241] {strides = array<i32>} : memref<128x128xf32, #tpu.memory_space<vmem>>, vector<1x16xf32>,
        %parallel_loop3A_243 = vector.shape_cast %parallel_loop3A_242 : vector<1x16xf32> to vector<16xf32>
        %parallel_loop3A_244 = arith.index_cast %parallel_loop3A_225 : i32 to index
        %parallel_loop3A_245 = arith.constant 64 : index
        %parallel_loop3A_246 = tpu.vector_load %arg14[%parallel_loop3A_244, %parallel_loop3A_245] {strides = array<i32>} : memref<128x128xf32, #tpu.memory_space<vmem>>, vector<1x16xf32>,
        %parallel_loop3A_247 = vector.shape_cast %parallel_loop3A_246 : vector<1x16xf32> to vector<16xf32>
        %parallel_loop3A_248 = arith.addf %parallel_loop3A_243, %parallel_loop3A_247 : vector<16xf32>
        %parallel_loop3A_249 = arith.constant 0.000000e+00 : f32
        %parallel_loop3A_250 = vector.broadcast %parallel_loop3A_249 : f32 to vector<16xf32>
        %parallel_loop3A_251 = arith.maximumf %parallel_loop3A_248, %parallel_loop3A_250 : vector<16xf32>
        %parallel_loop3A_252 = arith.mulf %parallel_loop3A_251, %get3A_16 : vector<16xf32>
        %parallel_loop3A_253 = arith.addf %broadcast_in_dim3A_87, %parallel_loop3A_252 : vector<16xf32>
        %parallel_loop3A_254 = arith.index_cast %parallel_loop3A_225 : i32 to index
        %parallel_loop3A_255 = arith.constant 16 : index
        %parallel_loop3A_256 = tpu.vector_load %arg13[%parallel_loop3A_254, %parallel_loop3A_255] {strides = array<i32>} : memref<128x128xf32, #tpu.memory_space<vmem>>, vector<1x16xf32>,
        %parallel_loop3A_257 = vector.shape_cast %parallel_loop3A_256 : vector<1x16xf32> to vector<16xf32>
        %parallel_loop3A_258 = arith.index_cast %parallel_loop3A_225 : i32 to index
        %parallel_loop3A_259 = arith.constant 16 : index
        %parallel_loop3A_260 = tpu.vector_load %arg14[%parallel_loop3A_258, %parallel_loop3A_259] {strides = array<i32>} : memref<128x128xf32, #tpu.memory_space<vmem>>, vector<1x16xf32>,
        %parallel_loop3A_261 = vector.shape_cast %parallel_loop3A_260 : vector<1x16xf32> to vector<16xf32>
        %parallel_loop3A_262 = arith.addf %parallel_loop3A_257, %parallel_loop3A_261 : vector<16xf32>
        %parallel_loop3A_263 = arith.constant 0.000000e+00 : f32
        %parallel_loop3A_264 = vector.broadcast %parallel_loop3A_263 : f32 to vector<16xf32>
        %parallel_loop3A_265 = arith.maximumf %parallel_loop3A_262, %parallel_loop3A_264 : vector<16xf32>
        %parallel_loop3A_266 = arith.mulf %parallel_loop3A_265, %get3A_7 : vector<16xf32>
        %parallel_loop3A_267 = arith.addf %parallel_loop3A_239, %parallel_loop3A_266 : vector<16xf32>
        %parallel_loop3A_268 = arith.index_cast %parallel_loop3A_225 : i32 to index
        %parallel_loop3A_269 = arith.constant 80 : index
        %parallel_loop3A_270 = tpu.vector_load %arg13[%parallel_loop3A_268, %parallel_loop3A_269] {strides = array<i32>} : memref<128x128xf32, #tpu.memory_space<vmem>>, vector<1x16xf32>,
        %parallel_loop3A_271 = vector.shape_cast %parallel_loop3A_270 : vector<1x16xf32> to vector<16xf32>
        %parallel_loop3A_272 = arith.index_cast %parallel_loop3A_225 : i32 to index
        %parallel_loop3A_273 = arith.constant 80 : index
        %parallel_loop3A_274 = tpu.vector_load %arg14[%parallel_loop3A_272, %parallel_loop3A_273] {strides = array<i32>} : memref<128x128xf32, #tpu.memory_space<vmem>>, vector<1x16xf32>,
        %parallel_loop3A_275 = vector.shape_cast %parallel_loop3A_274 : vector<1x16xf32> to vector<16xf32>
        %parallel_loop3A_276 = arith.addf %parallel_loop3A_271, %parallel_loop3A_275 : vector<16xf32>
        %parallel_loop3A_277 = arith.constant 0.000000e+00 : f32
        %parallel_loop3A_278 = vector.broadcast %parallel_loop3A_277 : f32 to vector<16xf32>
        %parallel_loop3A_279 = arith.maximumf %parallel_loop3A_276, %parallel_loop3A_278 : vector<16xf32>
        %parallel_loop3A_280 = arith.mulf %parallel_loop3A_279, %get3A_19 : vector<16xf32>
        %parallel_loop3A_281 = arith.addf %parallel_loop3A_253, %parallel_loop3A_280 : vector<16xf32>
        %parallel_loop3A_282 = arith.index_cast %parallel_loop3A_225 : i32 to index
        %parallel_loop3A_283 = arith.constant 32 : index
        %parallel_loop3A_284 = tpu.vector_load %arg13[%parallel_loop3A_282, %parallel_loop3A_283] {strides = array<i32>} : memref<128x128xf32, #tpu.memory_space<vmem>>, vector<1x16xf32>,
        %parallel_loop3A_285 = vector.shape_cast %parallel_loop3A_284 : vector<1x16xf32> to vector<16xf32>
        %parallel_loop3A_286 = arith.index_cast %parallel_loop3A_225 : i32 to index
        %parallel_loop3A_287 = arith.constant 32 : index
        %parallel_loop3A_288 = tpu.vector_load %arg14[%parallel_loop3A_286, %parallel_loop3A_287] {strides = array<i32>} : memref<128x128xf32, #tpu.memory_space<vmem>>, vector<1x16xf32>,
        %parallel_loop3A_289 = vector.shape_cast %parallel_loop3A_288 : vector<1x16xf32> to vector<16xf32>
        %parallel_loop3A_290 = arith.addf %parallel_loop3A_285, %parallel_loop3A_289 : vector<16xf32>
        %parallel_loop3A_291 = arith.constant 0.000000e+00 : f32
        %parallel_loop3A_292 = vector.broadcast %parallel_loop3A_291 : f32 to vector<16xf32>
        %parallel_loop3A_293 = arith.maximumf %parallel_loop3A_290, %parallel_loop3A_292 : vector<16xf32>
        %parallel_loop3A_294 = arith.mulf %parallel_loop3A_293, %get3A_10 : vector<16xf32>
        %parallel_loop3A_295 = arith.addf %parallel_loop3A_267, %parallel_loop3A_294 : vector<16xf32>
        %parallel_loop3A_296 = arith.index_cast %parallel_loop3A_225 : i32 to index
        %parallel_loop3A_297 = arith.constant 96 : index
        %parallel_loop3A_298 = tpu.vector_load %arg13[%parallel_loop3A_296, %parallel_loop3A_297] {strides = array<i32>} : memref<128x128xf32, #tpu.memory_space<vmem>>, vector<1x16xf32>,
        %parallel_loop3A_299 = vector.shape_cast %parallel_loop3A_298 : vector<1x16xf32> to vector<16xf32>
        %parallel_loop3A_300 = arith.index_cast %parallel_loop3A_225 : i32 to index
        %parallel_loop3A_301 = arith.constant 96 : index
        %parallel_loop3A_302 = tpu.vector_load %arg14[%parallel_loop3A_300, %parallel_loop3A_301] {strides = array<i32>} : memref<128x128xf32, #tpu.memory_space<vmem>>, vector<1x16xf32>,
        %parallel_loop3A_303 = vector.shape_cast %parallel_loop3A_302 : vector<1x16xf32> to vector<16xf32>
        %parallel_loop3A_304 = arith.addf %parallel_loop3A_299, %parallel_loop3A_303 : vector<16xf32>
        %parallel_loop3A_305 = arith.constant 0.000000e+00 : f32
        %parallel_loop3A_306 = vector.broadcast %parallel_loop3A_305 : f32 to vector<16xf32>
        %parallel_loop3A_307 = arith.maximumf %parallel_loop3A_304, %parallel_loop3A_306 : vector<16xf32>
        %parallel_loop3A_308 = arith.mulf %parallel_loop3A_307, %get3A_22 : vector<16xf32>
        %parallel_loop3A_309 = arith.addf %parallel_loop3A_281, %parallel_loop3A_308 : vector<16xf32>
        %parallel_loop3A_310 = arith.index_cast %parallel_loop3A_225 : i32 to index
        %parallel_loop3A_311 = arith.constant 48 : index
        %parallel_loop3A_312 = tpu.vector_load %arg13[%parallel_loop3A_310, %parallel_loop3A_311] {strides = array<i32>} : memref<128x128xf32, #tpu.memory_space<vmem>>, vector<1x16xf32>,
        %parallel_loop3A_313 = vector.shape_cast %parallel_loop3A_312 : vector<1x16xf32> to vector<16xf32>
        %parallel_loop3A_314 = arith.index_cast %parallel_loop3A_225 : i32 to index
        %parallel_loop3A_315 = arith.constant 48 : index
        %parallel_loop3A_316 = tpu.vector_load %arg14[%parallel_loop3A_314, %parallel_loop3A_315] {strides = array<i32>} : memref<128x128xf32, #tpu.memory_space<vmem>>, vector<1x16xf32>,
        %parallel_loop3A_317 = vector.shape_cast %parallel_loop3A_316 : vector<1x16xf32> to vector<16xf32>
        %parallel_loop3A_318 = arith.addf %parallel_loop3A_313, %parallel_loop3A_317 : vector<16xf32>
        %parallel_loop3A_319 = arith.constant 0.000000e+00 : f32
        %parallel_loop3A_320 = vector.broadcast %parallel_loop3A_319 : f32 to vector<16xf32>
        %parallel_loop3A_321 = arith.maximumf %parallel_loop3A_318, %parallel_loop3A_320 : vector<16xf32>
        %parallel_loop3A_322 = arith.mulf %parallel_loop3A_321, %get3A_13 : vector<16xf32>
        %parallel_loop3A_323 = arith.addf %parallel_loop3A_295, %parallel_loop3A_322 : vector<16xf32>
        %parallel_loop3A_324 = arith.index_cast %parallel_loop3A_225 : i32 to index
        %parallel_loop3A_325 = arith.constant 112 : index
        %parallel_loop3A_326 = tpu.vector_load %arg13[%parallel_loop3A_324, %parallel_loop3A_325] {strides = array<i32>} : memref<128x128xf32, #tpu.memory_space<vmem>>, vector<1x16xf32>,
        %parallel_loop3A_327 = vector.shape_cast %parallel_loop3A_326 : vector<1x16xf32> to vector<16xf32>
        %parallel_loop3A_328 = arith.index_cast %parallel_loop3A_225 : i32 to index
        %parallel_loop3A_329 = arith.constant 112 : index
        %parallel_loop3A_330 = tpu.vector_load %arg14[%parallel_loop3A_328, %parallel_loop3A_329] {strides = array<i32>} : memref<128x128xf32, #tpu.memory_space<vmem>>, vector<1x16xf32>,
        %parallel_loop3A_331 = vector.shape_cast %parallel_loop3A_330 : vector<1x16xf32> to vector<16xf32>
        %parallel_loop3A_332 = arith.addf %parallel_loop3A_327, %parallel_loop3A_331 : vector<16xf32>
        %parallel_loop3A_333 = arith.constant 0.000000e+00 : f32
        %parallel_loop3A_334 = vector.broadcast %parallel_loop3A_333 : f32 to vector<16xf32>
        %parallel_loop3A_335 = arith.maximumf %parallel_loop3A_332, %parallel_loop3A_334 : vector<16xf32>
        %parallel_loop3A_336 = arith.mulf %parallel_loop3A_335, %get3A_25 : vector<16xf32>
        %parallel_loop3A_337 = arith.addf %parallel_loop3A_309, %parallel_loop3A_336 : vector<16xf32>
        %parallel_loop3A_338 = arith.addf %parallel_loop3A_323, %parallel_loop3A_337 : vector<16xf32>
        %parallel_loop3A_339 = vector.shape_cast %xor3A_30 : vector<16xi32> to vector<16x1xi32>
        %parallel_loop3A_340 = vector.shape_cast %parallel_loop3A_339 : vector<16x1xi32> to vector<16xi32>
        %parallel_loop3A_341 = tpu.dynamic_gather %parallel_loop3A_338[%parallel_loop3A_340] in [0] : vector<16xf32>, vector<16xi32> -> vector<16xf32>
        %parallel_loop3A_342 = arith.addf %parallel_loop3A_338, %parallel_loop3A_341 : vector<16xf32>
        %parallel_loop3A_343 = vector.shape_cast %xor3A_33 : vector<16xi32> to vector<16x1xi32>
        %parallel_loop3A_344 = vector.shape_cast %parallel_loop3A_343 : vector<16x1xi32> to vector<16xi32>
        %parallel_loop3A_345 = tpu.dynamic_gather %parallel_loop3A_342[%parallel_loop3A_344] in [0] : vector<16xf32>, vector<16xi32> -> vector<16xf32>
        %parallel_loop3A_346 = arith.addf %parallel_loop3A_342, %parallel_loop3A_345 : vector<16xf32>
        %parallel_loop3A_347 = vector.shape_cast %xor3A_36 : vector<16xi32> to vector<16x1xi32>
        %parallel_loop3A_348 = vector.shape_cast %parallel_loop3A_347 : vector<16x1xi32> to vector<16xi32>
        %parallel_loop3A_349 = tpu.dynamic_gather %parallel_loop3A_346[%parallel_loop3A_348] in [0] : vector<16xf32>, vector<16xi32> -> vector<16xf32>
        %parallel_loop3A_350 = arith.addf %parallel_loop3A_346, %parallel_loop3A_349 : vector<16xf32>
        %parallel_loop3A_351 = vector.shape_cast %xor3A_39 : vector<16xi32> to vector<16x1xi32>
        %parallel_loop3A_352 = vector.shape_cast %parallel_loop3A_351 : vector<16x1xi32> to vector<16xi32>
        %parallel_loop3A_353 = tpu.dynamic_gather %parallel_loop3A_350[%parallel_loop3A_352] in [0] : vector<16xf32>, vector<16xi32> -> vector<16xf32>
        %parallel_loop3A_354 = arith.addf %parallel_loop3A_350, %parallel_loop3A_353 : vector<16xf32>
        %parallel_loop3A_355 = arith.index_cast %parallel_loop3A_225 : i32 to index
        %parallel_loop3A_356 = arith.constant 0 : index
        %parallel_loop3A_357 = tpu.vector_load %arg20[%parallel_loop3A_355, %parallel_loop3A_356] {strides = array<i32>} : memref<128x16xf32, #tpu.memory_space<vmem>>, vector<1x16xf32>,
        %parallel_loop3A_358 = vector.shape_cast %parallel_loop3A_357 : vector<1x16xf32> to vector<16xf32>
        %parallel_loop3A_359 = vector.shape_cast %parallel_loop3A_354 : vector<16xf32> to vector<1x16xf32>
        tpu.vector_store %arg20[%parallel_loop3A_355, %parallel_loop3A_356], %parallel_loop3A_359 {strides = array<i32>} : memref<128x16xf32, #tpu.memory_space<vmem>>, vector<1x16xf32>,
      } {sc.loop_unroll_factor = 8 : i64, sc.parallel_access}
      %parallel_loop3A_222 = arith.constant 0 : i32
      %parallel_loop3A_223 = arith.constant 8 : i32
      %parallel_loop3A_224 = arith.constant 1 : i32
      scf.for %parallel_loop3A_225 = %parallel_loop3A_222 to %parallel_loop3A_223 step %parallel_loop3A_224  : i32 {
        %parallel_loop3A_226 = arith.constant 16 : i32
        %parallel_loop3A_227 = arith.muli %parallel_loop3A_225, %parallel_loop3A_226 : i32
        %parallel_loop3A_228 = arith.constant 0 : i32
        %parallel_loop3A_229 = arith.addi %parallel_loop3A_227, %parallel_loop3A_228 : i32
        %parallel_loop3A_230 = arith.index_cast %parallel_loop3A_229 : i32 to index
        %parallel_loop3A_231 = arith.constant 0 : index
        %parallel_loop3A_232 = tpu.vector_load %arg20[%parallel_loop3A_230, %parallel_loop3A_231] {strides = array<i32>} : memref<128x16xf32, #tpu.memory_space<vmem>>, vector<1x16xf32>,
        %parallel_loop3A_233 = vector.shape_cast %parallel_loop3A_232 : vector<1x16xf32> to vector<16xf32>
        %parallel_loop3A_234 = arith.select %eq3A_41, %parallel_loop3A_233, %broadcast_in_dim3A_87 : vector<16xi1>, vector<16xf32>
        %parallel_loop3A_235 = arith.constant 16 : i32
        %parallel_loop3A_236 = arith.muli %parallel_loop3A_225, %parallel_loop3A_235 : i32
        %parallel_loop3A_237 = arith.constant 1 : i32
        %parallel_loop3A_238 = arith.addi %parallel_loop3A_236, %parallel_loop3A_237 : i32
        %parallel_loop3A_239 = arith.index_cast %parallel_loop3A_238 : i32 to index
        %parallel_loop3A_240 = arith.constant 0 : index
        %parallel_loop3A_241 = tpu.vector_load %arg20[%parallel_loop3A_239, %parallel_loop3A_240] {strides = array<i32>} : memref<128x16xf32, #tpu.memory_space<vmem>>, vector<1x16xf32>,
        %parallel_loop3A_242 = vector.shape_cast %parallel_loop3A_241 : vector<1x16xf32> to vector<16xf32>
        %parallel_loop3A_243 = arith.select %eq3A_44, %parallel_loop3A_242, %parallel_loop3A_234 : vector<16xi1>, vector<16xf32>
        %parallel_loop3A_244 = arith.constant 16 : i32
        %parallel_loop3A_245 = arith.muli %parallel_loop3A_225, %parallel_loop3A_244 : i32
        %parallel_loop3A_246 = arith.constant 2 : i32
        %parallel_loop3A_247 = arith.addi %parallel_loop3A_245, %parallel_loop3A_246 : i32
        %parallel_loop3A_248 = arith.index_cast %parallel_loop3A_247 : i32 to index
        %parallel_loop3A_249 = arith.constant 0 : index
        %parallel_loop3A_250 = tpu.vector_load %arg20[%parallel_loop3A_248, %parallel_loop3A_249] {strides = array<i32>} : memref<128x16xf32, #tpu.memory_space<vmem>>, vector<1x16xf32>,
        %parallel_loop3A_251 = vector.shape_cast %parallel_loop3A_250 : vector<1x16xf32> to vector<16xf32>
        %parallel_loop3A_252 = arith.select %eq3A_47, %parallel_loop3A_251, %parallel_loop3A_243 : vector<16xi1>, vector<16xf32>
        %parallel_loop3A_253 = arith.constant 16 : i32
        %parallel_loop3A_254 = arith.muli %parallel_loop3A_225, %parallel_loop3A_253 : i32
        %parallel_loop3A_255 = arith.constant 3 : i32
        %parallel_loop3A_256 = arith.addi %parallel_loop3A_254, %parallel_loop3A_255 : i32
        %parallel_loop3A_257 = arith.index_cast %parallel_loop3A_256 : i32 to index
        %parallel_loop3A_258 = arith.constant 0 : index
        %parallel_loop3A_259 = tpu.vector_load %arg20[%parallel_loop3A_257, %parallel_loop3A_258] {strides = array<i32>} : memref<128x16xf32, #tpu.memory_space<vmem>>, vector<1x16xf32>,
        %parallel_loop3A_260 = vector.shape_cast %parallel_loop3A_259 : vector<1x16xf32> to vector<16xf32>
        %parallel_loop3A_261 = arith.select %eq3A_50, %parallel_loop3A_260, %parallel_loop3A_252 : vector<16xi1>, vector<16xf32>
        %parallel_loop3A_262 = arith.constant 16 : i32
        %parallel_loop3A_263 = arith.muli %parallel_loop3A_225, %parallel_loop3A_262 : i32
        %parallel_loop3A_264 = arith.constant 4 : i32
        %parallel_loop3A_265 = arith.addi %parallel_loop3A_263, %parallel_loop3A_264 : i32
        %parallel_loop3A_266 = arith.index_cast %parallel_loop3A_265 : i32 to index
        %parallel_loop3A_267 = arith.constant 0 : index
        %parallel_loop3A_268 = tpu.vector_load %arg20[%parallel_loop3A_266, %parallel_loop3A_267] {strides = array<i32>} : memref<128x16xf32, #tpu.memory_space<vmem>>, vector<1x16xf32>,
        %parallel_loop3A_269 = vector.shape_cast %parallel_loop3A_268 : vector<1x16xf32> to vector<16xf32>
        %parallel_loop3A_270 = arith.select %eq3A_53, %parallel_loop3A_269, %parallel_loop3A_261 : vector<16xi1>, vector<16xf32>
        %parallel_loop3A_271 = arith.constant 16 : i32
        %parallel_loop3A_272 = arith.muli %parallel_loop3A_225, %parallel_loop3A_271 : i32
        %parallel_loop3A_273 = arith.constant 5 : i32
        %parallel_loop3A_274 = arith.addi %parallel_loop3A_272, %parallel_loop3A_273 : i32
        %parallel_loop3A_275 = arith.index_cast %parallel_loop3A_274 : i32 to index
        %parallel_loop3A_276 = arith.constant 0 : index
        %parallel_loop3A_277 = tpu.vector_load %arg20[%parallel_loop3A_275, %parallel_loop3A_276] {strides = array<i32>} : memref<128x16xf32, #tpu.memory_space<vmem>>, vector<1x16xf32>,
        %parallel_loop3A_278 = vector.shape_cast %parallel_loop3A_277 : vector<1x16xf32> to vector<16xf32>
        %parallel_loop3A_279 = arith.select %eq3A_56, %parallel_loop3A_278, %parallel_loop3A_270 : vector<16xi1>, vector<16xf32>
        %parallel_loop3A_280 = arith.constant 16 : i32
        %parallel_loop3A_281 = arith.muli %parallel_loop3A_225, %parallel_loop3A_280 : i32
        %parallel_loop3A_282 = arith.constant 6 : i32
        %parallel_loop3A_283 = arith.addi %parallel_loop3A_281, %parallel_loop3A_282 : i32
        %parallel_loop3A_284 = arith.index_cast %parallel_loop3A_283 : i32 to index
        %parallel_loop3A_285 = arith.constant 0 : index
        %parallel_loop3A_286 = tpu.vector_load %arg20[%parallel_loop3A_284, %parallel_loop3A_285] {strides = array<i32>} : memref<128x16xf32, #tpu.memory_space<vmem>>, vector<1x16xf32>,
        %parallel_loop3A_287 = vector.shape_cast %parallel_loop3A_286 : vector<1x16xf32> to vector<16xf32>
        %parallel_loop3A_288 = arith.select %eq3A_59, %parallel_loop3A_287, %parallel_loop3A_279 : vector<16xi1>, vector<16xf32>
        %parallel_loop3A_289 = arith.constant 16 : i32
        %parallel_loop3A_290 = arith.muli %parallel_loop3A_225, %parallel_loop3A_289 : i32
        %parallel_loop3A_291 = arith.constant 7 : i32
        %parallel_loop3A_292 = arith.addi %parallel_loop3A_290, %parallel_loop3A_291 : i32
        %parallel_loop3A_293 = arith.index_cast %parallel_loop3A_292 : i32 to index
        %parallel_loop3A_294 = arith.constant 0 : index
        %parallel_loop3A_295 = tpu.vector_load %arg20[%parallel_loop3A_293, %parallel_loop3A_294] {strides = array<i32>} : memref<128x16xf32, #tpu.memory_space<vmem>>, vector<1x16xf32>,
        %parallel_loop3A_296 = vector.shape_cast %parallel_loop3A_295 : vector<1x16xf32> to vector<16xf32>
        %parallel_loop3A_297 = arith.select %eq3A_62, %parallel_loop3A_296, %parallel_loop3A_288 : vector<16xi1>, vector<16xf32>
        %parallel_loop3A_298 = arith.constant 16 : i32
        %parallel_loop3A_299 = arith.muli %parallel_loop3A_225, %parallel_loop3A_298 : i32
        %parallel_loop3A_300 = arith.constant 8 : i32
        %parallel_loop3A_301 = arith.addi %parallel_loop3A_299, %parallel_loop3A_300 : i32
        %parallel_loop3A_302 = arith.index_cast %parallel_loop3A_301 : i32 to index
        %parallel_loop3A_303 = arith.constant 0 : index
        %parallel_loop3A_304 = tpu.vector_load %arg20[%parallel_loop3A_302, %parallel_loop3A_303] {strides = array<i32>} : memref<128x16xf32, #tpu.memory_space<vmem>>, vector<1x16xf32>,
        %parallel_loop3A_305 = vector.shape_cast %parallel_loop3A_304 : vector<1x16xf32> to vector<16xf32>
        %parallel_loop3A_306 = arith.select %eq3A_65, %parallel_loop3A_305, %parallel_loop3A_297 : vector<16xi1>, vector<16xf32>
        %parallel_loop3A_307 = arith.constant 16 : i32
        %parallel_loop3A_308 = arith.muli %parallel_loop3A_225, %parallel_loop3A_307 : i32
        %parallel_loop3A_309 = arith.constant 9 : i32
        %parallel_loop3A_310 = arith.addi %parallel_loop3A_308, %parallel_loop3A_309 : i32
        %parallel_loop3A_311 = arith.index_cast %parallel_loop3A_310 : i32 to index
        %parallel_loop3A_312 = arith.constant 0 : index
        %parallel_loop3A_313 = tpu.vector_load %arg20[%parallel_loop3A_311, %parallel_loop3A_312] {strides = array<i32>} : memref<128x16xf32, #tpu.memory_space<vmem>>, vector<1x16xf32>,
        %parallel_loop3A_314 = vector.shape_cast %parallel_loop3A_313 : vector<1x16xf32> to vector<16xf32>
        %parallel_loop3A_315 = arith.select %eq3A_68, %parallel_loop3A_314, %parallel_loop3A_306 : vector<16xi1>, vector<16xf32>
        %parallel_loop3A_316 = arith.constant 16 : i32
        %parallel_loop3A_317 = arith.muli %parallel_loop3A_225, %parallel_loop3A_316 : i32
        %parallel_loop3A_318 = arith.constant 10 : i32
        %parallel_loop3A_319 = arith.addi %parallel_loop3A_317, %parallel_loop3A_318 : i32
        %parallel_loop3A_320 = arith.index_cast %parallel_loop3A_319 : i32 to index
        %parallel_loop3A_321 = arith.constant 0 : index
        %parallel_loop3A_322 = tpu.vector_load %arg20[%parallel_loop3A_320, %parallel_loop3A_321] {strides = array<i32>} : memref<128x16xf32, #tpu.memory_space<vmem>>, vector<1x16xf32>,
        %parallel_loop3A_323 = vector.shape_cast %parallel_loop3A_322 : vector<1x16xf32> to vector<16xf32>
        %parallel_loop3A_324 = arith.select %eq3A_71, %parallel_loop3A_323, %parallel_loop3A_315 : vector<16xi1>, vector<16xf32>
        %parallel_loop3A_325 = arith.constant 16 : i32
        %parallel_loop3A_326 = arith.muli %parallel_loop3A_225, %parallel_loop3A_325 : i32
        %parallel_loop3A_327 = arith.constant 11 : i32
        %parallel_loop3A_328 = arith.addi %parallel_loop3A_326, %parallel_loop3A_327 : i32
        %parallel_loop3A_329 = arith.index_cast %parallel_loop3A_328 : i32 to index
        %parallel_loop3A_330 = arith.constant 0 : index
        %parallel_loop3A_331 = tpu.vector_load %arg20[%parallel_loop3A_329, %parallel_loop3A_330] {strides = array<i32>} : memref<128x16xf32, #tpu.memory_space<vmem>>, vector<1x16xf32>,
        %parallel_loop3A_332 = vector.shape_cast %parallel_loop3A_331 : vector<1x16xf32> to vector<16xf32>
        %parallel_loop3A_333 = arith.select %eq3A_74, %parallel_loop3A_332, %parallel_loop3A_324 : vector<16xi1>, vector<16xf32>
        %parallel_loop3A_334 = arith.constant 16 : i32
        %parallel_loop3A_335 = arith.muli %parallel_loop3A_225, %parallel_loop3A_334 : i32
        %parallel_loop3A_336 = arith.constant 12 : i32
        %parallel_loop3A_337 = arith.addi %parallel_loop3A_335, %parallel_loop3A_336 : i32
        %parallel_loop3A_338 = arith.index_cast %parallel_loop3A_337 : i32 to index
        %parallel_loop3A_339 = arith.constant 0 : index
        %parallel_loop3A_340 = tpu.vector_load %arg20[%parallel_loop3A_338, %parallel_loop3A_339] {strides = array<i32>} : memref<128x16xf32, #tpu.memory_space<vmem>>, vector<1x16xf32>,
        %parallel_loop3A_341 = vector.shape_cast %parallel_loop3A_340 : vector<1x16xf32> to vector<16xf32>
        %parallel_loop3A_342 = arith.select %eq3A_77, %parallel_loop3A_341, %parallel_loop3A_333 : vector<16xi1>, vector<16xf32>
        %parallel_loop3A_343 = arith.constant 16 : i32
        %parallel_loop3A_344 = arith.muli %parallel_loop3A_225, %parallel_loop3A_343 : i32
        %parallel_loop3A_345 = arith.constant 13 : i32
        %parallel_loop3A_346 = arith.addi %parallel_loop3A_344, %parallel_loop3A_345 : i32
        %parallel_loop3A_347 = arith.index_cast %parallel_loop3A_346 : i32 to index
        %parallel_loop3A_348 = arith.constant 0 : index
        %parallel_loop3A_349 = tpu.vector_load %arg20[%parallel_loop3A_347, %parallel_loop3A_348] {strides = array<i32>} : memref<128x16xf32, #tpu.memory_space<vmem>>, vector<1x16xf32>,
        %parallel_loop3A_350 = vector.shape_cast %parallel_loop3A_349 : vector<1x16xf32> to vector<16xf32>
        %parallel_loop3A_351 = arith.select %eq3A_80, %parallel_loop3A_350, %parallel_loop3A_342 : vector<16xi1>, vector<16xf32>
        %parallel_loop3A_352 = arith.constant 16 : i32
        %parallel_loop3A_353 = arith.muli %parallel_loop3A_225, %parallel_loop3A_352 : i32
        %parallel_loop3A_354 = arith.constant 14 : i32
        %parallel_loop3A_355 = arith.addi %parallel_loop3A_353, %parallel_loop3A_354 : i32
        %parallel_loop3A_356 = arith.index_cast %parallel_loop3A_355 : i32 to index
        %parallel_loop3A_357 = arith.constant 0 : index
        %parallel_loop3A_358 = tpu.vector_load %arg20[%parallel_loop3A_356, %parallel_loop3A_357] {strides = array<i32>} : memref<128x16xf32, #tpu.memory_space<vmem>>, vector<1x16xf32>,
        %parallel_loop3A_359 = vector.shape_cast %parallel_loop3A_358 : vector<1x16xf32> to vector<16xf32>
        %parallel_loop3A_360 = arith.select %eq3A_83, %parallel_loop3A_359, %parallel_loop3A_351 : vector<16xi1>, vector<16xf32>
        %parallel_loop3A_361 = arith.constant 16 : i32
        %parallel_loop3A_362 = arith.muli %parallel_loop3A_225, %parallel_loop3A_361 : i32
        %parallel_loop3A_363 = arith.constant 15 : i32
        %parallel_loop3A_364 = arith.addi %parallel_loop3A_362, %parallel_loop3A_363 : i32
        %parallel_loop3A_365 = arith.index_cast %parallel_loop3A_364 : i32 to index
        %parallel_loop3A_366 = arith.constant 0 : index
        %parallel_loop3A_367 = tpu.vector_load %arg20[%parallel_loop3A_365, %parallel_loop3A_366] {strides = array<i32>} : memref<128x16xf32, #tpu.memory_space<vmem>>, vector<1x16xf32>,
        %parallel_loop3A_368 = vector.shape_cast %parallel_loop3A_367 : vector<1x16xf32> to vector<16xf32>
        %parallel_loop3A_369 = arith.select %eq3A_86, %parallel_loop3A_368, %parallel_loop3A_360 : vector<16xi1>, vector<16xf32>
        %parallel_loop3A_370 = arith.constant 0.000000e+00 : f32
        %parallel_loop3A_371 = vector.broadcast %parallel_loop3A_370 : f32 to vector<16xf32>
        %parallel_loop3A_372 = arith.subf %parallel_loop3A_371, %parallel_loop3A_369 : vector<16xf32>
        %parallel_loop3A_373 = math.exp %parallel_loop3A_372 : vector<16xf32>
        %parallel_loop3A_374 = arith.constant 1.000000e+00 : f32
        %parallel_loop3A_375 = vector.broadcast %parallel_loop3A_374 : f32 to vector<16xf32>
        %parallel_loop3A_376 = arith.addf %parallel_loop3A_375, %parallel_loop3A_373 : vector<16xf32>
        %parallel_loop3A_377 = arith.constant 1.000000e+00 : f32
        %parallel_loop3A_378 = vector.broadcast %parallel_loop3A_377 : f32 to vector<16xf32>
        %parallel_loop3A_379 = arith.divf %parallel_loop3A_378, %parallel_loop3A_376 : vector<16xf32>
        %parallel_loop3A_380 = arith.constant 16 : i32
        %parallel_loop3A_381 = arith.muli %parallel_loop3A_225, %parallel_loop3A_380 : i32
        %parallel_loop3A_382 = arith.addi %add3A_218, %parallel_loop3A_381 : i32
        %parallel_loop3A_383 = arith.index_cast %parallel_loop3A_382 : i32 to index
        %parallel_loop3A_384 = tpu.vector_load %arg19[%parallel_loop3A_383] {strides = array<i32>} : memref<10000xf32, #tpu.memory_space<vmem>>, vector<16xf32>,
        %parallel_loop3A_385 = vector.shape_cast %parallel_loop3A_384 : vector<16xf32> to vector<16xf32>
        %parallel_loop3A_386 = vector.shape_cast %parallel_loop3A_379 : vector<16xf32> to vector<16xf32>
        tpu.vector_store %arg19[%parallel_loop3A_383], %parallel_loop3A_386 {strides = array<i32>} : memref<10000xf32, #tpu.memory_space<vmem>>, vector<16xf32>,
      } {sc.loop_unroll_factor = 1 : i64, sc.parallel_access}
    }
    %scan3A_101 = arith.constant 38 : i32
    %dma_start3A_102 = arith.constant 9856 : i32
    %dma_start3A_103 = tpu.memref_slice %arg9[%dma_start3A_102] : memref<10000xi32, #tpu.memory_space<vmem>> -> memref<128xi32, #tpu.memory_space<vmem>>
    %dma_start3A_104 = arith.constant 0 : i32
    %dma_start3A_105 = arith.constant 0 : i32
    %dma_start3A_106 = tpu.memref_slice %arg2[%dma_start3A_104, %dma_start3A_105] : memref<10000x128xf32, #tpu.memory_space<hbm>> -> memref<10000x128xf32, #tpu.memory_space<hbm>>
    tpu.enqueue_indirect_dma source(%dma_start3A_106 : memref<10000x128xf32, #tpu.memory_space<hbm>>) target(%arg13 : memref<128x128xf32, #tpu.memory_space<vmem>>) offsets(%dma_start3A_103 : memref<128xi32, #tpu.memory_space<vmem>>) semaphore(%arg23 : memref<!tpu.dma_semaphore, #tpu.memory_space<semaphore_mem>>)
    %dma_start3A_107 = arith.constant 9856 : i32
    %dma_start3A_108 = tpu.memref_slice %arg10[%dma_start3A_107] : memref<10000xi32, #tpu.memory_space<vmem>> -> memref<128xi32, #tpu.memory_space<vmem>>
    %dma_start3A_109 = arith.constant 0 : i32
    %dma_start3A_110 = arith.constant 0 : i32
    %dma_start3A_111 = tpu.memref_slice %arg3[%dma_start3A_109, %dma_start3A_110] : memref<10000x128xf32, #tpu.memory_space<hbm>> -> memref<10000x128xf32, #tpu.memory_space<hbm>>
    tpu.enqueue_indirect_dma source(%dma_start3A_111 : memref<10000x128xf32, #tpu.memory_space<hbm>>) target(%arg14 : memref<128x128xf32, #tpu.memory_space<vmem>>) offsets(%dma_start3A_108 : memref<128xi32, #tpu.memory_space<vmem>>) semaphore(%arg24 : memref<!tpu.dma_semaphore, #tpu.memory_space<semaphore_mem>>)
    %dma_wait3A = arith.constant 9728 : i32
    %dma_wait3A_112 = tpu.memref_slice %arg9[%dma_wait3A] : memref<10000xi32, #tpu.memory_space<vmem>> -> memref<128xi32, #tpu.memory_space<vmem>>
    %dma_wait3A_113 = arith.constant 0 : i32
    %dma_wait3A_114 = arith.constant 0 : i32
    %dma_wait3A_115 = tpu.memref_slice %arg2[%dma_wait3A_113, %dma_wait3A_114] : memref<10000x128xf32, #tpu.memory_space<hbm>> -> memref<10000x128xf32, #tpu.memory_space<hbm>>
    tpu.wait_indirect_dma semaphore(%arg21 : memref<!tpu.dma_semaphore, #tpu.memory_space<semaphore_mem>>) src(%dma_wait3A_115 : memref<10000x128xf32, #tpu.memory_space<hbm>>) dst(%arg11 : memref<128x128xf32, #tpu.memory_space<vmem>>)
    %dma_wait3A_116 = arith.constant 9728 : i32
    %dma_wait3A_117 = tpu.memref_slice %arg10[%dma_wait3A_116] : memref<10000xi32, #tpu.memory_space<vmem>> -> memref<128xi32, #tpu.memory_space<vmem>>
    %dma_wait3A_118 = arith.constant 0 : i32
    %dma_wait3A_119 = arith.constant 0 : i32
    %dma_wait3A_120 = tpu.memref_slice %arg3[%dma_wait3A_118, %dma_wait3A_119] : memref<10000x128xf32, #tpu.memory_space<hbm>> -> memref<10000x128xf32, #tpu.memory_space<hbm>>
    tpu.wait_indirect_dma semaphore(%arg22 : memref<!tpu.dma_semaphore, #tpu.memory_space<semaphore_mem>>) src(%dma_wait3A_120 : memref<10000x128xf32, #tpu.memory_space<hbm>>) dst(%arg12 : memref<128x128xf32, #tpu.memory_space<vmem>>)
    %parallel_loop3A = arith.constant 0 : i32
    %parallel_loop3A_121 = arith.constant 128 : i32
    %parallel_loop3A_122 = arith.constant 1 : i32
    scf.for %parallel_loop3A_168 = %parallel_loop3A to %parallel_loop3A_121 step %parallel_loop3A_122  : i32 {
      %parallel_loop3A_169 = arith.index_cast %parallel_loop3A_168 : i32 to index
      %parallel_loop3A_170 = arith.constant 0 : index
      %parallel_loop3A_171 = tpu.vector_load %arg11[%parallel_loop3A_169, %parallel_loop3A_170] {strides = array<i32>} : memref<128x128xf32, #tpu.memory_space<vmem>>, vector<1x16xf32>,
      %parallel_loop3A_172 = vector.shape_cast %parallel_loop3A_171 : vector<1x16xf32> to vector<16xf32>
      %parallel_loop3A_173 = arith.index_cast %parallel_loop3A_168 : i32 to index
      %parallel_loop3A_174 = arith.constant 0 : index
      %parallel_loop3A_175 = tpu.vector_load %arg12[%parallel_loop3A_173, %parallel_loop3A_174] {strides = array<i32>} : memref<128x128xf32, #tpu.memory_space<vmem>>, vector<1x16xf32>,
      %parallel_loop3A_176 = vector.shape_cast %parallel_loop3A_175 : vector<1x16xf32> to vector<16xf32>
      %parallel_loop3A_177 = arith.addf %parallel_loop3A_172, %parallel_loop3A_176 : vector<16xf32>
      %parallel_loop3A_178 = arith.constant 0.000000e+00 : f32
      %parallel_loop3A_179 = vector.broadcast %parallel_loop3A_178 : f32 to vector<16xf32>
      %parallel_loop3A_180 = arith.maximumf %parallel_loop3A_177, %parallel_loop3A_179 : vector<16xf32>
      %parallel_loop3A_181 = arith.mulf %parallel_loop3A_180, %get3A_4 : vector<16xf32>
      %parallel_loop3A_182 = arith.addf %get3A_28, %parallel_loop3A_181 : vector<16xf32>
      %parallel_loop3A_183 = arith.index_cast %parallel_loop3A_168 : i32 to index
      %parallel_loop3A_184 = arith.constant 64 : index
      %parallel_loop3A_185 = tpu.vector_load %arg11[%parallel_loop3A_183, %parallel_loop3A_184] {strides = array<i32>} : memref<128x128xf32, #tpu.memory_space<vmem>>, vector<1x16xf32>,
      %parallel_loop3A_186 = vector.shape_cast %parallel_loop3A_185 : vector<1x16xf32> to vector<16xf32>
      %parallel_loop3A_187 = arith.index_cast %parallel_loop3A_168 : i32 to index
      %parallel_loop3A_188 = arith.constant 64 : index
      %parallel_loop3A_189 = tpu.vector_load %arg12[%parallel_loop3A_187, %parallel_loop3A_188] {strides = array<i32>} : memref<128x128xf32, #tpu.memory_space<vmem>>, vector<1x16xf32>,
      %parallel_loop3A_190 = vector.shape_cast %parallel_loop3A_189 : vector<1x16xf32> to vector<16xf32>
      %parallel_loop3A_191 = arith.addf %parallel_loop3A_186, %parallel_loop3A_190 : vector<16xf32>
      %parallel_loop3A_192 = arith.constant 0.000000e+00 : f32
      %parallel_loop3A_193 = vector.broadcast %parallel_loop3A_192 : f32 to vector<16xf32>
      %parallel_loop3A_194 = arith.maximumf %parallel_loop3A_191, %parallel_loop3A_193 : vector<16xf32>
      %parallel_loop3A_195 = arith.mulf %parallel_loop3A_194, %get3A_16 : vector<16xf32>
      %parallel_loop3A_196 = arith.addf %broadcast_in_dim3A_87, %parallel_loop3A_195 : vector<16xf32>
      %parallel_loop3A_197 = arith.index_cast %parallel_loop3A_168 : i32 to index
      %parallel_loop3A_198 = arith.constant 16 : index
      %parallel_loop3A_199 = tpu.vector_load %arg11[%parallel_loop3A_197, %parallel_loop3A_198] {strides = array<i32>} : memref<128x128xf32, #tpu.memory_space<vmem>>, vector<1x16xf32>,
      %parallel_loop3A_200 = vector.shape_cast %parallel_loop3A_199 : vector<1x16xf32> to vector<16xf32>
      %parallel_loop3A_201 = arith.index_cast %parallel_loop3A_168 : i32 to index
      %parallel_loop3A_202 = arith.constant 16 : index
      %parallel_loop3A_203 = tpu.vector_load %arg12[%parallel_loop3A_201, %parallel_loop3A_202] {strides = array<i32>} : memref<128x128xf32, #tpu.memory_space<vmem>>, vector<1x16xf32>,
      %parallel_loop3A_204 = vector.shape_cast %parallel_loop3A_203 : vector<1x16xf32> to vector<16xf32>
      %parallel_loop3A_205 = arith.addf %parallel_loop3A_200, %parallel_loop3A_204 : vector<16xf32>
      %parallel_loop3A_206 = arith.constant 0.000000e+00 : f32
      %parallel_loop3A_207 = vector.broadcast %parallel_loop3A_206 : f32 to vector<16xf32>
      %parallel_loop3A_208 = arith.maximumf %parallel_loop3A_205, %parallel_loop3A_207 : vector<16xf32>
      %parallel_loop3A_209 = arith.mulf %parallel_loop3A_208, %get3A_7 : vector<16xf32>
      %parallel_loop3A_210 = arith.addf %parallel_loop3A_182, %parallel_loop3A_209 : vector<16xf32>
      %parallel_loop3A_211 = arith.index_cast %parallel_loop3A_168 : i32 to index
      %parallel_loop3A_212 = arith.constant 80 : index
      %parallel_loop3A_213 = tpu.vector_load %arg11[%parallel_loop3A_211, %parallel_loop3A_212] {strides = array<i32>} : memref<128x128xf32, #tpu.memory_space<vmem>>, vector<1x16xf32>,
      %parallel_loop3A_214 = vector.shape_cast %parallel_loop3A_213 : vector<1x16xf32> to vector<16xf32>
      %parallel_loop3A_215 = arith.index_cast %parallel_loop3A_168 : i32 to index
      %parallel_loop3A_216 = arith.constant 80 : index
      %parallel_loop3A_217 = tpu.vector_load %arg12[%parallel_loop3A_215, %parallel_loop3A_216] {strides = array<i32>} : memref<128x128xf32, #tpu.memory_space<vmem>>, vector<1x16xf32>,
      %parallel_loop3A_218 = vector.shape_cast %parallel_loop3A_217 : vector<1x16xf32> to vector<16xf32>
      %parallel_loop3A_219 = arith.addf %parallel_loop3A_214, %parallel_loop3A_218 : vector<16xf32>
      %parallel_loop3A_220 = arith.constant 0.000000e+00 : f32
      %parallel_loop3A_221 = vector.broadcast %parallel_loop3A_220 : f32 to vector<16xf32>
      %parallel_loop3A_222 = arith.maximumf %parallel_loop3A_219, %parallel_loop3A_221 : vector<16xf32>
      %parallel_loop3A_223 = arith.mulf %parallel_loop3A_222, %get3A_19 : vector<16xf32>
      %parallel_loop3A_224 = arith.addf %parallel_loop3A_196, %parallel_loop3A_223 : vector<16xf32>
      %parallel_loop3A_225 = arith.index_cast %parallel_loop3A_168 : i32 to index
      %parallel_loop3A_226 = arith.constant 32 : index
      %parallel_loop3A_227 = tpu.vector_load %arg11[%parallel_loop3A_225, %parallel_loop3A_226] {strides = array<i32>} : memref<128x128xf32, #tpu.memory_space<vmem>>, vector<1x16xf32>,
      %parallel_loop3A_228 = vector.shape_cast %parallel_loop3A_227 : vector<1x16xf32> to vector<16xf32>
      %parallel_loop3A_229 = arith.index_cast %parallel_loop3A_168 : i32 to index
      %parallel_loop3A_230 = arith.constant 32 : index
      %parallel_loop3A_231 = tpu.vector_load %arg12[%parallel_loop3A_229, %parallel_loop3A_230] {strides = array<i32>} : memref<128x128xf32, #tpu.memory_space<vmem>>, vector<1x16xf32>,
      %parallel_loop3A_232 = vector.shape_cast %parallel_loop3A_231 : vector<1x16xf32> to vector<16xf32>
      %parallel_loop3A_233 = arith.addf %parallel_loop3A_228, %parallel_loop3A_232 : vector<16xf32>
      %parallel_loop3A_234 = arith.constant 0.000000e+00 : f32
      %parallel_loop3A_235 = vector.broadcast %parallel_loop3A_234 : f32 to vector<16xf32>
      %parallel_loop3A_236 = arith.maximumf %parallel_loop3A_233, %parallel_loop3A_235 : vector<16xf32>
      %parallel_loop3A_237 = arith.mulf %parallel_loop3A_236, %get3A_10 : vector<16xf32>
      %parallel_loop3A_238 = arith.addf %parallel_loop3A_210, %parallel_loop3A_237 : vector<16xf32>
      %parallel_loop3A_239 = arith.index_cast %parallel_loop3A_168 : i32 to index
      %parallel_loop3A_240 = arith.constant 96 : index
      %parallel_loop3A_241 = tpu.vector_load %arg11[%parallel_loop3A_239, %parallel_loop3A_240] {strides = array<i32>} : memref<128x128xf32, #tpu.memory_space<vmem>>, vector<1x16xf32>,
      %parallel_loop3A_242 = vector.shape_cast %parallel_loop3A_241 : vector<1x16xf32> to vector<16xf32>
      %parallel_loop3A_243 = arith.index_cast %parallel_loop3A_168 : i32 to index
      %parallel_loop3A_244 = arith.constant 96 : index
      %parallel_loop3A_245 = tpu.vector_load %arg12[%parallel_loop3A_243, %parallel_loop3A_244] {strides = array<i32>} : memref<128x128xf32, #tpu.memory_space<vmem>>, vector<1x16xf32>,
      %parallel_loop3A_246 = vector.shape_cast %parallel_loop3A_245 : vector<1x16xf32> to vector<16xf32>
      %parallel_loop3A_247 = arith.addf %parallel_loop3A_242, %parallel_loop3A_246 : vector<16xf32>
      %parallel_loop3A_248 = arith.constant 0.000000e+00 : f32
      %parallel_loop3A_249 = vector.broadcast %parallel_loop3A_248 : f32 to vector<16xf32>
      %parallel_loop3A_250 = arith.maximumf %parallel_loop3A_247, %parallel_loop3A_249 : vector<16xf32>
      %parallel_loop3A_251 = arith.mulf %parallel_loop3A_250, %get3A_22 : vector<16xf32>
      %parallel_loop3A_252 = arith.addf %parallel_loop3A_224, %parallel_loop3A_251 : vector<16xf32>
      %parallel_loop3A_253 = arith.index_cast %parallel_loop3A_168 : i32 to index
      %parallel_loop3A_254 = arith.constant 48 : index
      %parallel_loop3A_255 = tpu.vector_load %arg11[%parallel_loop3A_253, %parallel_loop3A_254] {strides = array<i32>} : memref<128x128xf32, #tpu.memory_space<vmem>>, vector<1x16xf32>,
      %parallel_loop3A_256 = vector.shape_cast %parallel_loop3A_255 : vector<1x16xf32> to vector<16xf32>
      %parallel_loop3A_257 = arith.index_cast %parallel_loop3A_168 : i32 to index
      %parallel_loop3A_258 = arith.constant 48 : index
      %parallel_loop3A_259 = tpu.vector_load %arg12[%parallel_loop3A_257, %parallel_loop3A_258] {strides = array<i32>} : memref<128x128xf32, #tpu.memory_space<vmem>>, vector<1x16xf32>,
      %parallel_loop3A_260 = vector.shape_cast %parallel_loop3A_259 : vector<1x16xf32> to vector<16xf32>
      %parallel_loop3A_261 = arith.addf %parallel_loop3A_256, %parallel_loop3A_260 : vector<16xf32>
      %parallel_loop3A_262 = arith.constant 0.000000e+00 : f32
      %parallel_loop3A_263 = vector.broadcast %parallel_loop3A_262 : f32 to vector<16xf32>
      %parallel_loop3A_264 = arith.maximumf %parallel_loop3A_261, %parallel_loop3A_263 : vector<16xf32>
      %parallel_loop3A_265 = arith.mulf %parallel_loop3A_264, %get3A_13 : vector<16xf32>
      %parallel_loop3A_266 = arith.addf %parallel_loop3A_238, %parallel_loop3A_265 : vector<16xf32>
      %parallel_loop3A_267 = arith.index_cast %parallel_loop3A_168 : i32 to index
      %parallel_loop3A_268 = arith.constant 112 : index
      %parallel_loop3A_269 = tpu.vector_load %arg11[%parallel_loop3A_267, %parallel_loop3A_268] {strides = array<i32>} : memref<128x128xf32, #tpu.memory_space<vmem>>, vector<1x16xf32>,
      %parallel_loop3A_270 = vector.shape_cast %parallel_loop3A_269 : vector<1x16xf32> to vector<16xf32>
      %parallel_loop3A_271 = arith.index_cast %parallel_loop3A_168 : i32 to index
      %parallel_loop3A_272 = arith.constant 112 : index
      %parallel_loop3A_273 = tpu.vector_load %arg12[%parallel_loop3A_271, %parallel_loop3A_272] {strides = array<i32>} : memref<128x128xf32, #tpu.memory_space<vmem>>, vector<1x16xf32>,
      %parallel_loop3A_274 = vector.shape_cast %parallel_loop3A_273 : vector<1x16xf32> to vector<16xf32>
      %parallel_loop3A_275 = arith.addf %parallel_loop3A_270, %parallel_loop3A_274 : vector<16xf32>
      %parallel_loop3A_276 = arith.constant 0.000000e+00 : f32
      %parallel_loop3A_277 = vector.broadcast %parallel_loop3A_276 : f32 to vector<16xf32>
      %parallel_loop3A_278 = arith.maximumf %parallel_loop3A_275, %parallel_loop3A_277 : vector<16xf32>
      %parallel_loop3A_279 = arith.mulf %parallel_loop3A_278, %get3A_25 : vector<16xf32>
      %parallel_loop3A_280 = arith.addf %parallel_loop3A_252, %parallel_loop3A_279 : vector<16xf32>
      %parallel_loop3A_281 = arith.addf %parallel_loop3A_266, %parallel_loop3A_280 : vector<16xf32>
      %parallel_loop3A_282 = vector.shape_cast %xor3A_30 : vector<16xi32> to vector<16x1xi32>
      %parallel_loop3A_283 = vector.shape_cast %parallel_loop3A_282 : vector<16x1xi32> to vector<16xi32>
      %parallel_loop3A_284 = tpu.dynamic_gather %parallel_loop3A_281[%parallel_loop3A_283] in [0] : vector<16xf32>, vector<16xi32> -> vector<16xf32>
      %parallel_loop3A_285 = arith.addf %parallel_loop3A_281, %parallel_loop3A_284 : vector<16xf32>
      %parallel_loop3A_286 = vector.shape_cast %xor3A_33 : vector<16xi32> to vector<16x1xi32>
      %parallel_loop3A_287 = vector.shape_cast %parallel_loop3A_286 : vector<16x1xi32> to vector<16xi32>
      %parallel_loop3A_288 = tpu.dynamic_gather %parallel_loop3A_285[%parallel_loop3A_287] in [0] : vector<16xf32>, vector<16xi32> -> vector<16xf32>
      %parallel_loop3A_289 = arith.addf %parallel_loop3A_285, %parallel_loop3A_288 : vector<16xf32>
      %parallel_loop3A_290 = vector.shape_cast %xor3A_36 : vector<16xi32> to vector<16x1xi32>
      %parallel_loop3A_291 = vector.shape_cast %parallel_loop3A_290 : vector<16x1xi32> to vector<16xi32>
      %parallel_loop3A_292 = tpu.dynamic_gather %parallel_loop3A_289[%parallel_loop3A_291] in [0] : vector<16xf32>, vector<16xi32> -> vector<16xf32>
      %parallel_loop3A_293 = arith.addf %parallel_loop3A_289, %parallel_loop3A_292 : vector<16xf32>
      %parallel_loop3A_294 = vector.shape_cast %xor3A_39 : vector<16xi32> to vector<16x1xi32>
      %parallel_loop3A_295 = vector.shape_cast %parallel_loop3A_294 : vector<16x1xi32> to vector<16xi32>
      %parallel_loop3A_296 = tpu.dynamic_gather %parallel_loop3A_293[%parallel_loop3A_295] in [0] : vector<16xf32>, vector<16xi32> -> vector<16xf32>
      %parallel_loop3A_297 = arith.addf %parallel_loop3A_293, %parallel_loop3A_296 : vector<16xf32>
      %parallel_loop3A_298 = arith.index_cast %parallel_loop3A_168 : i32 to index
      %parallel_loop3A_299 = arith.constant 0 : index
      %parallel_loop3A_300 = tpu.vector_load %arg20[%parallel_loop3A_298, %parallel_loop3A_299] {strides = array<i32>} : memref<128x16xf32, #tpu.memory_space<vmem>>, vector<1x16xf32>,
      %parallel_loop3A_301 = vector.shape_cast %parallel_loop3A_300 : vector<1x16xf32> to vector<16xf32>
      %parallel_loop3A_302 = vector.shape_cast %parallel_loop3A_297 : vector<16xf32> to vector<1x16xf32>
      tpu.vector_store %arg20[%parallel_loop3A_298, %parallel_loop3A_299], %parallel_loop3A_302 {strides = array<i32>} : memref<128x16xf32, #tpu.memory_space<vmem>>, vector<1x16xf32>,
    } {sc.loop_unroll_factor = 8 : i64, sc.parallel_access}
    %parallel_loop3A_123 = arith.constant 0 : i32
    %parallel_loop3A_124 = arith.constant 8 : i32
    %parallel_loop3A_125 = arith.constant 1 : i32
    scf.for %parallel_loop3A_168 = %parallel_loop3A_123 to %parallel_loop3A_124 step %parallel_loop3A_125  : i32 {
      %parallel_loop3A_169 = arith.constant 16 : i32
      %parallel_loop3A_170 = arith.muli %parallel_loop3A_168, %parallel_loop3A_169 : i32
      %parallel_loop3A_171 = arith.constant 0 : i32
      %parallel_loop3A_172 = arith.addi %parallel_loop3A_170, %parallel_loop3A_171 : i32
      %parallel_loop3A_173 = arith.index_cast %parallel_loop3A_172 : i32 to index
      %parallel_loop3A_174 = arith.constant 0 : index
      %parallel_loop3A_175 = tpu.vector_load %arg20[%parallel_loop3A_173, %parallel_loop3A_174] {strides = array<i32>} : memref<128x16xf32, #tpu.memory_space<vmem>>, vector<1x16xf32>,
      %parallel_loop3A_176 = vector.shape_cast %parallel_loop3A_175 : vector<1x16xf32> to vector<16xf32>
      %parallel_loop3A_177 = arith.select %eq3A_41, %parallel_loop3A_176, %broadcast_in_dim3A_87 : vector<16xi1>, vector<16xf32>
      %parallel_loop3A_178 = arith.constant 16 : i32
      %parallel_loop3A_179 = arith.muli %parallel_loop3A_168, %parallel_loop3A_178 : i32
      %parallel_loop3A_180 = arith.constant 1 : i32
      %parallel_loop3A_181 = arith.addi %parallel_loop3A_179, %parallel_loop3A_180 : i32
      %parallel_loop3A_182 = arith.index_cast %parallel_loop3A_181 : i32 to index
      %parallel_loop3A_183 = arith.constant 0 : index
      %parallel_loop3A_184 = tpu.vector_load %arg20[%parallel_loop3A_182, %parallel_loop3A_183] {strides = array<i32>} : memref<128x16xf32, #tpu.memory_space<vmem>>, vector<1x16xf32>,
      %parallel_loop3A_185 = vector.shape_cast %parallel_loop3A_184 : vector<1x16xf32> to vector<16xf32>
      %parallel_loop3A_186 = arith.select %eq3A_44, %parallel_loop3A_185, %parallel_loop3A_177 : vector<16xi1>, vector<16xf32>
      %parallel_loop3A_187 = arith.constant 16 : i32
      %parallel_loop3A_188 = arith.muli %parallel_loop3A_168, %parallel_loop3A_187 : i32
      %parallel_loop3A_189 = arith.constant 2 : i32
      %parallel_loop3A_190 = arith.addi %parallel_loop3A_188, %parallel_loop3A_189 : i32
      %parallel_loop3A_191 = arith.index_cast %parallel_loop3A_190 : i32 to index
      %parallel_loop3A_192 = arith.constant 0 : index
      %parallel_loop3A_193 = tpu.vector_load %arg20[%parallel_loop3A_191, %parallel_loop3A_192] {strides = array<i32>} : memref<128x16xf32, #tpu.memory_space<vmem>>, vector<1x16xf32>,
      %parallel_loop3A_194 = vector.shape_cast %parallel_loop3A_193 : vector<1x16xf32> to vector<16xf32>
      %parallel_loop3A_195 = arith.select %eq3A_47, %parallel_loop3A_194, %parallel_loop3A_186 : vector<16xi1>, vector<16xf32>
      %parallel_loop3A_196 = arith.constant 16 : i32
      %parallel_loop3A_197 = arith.muli %parallel_loop3A_168, %parallel_loop3A_196 : i32
      %parallel_loop3A_198 = arith.constant 3 : i32
      %parallel_loop3A_199 = arith.addi %parallel_loop3A_197, %parallel_loop3A_198 : i32
      %parallel_loop3A_200 = arith.index_cast %parallel_loop3A_199 : i32 to index
      %parallel_loop3A_201 = arith.constant 0 : index
      %parallel_loop3A_202 = tpu.vector_load %arg20[%parallel_loop3A_200, %parallel_loop3A_201] {strides = array<i32>} : memref<128x16xf32, #tpu.memory_space<vmem>>, vector<1x16xf32>,
      %parallel_loop3A_203 = vector.shape_cast %parallel_loop3A_202 : vector<1x16xf32> to vector<16xf32>
      %parallel_loop3A_204 = arith.select %eq3A_50, %parallel_loop3A_203, %parallel_loop3A_195 : vector<16xi1>, vector<16xf32>
      %parallel_loop3A_205 = arith.constant 16 : i32
      %parallel_loop3A_206 = arith.muli %parallel_loop3A_168, %parallel_loop3A_205 : i32
      %parallel_loop3A_207 = arith.constant 4 : i32
      %parallel_loop3A_208 = arith.addi %parallel_loop3A_206, %parallel_loop3A_207 : i32
      %parallel_loop3A_209 = arith.index_cast %parallel_loop3A_208 : i32 to index
      %parallel_loop3A_210 = arith.constant 0 : index
      %parallel_loop3A_211 = tpu.vector_load %arg20[%parallel_loop3A_209, %parallel_loop3A_210] {strides = array<i32>} : memref<128x16xf32, #tpu.memory_space<vmem>>, vector<1x16xf32>,
      %parallel_loop3A_212 = vector.shape_cast %parallel_loop3A_211 : vector<1x16xf32> to vector<16xf32>
      %parallel_loop3A_213 = arith.select %eq3A_53, %parallel_loop3A_212, %parallel_loop3A_204 : vector<16xi1>, vector<16xf32>
      %parallel_loop3A_214 = arith.constant 16 : i32
      %parallel_loop3A_215 = arith.muli %parallel_loop3A_168, %parallel_loop3A_214 : i32
      %parallel_loop3A_216 = arith.constant 5 : i32
      %parallel_loop3A_217 = arith.addi %parallel_loop3A_215, %parallel_loop3A_216 : i32
      %parallel_loop3A_218 = arith.index_cast %parallel_loop3A_217 : i32 to index
      %parallel_loop3A_219 = arith.constant 0 : index
      %parallel_loop3A_220 = tpu.vector_load %arg20[%parallel_loop3A_218, %parallel_loop3A_219] {strides = array<i32>} : memref<128x16xf32, #tpu.memory_space<vmem>>, vector<1x16xf32>,
      %parallel_loop3A_221 = vector.shape_cast %parallel_loop3A_220 : vector<1x16xf32> to vector<16xf32>
      %parallel_loop3A_222 = arith.select %eq3A_56, %parallel_loop3A_221, %parallel_loop3A_213 : vector<16xi1>, vector<16xf32>
      %parallel_loop3A_223 = arith.constant 16 : i32
      %parallel_loop3A_224 = arith.muli %parallel_loop3A_168, %parallel_loop3A_223 : i32
      %parallel_loop3A_225 = arith.constant 6 : i32
      %parallel_loop3A_226 = arith.addi %parallel_loop3A_224, %parallel_loop3A_225 : i32
      %parallel_loop3A_227 = arith.index_cast %parallel_loop3A_226 : i32 to index
      %parallel_loop3A_228 = arith.constant 0 : index
      %parallel_loop3A_229 = tpu.vector_load %arg20[%parallel_loop3A_227, %parallel_loop3A_228] {strides = array<i32>} : memref<128x16xf32, #tpu.memory_space<vmem>>, vector<1x16xf32>,
      %parallel_loop3A_230 = vector.shape_cast %parallel_loop3A_229 : vector<1x16xf32> to vector<16xf32>
      %parallel_loop3A_231 = arith.select %eq3A_59, %parallel_loop3A_230, %parallel_loop3A_222 : vector<16xi1>, vector<16xf32>
      %parallel_loop3A_232 = arith.constant 16 : i32
      %parallel_loop3A_233 = arith.muli %parallel_loop3A_168, %parallel_loop3A_232 : i32
      %parallel_loop3A_234 = arith.constant 7 : i32
      %parallel_loop3A_235 = arith.addi %parallel_loop3A_233, %parallel_loop3A_234 : i32
      %parallel_loop3A_236 = arith.index_cast %parallel_loop3A_235 : i32 to index
      %parallel_loop3A_237 = arith.constant 0 : index
      %parallel_loop3A_238 = tpu.vector_load %arg20[%parallel_loop3A_236, %parallel_loop3A_237] {strides = array<i32>} : memref<128x16xf32, #tpu.memory_space<vmem>>, vector<1x16xf32>,
      %parallel_loop3A_239 = vector.shape_cast %parallel_loop3A_238 : vector<1x16xf32> to vector<16xf32>
      %parallel_loop3A_240 = arith.select %eq3A_62, %parallel_loop3A_239, %parallel_loop3A_231 : vector<16xi1>, vector<16xf32>
      %parallel_loop3A_241 = arith.constant 16 : i32
      %parallel_loop3A_242 = arith.muli %parallel_loop3A_168, %parallel_loop3A_241 : i32
      %parallel_loop3A_243 = arith.constant 8 : i32
      %parallel_loop3A_244 = arith.addi %parallel_loop3A_242, %parallel_loop3A_243 : i32
      %parallel_loop3A_245 = arith.index_cast %parallel_loop3A_244 : i32 to index
      %parallel_loop3A_246 = arith.constant 0 : index
      %parallel_loop3A_247 = tpu.vector_load %arg20[%parallel_loop3A_245, %parallel_loop3A_246] {strides = array<i32>} : memref<128x16xf32, #tpu.memory_space<vmem>>, vector<1x16xf32>,
      %parallel_loop3A_248 = vector.shape_cast %parallel_loop3A_247 : vector<1x16xf32> to vector<16xf32>
      %parallel_loop3A_249 = arith.select %eq3A_65, %parallel_loop3A_248, %parallel_loop3A_240 : vector<16xi1>, vector<16xf32>
      %parallel_loop3A_250 = arith.constant 16 : i32
      %parallel_loop3A_251 = arith.muli %parallel_loop3A_168, %parallel_loop3A_250 : i32
      %parallel_loop3A_252 = arith.constant 9 : i32
      %parallel_loop3A_253 = arith.addi %parallel_loop3A_251, %parallel_loop3A_252 : i32
      %parallel_loop3A_254 = arith.index_cast %parallel_loop3A_253 : i32 to index
      %parallel_loop3A_255 = arith.constant 0 : index
      %parallel_loop3A_256 = tpu.vector_load %arg20[%parallel_loop3A_254, %parallel_loop3A_255] {strides = array<i32>} : memref<128x16xf32, #tpu.memory_space<vmem>>, vector<1x16xf32>,
      %parallel_loop3A_257 = vector.shape_cast %parallel_loop3A_256 : vector<1x16xf32> to vector<16xf32>
      %parallel_loop3A_258 = arith.select %eq3A_68, %parallel_loop3A_257, %parallel_loop3A_249 : vector<16xi1>, vector<16xf32>
      %parallel_loop3A_259 = arith.constant 16 : i32
      %parallel_loop3A_260 = arith.muli %parallel_loop3A_168, %parallel_loop3A_259 : i32
      %parallel_loop3A_261 = arith.constant 10 : i32
      %parallel_loop3A_262 = arith.addi %parallel_loop3A_260, %parallel_loop3A_261 : i32
      %parallel_loop3A_263 = arith.index_cast %parallel_loop3A_262 : i32 to index
      %parallel_loop3A_264 = arith.constant 0 : index
      %parallel_loop3A_265 = tpu.vector_load %arg20[%parallel_loop3A_263, %parallel_loop3A_264] {strides = array<i32>} : memref<128x16xf32, #tpu.memory_space<vmem>>, vector<1x16xf32>,
      %parallel_loop3A_266 = vector.shape_cast %parallel_loop3A_265 : vector<1x16xf32> to vector<16xf32>
      %parallel_loop3A_267 = arith.select %eq3A_71, %parallel_loop3A_266, %parallel_loop3A_258 : vector<16xi1>, vector<16xf32>
      %parallel_loop3A_268 = arith.constant 16 : i32
      %parallel_loop3A_269 = arith.muli %parallel_loop3A_168, %parallel_loop3A_268 : i32
      %parallel_loop3A_270 = arith.constant 11 : i32
      %parallel_loop3A_271 = arith.addi %parallel_loop3A_269, %parallel_loop3A_270 : i32
      %parallel_loop3A_272 = arith.index_cast %parallel_loop3A_271 : i32 to index
      %parallel_loop3A_273 = arith.constant 0 : index
      %parallel_loop3A_274 = tpu.vector_load %arg20[%parallel_loop3A_272, %parallel_loop3A_273] {strides = array<i32>} : memref<128x16xf32, #tpu.memory_space<vmem>>, vector<1x16xf32>,
      %parallel_loop3A_275 = vector.shape_cast %parallel_loop3A_274 : vector<1x16xf32> to vector<16xf32>
      %parallel_loop3A_276 = arith.select %eq3A_74, %parallel_loop3A_275, %parallel_loop3A_267 : vector<16xi1>, vector<16xf32>
      %parallel_loop3A_277 = arith.constant 16 : i32
      %parallel_loop3A_278 = arith.muli %parallel_loop3A_168, %parallel_loop3A_277 : i32
      %parallel_loop3A_279 = arith.constant 12 : i32
      %parallel_loop3A_280 = arith.addi %parallel_loop3A_278, %parallel_loop3A_279 : i32
      %parallel_loop3A_281 = arith.index_cast %parallel_loop3A_280 : i32 to index
      %parallel_loop3A_282 = arith.constant 0 : index
      %parallel_loop3A_283 = tpu.vector_load %arg20[%parallel_loop3A_281, %parallel_loop3A_282] {strides = array<i32>} : memref<128x16xf32, #tpu.memory_space<vmem>>, vector<1x16xf32>,
      %parallel_loop3A_284 = vector.shape_cast %parallel_loop3A_283 : vector<1x16xf32> to vector<16xf32>
      %parallel_loop3A_285 = arith.select %eq3A_77, %parallel_loop3A_284, %parallel_loop3A_276 : vector<16xi1>, vector<16xf32>
      %parallel_loop3A_286 = arith.constant 16 : i32
      %parallel_loop3A_287 = arith.muli %parallel_loop3A_168, %parallel_loop3A_286 : i32
      %parallel_loop3A_288 = arith.constant 13 : i32
      %parallel_loop3A_289 = arith.addi %parallel_loop3A_287, %parallel_loop3A_288 : i32
      %parallel_loop3A_290 = arith.index_cast %parallel_loop3A_289 : i32 to index
      %parallel_loop3A_291 = arith.constant 0 : index
      %parallel_loop3A_292 = tpu.vector_load %arg20[%parallel_loop3A_290, %parallel_loop3A_291] {strides = array<i32>} : memref<128x16xf32, #tpu.memory_space<vmem>>, vector<1x16xf32>,
      %parallel_loop3A_293 = vector.shape_cast %parallel_loop3A_292 : vector<1x16xf32> to vector<16xf32>
      %parallel_loop3A_294 = arith.select %eq3A_80, %parallel_loop3A_293, %parallel_loop3A_285 : vector<16xi1>, vector<16xf32>
      %parallel_loop3A_295 = arith.constant 16 : i32
      %parallel_loop3A_296 = arith.muli %parallel_loop3A_168, %parallel_loop3A_295 : i32
      %parallel_loop3A_297 = arith.constant 14 : i32
      %parallel_loop3A_298 = arith.addi %parallel_loop3A_296, %parallel_loop3A_297 : i32
      %parallel_loop3A_299 = arith.index_cast %parallel_loop3A_298 : i32 to index
      %parallel_loop3A_300 = arith.constant 0 : index
      %parallel_loop3A_301 = tpu.vector_load %arg20[%parallel_loop3A_299, %parallel_loop3A_300] {strides = array<i32>} : memref<128x16xf32, #tpu.memory_space<vmem>>, vector<1x16xf32>,
      %parallel_loop3A_302 = vector.shape_cast %parallel_loop3A_301 : vector<1x16xf32> to vector<16xf32>
      %parallel_loop3A_303 = arith.select %eq3A_83, %parallel_loop3A_302, %parallel_loop3A_294 : vector<16xi1>, vector<16xf32>
      %parallel_loop3A_304 = arith.constant 16 : i32
      %parallel_loop3A_305 = arith.muli %parallel_loop3A_168, %parallel_loop3A_304 : i32
      %parallel_loop3A_306 = arith.constant 15 : i32
      %parallel_loop3A_307 = arith.addi %parallel_loop3A_305, %parallel_loop3A_306 : i32
      %parallel_loop3A_308 = arith.index_cast %parallel_loop3A_307 : i32 to index
      %parallel_loop3A_309 = arith.constant 0 : index
      %parallel_loop3A_310 = tpu.vector_load %arg20[%parallel_loop3A_308, %parallel_loop3A_309] {strides = array<i32>} : memref<128x16xf32, #tpu.memory_space<vmem>>, vector<1x16xf32>,
      %parallel_loop3A_311 = vector.shape_cast %parallel_loop3A_310 : vector<1x16xf32> to vector<16xf32>
      %parallel_loop3A_312 = arith.select %eq3A_86, %parallel_loop3A_311, %parallel_loop3A_303 : vector<16xi1>, vector<16xf32>
      %parallel_loop3A_313 = arith.constant 0.000000e+00 : f32
      %parallel_loop3A_314 = vector.broadcast %parallel_loop3A_313 : f32 to vector<16xf32>
      %parallel_loop3A_315 = arith.subf %parallel_loop3A_314, %parallel_loop3A_312 : vector<16xf32>
      %parallel_loop3A_316 = math.exp %parallel_loop3A_315 : vector<16xf32>
      %parallel_loop3A_317 = arith.constant 1.000000e+00 : f32
      %parallel_loop3A_318 = vector.broadcast %parallel_loop3A_317 : f32 to vector<16xf32>
      %parallel_loop3A_319 = arith.addf %parallel_loop3A_318, %parallel_loop3A_316 : vector<16xf32>
      %parallel_loop3A_320 = arith.constant 1.000000e+00 : f32
      %parallel_loop3A_321 = vector.broadcast %parallel_loop3A_320 : f32 to vector<16xf32>
      %parallel_loop3A_322 = arith.divf %parallel_loop3A_321, %parallel_loop3A_319 : vector<16xf32>
      %parallel_loop3A_323 = arith.constant 16 : i32
      %parallel_loop3A_324 = arith.muli %parallel_loop3A_168, %parallel_loop3A_323 : i32
      %parallel_loop3A_325 = arith.constant 9728 : i32
      %parallel_loop3A_326 = arith.addi %parallel_loop3A_325, %parallel_loop3A_324 : i32
      %parallel_loop3A_327 = arith.index_cast %parallel_loop3A_326 : i32 to index
      %parallel_loop3A_328 = tpu.vector_load %arg19[%parallel_loop3A_327] {strides = array<i32>} : memref<10000xf32, #tpu.memory_space<vmem>>, vector<16xf32>,
      %parallel_loop3A_329 = vector.shape_cast %parallel_loop3A_328 : vector<16xf32> to vector<16xf32>
      %parallel_loop3A_330 = vector.shape_cast %parallel_loop3A_322 : vector<16xf32> to vector<16xf32>
      tpu.vector_store %arg19[%parallel_loop3A_327], %parallel_loop3A_330 {strides = array<i32>} : memref<10000xf32, #tpu.memory_space<vmem>>, vector<16xf32>,
    } {sc.loop_unroll_factor = 1 : i64, sc.parallel_access}
    %dma_start3A_126 = arith.constant 9984 : i32
    %dma_start3A_127 = tpu.memref_slice %arg9[%dma_start3A_126] : memref<10000xi32, #tpu.memory_space<vmem>> -> memref<16xi32, #tpu.memory_space<vmem>>
    %dma_start3A_128 = arith.constant 0 : i32
    %dma_start3A_129 = arith.constant 0 : i32
    %dma_start3A_130 = tpu.memref_slice %arg2[%dma_start3A_128, %dma_start3A_129] : memref<10000x128xf32, #tpu.memory_space<hbm>> -> memref<10000x128xf32, #tpu.memory_space<hbm>>
    tpu.enqueue_indirect_dma source(%dma_start3A_130 : memref<10000x128xf32, #tpu.memory_space<hbm>>) target(%arg15 : memref<16x128xf32, #tpu.memory_space<vmem>>) offsets(%dma_start3A_127 : memref<16xi32, #tpu.memory_space<vmem>>) semaphore(%arg21 : memref<!tpu.dma_semaphore, #tpu.memory_space<semaphore_mem>>)
    %dma_start3A_131 = arith.constant 9984 : i32
    %dma_start3A_132 = tpu.memref_slice %arg10[%dma_start3A_131] : memref<10000xi32, #tpu.memory_space<vmem>> -> memref<16xi32, #tpu.memory_space<vmem>>
    %dma_start3A_133 = arith.constant 0 : i32
    %dma_start3A_134 = arith.constant 0 : i32
    %dma_start3A_135 = tpu.memref_slice %arg3[%dma_start3A_133, %dma_start3A_134] : memref<10000x128xf32, #tpu.memory_space<hbm>> -> memref<10000x128xf32, #tpu.memory_space<hbm>>
    tpu.enqueue_indirect_dma source(%dma_start3A_135 : memref<10000x128xf32, #tpu.memory_space<hbm>>) target(%arg16 : memref<16x128xf32, #tpu.memory_space<vmem>>) offsets(%dma_start3A_132 : memref<16xi32, #tpu.memory_space<vmem>>) semaphore(%arg22 : memref<!tpu.dma_semaphore, #tpu.memory_space<semaphore_mem>>)
    %dma_wait3A_136 = arith.constant 9856 : i32
    %dma_wait3A_137 = tpu.memref_slice %arg9[%dma_wait3A_136] : memref<10000xi32, #tpu.memory_space<vmem>> -> memref<128xi32, #tpu.memory_space<vmem>>
    %dma_wait3A_138 = arith.constant 0 : i32
    %dma_wait3A_139 = arith.constant 0 : i32
    %dma_wait3A_140 = tpu.memref_slice %arg2[%dma_wait3A_138, %dma_wait3A_139] : memref<10000x128xf32, #tpu.memory_space<hbm>> -> memref<10000x128xf32, #tpu.memory_space<hbm>>
    tpu.wait_indirect_dma semaphore(%arg23 : memref<!tpu.dma_semaphore, #tpu.memory_space<semaphore_mem>>) src(%dma_wait3A_140 : memref<10000x128xf32, #tpu.memory_space<hbm>>) dst(%arg13 : memref<128x128xf32, #tpu.memory_space<vmem>>)
    %dma_wait3A_141 = arith.constant 9856 : i32
    %dma_wait3A_142 = tpu.memref_slice %arg10[%dma_wait3A_141] : memref<10000xi32, #tpu.memory_space<vmem>> -> memref<128xi32, #tpu.memory_space<vmem>>
    %dma_wait3A_143 = arith.constant 0 : i32
    %dma_wait3A_144 = arith.constant 0 : i32
    %dma_wait3A_145 = tpu.memref_slice %arg3[%dma_wait3A_143, %dma_wait3A_144] : memref<10000x128xf32, #tpu.memory_space<hbm>> -> memref<10000x128xf32, #tpu.memory_space<hbm>>
    tpu.wait_indirect_dma semaphore(%arg24 : memref<!tpu.dma_semaphore, #tpu.memory_space<semaphore_mem>>) src(%dma_wait3A_145 : memref<10000x128xf32, #tpu.memory_space<hbm>>) dst(%arg14 : memref<128x128xf32, #tpu.memory_space<vmem>>)
    %parallel_loop3A_146 = arith.constant 0 : i32
    %parallel_loop3A_147 = arith.constant 128 : i32
    %parallel_loop3A_148 = arith.constant 1 : i32
    scf.for %parallel_loop3A_168 = %parallel_loop3A_146 to %parallel_loop3A_147 step %parallel_loop3A_148  : i32 {
      %parallel_loop3A_169 = arith.index_cast %parallel_loop3A_168 : i32 to index
      %parallel_loop3A_170 = arith.constant 0 : index
      %parallel_loop3A_171 = tpu.vector_load %arg13[%parallel_loop3A_169, %parallel_loop3A_170] {strides = array<i32>} : memref<128x128xf32, #tpu.memory_space<vmem>>, vector<1x16xf32>,
      %parallel_loop3A_172 = vector.shape_cast %parallel_loop3A_171 : vector<1x16xf32> to vector<16xf32>
      %parallel_loop3A_173 = arith.index_cast %parallel_loop3A_168 : i32 to index
      %parallel_loop3A_174 = arith.constant 0 : index
      %parallel_loop3A_175 = tpu.vector_load %arg14[%parallel_loop3A_173, %parallel_loop3A_174] {strides = array<i32>} : memref<128x128xf32, #tpu.memory_space<vmem>>, vector<1x16xf32>,
      %parallel_loop3A_176 = vector.shape_cast %parallel_loop3A_175 : vector<1x16xf32> to vector<16xf32>
      %parallel_loop3A_177 = arith.addf %parallel_loop3A_172, %parallel_loop3A_176 : vector<16xf32>
      %parallel_loop3A_178 = arith.constant 0.000000e+00 : f32
      %parallel_loop3A_179 = vector.broadcast %parallel_loop3A_178 : f32 to vector<16xf32>
      %parallel_loop3A_180 = arith.maximumf %parallel_loop3A_177, %parallel_loop3A_179 : vector<16xf32>
      %parallel_loop3A_181 = arith.mulf %parallel_loop3A_180, %get3A_4 : vector<16xf32>
      %parallel_loop3A_182 = arith.addf %get3A_28, %parallel_loop3A_181 : vector<16xf32>
      %parallel_loop3A_183 = arith.index_cast %parallel_loop3A_168 : i32 to index
      %parallel_loop3A_184 = arith.constant 64 : index
      %parallel_loop3A_185 = tpu.vector_load %arg13[%parallel_loop3A_183, %parallel_loop3A_184] {strides = array<i32>} : memref<128x128xf32, #tpu.memory_space<vmem>>, vector<1x16xf32>,
      %parallel_loop3A_186 = vector.shape_cast %parallel_loop3A_185 : vector<1x16xf32> to vector<16xf32>
      %parallel_loop3A_187 = arith.index_cast %parallel_loop3A_168 : i32 to index
      %parallel_loop3A_188 = arith.constant 64 : index
      %parallel_loop3A_189 = tpu.vector_load %arg14[%parallel_loop3A_187, %parallel_loop3A_188] {strides = array<i32>} : memref<128x128xf32, #tpu.memory_space<vmem>>, vector<1x16xf32>,
      %parallel_loop3A_190 = vector.shape_cast %parallel_loop3A_189 : vector<1x16xf32> to vector<16xf32>
      %parallel_loop3A_191 = arith.addf %parallel_loop3A_186, %parallel_loop3A_190 : vector<16xf32>
      %parallel_loop3A_192 = arith.constant 0.000000e+00 : f32
      %parallel_loop3A_193 = vector.broadcast %parallel_loop3A_192 : f32 to vector<16xf32>
      %parallel_loop3A_194 = arith.maximumf %parallel_loop3A_191, %parallel_loop3A_193 : vector<16xf32>
      %parallel_loop3A_195 = arith.mulf %parallel_loop3A_194, %get3A_16 : vector<16xf32>
      %parallel_loop3A_196 = arith.addf %broadcast_in_dim3A_87, %parallel_loop3A_195 : vector<16xf32>
      %parallel_loop3A_197 = arith.index_cast %parallel_loop3A_168 : i32 to index
      %parallel_loop3A_198 = arith.constant 16 : index
      %parallel_loop3A_199 = tpu.vector_load %arg13[%parallel_loop3A_197, %parallel_loop3A_198] {strides = array<i32>} : memref<128x128xf32, #tpu.memory_space<vmem>>, vector<1x16xf32>,
      %parallel_loop3A_200 = vector.shape_cast %parallel_loop3A_199 : vector<1x16xf32> to vector<16xf32>
      %parallel_loop3A_201 = arith.index_cast %parallel_loop3A_168 : i32 to index
      %parallel_loop3A_202 = arith.constant 16 : index
      %parallel_loop3A_203 = tpu.vector_load %arg14[%parallel_loop3A_201, %parallel_loop3A_202] {strides = array<i32>} : memref<128x128xf32, #tpu.memory_space<vmem>>, vector<1x16xf32>,
      %parallel_loop3A_204 = vector.shape_cast %parallel_loop3A_203 : vector<1x16xf32> to vector<16xf32>
      %parallel_loop3A_205 = arith.addf %parallel_loop3A_200, %parallel_loop3A_204 : vector<16xf32>
      %parallel_loop3A_206 = arith.constant 0.000000e+00 : f32
      %parallel_loop3A_207 = vector.broadcast %parallel_loop3A_206 : f32 to vector<16xf32>
      %parallel_loop3A_208 = arith.maximumf %parallel_loop3A_205, %parallel_loop3A_207 : vector<16xf32>
      %parallel_loop3A_209 = arith.mulf %parallel_loop3A_208, %get3A_7 : vector<16xf32>
      %parallel_loop3A_210 = arith.addf %parallel_loop3A_182, %parallel_loop3A_209 : vector<16xf32>
      %parallel_loop3A_211 = arith.index_cast %parallel_loop3A_168 : i32 to index
      %parallel_loop3A_212 = arith.constant 80 : index
      %parallel_loop3A_213 = tpu.vector_load %arg13[%parallel_loop3A_211, %parallel_loop3A_212] {strides = array<i32>} : memref<128x128xf32, #tpu.memory_space<vmem>>, vector<1x16xf32>,
      %parallel_loop3A_214 = vector.shape_cast %parallel_loop3A_213 : vector<1x16xf32> to vector<16xf32>
      %parallel_loop3A_215 = arith.index_cast %parallel_loop3A_168 : i32 to index
      %parallel_loop3A_216 = arith.constant 80 : index
      %parallel_loop3A_217 = tpu.vector_load %arg14[%parallel_loop3A_215, %parallel_loop3A_216] {strides = array<i32>} : memref<128x128xf32, #tpu.memory_space<vmem>>, vector<1x16xf32>,
      %parallel_loop3A_218 = vector.shape_cast %parallel_loop3A_217 : vector<1x16xf32> to vector<16xf32>
      %parallel_loop3A_219 = arith.addf %parallel_loop3A_214, %parallel_loop3A_218 : vector<16xf32>
      %parallel_loop3A_220 = arith.constant 0.000000e+00 : f32
      %parallel_loop3A_221 = vector.broadcast %parallel_loop3A_220 : f32 to vector<16xf32>
      %parallel_loop3A_222 = arith.maximumf %parallel_loop3A_219, %parallel_loop3A_221 : vector<16xf32>
      %parallel_loop3A_223 = arith.mulf %parallel_loop3A_222, %get3A_19 : vector<16xf32>
      %parallel_loop3A_224 = arith.addf %parallel_loop3A_196, %parallel_loop3A_223 : vector<16xf32>
      %parallel_loop3A_225 = arith.index_cast %parallel_loop3A_168 : i32 to index
      %parallel_loop3A_226 = arith.constant 32 : index
      %parallel_loop3A_227 = tpu.vector_load %arg13[%parallel_loop3A_225, %parallel_loop3A_226] {strides = array<i32>} : memref<128x128xf32, #tpu.memory_space<vmem>>, vector<1x16xf32>,
      %parallel_loop3A_228 = vector.shape_cast %parallel_loop3A_227 : vector<1x16xf32> to vector<16xf32>
      %parallel_loop3A_229 = arith.index_cast %parallel_loop3A_168 : i32 to index
      %parallel_loop3A_230 = arith.constant 32 : index
      %parallel_loop3A_231 = tpu.vector_load %arg14[%parallel_loop3A_229, %parallel_loop3A_230] {strides = array<i32>} : memref<128x128xf32, #tpu.memory_space<vmem>>, vector<1x16xf32>,
      %parallel_loop3A_232 = vector.shape_cast %parallel_loop3A_231 : vector<1x16xf32> to vector<16xf32>
      %parallel_loop3A_233 = arith.addf %parallel_loop3A_228, %parallel_loop3A_232 : vector<16xf32>
      %parallel_loop3A_234 = arith.constant 0.000000e+00 : f32
      %parallel_loop3A_235 = vector.broadcast %parallel_loop3A_234 : f32 to vector<16xf32>
      %parallel_loop3A_236 = arith.maximumf %parallel_loop3A_233, %parallel_loop3A_235 : vector<16xf32>
      %parallel_loop3A_237 = arith.mulf %parallel_loop3A_236, %get3A_10 : vector<16xf32>
      %parallel_loop3A_238 = arith.addf %parallel_loop3A_210, %parallel_loop3A_237 : vector<16xf32>
      %parallel_loop3A_239 = arith.index_cast %parallel_loop3A_168 : i32 to index
      %parallel_loop3A_240 = arith.constant 96 : index
      %parallel_loop3A_241 = tpu.vector_load %arg13[%parallel_loop3A_239, %parallel_loop3A_240] {strides = array<i32>} : memref<128x128xf32, #tpu.memory_space<vmem>>, vector<1x16xf32>,
      %parallel_loop3A_242 = vector.shape_cast %parallel_loop3A_241 : vector<1x16xf32> to vector<16xf32>
      %parallel_loop3A_243 = arith.index_cast %parallel_loop3A_168 : i32 to index
      %parallel_loop3A_244 = arith.constant 96 : index
      %parallel_loop3A_245 = tpu.vector_load %arg14[%parallel_loop3A_243, %parallel_loop3A_244] {strides = array<i32>} : memref<128x128xf32, #tpu.memory_space<vmem>>, vector<1x16xf32>,
      %parallel_loop3A_246 = vector.shape_cast %parallel_loop3A_245 : vector<1x16xf32> to vector<16xf32>
      %parallel_loop3A_247 = arith.addf %parallel_loop3A_242, %parallel_loop3A_246 : vector<16xf32>
      %parallel_loop3A_248 = arith.constant 0.000000e+00 : f32
      %parallel_loop3A_249 = vector.broadcast %parallel_loop3A_248 : f32 to vector<16xf32>
      %parallel_loop3A_250 = arith.maximumf %parallel_loop3A_247, %parallel_loop3A_249 : vector<16xf32>
      %parallel_loop3A_251 = arith.mulf %parallel_loop3A_250, %get3A_22 : vector<16xf32>
      %parallel_loop3A_252 = arith.addf %parallel_loop3A_224, %parallel_loop3A_251 : vector<16xf32>
      %parallel_loop3A_253 = arith.index_cast %parallel_loop3A_168 : i32 to index
      %parallel_loop3A_254 = arith.constant 48 : index
      %parallel_loop3A_255 = tpu.vector_load %arg13[%parallel_loop3A_253, %parallel_loop3A_254] {strides = array<i32>} : memref<128x128xf32, #tpu.memory_space<vmem>>, vector<1x16xf32>,
      %parallel_loop3A_256 = vector.shape_cast %parallel_loop3A_255 : vector<1x16xf32> to vector<16xf32>
      %parallel_loop3A_257 = arith.index_cast %parallel_loop3A_168 : i32 to index
      %parallel_loop3A_258 = arith.constant 48 : index
      %parallel_loop3A_259 = tpu.vector_load %arg14[%parallel_loop3A_257, %parallel_loop3A_258] {strides = array<i32>} : memref<128x128xf32, #tpu.memory_space<vmem>>, vector<1x16xf32>,
      %parallel_loop3A_260 = vector.shape_cast %parallel_loop3A_259 : vector<1x16xf32> to vector<16xf32>
      %parallel_loop3A_261 = arith.addf %parallel_loop3A_256, %parallel_loop3A_260 : vector<16xf32>
      %parallel_loop3A_262 = arith.constant 0.000000e+00 : f32
      %parallel_loop3A_263 = vector.broadcast %parallel_loop3A_262 : f32 to vector<16xf32>
      %parallel_loop3A_264 = arith.maximumf %parallel_loop3A_261, %parallel_loop3A_263 : vector<16xf32>
      %parallel_loop3A_265 = arith.mulf %parallel_loop3A_264, %get3A_13 : vector<16xf32>
      %parallel_loop3A_266 = arith.addf %parallel_loop3A_238, %parallel_loop3A_265 : vector<16xf32>
      %parallel_loop3A_267 = arith.index_cast %parallel_loop3A_168 : i32 to index
      %parallel_loop3A_268 = arith.constant 112 : index
      %parallel_loop3A_269 = tpu.vector_load %arg13[%parallel_loop3A_267, %parallel_loop3A_268] {strides = array<i32>} : memref<128x128xf32, #tpu.memory_space<vmem>>, vector<1x16xf32>,
      %parallel_loop3A_270 = vector.shape_cast %parallel_loop3A_269 : vector<1x16xf32> to vector<16xf32>
      %parallel_loop3A_271 = arith.index_cast %parallel_loop3A_168 : i32 to index
      %parallel_loop3A_272 = arith.constant 112 : index
      %parallel_loop3A_273 = tpu.vector_load %arg14[%parallel_loop3A_271, %parallel_loop3A_272] {strides = array<i32>} : memref<128x128xf32, #tpu.memory_space<vmem>>, vector<1x16xf32>,
      %parallel_loop3A_274 = vector.shape_cast %parallel_loop3A_273 : vector<1x16xf32> to vector<16xf32>
      %parallel_loop3A_275 = arith.addf %parallel_loop3A_270, %parallel_loop3A_274 : vector<16xf32>
      %parallel_loop3A_276 = arith.constant 0.000000e+00 : f32
      %parallel_loop3A_277 = vector.broadcast %parallel_loop3A_276 : f32 to vector<16xf32>
      %parallel_loop3A_278 = arith.maximumf %parallel_loop3A_275, %parallel_loop3A_277 : vector<16xf32>
      %parallel_loop3A_279 = arith.mulf %parallel_loop3A_278, %get3A_25 : vector<16xf32>
      %parallel_loop3A_280 = arith.addf %parallel_loop3A_252, %parallel_loop3A_279 : vector<16xf32>
      %parallel_loop3A_281 = arith.addf %parallel_loop3A_266, %parallel_loop3A_280 : vector<16xf32>
      %parallel_loop3A_282 = vector.shape_cast %xor3A_30 : vector<16xi32> to vector<16x1xi32>
      %parallel_loop3A_283 = vector.shape_cast %parallel_loop3A_282 : vector<16x1xi32> to vector<16xi32>
      %parallel_loop3A_284 = tpu.dynamic_gather %parallel_loop3A_281[%parallel_loop3A_283] in [0] : vector<16xf32>, vector<16xi32> -> vector<16xf32>
      %parallel_loop3A_285 = arith.addf %parallel_loop3A_281, %parallel_loop3A_284 : vector<16xf32>
      %parallel_loop3A_286 = vector.shape_cast %xor3A_33 : vector<16xi32> to vector<16x1xi32>
      %parallel_loop3A_287 = vector.shape_cast %parallel_loop3A_286 : vector<16x1xi32> to vector<16xi32>
      %parallel_loop3A_288 = tpu.dynamic_gather %parallel_loop3A_285[%parallel_loop3A_287] in [0] : vector<16xf32>, vector<16xi32> -> vector<16xf32>
      %parallel_loop3A_289 = arith.addf %parallel_loop3A_285, %parallel_loop3A_288 : vector<16xf32>
      %parallel_loop3A_290 = vector.shape_cast %xor3A_36 : vector<16xi32> to vector<16x1xi32>
      %parallel_loop3A_291 = vector.shape_cast %parallel_loop3A_290 : vector<16x1xi32> to vector<16xi32>
      %parallel_loop3A_292 = tpu.dynamic_gather %parallel_loop3A_289[%parallel_loop3A_291] in [0] : vector<16xf32>, vector<16xi32> -> vector<16xf32>
      %parallel_loop3A_293 = arith.addf %parallel_loop3A_289, %parallel_loop3A_292 : vector<16xf32>
      %parallel_loop3A_294 = vector.shape_cast %xor3A_39 : vector<16xi32> to vector<16x1xi32>
      %parallel_loop3A_295 = vector.shape_cast %parallel_loop3A_294 : vector<16x1xi32> to vector<16xi32>
      %parallel_loop3A_296 = tpu.dynamic_gather %parallel_loop3A_293[%parallel_loop3A_295] in [0] : vector<16xf32>, vector<16xi32> -> vector<16xf32>
      %parallel_loop3A_297 = arith.addf %parallel_loop3A_293, %parallel_loop3A_296 : vector<16xf32>
      %parallel_loop3A_298 = arith.index_cast %parallel_loop3A_168 : i32 to index
      %parallel_loop3A_299 = arith.constant 0 : index
      %parallel_loop3A_300 = tpu.vector_load %arg20[%parallel_loop3A_298, %parallel_loop3A_299] {strides = array<i32>} : memref<128x16xf32, #tpu.memory_space<vmem>>, vector<1x16xf32>,
      %parallel_loop3A_301 = vector.shape_cast %parallel_loop3A_300 : vector<1x16xf32> to vector<16xf32>
      %parallel_loop3A_302 = vector.shape_cast %parallel_loop3A_297 : vector<16xf32> to vector<1x16xf32>
      tpu.vector_store %arg20[%parallel_loop3A_298, %parallel_loop3A_299], %parallel_loop3A_302 {strides = array<i32>} : memref<128x16xf32, #tpu.memory_space<vmem>>, vector<1x16xf32>,
    } {sc.loop_unroll_factor = 8 : i64, sc.parallel_access}
    %parallel_loop3A_149 = arith.constant 0 : i32
    %parallel_loop3A_150 = arith.constant 8 : i32
    %parallel_loop3A_151 = arith.constant 1 : i32
    scf.for %parallel_loop3A_168 = %parallel_loop3A_149 to %parallel_loop3A_150 step %parallel_loop3A_151  : i32 {
      %parallel_loop3A_169 = arith.constant 16 : i32
      %parallel_loop3A_170 = arith.muli %parallel_loop3A_168, %parallel_loop3A_169 : i32
      %parallel_loop3A_171 = arith.constant 0 : i32
      %parallel_loop3A_172 = arith.addi %parallel_loop3A_170, %parallel_loop3A_171 : i32
      %parallel_loop3A_173 = arith.index_cast %parallel_loop3A_172 : i32 to index
      %parallel_loop3A_174 = arith.constant 0 : index
      %parallel_loop3A_175 = tpu.vector_load %arg20[%parallel_loop3A_173, %parallel_loop3A_174] {strides = array<i32>} : memref<128x16xf32, #tpu.memory_space<vmem>>, vector<1x16xf32>,
      %parallel_loop3A_176 = vector.shape_cast %parallel_loop3A_175 : vector<1x16xf32> to vector<16xf32>
      %parallel_loop3A_177 = arith.select %eq3A_41, %parallel_loop3A_176, %broadcast_in_dim3A_87 : vector<16xi1>, vector<16xf32>
      %parallel_loop3A_178 = arith.constant 16 : i32
      %parallel_loop3A_179 = arith.muli %parallel_loop3A_168, %parallel_loop3A_178 : i32
      %parallel_loop3A_180 = arith.constant 1 : i32
      %parallel_loop3A_181 = arith.addi %parallel_loop3A_179, %parallel_loop3A_180 : i32
      %parallel_loop3A_182 = arith.index_cast %parallel_loop3A_181 : i32 to index
      %parallel_loop3A_183 = arith.constant 0 : index
      %parallel_loop3A_184 = tpu.vector_load %arg20[%parallel_loop3A_182, %parallel_loop3A_183] {strides = array<i32>} : memref<128x16xf32, #tpu.memory_space<vmem>>, vector<1x16xf32>,
      %parallel_loop3A_185 = vector.shape_cast %parallel_loop3A_184 : vector<1x16xf32> to vector<16xf32>
      %parallel_loop3A_186 = arith.select %eq3A_44, %parallel_loop3A_185, %parallel_loop3A_177 : vector<16xi1>, vector<16xf32>
      %parallel_loop3A_187 = arith.constant 16 : i32
      %parallel_loop3A_188 = arith.muli %parallel_loop3A_168, %parallel_loop3A_187 : i32
      %parallel_loop3A_189 = arith.constant 2 : i32
      %parallel_loop3A_190 = arith.addi %parallel_loop3A_188, %parallel_loop3A_189 : i32
      %parallel_loop3A_191 = arith.index_cast %parallel_loop3A_190 : i32 to index
      %parallel_loop3A_192 = arith.constant 0 : index
      %parallel_loop3A_193 = tpu.vector_load %arg20[%parallel_loop3A_191, %parallel_loop3A_192] {strides = array<i32>} : memref<128x16xf32, #tpu.memory_space<vmem>>, vector<1x16xf32>,
      %parallel_loop3A_194 = vector.shape_cast %parallel_loop3A_193 : vector<1x16xf32> to vector<16xf32>
      %parallel_loop3A_195 = arith.select %eq3A_47, %parallel_loop3A_194, %parallel_loop3A_186 : vector<16xi1>, vector<16xf32>
      %parallel_loop3A_196 = arith.constant 16 : i32
      %parallel_loop3A_197 = arith.muli %parallel_loop3A_168, %parallel_loop3A_196 : i32
      %parallel_loop3A_198 = arith.constant 3 : i32
      %parallel_loop3A_199 = arith.addi %parallel_loop3A_197, %parallel_loop3A_198 : i32
      %parallel_loop3A_200 = arith.index_cast %parallel_loop3A_199 : i32 to index
      %parallel_loop3A_201 = arith.constant 0 : index
      %parallel_loop3A_202 = tpu.vector_load %arg20[%parallel_loop3A_200, %parallel_loop3A_201] {strides = array<i32>} : memref<128x16xf32, #tpu.memory_space<vmem>>, vector<1x16xf32>,
      %parallel_loop3A_203 = vector.shape_cast %parallel_loop3A_202 : vector<1x16xf32> to vector<16xf32>
      %parallel_loop3A_204 = arith.select %eq3A_50, %parallel_loop3A_203, %parallel_loop3A_195 : vector<16xi1>, vector<16xf32>
      %parallel_loop3A_205 = arith.constant 16 : i32
      %parallel_loop3A_206 = arith.muli %parallel_loop3A_168, %parallel_loop3A_205 : i32
      %parallel_loop3A_207 = arith.constant 4 : i32
      %parallel_loop3A_208 = arith.addi %parallel_loop3A_206, %parallel_loop3A_207 : i32
      %parallel_loop3A_209 = arith.index_cast %parallel_loop3A_208 : i32 to index
      %parallel_loop3A_210 = arith.constant 0 : index
      %parallel_loop3A_211 = tpu.vector_load %arg20[%parallel_loop3A_209, %parallel_loop3A_210] {strides = array<i32>} : memref<128x16xf32, #tpu.memory_space<vmem>>, vector<1x16xf32>,
      %parallel_loop3A_212 = vector.shape_cast %parallel_loop3A_211 : vector<1x16xf32> to vector<16xf32>
      %parallel_loop3A_213 = arith.select %eq3A_53, %parallel_loop3A_212, %parallel_loop3A_204 : vector<16xi1>, vector<16xf32>
      %parallel_loop3A_214 = arith.constant 16 : i32
      %parallel_loop3A_215 = arith.muli %parallel_loop3A_168, %parallel_loop3A_214 : i32
      %parallel_loop3A_216 = arith.constant 5 : i32
      %parallel_loop3A_217 = arith.addi %parallel_loop3A_215, %parallel_loop3A_216 : i32
      %parallel_loop3A_218 = arith.index_cast %parallel_loop3A_217 : i32 to index
      %parallel_loop3A_219 = arith.constant 0 : index
      %parallel_loop3A_220 = tpu.vector_load %arg20[%parallel_loop3A_218, %parallel_loop3A_219] {strides = array<i32>} : memref<128x16xf32, #tpu.memory_space<vmem>>, vector<1x16xf32>,
      %parallel_loop3A_221 = vector.shape_cast %parallel_loop3A_220 : vector<1x16xf32> to vector<16xf32>
      %parallel_loop3A_222 = arith.select %eq3A_56, %parallel_loop3A_221, %parallel_loop3A_213 : vector<16xi1>, vector<16xf32>
      %parallel_loop3A_223 = arith.constant 16 : i32
      %parallel_loop3A_224 = arith.muli %parallel_loop3A_168, %parallel_loop3A_223 : i32
      %parallel_loop3A_225 = arith.constant 6 : i32
      %parallel_loop3A_226 = arith.addi %parallel_loop3A_224, %parallel_loop3A_225 : i32
      %parallel_loop3A_227 = arith.index_cast %parallel_loop3A_226 : i32 to index
      %parallel_loop3A_228 = arith.constant 0 : index
      %parallel_loop3A_229 = tpu.vector_load %arg20[%parallel_loop3A_227, %parallel_loop3A_228] {strides = array<i32>} : memref<128x16xf32, #tpu.memory_space<vmem>>, vector<1x16xf32>,
      %parallel_loop3A_230 = vector.shape_cast %parallel_loop3A_229 : vector<1x16xf32> to vector<16xf32>
      %parallel_loop3A_231 = arith.select %eq3A_59, %parallel_loop3A_230, %parallel_loop3A_222 : vector<16xi1>, vector<16xf32>
      %parallel_loop3A_232 = arith.constant 16 : i32
      %parallel_loop3A_233 = arith.muli %parallel_loop3A_168, %parallel_loop3A_232 : i32
      %parallel_loop3A_234 = arith.constant 7 : i32
      %parallel_loop3A_235 = arith.addi %parallel_loop3A_233, %parallel_loop3A_234 : i32
      %parallel_loop3A_236 = arith.index_cast %parallel_loop3A_235 : i32 to index
      %parallel_loop3A_237 = arith.constant 0 : index
      %parallel_loop3A_238 = tpu.vector_load %arg20[%parallel_loop3A_236, %parallel_loop3A_237] {strides = array<i32>} : memref<128x16xf32, #tpu.memory_space<vmem>>, vector<1x16xf32>,
      %parallel_loop3A_239 = vector.shape_cast %parallel_loop3A_238 : vector<1x16xf32> to vector<16xf32>
      %parallel_loop3A_240 = arith.select %eq3A_62, %parallel_loop3A_239, %parallel_loop3A_231 : vector<16xi1>, vector<16xf32>
      %parallel_loop3A_241 = arith.constant 16 : i32
      %parallel_loop3A_242 = arith.muli %parallel_loop3A_168, %parallel_loop3A_241 : i32
      %parallel_loop3A_243 = arith.constant 8 : i32
      %parallel_loop3A_244 = arith.addi %parallel_loop3A_242, %parallel_loop3A_243 : i32
      %parallel_loop3A_245 = arith.index_cast %parallel_loop3A_244 : i32 to index
      %parallel_loop3A_246 = arith.constant 0 : index
      %parallel_loop3A_247 = tpu.vector_load %arg20[%parallel_loop3A_245, %parallel_loop3A_246] {strides = array<i32>} : memref<128x16xf32, #tpu.memory_space<vmem>>, vector<1x16xf32>,
      %parallel_loop3A_248 = vector.shape_cast %parallel_loop3A_247 : vector<1x16xf32> to vector<16xf32>
      %parallel_loop3A_249 = arith.select %eq3A_65, %parallel_loop3A_248, %parallel_loop3A_240 : vector<16xi1>, vector<16xf32>
      %parallel_loop3A_250 = arith.constant 16 : i32
      %parallel_loop3A_251 = arith.muli %parallel_loop3A_168, %parallel_loop3A_250 : i32
      %parallel_loop3A_252 = arith.constant 9 : i32
      %parallel_loop3A_253 = arith.addi %parallel_loop3A_251, %parallel_loop3A_252 : i32
      %parallel_loop3A_254 = arith.index_cast %parallel_loop3A_253 : i32 to index
      %parallel_loop3A_255 = arith.constant 0 : index
      %parallel_loop3A_256 = tpu.vector_load %arg20[%parallel_loop3A_254, %parallel_loop3A_255] {strides = array<i32>} : memref<128x16xf32, #tpu.memory_space<vmem>>, vector<1x16xf32>,
      %parallel_loop3A_257 = vector.shape_cast %parallel_loop3A_256 : vector<1x16xf32> to vector<16xf32>
      %parallel_loop3A_258 = arith.select %eq3A_68, %parallel_loop3A_257, %parallel_loop3A_249 : vector<16xi1>, vector<16xf32>
      %parallel_loop3A_259 = arith.constant 16 : i32
      %parallel_loop3A_260 = arith.muli %parallel_loop3A_168, %parallel_loop3A_259 : i32
      %parallel_loop3A_261 = arith.constant 10 : i32
      %parallel_loop3A_262 = arith.addi %parallel_loop3A_260, %parallel_loop3A_261 : i32
      %parallel_loop3A_263 = arith.index_cast %parallel_loop3A_262 : i32 to index
      %parallel_loop3A_264 = arith.constant 0 : index
      %parallel_loop3A_265 = tpu.vector_load %arg20[%parallel_loop3A_263, %parallel_loop3A_264] {strides = array<i32>} : memref<128x16xf32, #tpu.memory_space<vmem>>, vector<1x16xf32>,
      %parallel_loop3A_266 = vector.shape_cast %parallel_loop3A_265 : vector<1x16xf32> to vector<16xf32>
      %parallel_loop3A_267 = arith.select %eq3A_71, %parallel_loop3A_266, %parallel_loop3A_258 : vector<16xi1>, vector<16xf32>
      %parallel_loop3A_268 = arith.constant 16 : i32
      %parallel_loop3A_269 = arith.muli %parallel_loop3A_168, %parallel_loop3A_268 : i32
      %parallel_loop3A_270 = arith.constant 11 : i32
      %parallel_loop3A_271 = arith.addi %parallel_loop3A_269, %parallel_loop3A_270 : i32
      %parallel_loop3A_272 = arith.index_cast %parallel_loop3A_271 : i32 to index
      %parallel_loop3A_273 = arith.constant 0 : index
      %parallel_loop3A_274 = tpu.vector_load %arg20[%parallel_loop3A_272, %parallel_loop3A_273] {strides = array<i32>} : memref<128x16xf32, #tpu.memory_space<vmem>>, vector<1x16xf32>,
      %parallel_loop3A_275 = vector.shape_cast %parallel_loop3A_274 : vector<1x16xf32> to vector<16xf32>
      %parallel_loop3A_276 = arith.select %eq3A_74, %parallel_loop3A_275, %parallel_loop3A_267 : vector<16xi1>, vector<16xf32>
      %parallel_loop3A_277 = arith.constant 16 : i32
      %parallel_loop3A_278 = arith.muli %parallel_loop3A_168, %parallel_loop3A_277 : i32
      %parallel_loop3A_279 = arith.constant 12 : i32
      %parallel_loop3A_280 = arith.addi %parallel_loop3A_278, %parallel_loop3A_279 : i32
      %parallel_loop3A_281 = arith.index_cast %parallel_loop3A_280 : i32 to index
      %parallel_loop3A_282 = arith.constant 0 : index
      %parallel_loop3A_283 = tpu.vector_load %arg20[%parallel_loop3A_281, %parallel_loop3A_282] {strides = array<i32>} : memref<128x16xf32, #tpu.memory_space<vmem>>, vector<1x16xf32>,
      %parallel_loop3A_284 = vector.shape_cast %parallel_loop3A_283 : vector<1x16xf32> to vector<16xf32>
      %parallel_loop3A_285 = arith.select %eq3A_77, %parallel_loop3A_284, %parallel_loop3A_276 : vector<16xi1>, vector<16xf32>
      %parallel_loop3A_286 = arith.constant 16 : i32
      %parallel_loop3A_287 = arith.muli %parallel_loop3A_168, %parallel_loop3A_286 : i32
      %parallel_loop3A_288 = arith.constant 13 : i32
      %parallel_loop3A_289 = arith.addi %parallel_loop3A_287, %parallel_loop3A_288 : i32
      %parallel_loop3A_290 = arith.index_cast %parallel_loop3A_289 : i32 to index
      %parallel_loop3A_291 = arith.constant 0 : index
      %parallel_loop3A_292 = tpu.vector_load %arg20[%parallel_loop3A_290, %parallel_loop3A_291] {strides = array<i32>} : memref<128x16xf32, #tpu.memory_space<vmem>>, vector<1x16xf32>,
      %parallel_loop3A_293 = vector.shape_cast %parallel_loop3A_292 : vector<1x16xf32> to vector<16xf32>
      %parallel_loop3A_294 = arith.select %eq3A_80, %parallel_loop3A_293, %parallel_loop3A_285 : vector<16xi1>, vector<16xf32>
      %parallel_loop3A_295 = arith.constant 16 : i32
      %parallel_loop3A_296 = arith.muli %parallel_loop3A_168, %parallel_loop3A_295 : i32
      %parallel_loop3A_297 = arith.constant 14 : i32
      %parallel_loop3A_298 = arith.addi %parallel_loop3A_296, %parallel_loop3A_297 : i32
      %parallel_loop3A_299 = arith.index_cast %parallel_loop3A_298 : i32 to index
      %parallel_loop3A_300 = arith.constant 0 : index
      %parallel_loop3A_301 = tpu.vector_load %arg20[%parallel_loop3A_299, %parallel_loop3A_300] {strides = array<i32>} : memref<128x16xf32, #tpu.memory_space<vmem>>, vector<1x16xf32>,
      %parallel_loop3A_302 = vector.shape_cast %parallel_loop3A_301 : vector<1x16xf32> to vector<16xf32>
      %parallel_loop3A_303 = arith.select %eq3A_83, %parallel_loop3A_302, %parallel_loop3A_294 : vector<16xi1>, vector<16xf32>
      %parallel_loop3A_304 = arith.constant 16 : i32
      %parallel_loop3A_305 = arith.muli %parallel_loop3A_168, %parallel_loop3A_304 : i32
      %parallel_loop3A_306 = arith.constant 15 : i32
      %parallel_loop3A_307 = arith.addi %parallel_loop3A_305, %parallel_loop3A_306 : i32
      %parallel_loop3A_308 = arith.index_cast %parallel_loop3A_307 : i32 to index
      %parallel_loop3A_309 = arith.constant 0 : index
      %parallel_loop3A_310 = tpu.vector_load %arg20[%parallel_loop3A_308, %parallel_loop3A_309] {strides = array<i32>} : memref<128x16xf32, #tpu.memory_space<vmem>>, vector<1x16xf32>,
      %parallel_loop3A_311 = vector.shape_cast %parallel_loop3A_310 : vector<1x16xf32> to vector<16xf32>
      %parallel_loop3A_312 = arith.select %eq3A_86, %parallel_loop3A_311, %parallel_loop3A_303 : vector<16xi1>, vector<16xf32>
      %parallel_loop3A_313 = arith.constant 0.000000e+00 : f32
      %parallel_loop3A_314 = vector.broadcast %parallel_loop3A_313 : f32 to vector<16xf32>
      %parallel_loop3A_315 = arith.subf %parallel_loop3A_314, %parallel_loop3A_312 : vector<16xf32>
      %parallel_loop3A_316 = math.exp %parallel_loop3A_315 : vector<16xf32>
      %parallel_loop3A_317 = arith.constant 1.000000e+00 : f32
      %parallel_loop3A_318 = vector.broadcast %parallel_loop3A_317 : f32 to vector<16xf32>
      %parallel_loop3A_319 = arith.addf %parallel_loop3A_318, %parallel_loop3A_316 : vector<16xf32>
      %parallel_loop3A_320 = arith.constant 1.000000e+00 : f32
      %parallel_loop3A_321 = vector.broadcast %parallel_loop3A_320 : f32 to vector<16xf32>
      %parallel_loop3A_322 = arith.divf %parallel_loop3A_321, %parallel_loop3A_319 : vector<16xf32>
      %parallel_loop3A_323 = arith.constant 16 : i32
      %parallel_loop3A_324 = arith.muli %parallel_loop3A_168, %parallel_loop3A_323 : i32
      %parallel_loop3A_325 = arith.constant 9856 : i32
      %parallel_loop3A_326 = arith.addi %parallel_loop3A_325, %parallel_loop3A_324 : i32
      %parallel_loop3A_327 = arith.index_cast %parallel_loop3A_326 : i32 to index
      %parallel_loop3A_328 = tpu.vector_load %arg19[%parallel_loop3A_327] {strides = array<i32>} : memref<10000xf32, #tpu.memory_space<vmem>>, vector<16xf32>,
      %parallel_loop3A_329 = vector.shape_cast %parallel_loop3A_328 : vector<16xf32> to vector<16xf32>
      %parallel_loop3A_330 = vector.shape_cast %parallel_loop3A_322 : vector<16xf32> to vector<16xf32>
      tpu.vector_store %arg19[%parallel_loop3A_327], %parallel_loop3A_330 {strides = array<i32>} : memref<10000xf32, #tpu.memory_space<vmem>>, vector<16xf32>,
    } {sc.loop_unroll_factor = 1 : i64, sc.parallel_access}
    %dma_wait3A_152 = arith.constant 9984 : i32
    %dma_wait3A_153 = tpu.memref_slice %arg9[%dma_wait3A_152] : memref<10000xi32, #tpu.memory_space<vmem>> -> memref<16xi32, #tpu.memory_space<vmem>>
    %dma_wait3A_154 = arith.constant 0 : i32
    %dma_wait3A_155 = arith.constant 0 : i32
    %dma_wait3A_156 = tpu.memref_slice %arg2[%dma_wait3A_154, %dma_wait3A_155] : memref<10000x128xf32, #tpu.memory_space<hbm>> -> memref<10000x128xf32, #tpu.memory_space<hbm>>
    tpu.wait_indirect_dma semaphore(%arg21 : memref<!tpu.dma_semaphore, #tpu.memory_space<semaphore_mem>>) src(%dma_wait3A_156 : memref<10000x128xf32, #tpu.memory_space<hbm>>) dst(%arg15 : memref<16x128xf32, #tpu.memory_space<vmem>>)
    %dma_wait3A_157 = arith.constant 9984 : i32
    %dma_wait3A_158 = tpu.memref_slice %arg10[%dma_wait3A_157] : memref<10000xi32, #tpu.memory_space<vmem>> -> memref<16xi32, #tpu.memory_space<vmem>>
    %dma_wait3A_159 = arith.constant 0 : i32
    %dma_wait3A_160 = arith.constant 0 : i32
    %dma_wait3A_161 = tpu.memref_slice %arg3[%dma_wait3A_159, %dma_wait3A_160] : memref<10000x128xf32, #tpu.memory_space<hbm>> -> memref<10000x128xf32, #tpu.memory_space<hbm>>
    tpu.wait_indirect_dma semaphore(%arg22 : memref<!tpu.dma_semaphore, #tpu.memory_space<semaphore_mem>>) src(%dma_wait3A_161 : memref<10000x128xf32, #tpu.memory_space<hbm>>) dst(%arg16 : memref<16x128xf32, #tpu.memory_space<vmem>>)
    %parallel_loop3A_162 = arith.constant 0 : i32
    %parallel_loop3A_163 = arith.constant 16 : i32
    %parallel_loop3A_164 = arith.constant 1 : i32
    scf.for %parallel_loop3A_168 = %parallel_loop3A_162 to %parallel_loop3A_163 step %parallel_loop3A_164  : i32 {
      %parallel_loop3A_169 = arith.index_cast %parallel_loop3A_168 : i32 to index
      %parallel_loop3A_170 = arith.constant 0 : index
      %parallel_loop3A_171 = tpu.vector_load %arg15[%parallel_loop3A_169, %parallel_loop3A_170] {strides = array<i32>} : memref<16x128xf32, #tpu.memory_space<vmem>>, vector<1x16xf32>,
      %parallel_loop3A_172 = vector.shape_cast %parallel_loop3A_171 : vector<1x16xf32> to vector<16xf32>
      %parallel_loop3A_173 = arith.index_cast %parallel_loop3A_168 : i32 to index
      %parallel_loop3A_174 = arith.constant 0 : index
      %parallel_loop3A_175 = tpu.vector_load %arg16[%parallel_loop3A_173, %parallel_loop3A_174] {strides = array<i32>} : memref<16x128xf32, #tpu.memory_space<vmem>>, vector<1x16xf32>,
      %parallel_loop3A_176 = vector.shape_cast %parallel_loop3A_175 : vector<1x16xf32> to vector<16xf32>
      %parallel_loop3A_177 = arith.addf %parallel_loop3A_172, %parallel_loop3A_176 : vector<16xf32>
      %parallel_loop3A_178 = arith.constant 0.000000e+00 : f32
      %parallel_loop3A_179 = vector.broadcast %parallel_loop3A_178 : f32 to vector<16xf32>
      %parallel_loop3A_180 = arith.maximumf %parallel_loop3A_177, %parallel_loop3A_179 : vector<16xf32>
      %parallel_loop3A_181 = arith.mulf %parallel_loop3A_180, %get3A_4 : vector<16xf32>
      %parallel_loop3A_182 = arith.addf %get3A_28, %parallel_loop3A_181 : vector<16xf32>
      %parallel_loop3A_183 = arith.index_cast %parallel_loop3A_168 : i32 to index
      %parallel_loop3A_184 = arith.constant 64 : index
      %parallel_loop3A_185 = tpu.vector_load %arg15[%parallel_loop3A_183, %parallel_loop3A_184] {strides = array<i32>} : memref<16x128xf32, #tpu.memory_space<vmem>>, vector<1x16xf32>,
      %parallel_loop3A_186 = vector.shape_cast %parallel_loop3A_185 : vector<1x16xf32> to vector<16xf32>
      %parallel_loop3A_187 = arith.index_cast %parallel_loop3A_168 : i32 to index
      %parallel_loop3A_188 = arith.constant 64 : index
      %parallel_loop3A_189 = tpu.vector_load %arg16[%parallel_loop3A_187, %parallel_loop3A_188] {strides = array<i32>} : memref<16x128xf32, #tpu.memory_space<vmem>>, vector<1x16xf32>,
      %parallel_loop3A_190 = vector.shape_cast %parallel_loop3A_189 : vector<1x16xf32> to vector<16xf32>
      %parallel_loop3A_191 = arith.addf %parallel_loop3A_186, %parallel_loop3A_190 : vector<16xf32>
      %parallel_loop3A_192 = arith.constant 0.000000e+00 : f32
      %parallel_loop3A_193 = vector.broadcast %parallel_loop3A_192 : f32 to vector<16xf32>
      %parallel_loop3A_194 = arith.maximumf %parallel_loop3A_191, %parallel_loop3A_193 : vector<16xf32>
      %parallel_loop3A_195 = arith.mulf %parallel_loop3A_194, %get3A_16 : vector<16xf32>
      %parallel_loop3A_196 = arith.addf %broadcast_in_dim3A_87, %parallel_loop3A_195 : vector<16xf32>
      %parallel_loop3A_197 = arith.index_cast %parallel_loop3A_168 : i32 to index
      %parallel_loop3A_198 = arith.constant 16 : index
      %parallel_loop3A_199 = tpu.vector_load %arg15[%parallel_loop3A_197, %parallel_loop3A_198] {strides = array<i32>} : memref<16x128xf32, #tpu.memory_space<vmem>>, vector<1x16xf32>,
      %parallel_loop3A_200 = vector.shape_cast %parallel_loop3A_199 : vector<1x16xf32> to vector<16xf32>
      %parallel_loop3A_201 = arith.index_cast %parallel_loop3A_168 : i32 to index
      %parallel_loop3A_202 = arith.constant 16 : index
      %parallel_loop3A_203 = tpu.vector_load %arg16[%parallel_loop3A_201, %parallel_loop3A_202] {strides = array<i32>} : memref<16x128xf32, #tpu.memory_space<vmem>>, vector<1x16xf32>,
      %parallel_loop3A_204 = vector.shape_cast %parallel_loop3A_203 : vector<1x16xf32> to vector<16xf32>
      %parallel_loop3A_205 = arith.addf %parallel_loop3A_200, %parallel_loop3A_204 : vector<16xf32>
      %parallel_loop3A_206 = arith.constant 0.000000e+00 : f32
      %parallel_loop3A_207 = vector.broadcast %parallel_loop3A_206 : f32 to vector<16xf32>
      %parallel_loop3A_208 = arith.maximumf %parallel_loop3A_205, %parallel_loop3A_207 : vector<16xf32>
      %parallel_loop3A_209 = arith.mulf %parallel_loop3A_208, %get3A_7 : vector<16xf32>
      %parallel_loop3A_210 = arith.addf %parallel_loop3A_182, %parallel_loop3A_209 : vector<16xf32>
      %parallel_loop3A_211 = arith.index_cast %parallel_loop3A_168 : i32 to index
      %parallel_loop3A_212 = arith.constant 80 : index
      %parallel_loop3A_213 = tpu.vector_load %arg15[%parallel_loop3A_211, %parallel_loop3A_212] {strides = array<i32>} : memref<16x128xf32, #tpu.memory_space<vmem>>, vector<1x16xf32>,
      %parallel_loop3A_214 = vector.shape_cast %parallel_loop3A_213 : vector<1x16xf32> to vector<16xf32>
      %parallel_loop3A_215 = arith.index_cast %parallel_loop3A_168 : i32 to index
      %parallel_loop3A_216 = arith.constant 80 : index
      %parallel_loop3A_217 = tpu.vector_load %arg16[%parallel_loop3A_215, %parallel_loop3A_216] {strides = array<i32>} : memref<16x128xf32, #tpu.memory_space<vmem>>, vector<1x16xf32>,
      %parallel_loop3A_218 = vector.shape_cast %parallel_loop3A_217 : vector<1x16xf32> to vector<16xf32>
      %parallel_loop3A_219 = arith.addf %parallel_loop3A_214, %parallel_loop3A_218 : vector<16xf32>
      %parallel_loop3A_220 = arith.constant 0.000000e+00 : f32
      %parallel_loop3A_221 = vector.broadcast %parallel_loop3A_220 : f32 to vector<16xf32>
      %parallel_loop3A_222 = arith.maximumf %parallel_loop3A_219, %parallel_loop3A_221 : vector<16xf32>
      %parallel_loop3A_223 = arith.mulf %parallel_loop3A_222, %get3A_19 : vector<16xf32>
      %parallel_loop3A_224 = arith.addf %parallel_loop3A_196, %parallel_loop3A_223 : vector<16xf32>
      %parallel_loop3A_225 = arith.index_cast %parallel_loop3A_168 : i32 to index
      %parallel_loop3A_226 = arith.constant 32 : index
      %parallel_loop3A_227 = tpu.vector_load %arg15[%parallel_loop3A_225, %parallel_loop3A_226] {strides = array<i32>} : memref<16x128xf32, #tpu.memory_space<vmem>>, vector<1x16xf32>,
      %parallel_loop3A_228 = vector.shape_cast %parallel_loop3A_227 : vector<1x16xf32> to vector<16xf32>
      %parallel_loop3A_229 = arith.index_cast %parallel_loop3A_168 : i32 to index
      %parallel_loop3A_230 = arith.constant 32 : index
      %parallel_loop3A_231 = tpu.vector_load %arg16[%parallel_loop3A_229, %parallel_loop3A_230] {strides = array<i32>} : memref<16x128xf32, #tpu.memory_space<vmem>>, vector<1x16xf32>,
      %parallel_loop3A_232 = vector.shape_cast %parallel_loop3A_231 : vector<1x16xf32> to vector<16xf32>
      %parallel_loop3A_233 = arith.addf %parallel_loop3A_228, %parallel_loop3A_232 : vector<16xf32>
      %parallel_loop3A_234 = arith.constant 0.000000e+00 : f32
      %parallel_loop3A_235 = vector.broadcast %parallel_loop3A_234 : f32 to vector<16xf32>
      %parallel_loop3A_236 = arith.maximumf %parallel_loop3A_233, %parallel_loop3A_235 : vector<16xf32>
      %parallel_loop3A_237 = arith.mulf %parallel_loop3A_236, %get3A_10 : vector<16xf32>
      %parallel_loop3A_238 = arith.addf %parallel_loop3A_210, %parallel_loop3A_237 : vector<16xf32>
      %parallel_loop3A_239 = arith.index_cast %parallel_loop3A_168 : i32 to index
      %parallel_loop3A_240 = arith.constant 96 : index
      %parallel_loop3A_241 = tpu.vector_load %arg15[%parallel_loop3A_239, %parallel_loop3A_240] {strides = array<i32>} : memref<16x128xf32, #tpu.memory_space<vmem>>, vector<1x16xf32>,
      %parallel_loop3A_242 = vector.shape_cast %parallel_loop3A_241 : vector<1x16xf32> to vector<16xf32>
      %parallel_loop3A_243 = arith.index_cast %parallel_loop3A_168 : i32 to index
      %parallel_loop3A_244 = arith.constant 96 : index
      %parallel_loop3A_245 = tpu.vector_load %arg16[%parallel_loop3A_243, %parallel_loop3A_244] {strides = array<i32>} : memref<16x128xf32, #tpu.memory_space<vmem>>, vector<1x16xf32>,
      %parallel_loop3A_246 = vector.shape_cast %parallel_loop3A_245 : vector<1x16xf32> to vector<16xf32>
      %parallel_loop3A_247 = arith.addf %parallel_loop3A_242, %parallel_loop3A_246 : vector<16xf32>
      %parallel_loop3A_248 = arith.constant 0.000000e+00 : f32
      %parallel_loop3A_249 = vector.broadcast %parallel_loop3A_248 : f32 to vector<16xf32>
      %parallel_loop3A_250 = arith.maximumf %parallel_loop3A_247, %parallel_loop3A_249 : vector<16xf32>
      %parallel_loop3A_251 = arith.mulf %parallel_loop3A_250, %get3A_22 : vector<16xf32>
      %parallel_loop3A_252 = arith.addf %parallel_loop3A_224, %parallel_loop3A_251 : vector<16xf32>
      %parallel_loop3A_253 = arith.index_cast %parallel_loop3A_168 : i32 to index
      %parallel_loop3A_254 = arith.constant 48 : index
      %parallel_loop3A_255 = tpu.vector_load %arg15[%parallel_loop3A_253, %parallel_loop3A_254] {strides = array<i32>} : memref<16x128xf32, #tpu.memory_space<vmem>>, vector<1x16xf32>,
      %parallel_loop3A_256 = vector.shape_cast %parallel_loop3A_255 : vector<1x16xf32> to vector<16xf32>
      %parallel_loop3A_257 = arith.index_cast %parallel_loop3A_168 : i32 to index
      %parallel_loop3A_258 = arith.constant 48 : index
      %parallel_loop3A_259 = tpu.vector_load %arg16[%parallel_loop3A_257, %parallel_loop3A_258] {strides = array<i32>} : memref<16x128xf32, #tpu.memory_space<vmem>>, vector<1x16xf32>,
      %parallel_loop3A_260 = vector.shape_cast %parallel_loop3A_259 : vector<1x16xf32> to vector<16xf32>
      %parallel_loop3A_261 = arith.addf %parallel_loop3A_256, %parallel_loop3A_260 : vector<16xf32>
      %parallel_loop3A_262 = arith.constant 0.000000e+00 : f32
      %parallel_loop3A_263 = vector.broadcast %parallel_loop3A_262 : f32 to vector<16xf32>
      %parallel_loop3A_264 = arith.maximumf %parallel_loop3A_261, %parallel_loop3A_263 : vector<16xf32>
      %parallel_loop3A_265 = arith.mulf %parallel_loop3A_264, %get3A_13 : vector<16xf32>
      %parallel_loop3A_266 = arith.addf %parallel_loop3A_238, %parallel_loop3A_265 : vector<16xf32>
      %parallel_loop3A_267 = arith.index_cast %parallel_loop3A_168 : i32 to index
      %parallel_loop3A_268 = arith.constant 112 : index
      %parallel_loop3A_269 = tpu.vector_load %arg15[%parallel_loop3A_267, %parallel_loop3A_268] {strides = array<i32>} : memref<16x128xf32, #tpu.memory_space<vmem>>, vector<1x16xf32>,
      %parallel_loop3A_270 = vector.shape_cast %parallel_loop3A_269 : vector<1x16xf32> to vector<16xf32>
      %parallel_loop3A_271 = arith.index_cast %parallel_loop3A_168 : i32 to index
      %parallel_loop3A_272 = arith.constant 112 : index
      %parallel_loop3A_273 = tpu.vector_load %arg16[%parallel_loop3A_271, %parallel_loop3A_272] {strides = array<i32>} : memref<16x128xf32, #tpu.memory_space<vmem>>, vector<1x16xf32>,
      %parallel_loop3A_274 = vector.shape_cast %parallel_loop3A_273 : vector<1x16xf32> to vector<16xf32>
      %parallel_loop3A_275 = arith.addf %parallel_loop3A_270, %parallel_loop3A_274 : vector<16xf32>
      %parallel_loop3A_276 = arith.constant 0.000000e+00 : f32
      %parallel_loop3A_277 = vector.broadcast %parallel_loop3A_276 : f32 to vector<16xf32>
      %parallel_loop3A_278 = arith.maximumf %parallel_loop3A_275, %parallel_loop3A_277 : vector<16xf32>
      %parallel_loop3A_279 = arith.mulf %parallel_loop3A_278, %get3A_25 : vector<16xf32>
      %parallel_loop3A_280 = arith.addf %parallel_loop3A_252, %parallel_loop3A_279 : vector<16xf32>
      %parallel_loop3A_281 = arith.addf %parallel_loop3A_266, %parallel_loop3A_280 : vector<16xf32>
      %parallel_loop3A_282 = vector.shape_cast %xor3A_30 : vector<16xi32> to vector<16x1xi32>
      %parallel_loop3A_283 = vector.shape_cast %parallel_loop3A_282 : vector<16x1xi32> to vector<16xi32>
      %parallel_loop3A_284 = tpu.dynamic_gather %parallel_loop3A_281[%parallel_loop3A_283] in [0] : vector<16xf32>, vector<16xi32> -> vector<16xf32>
      %parallel_loop3A_285 = arith.addf %parallel_loop3A_281, %parallel_loop3A_284 : vector<16xf32>
      %parallel_loop3A_286 = vector.shape_cast %xor3A_33 : vector<16xi32> to vector<16x1xi32>
      %parallel_loop3A_287 = vector.shape_cast %parallel_loop3A_286 : vector<16x1xi32> to vector<16xi32>
      %parallel_loop3A_288 = tpu.dynamic_gather %parallel_loop3A_285[%parallel_loop3A_287] in [0] : vector<16xf32>, vector<16xi32> -> vector<16xf32>
      %parallel_loop3A_289 = arith.addf %parallel_loop3A_285, %parallel_loop3A_288 : vector<16xf32>
      %parallel_loop3A_290 = vector.shape_cast %xor3A_36 : vector<16xi32> to vector<16x1xi32>
      %parallel_loop3A_291 = vector.shape_cast %parallel_loop3A_290 : vector<16x1xi32> to vector<16xi32>
      %parallel_loop3A_292 = tpu.dynamic_gather %parallel_loop3A_289[%parallel_loop3A_291] in [0] : vector<16xf32>, vector<16xi32> -> vector<16xf32>
      %parallel_loop3A_293 = arith.addf %parallel_loop3A_289, %parallel_loop3A_292 : vector<16xf32>
      %parallel_loop3A_294 = vector.shape_cast %xor3A_39 : vector<16xi32> to vector<16x1xi32>
      %parallel_loop3A_295 = vector.shape_cast %parallel_loop3A_294 : vector<16x1xi32> to vector<16xi32>
      %parallel_loop3A_296 = tpu.dynamic_gather %parallel_loop3A_293[%parallel_loop3A_295] in [0] : vector<16xf32>, vector<16xi32> -> vector<16xf32>
      %parallel_loop3A_297 = arith.addf %parallel_loop3A_293, %parallel_loop3A_296 : vector<16xf32>
      %parallel_loop3A_298 = arith.index_cast %parallel_loop3A_168 : i32 to index
      %parallel_loop3A_299 = arith.constant 0 : index
      %parallel_loop3A_300 = tpu.vector_load %arg20[%parallel_loop3A_298, %parallel_loop3A_299] {strides = array<i32>} : memref<128x16xf32, #tpu.memory_space<vmem>>, vector<1x16xf32>,
      %parallel_loop3A_301 = vector.shape_cast %parallel_loop3A_300 : vector<1x16xf32> to vector<16xf32>
      %parallel_loop3A_302 = vector.shape_cast %parallel_loop3A_297 : vector<16xf32> to vector<1x16xf32>
      tpu.vector_store %arg20[%parallel_loop3A_298, %parallel_loop3A_299], %parallel_loop3A_302 {strides = array<i32>} : memref<128x16xf32, #tpu.memory_space<vmem>>, vector<1x16xf32>,
    } {sc.loop_unroll_factor = 8 : i64, sc.parallel_access}
    %parallel_loop3A_165 = arith.constant 0 : i32
    %parallel_loop3A_166 = arith.constant 1 : i32
    %parallel_loop3A_167 = arith.constant 1 : i32
    scf.for %parallel_loop3A_168 = %parallel_loop3A_165 to %parallel_loop3A_166 step %parallel_loop3A_167  : i32 {
      %parallel_loop3A_169 = arith.constant 16 : i32
      %parallel_loop3A_170 = arith.muli %parallel_loop3A_168, %parallel_loop3A_169 : i32
      %parallel_loop3A_171 = arith.constant 0 : i32
      %parallel_loop3A_172 = arith.addi %parallel_loop3A_170, %parallel_loop3A_171 : i32
      %parallel_loop3A_173 = arith.index_cast %parallel_loop3A_172 : i32 to index
      %parallel_loop3A_174 = arith.constant 0 : index
      %parallel_loop3A_175 = tpu.vector_load %arg20[%parallel_loop3A_173, %parallel_loop3A_174] {strides = array<i32>} : memref<128x16xf32, #tpu.memory_space<vmem>>, vector<1x16xf32>,
      %parallel_loop3A_176 = vector.shape_cast %parallel_loop3A_175 : vector<1x16xf32> to vector<16xf32>
      %parallel_loop3A_177 = arith.select %eq3A_41, %parallel_loop3A_176, %broadcast_in_dim3A_87 : vector<16xi1>, vector<16xf32>
      %parallel_loop3A_178 = arith.constant 16 : i32
      %parallel_loop3A_179 = arith.muli %parallel_loop3A_168, %parallel_loop3A_178 : i32
      %parallel_loop3A_180 = arith.constant 1 : i32
      %parallel_loop3A_181 = arith.addi %parallel_loop3A_179, %parallel_loop3A_180 : i32
      %parallel_loop3A_182 = arith.index_cast %parallel_loop3A_181 : i32 to index
      %parallel_loop3A_183 = arith.constant 0 : index
      %parallel_loop3A_184 = tpu.vector_load %arg20[%parallel_loop3A_182, %parallel_loop3A_183] {strides = array<i32>} : memref<128x16xf32, #tpu.memory_space<vmem>>, vector<1x16xf32>,
      %parallel_loop3A_185 = vector.shape_cast %parallel_loop3A_184 : vector<1x16xf32> to vector<16xf32>
      %parallel_loop3A_186 = arith.select %eq3A_44, %parallel_loop3A_185, %parallel_loop3A_177 : vector<16xi1>, vector<16xf32>
      %parallel_loop3A_187 = arith.constant 16 : i32
      %parallel_loop3A_188 = arith.muli %parallel_loop3A_168, %parallel_loop3A_187 : i32
      %parallel_loop3A_189 = arith.constant 2 : i32
      %parallel_loop3A_190 = arith.addi %parallel_loop3A_188, %parallel_loop3A_189 : i32
      %parallel_loop3A_191 = arith.index_cast %parallel_loop3A_190 : i32 to index
      %parallel_loop3A_192 = arith.constant 0 : index
      %parallel_loop3A_193 = tpu.vector_load %arg20[%parallel_loop3A_191, %parallel_loop3A_192] {strides = array<i32>} : memref<128x16xf32, #tpu.memory_space<vmem>>, vector<1x16xf32>,
      %parallel_loop3A_194 = vector.shape_cast %parallel_loop3A_193 : vector<1x16xf32> to vector<16xf32>
      %parallel_loop3A_195 = arith.select %eq3A_47, %parallel_loop3A_194, %parallel_loop3A_186 : vector<16xi1>, vector<16xf32>
      %parallel_loop3A_196 = arith.constant 16 : i32
      %parallel_loop3A_197 = arith.muli %parallel_loop3A_168, %parallel_loop3A_196 : i32
      %parallel_loop3A_198 = arith.constant 3 : i32
      %parallel_loop3A_199 = arith.addi %parallel_loop3A_197, %parallel_loop3A_198 : i32
      %parallel_loop3A_200 = arith.index_cast %parallel_loop3A_199 : i32 to index
      %parallel_loop3A_201 = arith.constant 0 : index
      %parallel_loop3A_202 = tpu.vector_load %arg20[%parallel_loop3A_200, %parallel_loop3A_201] {strides = array<i32>} : memref<128x16xf32, #tpu.memory_space<vmem>>, vector<1x16xf32>,
      %parallel_loop3A_203 = vector.shape_cast %parallel_loop3A_202 : vector<1x16xf32> to vector<16xf32>
      %parallel_loop3A_204 = arith.select %eq3A_50, %parallel_loop3A_203, %parallel_loop3A_195 : vector<16xi1>, vector<16xf32>
      %parallel_loop3A_205 = arith.constant 16 : i32
      %parallel_loop3A_206 = arith.muli %parallel_loop3A_168, %parallel_loop3A_205 : i32
      %parallel_loop3A_207 = arith.constant 4 : i32
      %parallel_loop3A_208 = arith.addi %parallel_loop3A_206, %parallel_loop3A_207 : i32
      %parallel_loop3A_209 = arith.index_cast %parallel_loop3A_208 : i32 to index
      %parallel_loop3A_210 = arith.constant 0 : index
      %parallel_loop3A_211 = tpu.vector_load %arg20[%parallel_loop3A_209, %parallel_loop3A_210] {strides = array<i32>} : memref<128x16xf32, #tpu.memory_space<vmem>>, vector<1x16xf32>,
      %parallel_loop3A_212 = vector.shape_cast %parallel_loop3A_211 : vector<1x16xf32> to vector<16xf32>
      %parallel_loop3A_213 = arith.select %eq3A_53, %parallel_loop3A_212, %parallel_loop3A_204 : vector<16xi1>, vector<16xf32>
      %parallel_loop3A_214 = arith.constant 16 : i32
      %parallel_loop3A_215 = arith.muli %parallel_loop3A_168, %parallel_loop3A_214 : i32
      %parallel_loop3A_216 = arith.constant 5 : i32
      %parallel_loop3A_217 = arith.addi %parallel_loop3A_215, %parallel_loop3A_216 : i32
      %parallel_loop3A_218 = arith.index_cast %parallel_loop3A_217 : i32 to index
      %parallel_loop3A_219 = arith.constant 0 : index
      %parallel_loop3A_220 = tpu.vector_load %arg20[%parallel_loop3A_218, %parallel_loop3A_219] {strides = array<i32>} : memref<128x16xf32, #tpu.memory_space<vmem>>, vector<1x16xf32>,
      %parallel_loop3A_221 = vector.shape_cast %parallel_loop3A_220 : vector<1x16xf32> to vector<16xf32>
      %parallel_loop3A_222 = arith.select %eq3A_56, %parallel_loop3A_221, %parallel_loop3A_213 : vector<16xi1>, vector<16xf32>
      %parallel_loop3A_223 = arith.constant 16 : i32
      %parallel_loop3A_224 = arith.muli %parallel_loop3A_168, %parallel_loop3A_223 : i32
      %parallel_loop3A_225 = arith.constant 6 : i32
      %parallel_loop3A_226 = arith.addi %parallel_loop3A_224, %parallel_loop3A_225 : i32
      %parallel_loop3A_227 = arith.index_cast %parallel_loop3A_226 : i32 to index
      %parallel_loop3A_228 = arith.constant 0 : index
      %parallel_loop3A_229 = tpu.vector_load %arg20[%parallel_loop3A_227, %parallel_loop3A_228] {strides = array<i32>} : memref<128x16xf32, #tpu.memory_space<vmem>>, vector<1x16xf32>,
      %parallel_loop3A_230 = vector.shape_cast %parallel_loop3A_229 : vector<1x16xf32> to vector<16xf32>
      %parallel_loop3A_231 = arith.select %eq3A_59, %parallel_loop3A_230, %parallel_loop3A_222 : vector<16xi1>, vector<16xf32>
      %parallel_loop3A_232 = arith.constant 16 : i32
      %parallel_loop3A_233 = arith.muli %parallel_loop3A_168, %parallel_loop3A_232 : i32
      %parallel_loop3A_234 = arith.constant 7 : i32
      %parallel_loop3A_235 = arith.addi %parallel_loop3A_233, %parallel_loop3A_234 : i32
      %parallel_loop3A_236 = arith.index_cast %parallel_loop3A_235 : i32 to index
      %parallel_loop3A_237 = arith.constant 0 : index
      %parallel_loop3A_238 = tpu.vector_load %arg20[%parallel_loop3A_236, %parallel_loop3A_237] {strides = array<i32>} : memref<128x16xf32, #tpu.memory_space<vmem>>, vector<1x16xf32>,
      %parallel_loop3A_239 = vector.shape_cast %parallel_loop3A_238 : vector<1x16xf32> to vector<16xf32>
      %parallel_loop3A_240 = arith.select %eq3A_62, %parallel_loop3A_239, %parallel_loop3A_231 : vector<16xi1>, vector<16xf32>
      %parallel_loop3A_241 = arith.constant 16 : i32
      %parallel_loop3A_242 = arith.muli %parallel_loop3A_168, %parallel_loop3A_241 : i32
      %parallel_loop3A_243 = arith.constant 8 : i32
      %parallel_loop3A_244 = arith.addi %parallel_loop3A_242, %parallel_loop3A_243 : i32
      %parallel_loop3A_245 = arith.index_cast %parallel_loop3A_244 : i32 to index
      %parallel_loop3A_246 = arith.constant 0 : index
      %parallel_loop3A_247 = tpu.vector_load %arg20[%parallel_loop3A_245, %parallel_loop3A_246] {strides = array<i32>} : memref<128x16xf32, #tpu.memory_space<vmem>>, vector<1x16xf32>,
      %parallel_loop3A_248 = vector.shape_cast %parallel_loop3A_247 : vector<1x16xf32> to vector<16xf32>
      %parallel_loop3A_249 = arith.select %eq3A_65, %parallel_loop3A_248, %parallel_loop3A_240 : vector<16xi1>, vector<16xf32>
      %parallel_loop3A_250 = arith.constant 16 : i32
      %parallel_loop3A_251 = arith.muli %parallel_loop3A_168, %parallel_loop3A_250 : i32
      %parallel_loop3A_252 = arith.constant 9 : i32
      %parallel_loop3A_253 = arith.addi %parallel_loop3A_251, %parallel_loop3A_252 : i32
      %parallel_loop3A_254 = arith.index_cast %parallel_loop3A_253 : i32 to index
      %parallel_loop3A_255 = arith.constant 0 : index
      %parallel_loop3A_256 = tpu.vector_load %arg20[%parallel_loop3A_254, %parallel_loop3A_255] {strides = array<i32>} : memref<128x16xf32, #tpu.memory_space<vmem>>, vector<1x16xf32>,
      %parallel_loop3A_257 = vector.shape_cast %parallel_loop3A_256 : vector<1x16xf32> to vector<16xf32>
      %parallel_loop3A_258 = arith.select %eq3A_68, %parallel_loop3A_257, %parallel_loop3A_249 : vector<16xi1>, vector<16xf32>
      %parallel_loop3A_259 = arith.constant 16 : i32
      %parallel_loop3A_260 = arith.muli %parallel_loop3A_168, %parallel_loop3A_259 : i32
      %parallel_loop3A_261 = arith.constant 10 : i32
      %parallel_loop3A_262 = arith.addi %parallel_loop3A_260, %parallel_loop3A_261 : i32
      %parallel_loop3A_263 = arith.index_cast %parallel_loop3A_262 : i32 to index
      %parallel_loop3A_264 = arith.constant 0 : index
      %parallel_loop3A_265 = tpu.vector_load %arg20[%parallel_loop3A_263, %parallel_loop3A_264] {strides = array<i32>} : memref<128x16xf32, #tpu.memory_space<vmem>>, vector<1x16xf32>,
      %parallel_loop3A_266 = vector.shape_cast %parallel_loop3A_265 : vector<1x16xf32> to vector<16xf32>
      %parallel_loop3A_267 = arith.select %eq3A_71, %parallel_loop3A_266, %parallel_loop3A_258 : vector<16xi1>, vector<16xf32>
      %parallel_loop3A_268 = arith.constant 16 : i32
      %parallel_loop3A_269 = arith.muli %parallel_loop3A_168, %parallel_loop3A_268 : i32
      %parallel_loop3A_270 = arith.constant 11 : i32
      %parallel_loop3A_271 = arith.addi %parallel_loop3A_269, %parallel_loop3A_270 : i32
      %parallel_loop3A_272 = arith.index_cast %parallel_loop3A_271 : i32 to index
      %parallel_loop3A_273 = arith.constant 0 : index
      %parallel_loop3A_274 = tpu.vector_load %arg20[%parallel_loop3A_272, %parallel_loop3A_273] {strides = array<i32>} : memref<128x16xf32, #tpu.memory_space<vmem>>, vector<1x16xf32>,
      %parallel_loop3A_275 = vector.shape_cast %parallel_loop3A_274 : vector<1x16xf32> to vector<16xf32>
      %parallel_loop3A_276 = arith.select %eq3A_74, %parallel_loop3A_275, %parallel_loop3A_267 : vector<16xi1>, vector<16xf32>
      %parallel_loop3A_277 = arith.constant 16 : i32
      %parallel_loop3A_278 = arith.muli %parallel_loop3A_168, %parallel_loop3A_277 : i32
      %parallel_loop3A_279 = arith.constant 12 : i32
      %parallel_loop3A_280 = arith.addi %parallel_loop3A_278, %parallel_loop3A_279 : i32
      %parallel_loop3A_281 = arith.index_cast %parallel_loop3A_280 : i32 to index
      %parallel_loop3A_282 = arith.constant 0 : index
      %parallel_loop3A_283 = tpu.vector_load %arg20[%parallel_loop3A_281, %parallel_loop3A_282] {strides = array<i32>} : memref<128x16xf32, #tpu.memory_space<vmem>>, vector<1x16xf32>,
      %parallel_loop3A_284 = vector.shape_cast %parallel_loop3A_283 : vector<1x16xf32> to vector<16xf32>
      %parallel_loop3A_285 = arith.select %eq3A_77, %parallel_loop3A_284, %parallel_loop3A_276 : vector<16xi1>, vector<16xf32>
      %parallel_loop3A_286 = arith.constant 16 : i32
      %parallel_loop3A_287 = arith.muli %parallel_loop3A_168, %parallel_loop3A_286 : i32
      %parallel_loop3A_288 = arith.constant 13 : i32
      %parallel_loop3A_289 = arith.addi %parallel_loop3A_287, %parallel_loop3A_288 : i32
      %parallel_loop3A_290 = arith.index_cast %parallel_loop3A_289 : i32 to index
      %parallel_loop3A_291 = arith.constant 0 : index
      %parallel_loop3A_292 = tpu.vector_load %arg20[%parallel_loop3A_290, %parallel_loop3A_291] {strides = array<i32>} : memref<128x16xf32, #tpu.memory_space<vmem>>, vector<1x16xf32>,
      %parallel_loop3A_293 = vector.shape_cast %parallel_loop3A_292 : vector<1x16xf32> to vector<16xf32>
      %parallel_loop3A_294 = arith.select %eq3A_80, %parallel_loop3A_293, %parallel_loop3A_285 : vector<16xi1>, vector<16xf32>
      %parallel_loop3A_295 = arith.constant 16 : i32
      %parallel_loop3A_296 = arith.muli %parallel_loop3A_168, %parallel_loop3A_295 : i32
      %parallel_loop3A_297 = arith.constant 14 : i32
      %parallel_loop3A_298 = arith.addi %parallel_loop3A_296, %parallel_loop3A_297 : i32
      %parallel_loop3A_299 = arith.index_cast %parallel_loop3A_298 : i32 to index
      %parallel_loop3A_300 = arith.constant 0 : index
      %parallel_loop3A_301 = tpu.vector_load %arg20[%parallel_loop3A_299, %parallel_loop3A_300] {strides = array<i32>} : memref<128x16xf32, #tpu.memory_space<vmem>>, vector<1x16xf32>,
      %parallel_loop3A_302 = vector.shape_cast %parallel_loop3A_301 : vector<1x16xf32> to vector<16xf32>
      %parallel_loop3A_303 = arith.select %eq3A_83, %parallel_loop3A_302, %parallel_loop3A_294 : vector<16xi1>, vector<16xf32>
      %parallel_loop3A_304 = arith.constant 16 : i32
      %parallel_loop3A_305 = arith.muli %parallel_loop3A_168, %parallel_loop3A_304 : i32
      %parallel_loop3A_306 = arith.constant 15 : i32
      %parallel_loop3A_307 = arith.addi %parallel_loop3A_305, %parallel_loop3A_306 : i32
      %parallel_loop3A_308 = arith.index_cast %parallel_loop3A_307 : i32 to index
      %parallel_loop3A_309 = arith.constant 0 : index
      %parallel_loop3A_310 = tpu.vector_load %arg20[%parallel_loop3A_308, %parallel_loop3A_309] {strides = array<i32>} : memref<128x16xf32, #tpu.memory_space<vmem>>, vector<1x16xf32>,
      %parallel_loop3A_311 = vector.shape_cast %parallel_loop3A_310 : vector<1x16xf32> to vector<16xf32>
      %parallel_loop3A_312 = arith.select %eq3A_86, %parallel_loop3A_311, %parallel_loop3A_303 : vector<16xi1>, vector<16xf32>
      %parallel_loop3A_313 = arith.constant 0.000000e+00 : f32
      %parallel_loop3A_314 = vector.broadcast %parallel_loop3A_313 : f32 to vector<16xf32>
      %parallel_loop3A_315 = arith.subf %parallel_loop3A_314, %parallel_loop3A_312 : vector<16xf32>
      %parallel_loop3A_316 = math.exp %parallel_loop3A_315 : vector<16xf32>
      %parallel_loop3A_317 = arith.constant 1.000000e+00 : f32
      %parallel_loop3A_318 = vector.broadcast %parallel_loop3A_317 : f32 to vector<16xf32>
      %parallel_loop3A_319 = arith.addf %parallel_loop3A_318, %parallel_loop3A_316 : vector<16xf32>
      %parallel_loop3A_320 = arith.constant 1.000000e+00 : f32
      %parallel_loop3A_321 = vector.broadcast %parallel_loop3A_320 : f32 to vector<16xf32>
      %parallel_loop3A_322 = arith.divf %parallel_loop3A_321, %parallel_loop3A_319 : vector<16xf32>
      %parallel_loop3A_323 = arith.constant 16 : i32
      %parallel_loop3A_324 = arith.muli %parallel_loop3A_168, %parallel_loop3A_323 : i32
      %parallel_loop3A_325 = arith.constant 9984 : i32
      %parallel_loop3A_326 = arith.addi %parallel_loop3A_325, %parallel_loop3A_324 : i32
      %parallel_loop3A_327 = arith.index_cast %parallel_loop3A_326 : i32 to index
      %parallel_loop3A_328 = tpu.vector_load %arg19[%parallel_loop3A_327] {strides = array<i32>} : memref<10000xf32, #tpu.memory_space<vmem>>, vector<16xf32>,
      %parallel_loop3A_329 = vector.shape_cast %parallel_loop3A_328 : vector<16xf32> to vector<16xf32>
      %parallel_loop3A_330 = vector.shape_cast %parallel_loop3A_322 : vector<16xf32> to vector<16xf32>
      tpu.vector_store %arg19[%parallel_loop3A_327], %parallel_loop3A_330 {strides = array<i32>} : memref<10000xf32, #tpu.memory_space<vmem>>, vector<16xf32>,
    } {sc.loop_unroll_factor = 1 : i64, sc.parallel_access}
    "tpu.region"() ({
      %run_scoped3A = tpu.sem_alloc : memref<!tpu.dma_semaphore, #tpu.memory_space<semaphore_mem>>
      %dma_start3A_168 = tpu.memref_slice %arg8[%mul3A_2] : memref<320000xf32, #tpu.memory_space<hbm>> -> memref<10000xf32, #tpu.memory_space<hbm>>
      %dma_start3A_169 = tpu.memref_slice %arg8[%mul3A_2] : memref<320000xf32, #tpu.memory_space<hbm>> -> memref<10000xf32, #tpu.memory_space<hbm>>
      tpu.enqueue_dma source(%arg19 : memref<10000xf32, #tpu.memory_space<vmem>>) target(%dma_start3A_169 : memref<10000xf32, #tpu.memory_space<hbm>>) target_semaphore(%run_scoped3A : memref<!tpu.dma_semaphore, #tpu.memory_space<semaphore_mem>>)
      %dma_wait3A_170 = tpu.memref_slice %arg8[%mul3A_2] : memref<320000xf32, #tpu.memory_space<hbm>> -> memref<10000xf32, #tpu.memory_space<hbm>>
      %dma_wait3A_171 = tpu.memref_slice %arg8[%mul3A_2] : memref<320000xf32, #tpu.memory_space<hbm>> -> memref<10000xf32, #tpu.memory_space<hbm>>
      tpu.wait_dma2 semaphore(%run_scoped3A : memref<!tpu.dma_semaphore, #tpu.memory_space<semaphore_mem>>) src(%arg19 : memref<10000xf32, #tpu.memory_space<vmem>>) dst(%dma_wait3A_171 : memref<10000xf32, #tpu.memory_space<hbm>>)
      tpu.yield
    }) : () -> ()
    return
  }
}

module attributes {stable_mosaic.version = 14 : i64} {
  func.func @_precompute_body(%arg0: i32, %arg1: memref<2000x128xf32, #tpu.memory_space<vmem>>, %arg2: memref<128x128xf32, #tpu.memory_space<vmem>>, %arg3: memref<128x128xf32, #tpu.memory_space<vmem>>, %arg4: memref<1x128xf32, #tpu.memory_space<vmem>>, %arg5: memref<2000x128xf32, #tpu.memory_space<vmem>>, %arg6: memref<2000x128xf32, #tpu.memory_space<vmem>>) attributes {dimension_semantics = [#tpu.dimension_semantics<arbitrary>], iteration_bounds = array<i64: 5>, scalar_prefetch = 0 : i64, scratch_operands = 0 : i64, tpu.core_type = #tpu.core_type<tc>, window_params = [{transform_indices = @transform_0, window_bounds = array<i64: 2000, 128>}, {pipeline_mode = #tpu.pipeline_mode<synchronous>, transform_indices = @transform_1, window_bounds = array<i64: 128, 128>}, {pipeline_mode = #tpu.pipeline_mode<synchronous>, transform_indices = @transform_2, window_bounds = array<i64: 128, 128>}, {pipeline_mode = #tpu.pipeline_mode<synchronous>, transform_indices = @transform_3, window_bounds = array<i64: 1, 128>}, {transform_indices = @transform_4, window_bounds = array<i64: 2000, 128>}, {transform_indices = @transform_5, window_bounds = array<i64: 2000, 128>}]} {
    %get3A = arith.constant 0 : index
    %get3A_0 = arith.constant 0 : index
    %get3A_1 = vector.load %arg1[%get3A, %get3A_0] : memref<2000x128xf32, #tpu.memory_space<vmem>>, vector<2000x128xf32>
    %get3A_2 = arith.constant 0 : index
    %get3A_3 = arith.constant 0 : index
    %get3A_4 = vector.load %arg2[%get3A_2, %get3A_3] : memref<128x128xf32, #tpu.memory_space<vmem>>, vector<128x128xf32>
    %dot_general3A = arith.constant dense<0.000000e+00> : vector<2000x128xf32>
    %dot_general3A_5 = tpu.matmul %get3A_1, %get3A_4, %dot_general3A {dimension_numbers = #tpu.dot_dimension_numbers<[1], [0], [0], [1], [0, 0, 1, 1], [], []>, precision = #tpu.contract_precision<fp32>, transpose_lhs_hint = false} : vector<2000x128xf32>, vector<128x128xf32>, vector<2000x128xf32> -> vector<2000x128xf32>
    %get3A_6 = arith.constant 0 : index
    %get3A_7 = arith.constant 0 : index
    %get3A_8 = vector.load %arg4[%get3A_6, %get3A_7] : memref<1x128xf32, #tpu.memory_space<vmem>>, vector<1x128xf32>
    %add3A = vector.broadcast %get3A_8 : vector<1x128xf32> to vector<2000x128xf32>
    %add3A_9 = arith.addf %dot_general3A_5, %add3A : vector<2000x128xf32>
    %swap3A = arith.constant 0 : index
    %swap3A_10 = arith.constant 0 : index
    %swap3A_11 = vector.load %arg5[%swap3A, %swap3A_10] : memref<2000x128xf32, #tpu.memory_space<vmem>>, vector<2000x128xf32>
    tpu.vector_store %arg5[%swap3A, %swap3A_10], %add3A_9 {strides = array<i32>} : memref<2000x128xf32, #tpu.memory_space<vmem>>, vector<2000x128xf32>,
    %get3A_12 = arith.constant 0 : index
    %get3A_13 = arith.constant 0 : index
    %get3A_14 = vector.load %arg3[%get3A_12, %get3A_13] : memref<128x128xf32, #tpu.memory_space<vmem>>, vector<128x128xf32>
    %dot_general3A_15 = arith.constant dense<0.000000e+00> : vector<2000x128xf32>
    %dot_general3A_16 = tpu.matmul %get3A_1, %get3A_14, %dot_general3A_15 {dimension_numbers = #tpu.dot_dimension_numbers<[1], [0], [0], [1], [0, 0, 1, 1], [], []>, precision = #tpu.contract_precision<fp32>, transpose_lhs_hint = false} : vector<2000x128xf32>, vector<128x128xf32>, vector<2000x128xf32> -> vector<2000x128xf32>
    %swap3A_17 = arith.constant 0 : index
    %swap3A_18 = arith.constant 0 : index
    %swap3A_19 = vector.load %arg6[%swap3A_17, %swap3A_18] : memref<2000x128xf32, #tpu.memory_space<vmem>>, vector<2000x128xf32>
    tpu.vector_store %arg6[%swap3A_17, %swap3A_18], %dot_general3A_16 {strides = array<i32>} : memref<2000x128xf32, #tpu.memory_space<vmem>>, vector<2000x128xf32>,
    return
  }
  func.func @transform_0(%arg0: i32) -> (i32, i32) {
    %c0_i32 = arith.constant 0 : i32
    %c0_i32_0 = arith.constant 0 : i32
    return %arg0, %c0_i32 : i32, i32
  }
  func.func @transform_1(%arg0: i32) -> (i32, i32) {
    %c0_i32 = arith.constant 0 : i32
    %c0_i32_0 = arith.constant 0 : i32
    %c0_i32_1 = arith.constant 0 : i32
    return %c0_i32, %c0_i32_0 : i32, i32
  }
  func.func @transform_2(%arg0: i32) -> (i32, i32) {
    %c0_i32 = arith.constant 0 : i32
    %c0_i32_0 = arith.constant 0 : i32
    %c0_i32_1 = arith.constant 0 : i32
    return %c0_i32, %c0_i32_0 : i32, i32
  }
  func.func @transform_3(%arg0: i32) -> (i32, i32) {
    %c0_i32 = arith.constant 0 : i32
    %c0_i32_0 = arith.constant 0 : i32
    %c0_i32_1 = arith.constant 0 : i32
    return %c0_i32, %c0_i32_0 : i32, i32
  }
  func.func @transform_4(%arg0: i32) -> (i32, i32) {
    %c0_i32 = arith.constant 0 : i32
    %c0_i32_0 = arith.constant 0 : i32
    return %arg0, %c0_i32 : i32, i32
  }
  func.func @transform_5(%arg0: i32) -> (i32, i32) {
    %c0_i32 = arith.constant 0 : i32
    %c0_i32_0 = arith.constant 0 : i32
    return %arg0, %c0_i32 : i32, i32
  }
}

</mosaic_0001>

<sc_bundles>
// kernel: kernel.4.cloned.1.call-start
scs
__scs_entry_jumppad:
0x0: {  	(pc) =	sbr.rel $0x88, $3  }
0x1: {  	(tag) =	ssettag $0x0;
	lr =	simm.s32 $0x1  }
0x2: {  	[smem:$0x3F9B] =	sst lr;
	_ =	strace $0xD0000000  }
0x3: {  	_ = 	snop  }
0x4: {  	_ = 	snop  }
0x5: {  	_ = 	snop  }
0x6: {  	_ = 	snop  }
0x7: {  	_ = 	snop  }
__scs_overlays_trampoline_lowered:
0x8: {  	[smem:$0x3FAA] =	sst s0  }
0x9: {  	[smem:$0x3FAB] =	sst s1  }
0xa: {  	[smem:$0x3FAC] =	sst s2  }
0xb: {  	[smem:$0x3FAD] =	sst s3  }
0xc: {  	[smem:$0x3FAE] =	sst s4  }
0xd: {  	[smem:$0x3FAF] =	sst s5  }
0xe: {  	[smem:$0x3FB0] =	sst s6  }
0xf: {  	[smem:$0x3FB1] =	sst s7  }
0x10: {  	[smem:$0x3FB2] =	sst s8  }
0x11: {  	[smem:$0x3FB3] =	sst s9;
	s0 =	simm.s32 @!p0 $0x0  }
0x12: {  	s1 =	sld [smem:$0x3F99];
	s0 =	simm.s32 @p0 $0x1  }
0x13: {  	[smem:$0x3FB4] =	sst s0;
	s0 =	simm.s32 @!p1 $0x0  }
0x14: {  	s2 =	sld [smem:$0x3F98];
	s0 =	simm.s32 @p1 $0x1  }
0x15: {  	[smem:$0x3FB5] =	sst s0;
	s0 =	simm.s32 @!p2 $0x0  }
0x16: {  	s3 =	sld [smem:$0x3FDB];
	s0 =	simm.s32 @p2 $0x1  }
0x17: {  	s4 =	simm.s32 $0x1BF5;
	[smem:$0x3FB7] =	sst s0  }
0x18: {  	s0 =	sld [smem:$0x3F9A];
	_ =	swait.ge [sflag:s4], $0x0  }
0x19: {  	s7 =	sld [smem:$0x3F9B]  }
0x1a: {  	s8 =	sadd.s32 $0xFFFFE003, lr  }
0x1b: {  	s9 =	sadd.s32 $0xFFFFFEF7, lr;
	s5 =	simm.s32 $0xFFFFFFFF;
	p2 =	slt.u32 s8, $0xFFFFF086  }
0x1c: {  	p1 =	slt.u32 s9, $0xF7A;
	s5 =	simm.s32 @!p2 $0x0  }
0x1d: {  	s5 =	simm.s32 @p1 $0x1;
	p0 =	seq.s32 s7, s2  }
0x1e: {  	s7 =	smul.u32 @!p0 $0xF7A, s2;
	p2 =	seq.s32 @!p0 s5, $0x0  }
0x1f: {  	s9 =	smul.u32 $0xF7A, s1;
	s8 =	simm.s32 @!p0 $0x1BF5;
	p2 =	por !p2, p0  }
0x20: {  	[sflag:s8] =	ssyncset.s32 @!p0 $0xFFFFF086;
	s6 =	sadd.s32 @!p0 s3, s7;
	s7 =	simm.s32 @!p0 $0x108  }
0x21: {  	s3 =	sadd.s32 s3, s9;
	s6 =	sadd.s32 @!p0 $0x88, s6;
	s7 =	simm.s32 @p2 $0x1082  }
0x22: {  	[simem:s7], [sflag:s8] =	dma.local @!p0 [hbm:s6], $0xF7A  }
0x23: {  	s9 =	sor.u32 $0xD0000000, s2;
	s6 =	simm.s32 $0x108;
	_ =	swait.ge @!p0 [sflag:s8], $0x0  }
0x24: {  	s3 =	sadd.s32 $0x88, s3;
	s6 =	simm.s32 @!p1 $0x1082;
	[sflag:s4] =	ssyncset.s32 $0xFFFFF086  }
0x25: {  	[simem:s6], [sflag:s4] =	dma.local [hbm:s3], $0xF7A  }
0x26: {  	[smem:$0x3F9B] =	sst s1;
	(tag) =	ssettag s2;
	_ =	strace s9  }
0x27: {  	s1 =	sld [smem:$0x3FAB]  }
0x28: {  	s2 =	sld [smem:$0x3FAC]  }
0x29: {  	s4 =	sld [smem:$0x3FAE]  }
0x2a: {  	p0 =	seq.s32 s5, $0x0;
	s5 =	sld [smem:$0x3FAF]  }
0x2b: {  	s6 =	sld [smem:$0x3FB0]  }
0x2c: {  	s7 =	sld [smem:$0x3FB1]  }
0x2d: {  	s3 =	simm.s32 $0x108;
	s8 =	sld [smem:$0x3FB2]  }
0x2e: {  	s3 =	simm.s32 @!p0 $0x1082;
	s9 =	sld [smem:$0x3FB3]  }
0x2f: {  	lr =	sadd.s32 s0, s3;
	s0 =	sld [smem:$0x3FAA]  }
0x30: {  	s3 =	sld [smem:$0x3FAD]  }
0x31: {  	[smem:$0x3FB6] =	sst s10  }
0x32: {  	s10 =	sld [smem:$0x3FB4];
	_ =	sdelay $0x3  }
0x33: {  	p0 =	seq.s32 s10, $0x1;
	s10 =	sld [smem:$0x3FB6];
	_ =	sdelay $0x3  }
0x34: {  	[smem:$0x3FB6] =	sst s10  }
0x35: {  	s10 =	sld [smem:$0x3FB5];
	_ =	sdelay $0x3  }
0x36: {  	p1 =	seq.s32 s10, $0x1;
	s10 =	sld [smem:$0x3FB6];
	_ =	sdelay $0x3  }
0x37: {  	[smem:$0x3FB6] =	sst s10  }
0x38: {  	s10 =	sld [smem:$0x3FB7]  }
0x39: {  	_ = 	snop;
	(pc) =	sbr.ind lr, $3  }
0x3a: {  	_ = 	snop  }
0x3b: {  	_ = 	snop  }
0x3c: {  	p2 =	seq.s32 s10, $0x1;
	s10 =	sld [smem:$0x3FB6]  }
0x3d: {  	_ =	shalt  }
0x3e: {  	_ =	shalt  }
0x3f: {  	_ =	shalt  }
0x40: {  	_ =	shalt  }
0x41: {  	_ =	shalt  }
0x42: {  	_ =	shalt  }
0x43: {  	_ =	shalt  }
0x44: {  	_ =	shalt  }
0x45: {  	_ =	shalt  }
0x46: {  	_ =	shalt  }
0x47: {  	_ =	shalt  }
0x48: {  	_ =	shalt  }
0x49: {  	_ =	shalt  }
0x4a: {  	_ =	shalt  }
0x4b: {  	_ =	shalt  }
0x4c: {  	_ =	shalt  }
0x4d: {  	_ =	shalt  }
0x4e: {  	_ =	shalt  }
0x4f: {  	_ =	shalt  }
0x50: {  	_ =	shalt  }
0x51: {  	_ =	shalt  }
0x52: {  	_ =	shalt  }
0x53: {  	_ =	shalt  }
0x54: {  	_ =	shalt  }
0x55: {  	_ =	shalt  }
0x56: {  	_ =	shalt  }
0x57: {  	_ =	shalt  }
0x58: {  	_ =	shalt  }
0x59: {  	_ =	shalt  }
0x5a: {  	_ =	shalt  }
0x5b: {  	_ =	shalt  }
0x5c: {  	_ =	shalt  }
0x5d: {  	_ =	shalt  }
0x5e: {  	_ =	shalt  }
0x5f: {  	_ =	shalt  }
0x60: {  	_ =	shalt  }
0x61: {  	_ =	shalt  }
0x62: {  	_ =	shalt  }
0x63: {  	_ =	shalt  }
0x64: {  	_ =	shalt  }
0x65: {  	_ =	shalt  }
0x66: {  	_ =	shalt  }
0x67: {  	_ =	shalt  }
0x68: {  	_ =	shalt  }
0x69: {  	_ =	shalt  }
0x6a: {  	_ =	shalt  }
0x6b: {  	_ =	shalt  }
0x6c: {  	_ =	shalt  }
0x6d: {  	_ =	shalt  }
0x6e: {  	_ =	shalt  }
0x6f: {  	_ =	shalt  }
0x70: {  	_ =	shalt  }
0x71: {  	_ =	shalt  }
0x72: {  	_ =	shalt  }
0x73: {  	_ =	shalt  }
0x74: {  	_ =	shalt  }
0x75: {  	_ =	shalt  }
0x76: {  	_ =	shalt  }
0x77: {  	_ =	shalt  }
0x78: {  	_ =	shalt  }
0x79: {  	_ =	shalt  }
0x7a: {  	_ =	shalt  }
0x7b: {  	_ =	shalt  }
0x7c: {  	_ =	shalt  }
0x7d: {  	_ =	shalt  }
0x7e: {  	_ =	shalt  }
0x7f: {  	_ =	shalt  }
0x80: {  	_ =	shalt  }
0x81: {  	_ =	shalt  }
0x82: {  	_ =	shalt  }
0x83: {  	_ =	shalt  }
0x84: {  	_ =	shalt  }
0x85: {  	_ =	shalt  }
0x86: {  	_ =	shalt  }
0x87: {  	_ =	shalt  }
.Lfunc_end0:
.L_simem_size_0:
called_computation_lowered:
.L_overlay_start_0:
0x88: {  	s2 =	sld [smem:$0x3FD9]  }
0x89: {  	s3 =	sld [smem:$0x3FFE];
	_ =	sdelay $0x1  }
0x8a: {  	s1 =	srdreg.scid  }
0x8b: {  	s0 =	sand.u32 $0x1, s1  }
0x8c: {  	s17 =	sshll.u32 s0, $0xA;
	s2 =	sadd.s32 s3, s2  }
0x8d: {  	s2 =	sadd.s32 s2, s17  }
0x8e: {  	[smem:$0x3FC2] =	sst s2  }
0x8f: {  	_ = 	snop  }
0x90: {  	s2 =	sld [smem:$0x3FC5]  }
0x91: {  	s18 =	sld [smem:$0x3FD0];
	(tm) =	ssettm $0x1  }
0x92: {  	s4 =	sld [smem:$0x3FFB];
	_ =	sdelay $0x3  }
0x93: {  	_ =	strace s4  }
0x94: {  	s4 =	sld [smem:$0x3FFC];
	_ =	sdelay $0x3  }
0x95: {  	_ =	strace s4  }
0x96: {  	s4 =	sld [smem:$0x3FFD];
	_ =	sdelay $0x3  }
0x97: {  	_ =	strace s4  }
0x98: {  	_ =	strace $0x8FFFFFFF  }
0x99: {  	s19 =	sld [smem:$0x3FDB];
	_ =	sdelay $0x1  }
0x9a: {  	s5 =	simm.s32 $_scs_section_size  }
0x9b: {  	s6 =	simm.s32 $_size__tile_overlayer_lowered;
	s7 =	simm.s32 $_tile_overlayer_lowered  }
0x9c: {  	s22 =	simm.s32 $0x1BFF;
	s21 =	sshll.u32 s7, $0x1;
	s4 =	sadd.s32 s5, s19  }
0x9d: {  	s8 =	simm.s32 $0x0;
	s20 =	sshll.u32 s6, $0x1;
	s6 =	sadd.s32 s21, s4  }
0x9e: {  	[timem:s8], [sflag:s22] =	dma.local [hbm:s6], s20  }
0x9f: {  	_ =	swait.ge [sflag:s22], s20  }
0xa0: {  	s5 =	ssub.s32 $0x0, s20;
	[sflag:s22] =	ssyncset.done $0x0  }
0xa1: {  	[sflag:s22] =	ssyncadd.s32 s5;
	_ =	sdelay $0x1  }
0xa2: {  	s23 =	simm.s32 $0x1B8B  }
0xa3: {  	_ =	swait.ge [sflag:s23], $0x1  }
0xa4: {  	[sflag:s23] =	ssyncset.done $0x0  }
0xa5: {  	s25 =	simm.s32 $0x1B8E;
	s24 =	sld [smem:$0x3FFE];
	[sflag:s23] =	ssyncadd.s32 $0xFFFFFFFF  }
0xa6: {  	s26 =	simm.s32 $execute0_lowered;
	[smem:$0x3FD2] =	sst s25  }
0xa7: {  	s6 =	sshll.u32 s26, $0x1;
	_ =	strace $0x80000046;
	[dreg:$0x1] =	wrdreg $0xFFFFFFFF  }
0xa8: {  	s28 =	simm.s32 $_size_execute0_lowered;
	s4 =	sadd.s32 s4, s6;
	[dreg:$0x0] =	wrdreg $0x0  }
0xa9: {  	s6 =	sshll.u32 s28, $0x1;
	[dreg:$0x2] =	wrdreg s4  }
0xaa: {  	[dreg:$0x3] =	wrdreg s6  }
0xab: {  	[dreg:$0x4] =	wrdreg $0xC0  }
0xac: {  	_ =	task [dreg:s8], $0x5FFFF  }
0xad: {  	[dreg:$0x1] =	wrdreg $0xFFFFFFFF  }
0xae: {  	[dreg:$0x0] =	wrdreg $0x60  }
0xaf: {  	[dreg:$0x2] =	wrdreg s24  }
0xb0: {  	[dreg:$0x3] =	wrdreg s2  }
0xb1: {  	[dreg:$0x4] =	wrdreg s18  }
0xb2: {  	[dreg:$0x5] =	wrdreg $0x9  }
0xb3: {  	_ =	task.clear_ibuf [dreg:s8], $0x6FFFF;
	_ =	strace $0x90000046  }
0xb4: {  	s29 =	simm.s32 $0x9;
	_ =	strace $0x80000048  }
0xb5: {  	_ =	swait.ge [sflag:s29], $0x1  }
0xb6: {  	[sflag:s29] =	ssyncadd.s32 $0xFFFFFFFF  }
0xb7: {  	_ =	strace $0x90000048  }
0xb8: {  	_ =	sfence  }
0xb9: {  	s30 =	sld [smem:$0x0];
	_ =	sdelay $0x2  }
0xba: {  	s31 =	sshll.u32 s1, $0xD;
	s1 =	sshrl.u32 s1, $0x2  }
0xbb: {  	s3 =	sand.u32 $0x4000, s31;
	s1 =	sadd.s32 s1, s30  }
0xbc: {  	s0 =	sor.u32 s3, s0;
	s1 =	sshll.u32 s1, $0x11  }
0xbd: {  	s0 =	sor.u32 s1, s0  }
0xbe: {  	s0 =	sadd.s32 $0x8F2B, s0  }
0xbf: {  	[sflag:s0] =	ssyncadd.remote.s32 $0x1  }
0xc0: {  	_ =	sfence.sel $0xFFFF  }
0xc1: {  	[dreg:$0x0] =	wrdreg $0xFFFFFFFF;
	(pc) =	sbr.abs _section_cstart, $3  }
0xc2: {  	[dreg:$0x1] =	wrdreg $0xFFFFFFFF  }
0xc3: {  	_ =	task.clear_ibuf [dreg:s8], $0x2FFFF;
	_ =	strace $0x9FFFFFFF  }
0xc4: {  	(tm) =	ssettm $0x7FFFFFFF  }
0xc5: {  	_ =	shalt  }
tec
execute0_lowered:
.L_overlay_start_1:
0x0: {  	(tag) =	ssettag $0x1  }
0x1: {  	v0 =	vimm.s32 $0xEFCDAB89;
	v1 =	vimm.s32 $0x67452301  }
0x2: {  	v2 =	vimm.s32 $0xDCFE98BA;
	v3 =	vimm.s32 $0x54761032;
	v4 =	vimm.s32 $0xBA98FEDC  }
0x3: {  	v5 =	vimm.s32 $0x32107654;
	v6 =	vimm.s32 $0xFEDCBA98;
	v7 =	vimm.s32 $0x76543210  }
0x4: {  	vm0 =	vmmov $0x1;
	vm1 =	vmmov $0x3;
	vm2 =	vmmov $0x7  }
0x5: {  	s0 =	rddreg [dreg:$0x0];
	vm3 =	vmmov $0xf;
	vm4 =	vmmov $0x1f;
	vm5 =	vmmov $0x3f  }
0x6: {  	s1 =	srdreg.scid;
	s2 =	stileid.u32;
	vm6 =	vmmov $0x7f;
	vm7 =	vmmov $0xff;
	vm8 =	vmmov $0x1ff  }
0x7: {  	s4 =	simm.s32 $0x0;
	s11 =	simm.s32 $0x5;
	s12 =	simm.s32 $0x2780;
	vm9 =	vmmov $0x3ff;
	vm10 =	vmmov $0x7ff;
	vm11 =	vmmov $0xfff  }
0x8: {  	s15 =	simm.s32 $0x80;
	s16 =	simm.s32 $0x4F00;
	s17 =	simm.s32 $0x8F00;
	vm12 =	vmmov $0x1fff;
	v0 =	vunpack.c.l.s4.s8 v0;
	v1 =	vunpack.c.l.s4.s8 v1  }
0x9: {  	s18 =	simm.s32 $0xCF00;
	s19 =	simm.s32 $0x10F00;
	s20 =	simm.s32 $0x1;
	v2 =	vunpack.c.l.s4.s8 v2;
	v3 =	vunpack.c.l.s4.s8 v3;
	v4 =	vunpack.c.l.s4.s8 v4  }
0xa: {  	s21 =	simm.s32 $0x2;
	s1 =	sand.u32 $0x1, s1;
	s2 =	sshll.u32 s2, $0x1;
	v5 =	vunpack.c.l.s4.s8 v5;
	v6 =	vunpack.c.l.s4.s8 v6;
	v7 =	vunpack.c.l.s4.s8 v7  }
0xb: {  	s22 =	simm.s32 $0x3;
	s23 =	simm.s32 $0x4;
	s2 =	sor.u32 s1, s2;
	v0 =	vunpack.c.0.s8.s32 v0;
	v1 =	vunpack.c.0.s8.s32 v1;
	v2 =	vunpack.c.0.s8.s32 v2  }
0xc: {  	s26 =	simm.s32 $0x10;
	s1 =	ssub.s32 $0x2, s1;
	s2 =	smul.u32 $0x4E2, s2;
	v3 =	vunpack.c.0.s8.s32 v3;
	v4 =	vunpack.c.0.s8.s32 v4;
	v5 =	vunpack.c.0.s8.s32 v5  }
0xd: {  	vm13 =	vmmov $0x3fff;
	[smem:$0x7FF] =	sst s4;
	s5 =	sadd.s32 $0x14400, s0;
	s31 =	sshrl.u32 s1, $0x1;
	v0 =	vcombine.low v1, v0;
	v1 =	vunpack.c.0.s8.s32 v6  }
0xe: {  	s6 =	sadd.s32 $0x3B600, s0;
	s1 =	ssub.s32 s1, s31;
	s0 =	sadd.s32 s2, s0;
	v2 =	vcombine.low v3, v2;
	v3 =	vcombine.low v5, v4;
	v4 =	vunpack.c.0.s8.s32 v7  }
0xf: {  	vm14 =	vmmov $0x7fff;
	_ =	strace $0x80000047;
	s10 =	smax.u32 s1, $0x1;
	s7 =	sadd.s32 $0xA600, s0;
	v0 =	vand.u32 $0xF, v0;
	v5 =	vand.u32 $0xF, v1  }
0x10: {  	s8 =	sadd.s32 $0x800, s0;
	s9 =	sadd.s32 $0x62800, s0;
	s0 =	simm.s32 $0x0;
	v1 =	vand.u32 $0xF, v2;
	v2 =	vand.u32 $0xF, v3;
	v3 =	vcombine.low v5, v4  }
.LBB2_1:
0x11: {  	[tilespmem:s4], [sflag:$0x5] =	stream.linear.gather [hbm4b:s7+s4], $0x2710, $0x38;
	[tilespmem:$0x1C780] =	vst v63  }
0x12: {  	_ =	swait.ge [sflag:s11], $0x2710  }
0x13: {  	[sflag:s11] =	ssyncset.done $0x0  }
0x14: {  	[sflag:s11] =	ssyncadd.s32 $0xFFFFD8F0  }
0x15: {  	[tilespmem:s12], [sflag:$0x5] =	stream.linear.gather [hbm4b:s8+s4], $0x2710, $0x38;
	[tilespmem:$0x1C780] =	vst v63  }
0x16: {  	_ =	swait.ge [sflag:s11], $0x2710  }
0x17: {  	[sflag:s11] =	ssyncset.done $0x0  }
0x18: {  	[sflag:s11] =	ssyncadd.s32 $0xFFFFD8F0  }
0x19: {  	s2 =	simm.s32 $0x15F00;
	s1 =	rddreg [dreg:$0x1]  }
0x1a: {  	[tilespmem:s2], [sflag:$0x5] =	stream.linear.gather [hbm4b:s1+s4], $0x80, $0x38;
	[tilespmem:$0x1C780] =	vst v63  }
0x1b: {  	_ =	swait.ge [sflag:s11], $0x80  }
0x1c: {  	[sflag:s11] =	ssyncset.done $0x0  }
0x1d: {  	[sflag:s11] =	ssyncadd.s32 $0xFFFFFF80  }
0x1e: {  	s31 =	simm.s32 $0x15F80;
	s30 =	rddreg [dreg:$0x2]  }
0x1f: {  	[tilespmem:s31], [sflag:$0x5] =	stream.linear.gather [hbm4b:s30+s4], $0x80, $0x38;
	[tilespmem:$0x1C780] =	vst v63  }
0x20: {  	_ =	swait.ge [sflag:s11], $0x80  }
0x21: {  	[sflag:s11] =	ssyncset.done $0x0  }
0x22: {  	[sflag:s11] =	ssyncadd.s32 $0xFFFFFF80  }
0x23: {  	v4 =	vld [tilespmem:$0x15F00]  }
0x24: {  	v5 =	vld [tilespmem:$0x15F10]  }
0x25: {  	v6 =	vld [tilespmem:$0x15F20]  }
0x26: {  	v7 =	vld [tilespmem:$0x15F30]  }
0x27: {  	v8 =	vld [tilespmem:$0x15F40]  }
0x28: {  	v9 =	vld [tilespmem:$0x15F50]  }
0x29: {  	v10 =	vld [tilespmem:$0x15F60]  }
0x2a: {  	v11 =	vld [tilespmem:$0x15F70]  }
0x2b: {  	v12 =	vld [tilespmem:$0x15F80];
	[tilespmem:s16], [sflag:$0x1] =	stream.indirect.gather [hbm4b:s5+s15], $0x80, s4, s15, $0xb8  }
0x2c: {  	s3 =	simm.s32 $0x16000;
	s13 =	simm.s32 $0x0;
	s1 =	simm.s32 $0x16080  }
0x2d: {  	[tilespmem:s17], [sflag:$0x2] =	stream.indirect.gather [hbm4b:s6+s15], $0x80, s12, s15, $0xb8;
	[tilespmem:$0x1C780] =	vst v63  }
.LBB2_2:
0x2e: {  	s14 =	sshll.u32 s13, $0x8  }
0x2f: {  	s2 =	sor.u32 $0x80, s14  }
0x30: {  	[tilespmem:s18], [sflag:$0x3] =	stream.indirect.gather [hbm4b:s5+s15], $0x80, s2, s15, $0xb8;
	[tilespmem:$0x1C780] =	vst v63  }
0x31: {  	s25 =	sadd.s32 $0x2800, s14  }
0x32: {  	[tilespmem:s19], [sflag:$0x4] =	stream.indirect.gather [hbm4b:s6+s15], $0x80, s25, s15, $0xb8;
	[tilespmem:$0x1C780] =	vst v63  }
0x33: {  	_ =	swait.ge [sflag:s20], $0x4000  }
0x34: {  	[sflag:s20] =	ssyncset.done $0x0  }
0x35: {  	[sflag:s20] =	ssyncadd.s32 $0xFFFFC000  }
0x36: {  	_ =	swait.ge [sflag:s21], $0x4000  }
0x37: {  	[sflag:s21] =	ssyncset.done $0x0  }
0x38: {  	s31 =	simm.s32 $0x5100;
	[sflag:s21] =	ssyncadd.s32 $0xFFFFC000  }
0x39: {  	s24 =	simm.s32 $0x9100;
	v13 =	vld [tilespmem:s31+$0x1B0]  }
0x3a: {  	v14 =	vld [tilespmem:s24+$0x1B0]  }
0x3b: {  	v15 =	vld [tilespmem:s31+$0x1F0]  }
0x3c: {  	v16 =	vld [tilespmem:s24+$0x1F0]  }
0x3d: {  	v17 =	vld [tilespmem:s31+$0x1A0]  }
0x3e: {  	v18 =	vld [tilespmem:s24+$0x1A0]  }
0x3f: {  	v19 =	vld [tilespmem:s31+$0x1E0]  }
0x40: {  	v20 =	vld [tilespmem:s24+$0x1E0]  }
0x41: {  	v21 =	vld [tilespmem:s31+$0x190]  }
0x42: {  	v22 =	vld [tilespmem:s24+$0x190]  }
0x43: {  	v23 =	vld [tilespmem:s31+$0x180]  }
0x44: {  	v24 =	vld [tilespmem:s24+$0x180]  }
0x45: {  	v25 =	vld [tilespmem:s31+$0x1C0]  }
0x46: {  	v26 =	vld [tilespmem:s24+$0x1C0]  }
0x47: {  	v27 =	vld [tilespmem:s31+$0x1D0]  }
0x48: {  	v28 =	vld [tilespmem:s24+$0x1D0]  }
0x49: {  	v29 =	vld [tilespmem:s24+$0xFFFFFE00]  }
0x4a: {  	v30 =	vld [tilespmem:s31+$0xFFFFFE40]  }
0x4b: {  	v31 =	vld [tilespmem:s24+$0xFFFFFE40]  }
0x4c: {  	v32 =	vld [tilespmem:s31+$0xFFFFFE80]  }
0x4d: {  	v33 =	vld [tilespmem:s24+$0xFFFFFE80]  }
0x4e: {  	v34 =	vld [tilespmem:s31+$0xFFFFFEC0]  }
0x4f: {  	v35 =	vld [tilespmem:s24+$0xFFFFFEC0]  }
0x50: {  	v36 =	vld [tilespmem:s31+$0xFFFFFF00]  }
0x51: {  	v37 =	vld [tilespmem:s24+$0xFFFFFF00]  }
0x52: {  	v38 =	vld [tilespmem:s31+$0xFFFFFF40]  }
0x53: {  	v39 =	vld [tilespmem:s24+$0xFFFFFF40]  }
0x54: {  	v40 =	vld [tilespmem:s31+$0xFFFFFF80]  }
0x55: {  	v41 =	vld [tilespmem:s24+$0xFFFFFF80]  }
0x56: {  	v42 =	vld [tilespmem:s31+$0xFFFFFFC0]  }
0x57: {  	v43 =	vld [tilespmem:s24+$0xFFFFFFC0]  }
0x58: {  	v44 =	vld [tilespmem:s31+$0x0]  }
0x59: {  	v45 =	vld [tilespmem:s24+$0x0]  }
0x5a: {  	v46 =	vld [tilespmem:s31+$0x40]  }
0x5b: {  	v47 =	vld [tilespmem:s24+$0x140]  }
0x5c: {  	v49 =	vld [tilespmem:s24+$0xFFFFFED0]  }
0x5d: {  	v54 =	vld [tilespmem:s31+$0xFFFFFF10]  }
0x5e: {  	v56 =	vld [tilespmem:s24+$0xFFFFFF10]  }
0x5f: {  	v58 =	vld [tilespmem:s31+$0xFFFFFF50]  }
0x60: {  	v62 =	vld [tilespmem:s24+$0xFFFFFF50];
	v13 =	vadd.f32 v14, v13;
	v17 =	vadd.f32 v18, v17  }
0x61: {  	v50 =	vld [tilespmem:s24+$0xFFFFFF90];
	v15 =	vadd.f32 v16, v15;
	v18 =	vadd.f32 v24, v23  }
0x62: {  	v51 =	vld [tilespmem:s31+$0xFFFFFFD0];
	v23 =	vadd.f32 v26, v25;
	v21 =	vadd.f32 v22, v21  }
0x63: {  	v52 =	vld [tilespmem:s24+$0x50];
	v19 =	vadd.f32 v20, v19;
	v30 =	vadd.f32 v31, v30  }
0x64: {  	v14 =	vld [tilespmem:s24+$0x40];
	v32 =	vadd.f32 v33, v32;
	v53 =	vadd.f32 v35, v34  }
0x65: {  	v16 =	vld [tilespmem:s31+$0x80];
	v55 =	vadd.f32 v37, v36;
	v57 =	vadd.f32 v39, v38  }
0x66: {  	v24 =	vld [tilespmem:s24+$0x80];
	v59 =	vadd.f32 v41, v40;
	v60 =	vadd.f32 v43, v42  }
0x67: {  	v20 =	vld [tilespmem:s31+$0xC0];
	v63 =	vadd.f32 v45, v44;
	v34 =	vadd.f32 v56, v54  }
0x68: {  	v25 =	vld [tilespmem:s24+$0xC0];
	v38 =	vadd.f32 v62, v58;
	v18 =	vmax.f32 v18, $0.0e+00;
	v22 =	vmax.f32 v23, $0.0e+00  }
0x69: {  	v26 =	vld [tilespmem:s31+$0x100];
	v23 =	vadd.f32 v28, v27;
	v21 =	vmax.f32 v21, $0.0e+00;
	v17 =	vmax.f32 v17, $0.0e+00  }
0x6a: {  	v31 =	vld [tilespmem:s31+$0xFFFFFED0];
	v19 =	vmax.f32 v19, $0.0e+00;
	v13 =	vmax.f32 v13, $0.0e+00;
	v15 =	vmax.f32 v15, $0.0e+00  }
0x6b: {  	v54 =	vld [tilespmem:s31+$0x150];
	v30 =	vmax.f32 v30, $0.0e+00;
	v32 =	vmax.f32 v32, $0.0e+00;
	v33 =	vmax.f32 v53, $0.0e+00  }
0x6c: {  	v56 =	vld [tilespmem:s31+$0xFFFFFE20];
	v35 =	vmax.f32 v55, $0.0e+00;
	v37 =	vmax.f32 v57, $0.0e+00;
	v39 =	vmax.f32 v59, $0.0e+00  }
0x6d: {  	v58 =	vld [tilespmem:s24+$0xFFFFFE20];
	v40 =	vmax.f32 v60, $0.0e+00;
	v43 =	vmax.f32 v63, $0.0e+00;
	v18 =	vmul.f32 v18, v4  }
0x6e: {  	v62 =	vld [tilespmem:s31+$0xFFFFFEA0];
	v34 =	vmax.f32 v34, $0.0e+00;
	v22 =	vmul.f32 v22, v8;
	v21 =	vmul.f32 v21, v5  }
0x6f: {  	v27 =	vld [tilespmem:s24+$0x100];
	v17 =	vmul.f32 v17, v6;
	v19 =	vmul.f32 v19, v10;
	v23 =	vmax.f32 v23, $0.0e+00  }
0x70: {  	v28 =	vld [tilespmem:s31+$0x140];
	v18 =	vadd.f32 v18, v12;
	v22 =	vadd.f32 $0.0e+00, v22;
	v23 =	vmul.f32 v23, v9  }
0x71: {  	v53 =	vld [tilespmem:s31+$0x110];
	v38 =	vmax.f32 v38, $0.0e+00;
	v13 =	vmul.f32 v13, v7;
	v30 =	vmul.f32 v30, v8  }
0x72: {  	v55 =	vld [tilespmem:s24+$0x150];
	v15 =	vmul.f32 v15, v11;
	v18 =	vadd.f32 v21, v18;
	v21 =	vadd.f32 v23, v22  }
0x73: {  	v59 =	vld [tilespmem:s31+$0xFFFFFE60];
	v32 =	vmul.f32 v32, v4;
	v30 =	vadd.f32 $0.0e+00, v30;
	v20 =	vadd.f32 v25, v20  }
0x74: {  	v33 =	vmul.f32 v33, v8;
	v25 =	vld [tilespmem:s24+$0xFFFFFFD0];
	v17 =	vadd.f32 v17, v18;
	v18 =	vadd.f32 v19, v21  }
0x75: {  	v57 =	vmul.f32 v34, v5;
	v31 =	vadd.f32 v49, v31;
	v49 =	vld [tilespmem:s24+$0xFFFFFEE0];
	v34 =	vadd.f32 v58, v56  }
0x76: {  	v35 =	vmul.f32 v35, v4;
	v56 =	vld [tilespmem:s31+$0x60];
	v13 =	vadd.f32 v13, v17;
	v15 =	vadd.f32 v15, v18  }
0x77: {  	v37 =	vmul.f32 v37, v8;
	v32 =	vadd.f32 v32, v12;
	v14 =	vadd.f32 v14, v46;
	v22 =	vld [tilespmem:s31+$0xFFFFFE00]  }
0x78: {  	v39 =	vmul.f32 v39, v4;
	v16 =	vadd.f32 v24, v16;
	v23 =	vld [tilespmem:s31+$0xFFFFFE10];
	v13 =	vadd.f32 v15, v13  }
0x79: {  	v40 =	vmul.f32 v40, v8;
	v33 =	vadd.f32 $0.0e+00, v33;
	v28 =	vadd.f32 v47, v28;
	v47 =	vld [tilespmem:s24+$0x160]  }
0x7a: {  	v35 =	vadd.f32 v35, v12;
	v31 =	vmax.f32 v31, $0.0e+00;
	v19 =	vld [tilespmem:s24+$0xFFFFFE10];
	v48 =	vperm.xlane v13, v0  }
0x7b: {  	v37 =	vadd.f32 $0.0e+00, v37;
	v39 =	vadd.f32 v39, v12;
	v31 =	vmul.f32 v31, v9;
	v21 =	vld [tilespmem:s31+$0xFFFFFE50]  }
0x7c: {  	v60 =	vmul.f32 v38, v9;
	v25 =	vadd.f32 v25, v51;
	v51 =	vld [tilespmem:s24+$0xFFFFFF20];
	v13 =	vadd.f32 v13, v48  }
0x7d: {  	v43 =	vmul.f32 v43, v4;
	v31 =	vadd.f32 v31, v33;
	v33 =	vadd.f32 v57, v35;
	v57 =	vld [tilespmem:s24+$0x60]  }
0x7e: {  	v40 =	vadd.f32 $0.0e+00, v40;
	v35 =	vadd.f32 v60, v37;
	v60 =	vld [tilespmem:s24+$0xA0];
	v61 =	vperm.xlane v13, v1  }
0x7f: {  	v43 =	vadd.f32 v43, v12;
	v26 =	vadd.f32 v27, v26;
	v14 =	vmax.f32 v14, $0.0e+00;
	v17 =	vld [tilespmem:s24+$0xFFFFFE50]  }
0x80: {  	v16 =	vmax.f32 v16, $0.0e+00;
	v18 =	vld [tilespmem:s31+$0xFFFFFE90];
	v22 =	vadd.f32 v29, v22;
	v13 =	vadd.f32 v13, v61  }
0x81: {  	v20 =	vmax.f32 v20, $0.0e+00;
	v14 =	vmul.f32 v14, v8;
	v16 =	vmul.f32 v16, v4;
	v15 =	vld [tilespmem:s24+$0xFFFFFE90]  }
0x82: {  	v29 =	vld [tilespmem:s31+$0x10];
	v22 =	vmax.f32 v22, $0.0e+00;
	v19 =	vadd.f32 v19, v23;
	v24 =	vperm.xlane v13, v2  }
0x83: {  	v20 =	vmul.f32 v20, v8;
	v26 =	vmax.f32 v26, $0.0e+00;
	v23 =	vld [tilespmem:s31+$0x50];
	v22 =	vmul.f32 v22, v4  }
0x84: {  	v19 =	vmax.f32 v19, $0.0e+00;
	v17 =	vadd.f32 v17, v21;
	v21 =	vld [tilespmem:s31+$0x90];
	v13 =	vadd.f32 v13, v24  }
0x85: {  	v28 =	vmax.f32 v28, $0.0e+00;
	v48 =	vld [tilespmem:s31+$0xFFFFFF90];
	v22 =	vadd.f32 v22, v12;
	v19 =	vmul.f32 v19, v5  }
0x86: {  	v14 =	vadd.f32 $0.0e+00, v14;
	v15 =	vadd.f32 v15, v18;
	v18 =	vld [tilespmem:s31+$0xD0];
	v27 =	vperm.xlane v13, v3  }
0x87: {  	v16 =	vadd.f32 v16, v12;
	v17 =	vmax.f32 v17, $0.0e+00;
	v19 =	vadd.f32 v19, v22;
	v22 =	vld [tilespmem:s24+$0xD0]  }
0x88: {  	v26 =	vmul.f32 v26, v4;
	v17 =	vmul.f32 v17, v9;
	v13 =	vadd.f32 v13, v27;
	v27 =	vld [tilespmem:s24+$0x90]  }
0x89: {  	v28 =	vmul.f32 v28, v8;
	v25 =	vmax.f32 v25, $0.0e+00;
	v23 =	vadd.f32 v52, v23;
	v52 =	vld [tilespmem:s24+$0xFFFFFF60]  }
0x8a: {  	v20 =	vadd.f32 $0.0e+00, v20;
	v25 =	vmul.f32 v25, v9;
	v17 =	vadd.f32 v17, v30;
	v30 =	vld [tilespmem:s24+$0x110]  }
0x8b: {  	v26 =	vadd.f32 v26, v12;
	v28 =	vadd.f32 $0.0e+00, v28;
	v15 =	vmax.f32 v15, $0.0e+00;
	v61 =	vld [tilespmem:s24+$0xFFFFFE60]  }
0x8c: {  	v25 =	vadd.f32 v25, v40;
	v15 =	vmul.f32 v15, v5;
	v18 =	vadd.f32 v22, v18;
	v24 =	vld [tilespmem:s24+$0x10]  }
0x8d: {  	v41 =	vadd.f32 v50, v48;
	v48 =	vld [tilespmem:s24+$0xFFFFFEA0];
	v21 =	vadd.f32 v27, v21  }
0x8e: {  	v23 =	vmax.f32 v23, $0.0e+00;
	v50 =	vld [tilespmem:s31+$0xFFFFFF20];
	v15 =	vadd.f32 v15, v32;
	v18 =	vmax.f32 v18, $0.0e+00  }
0x8f: {  	v32 =	vadd.f32 v55, v54;
	v54 =	vld [tilespmem:s24+$0xFFFFFFE0];
	v18 =	vmul.f32 v18, v9;
	v21 =	vmax.f32 v21, $0.0e+00  }
0x90: {  	v23 =	vmul.f32 v23, v9;
	v55 =	vld [tilespmem:s24+$0x20];
	v30 =	vadd.f32 v30, v53;
	v21 =	vmul.f32 v21, v5  }
0x91: {  	v22 =	vld [tilespmem:s31+$0xFFFFFFA0];
	v18 =	vadd.f32 v18, v20;
	v20 =	vmax.f32 v32, $0.0e+00;
	v24 =	vadd.f32 v24, v29  }
0x92: {  	v29 =	vld [tilespmem:s31+$0xFFFFFEE0];
	v20 =	vmul.f32 v20, v9;
	v21 =	vadd.f32 v21, v16;
	v16 =	vmax.f32 v30, $0.0e+00  }
0x93: {  	v41 =	vmax.f32 v41, $0.0e+00;
	v14 =	vadd.f32 v23, v14;
	v23 =	vld [tilespmem:s24+$0xFFFFFFA0];
	v16 =	vmul.f32 v16, v5  }
0x94: {  	v63 =	vmul.f32 v41, v5;
	v53 =	vld [tilespmem:s31+$0xFFFFFFE0];
	v58 =	vadd.f32 v48, v62;
	v20 =	vadd.f32 v20, v28  }
0x95: {  	v62 =	vld [tilespmem:s24+$0xE0];
	v28 =	vmax.f32 v34, $0.0e+00;
	v26 =	vadd.f32 v16, v26;
	v16 =	vadd.f32 v61, v59  }
0x96: {  	v37 =	vadd.f32 v63, v39;
	v40 =	vadd.f32 v51, v50;
	v28 =	vmul.f32 v28, v6;
	v27 =	vld [tilespmem:s31+$0xFFFFFF60]  }
0x97: {  	v48 =	vld [tilespmem:s31+$0xFFFFFE30];
	v24 =	vmax.f32 v24, $0.0e+00;
	v29 =	vadd.f32 v49, v29;
	v16 =	vmax.f32 v16, $0.0e+00  }
0x98: {  	v50 =	vld [tilespmem:s24+$0xFFFFFE30];
	v34 =	vmax.f32 v58, $0.0e+00;
	v19 =	vadd.f32 v28, v19;
	v16 =	vmul.f32 v16, v10  }
0x99: {  	v28 =	vmul.f32 v34, v6;
	v49 =	vadd.f32 v57, v56;
	v29 =	vmax.f32 v29, $0.0e+00;
	v30 =	vld [tilespmem:s31+$0x20]  }
0x9a: {  	v51 =	vld [tilespmem:s24+$0xFFFFFE70];
	v63 =	vadd.f32 v16, v17;
	v16 =	vmul.f32 v29, v10;
	v17 =	vmax.f32 v40, $0.0e+00  }
0x9b: {  	v56 =	vld [tilespmem:s31+$0xFFFFFF30];
	v28 =	vadd.f32 v28, v15;
	v15 =	vadd.f32 v52, v27;
	v17 =	vmul.f32 v17, v6  }
0x9c: {  	v24 =	vmul.f32 v24, v5;
	v27 =	vld [tilespmem:s24+$0x120];
	v31 =	vadd.f32 v16, v31;
	v16 =	vadd.f32 v23, v22  }
0x9d: {  	v15 =	vmax.f32 v15, $0.0e+00;
	v59 =	vld [tilespmem:s31+$0xA0];
	v23 =	vadd.f32 v17, v33;
	v17 =	vadd.f32 v54, v53  }
0x9e: {  	v61 =	vld [tilespmem:s31+$0xE0];
	v15 =	vmul.f32 v15, v10;
	v30 =	vadd.f32 v55, v30;
	v16 =	vmax.f32 v16, $0.0e+00  }
0x9f: {  	v24 =	vadd.f32 v24, v43;
	v29 =	vld [tilespmem:s31+$0x120];
	v16 =	vmul.f32 v16, v6;
	v17 =	vmax.f32 v17, $0.0e+00  }
0xa0: {  	v35 =	vadd.f32 v15, v35;
	v22 =	vld [tilespmem:s31+$0x160];
	v15 =	vmul.f32 v17, v10;
	v17 =	vmax.f32 v30, $0.0e+00  }
0xa1: {  	v30 =	vld [tilespmem:s31+$0xFFFFFE70];
	v37 =	vadd.f32 v16, v37;
	v16 =	vmul.f32 v17, v6;
	v17 =	vmax.f32 v49, $0.0e+00  }
0xa2: {  	v54 =	vld [tilespmem:s24+$0xFFFFFEB0];
	v52 =	vadd.f32 v15, v25;
	v15 =	vadd.f32 v60, v59;
	v17 =	vmul.f32 v17, v10  }
0xa3: {  	v25 =	vld [tilespmem:s31+$0xFFFFFEB0];
	v53 =	vadd.f32 v16, v24;
	v24 =	vadd.f32 v62, v61  }
0xa4: {  	v16 =	vadd.f32 v17, v14;
	v14 =	vmax.f32 v15, $0.0e+00;
	v15 =	vadd.f32 v27, v29;
	v27 =	vld [tilespmem:s31+$0xFFFFFEF0]  }
0xa5: {  	v29 =	vld [tilespmem:s24+$0xFFFFFEF0];
	v14 =	vmul.f32 v14, v6;
	v17 =	vmax.f32 v24, $0.0e+00;
	v24 =	vadd.f32 v50, v48  }
0xa6: {  	v57 =	vld [tilespmem:s31+$0xFFFFFFF0];
	v30 =	vadd.f32 v51, v30;
	v55 =	vmul.f32 v17, v10;
	v15 =	vmax.f32 v15, $0.0e+00  }
0xa7: {  	v17 =	vadd.f32 v14, v21;
	v21 =	vadd.f32 v47, v22;
	v15 =	vmul.f32 v15, v6;
	v22 =	vld [tilespmem:s24+$0xFFFFFF30]  }
0xa8: {  	v14 =	vadd.f32 v55, v18;
	v18 =	vmax.f32 v24, $0.0e+00;
	v24 =	vmax.f32 v30, $0.0e+00;
	v30 =	vld [tilespmem:s31+$0xFFFFFF70]  }
0xa9: {  	v15 =	vadd.f32 v15, v26;
	v18 =	vmul.f32 v18, v7;
	v24 =	vmul.f32 v24, v11;
	v26 =	vld [tilespmem:s24+$0xFFFFFF70]  }
0xaa: {  	v25 =	vadd.f32 v54, v25;
	v21 =	vmax.f32 v21, $0.0e+00;
	v27 =	vadd.f32 v29, v27;
	v29 =	vld [tilespmem:s31+$0xFFFFFFB0]  }
0xab: {  	v19 =	vadd.f32 v18, v19;
	v18 =	vmul.f32 v21, v10;
	v21 =	vadd.f32 v24, v63;
	v24 =	vld [tilespmem:s24+$0xFFFFFFB0]  }
0xac: {  	v59 =	vld [tilespmem:s24+$0xB0];
	v25 =	vmax.f32 v25, $0.0e+00;
	v27 =	vmax.f32 v27, $0.0e+00;
	v22 =	vadd.f32 v22, v56  }
0xad: {  	v18 =	vadd.f32 v18, v20;
	v20 =	vmul.f32 v25, v7;
	v25 =	vmul.f32 v27, v11;
	v27 =	vld [tilespmem:s24+$0xFFFFFFF0]  }
0xae: {  	v19 =	vadd.f32 v21, v19;
	v21 =	vmax.f32 v22, $0.0e+00;
	v22 =	vadd.f32 v26, v30;
	v26 =	vld [tilespmem:s31+$0x30]  }
0xaf: {  	v20 =	vadd.f32 v20, v28;
	v25 =	vadd.f32 v25, v31;
	v21 =	vmul.f32 v21, v7;
	v28 =	vld [tilespmem:s24+$0x30]  }
0xb0: {  	v30 =	vperm.xlane v19, v0;
	v22 =	vmax.f32 v22, $0.0e+00;
	v24 =	vadd.f32 v24, v29;
	v29 =	vld [tilespmem:s31+$0x70]  }
0xb1: {  	v31 =	vadd.f32 v25, v20;
	v21 =	vadd.f32 v21, v23;
	v20 =	vmul.f32 v22, v11;
	v22 =	vld [tilespmem:s24+$0x70]  }
0xb2: {  	v19 =	vadd.f32 v19, v30;
	v30 =	vld [tilespmem:s31+$0xB0];
	v23 =	vmax.f32 v24, $0.0e+00;
	v24 =	vadd.f32 v27, v57  }
0xb3: {  	v27 =	vperm.xlane v31, v0;
	v25 =	vadd.f32 v20, v35;
	v58 =	vmul.f32 v23, v7  }
0xb4: {  	v20 =	vperm.xlane v19, v1;
	v23 =	vld [tilespmem:s31+$0xF0];
	v24 =	vmax.f32 v24, $0.0e+00;
	v28 =	vadd.f32 v28, v26  }
0xb5: {  	v26 =	vld [tilespmem:s24+$0xF0];
	v25 =	vadd.f32 v25, v21;
	v60 =	vadd.f32 v58, v37;
	v61 =	vmul.f32 v24, v11  }
0xb6: {  	v21 =	vadd.f32 v31, v27;
	v24 =	vld [tilespmem:s31+$0x130];
	v27 =	vmax.f32 v28, $0.0e+00;
	v28 =	vadd.f32 v22, v29  }
0xb7: {  	v32 =	vadd.f32 v59, v30;
	v29 =	vadd.f32 v61, v52;
	v62 =	vmul.f32 v27, v7;
	v27 =	vld [tilespmem:s24+$0x130]  }
0xb8: {  	s29 =	simm.s32 $0x18980;
	s30 =	simm.s32 $0x0;
	v30 =	vld [tilespmem:s24+$0x170];
	v31 =	vperm.xlane v25, v0;
	v22 =	vperm.xlane v21, v1;
	v63 =	vmax.f32 v28, $0.0e+00  }
0xb9: {  	s28 =	simm.s32 $0x18980;
	s2 =	simm.s32 $0x5500;
	s25 =	simm.s32 $0x18B80;
	[tilespmem:s29+$0x180] =	vst v13;
	v28 =	vld [tilespmem:s31+$0x170];
	v13 =	vadd.f32 v29, v60;
	v29 =	vadd.f32 v62, v53;
	v33 =	vmul.f32 v63, v11  }
.LBB2_3:
0xba: {  	v34 =	vld [tilespmem:s2+$0x1B0];
	v25 =	vadd.f32 v25, v31;
	v31 =	vmax.f32 v32, $0.0e+00;
	v23 =	vadd.f32 v26, v23;
	s24 =	sadd.s32 $0x400, s24  }
0xbb: {  	v26 =	vld [tilespmem:s24+$0x1B0];
	v32 =	vperm.xlane v13, v0;
	v16 =	vadd.f32 v33, v16;
	v31 =	vmul.f32 v31, v7  }
0xbc: {  	v33 =	vld [tilespmem:s2+$0x1F0];
	v35 =	vperm.xlane v25, v1;
	v23 =	vmax.f32 v23, $0.0e+00;
	v24 =	vadd.f32 v27, v24  }
0xbd: {  	v27 =	vld [tilespmem:s24+$0x1F0];
	v16 =	vadd.f32 v16, v29;
	v17 =	vadd.f32 v31, v17;
	v23 =	vmul.f32 v23, v11  }
0xbe: {  	v13 =	vadd.f32 v13, v32;
	v29 =	vld [tilespmem:s2+$0x1A0];
	v24 =	vmax.f32 v24, $0.0e+00;
	v28 =	vadd.f32 v30, v28  }
0xbf: {  	v30 =	vld [tilespmem:s24+$0x1A0];
	v31 =	vperm.xlane v16, v0;
	v14 =	vadd.f32 v23, v14;
	v23 =	vmul.f32 v24, v7  }
0xc0: {  	v19 =	vadd.f32 v19, v20;
	v20 =	vperm.xlane v13, v1;
	v24 =	vld [tilespmem:s2+$0x1E0];
	v28 =	vmax.f32 v28, $0.0e+00  }
0xc1: {  	v32 =	vld [tilespmem:s24+$0x1E0];
	v14 =	vadd.f32 v14, v17;
	v15 =	vadd.f32 v23, v15;
	v17 =	vmul.f32 v28, v11  }
0xc2: {  	v21 =	vadd.f32 v21, v22;
	v28 =	vperm.xlane v19, v2;
	v16 =	vadd.f32 v16, v31;
	v23 =	vld [tilespmem:s2+$0x190]  }
0xc3: {  	v25 =	vadd.f32 v25, v35;
	v22 =	vld [tilespmem:s24+$0x190];
	v31 =	vperm.xlane v14, v0;
	v17 =	vadd.f32 v17, v18  }
0xc4: {  	v13 =	vadd.f32 v13, v20;
	v18 =	vperm.xlane v21, v2;
	v20 =	vperm.xlane v16, v1;
	v35 =	vld [tilespmem:s2+$0x180]  }
0xc5: {  	v37 =	vperm.xlane v25, v2;
	v36 =	vld [tilespmem:s24+$0x180];
	v31 =	vadd.f32 v14, v31;
	v17 =	vadd.f32 v17, v15  }
0xc6: {  	v14 =	vadd.f32 v19, v28;
	v19 =	vperm.xlane v13, v2;
	v20 =	vadd.f32 v16, v20;
	v38 =	vld [tilespmem:s2+$0x1C0]  }
0xc7: {  	s30 =	sadd.s32 $0x8, s30;
	v15 =	vadd.f32 v21, v18;
	v28 =	vld [tilespmem:s24+$0x1C0];
	v21 =	vperm.xlane v31, v1;
	v39 =	vperm.xlane v17, v0  }
0xc8: {  	p0 =	slt.u32 s30, $0x78;
	v16 =	vadd.f32 v25, v37;
	v13 =	vadd.f32 v13, v19;
	v37 =	vperm.xlane v20, v2;
	v40 =	vld [tilespmem:s2+$0x1D0]  }
0xc9: {  	v18 =	vperm.xlane v14, v3;
	v41 =	vld [tilespmem:s24+$0x1D0];
	v25 =	vadd.f32 v31, v21;
	v39 =	vadd.f32 v17, v39  }
0xca: {  	v26 =	vadd.f32 v26, v34;
	v19 =	vperm.xlane v15, v3;
	v17 =	vadd.f32 v20, v37;
	v21 =	vld [tilespmem:s24+$0xFFFFFE00]  }
0xcb: {  	v27 =	vadd.f32 v27, v33;
	v29 =	vadd.f32 v30, v29;
	v31 =	vld [tilespmem:s2+$0xFFFFFE40];
	v33 =	vperm.xlane v39, v1  }
0xcc: {  	v35 =	vadd.f32 v36, v35;
	v30 =	vperm.xlane v25, v2;
	v34 =	vld [tilespmem:s24+$0xFFFFFE40];
	v28 =	vadd.f32 v28, v38  }
0xcd: {  	v22 =	vadd.f32 v22, v23;
	v23 =	vadd.f32 v32, v24;
	v20 =	vperm.xlane v16, v3;
	v36 =	vld [tilespmem:s2+$0xFFFFFE80]  }
0xce: {  	v32 =	vmax.f32 v35, $0.0e+00;
	v24 =	vld [tilespmem:s24+$0xFFFFFE80];
	v28 =	vmax.f32 v28, $0.0e+00;
	v35 =	vadd.f32 v41, v40  }
0xcf: {  	v22 =	vmax.f32 v22, $0.0e+00;
	v32 =	vmul.f32 v32, v4;
	v37 =	vld [tilespmem:s2+$0xFFFFFEC0];
	v28 =	vmul.f32 v28, v8  }
0xd0: {  	v29 =	vmax.f32 v29, $0.0e+00;
	v22 =	vmul.f32 v22, v5;
	v38 =	vld [tilespmem:s24+$0xFFFFFEC0];
	v35 =	vmax.f32 v35, $0.0e+00  }
0xd1: {  	v32 =	vadd.f32 v32, v12;
	v40 =	vld [tilespmem:s2+$0xFFFFFF00];
	v28 =	vadd.f32 $0.0e+00, v28;
	v35 =	vmul.f32 v35, v9  }
0xd2: {  	v26 =	vmax.f32 v26, $0.0e+00;
	v29 =	vmul.f32 v29, v6;
	v23 =	vmax.f32 v23, $0.0e+00;
	v41 =	vld [tilespmem:s24+$0xFFFFFF00]  }
0xd3: {  	v23 =	vmul.f32 v23, v10;
	v22 =	vadd.f32 v22, v32;
	v42 =	vld [tilespmem:s2+$0xFFFFFF40];
	v28 =	vadd.f32 v35, v28  }
0xd4: {  	v26 =	vmul.f32 v26, v7;
	v27 =	vmax.f32 v27, $0.0e+00;
	v31 =	vadd.f32 v34, v31;
	v32 =	vld [tilespmem:s24+$0xFFFFFF40]  }
0xd5: {  	v27 =	vmul.f32 v27, v11;
	v22 =	vadd.f32 v29, v22;
	v34 =	vld [tilespmem:s2+$0xFFFFFF80];
	v23 =	vadd.f32 v23, v28  }
0xd6: {  	v24 =	vadd.f32 v24, v36;
	v28 =	vmax.f32 v31, $0.0e+00;
	v29 =	vadd.f32 v38, v37;
	v31 =	vld [tilespmem:s24+$0xFFFFFF80]  }
0xd7: {  	v22 =	vadd.f32 v26, v22;
	v28 =	vmul.f32 v28, v8;
	v35 =	vld [tilespmem:s2+$0xFFFFFFC0];
	v23 =	vadd.f32 v27, v23  }
0xd8: {  	v24 =	vmax.f32 v24, $0.0e+00;
	v26 =	vmax.f32 v29, $0.0e+00;
	v27 =	vadd.f32 v41, v40;
	v29 =	vld [tilespmem:s24+$0xFFFFFFC0]  }
0xd9: {  	v24 =	vmul.f32 v24, v4;
	v36 =	vadd.f32 v32, v42;
	v37 =	vld [tilespmem:s2+$0x0];
	v22 =	vadd.f32 v23, v22  }
0xda: {  	v32 =	vadd.f32 $0.0e+00, v28;
	v23 =	vmul.f32 v26, v8;
	v26 =	vmax.f32 v27, $0.0e+00;
	v28 =	vld [tilespmem:s24+$0x0]  }
0xdb: {  	v27 =	vmax.f32 v36, $0.0e+00;
	v34 =	vadd.f32 v31, v34;
	v36 =	vld [tilespmem:s2+$0x40];
	v38 =	vperm.xlane v22, v0  }
0xdc: {  	v31 =	vadd.f32 v24, v12;
	v24 =	vmul.f32 v26, v4;
	v26 =	vmul.f32 v27, v8;
	v40 =	vld [tilespmem:s24+$0x40]  }
0xdd: {  	v34 =	vmax.f32 v34, $0.0e+00;
	v35 =	vadd.f32 v29, v35;
	v41 =	vld [tilespmem:s2+$0x80];
	v38 =	vadd.f32 v22, v38  }
0xde: {  	v29 =	vadd.f32 $0.0e+00, v23;
	v27 =	vadd.f32 v24, v12;
	v22 =	vmul.f32 v34, v4;
	v24 =	vld [tilespmem:s24+$0x80]  }
0xdf: {  	v23 =	vmax.f32 v35, $0.0e+00;
	v34 =	vadd.f32 v28, v37;
	v35 =	vld [tilespmem:s2+$0xC0];
	v37 =	vperm.xlane v38, v1  }
0xe0: {  	v28 =	vadd.f32 $0.0e+00, v26;
	v22 =	vadd.f32 v22, v12;
	v23 =	vmul.f32 v23, v8;
	v26 =	vld [tilespmem:s24+$0xC0]  }
0xe1: {  	v34 =	vmax.f32 v34, $0.0e+00;
	v36 =	vadd.f32 v40, v36;
	v40 =	vld [tilespmem:s2+$0x100];
	v37 =	vadd.f32 v38, v37  }
0xe2: {  	v33 =	vadd.f32 v39, v33;
	v23 =	vadd.f32 $0.0e+00, v23;
	v34 =	vmul.f32 v34, v4;
	v38 =	vld [tilespmem:s24+$0x100]  }
0xe3: {  	v36 =	vmax.f32 v36, $0.0e+00;
	v39 =	vadd.f32 v24, v41;
	v41 =	vld [tilespmem:s2+$0x140];
	v42 =	vperm.xlane v37, v2  }
0xe4: {  	v43 =	vperm.xlane v33, v2;
	v24 =	vadd.f32 v34, v12;
	v34 =	vmul.f32 v36, v8;
	v36 =	vld [tilespmem:s24+$0x140]  }
0xe5: {  	v44 =	vld [tilespmem:s2+$0xFFFFFE00];
	v39 =	vmax.f32 v39, $0.0e+00;
	v35 =	vadd.f32 v26, v35;
	v37 =	vadd.f32 v37, v42  }
0xe6: {  	v42 =	vld [tilespmem:s2+$0xFFFFFE10];
	v26 =	vadd.f32 $0.0e+00, v34;
	v34 =	vmul.f32 v39, v4;
	v39 =	vadd.f32 v25, v30  }
0xe7: {  	v30 =	vld [tilespmem:s24+$0xFFFFFE10];
	v35 =	vmax.f32 v35, $0.0e+00;
	v38 =	vadd.f32 v38, v40;
	v40 =	vperm.xlane v37, v3  }
0xe8: {  	v45 =	vld [tilespmem:s2+$0xFFFFFE50];
	v25 =	vadd.f32 v34, v12;
	v34 =	vmul.f32 v35, v8;
	v35 =	vadd.f32 v33, v43  }
0xe9: {  	v43 =	vld [tilespmem:s24+$0xFFFFFE50];
	v33 =	vmax.f32 v38, $0.0e+00;
	v36 =	vadd.f32 v36, v41;
	v37 =	vadd.f32 v37, v40  }
0xea: {  	s29 =	sadd.s32 $0x400, s29;
	v38 =	vadd.f32 v21, v44;
	v40 =	vld [tilespmem:s2+$0xFFFFFE90];
	v21 =	vadd.f32 $0.0e+00, v34;
	v33 =	vmul.f32 v33, v4  }
0xeb: {  	s31 =	simm.s32 $0x0;
	v41 =	vperm.xlane v17, v3;
	v34 =	vld [tilespmem:s24+$0xFFFFFE90];
	v36 =	vmax.f32 v36, $0.0e+00;
	[tilespmem:s29+$0x180] =	vst v37;
	v37 =	vperm.xlane v13, v3  }
0xec: {  	v38 =	vmax.f32 v38, $0.0e+00;
	v30 =	vadd.f32 v30, v42;
	v42 =	vld [tilespmem:s2+$0xFFFFFED0];
	v36 =	vmul.f32 v36, v8  }
0xed: {  	v46 =	vperm.xlane v39, v3;
	v33 =	vadd.f32 v33, v12;
	v38 =	vmul.f32 v38, v4;
	v44 =	vld [tilespmem:s24+$0xFFFFFED0]  }
0xee: {  	v47 =	vmax.f32 v30, $0.0e+00;
	v43 =	vadd.f32 v43, v45;
	v45 =	vld [tilespmem:s2+$0xFFFFFF10];
	v30 =	vadd.f32 $0.0e+00, v36  }
0xef: {  	v48 =	vperm.xlane v35, v3;
	v36 =	vadd.f32 v38, v12;
	v38 =	vmul.f32 v47, v5;
	v47 =	vld [tilespmem:s24+$0xFFFFFF10]  }
0xf0: {  	v14 =	vadd.f32 v14, v18;
	v43 =	vmax.f32 v43, $0.0e+00;
	v34 =	vadd.f32 v34, v40;
	v40 =	vld [tilespmem:s2+$0xFFFFFF50]  }
0xf1: {  	v15 =	vadd.f32 v15, v19;
	v18 =	vadd.f32 v38, v36;
	v36 =	vmul.f32 v43, v9;
	v38 =	vld [tilespmem:s24+$0xFFFFFF50]  }
0xf2: {  	v19 =	vmax.f32 v34, $0.0e+00;
	v34 =	vadd.f32 v44, v42;
	v42 =	vld [tilespmem:s2+$0xFFFFFF90];
	[tilespmem:s28+$0xFFFFFE00] =	vst v14;
	v14 =	vadd.f32 v16, v20  }
0xf3: {  	v13 =	vadd.f32 v13, v37;
	v16 =	vadd.f32 v36, v32;
	v19 =	vmul.f32 v19, v5;
	v20 =	vld [tilespmem:s24+$0xFFFFFF90];
	[tilespmem:s28+$0xFFFFFE80] =	vst v15  }
0xf4: {  	v15 =	vmax.f32 v34, $0.0e+00;
	v32 =	vadd.f32 v47, v45;
	v34 =	vld [tilespmem:s2+$0xFFFFFFD0];
	[tilespmem:s28+$0xFFFFFF00] =	vst v14;
	v14 =	vadd.f32 v17, v41  }
0xf5: {  	v17 =	vadd.f32 v19, v31;
	v15 =	vmul.f32 v15, v9;
	v19 =	vld [tilespmem:s24+$0xFFFFFFD0];
	[tilespmem:s28+$0xFFFFFF80] =	vst v13;
	v13 =	vadd.f32 v39, v46  }
0xf6: {  	v31 =	vmax.f32 v32, $0.0e+00;
	v32 =	vadd.f32 v38, v40;
	v36 =	vld [tilespmem:s2+$0x10];
	[tilespmem:s28+$0x0] =	vst v14;
	v14 =	vadd.f32 v35, v48  }
0xf7: {  	v15 =	vadd.f32 v15, v29;
	v29 =	vmul.f32 v31, v5;
	v31 =	vld [tilespmem:s24+$0x10];
	[tilespmem:s28+$0x80] =	vst v13  }
0xf8: {  	v13 =	vmax.f32 v32, $0.0e+00;
	v20 =	vadd.f32 v20, v42;
	v32 =	vld [tilespmem:s2+$0x50];
	[tilespmem:s28+$0x100] =	vst v14;
	s28 =	smov.u32 s29  }
0xf9: {  	v14 =	vadd.f32 v29, v27;
	v13 =	vmul.f32 v13, v9;
	v27 =	vld [tilespmem:s24+$0x50]  }
0xfa: {  	v20 =	vmax.f32 v20, $0.0e+00;
	v19 =	vadd.f32 v19, v34;
	v29 =	vld [tilespmem:s2+$0x90]  }
0xfb: {  	v13 =	vadd.f32 v13, v28;
	v20 =	vmul.f32 v20, v5;
	v28 =	vld [tilespmem:s24+$0x90]  }
0xfc: {  	v19 =	vmax.f32 v19, $0.0e+00;
	v31 =	vadd.f32 v31, v36;
	v34 =	vld [tilespmem:s2+$0xD0]  }
0xfd: {  	v20 =	vadd.f32 v20, v22;
	v19 =	vmul.f32 v19, v9;
	v22 =	vld [tilespmem:s24+$0xD0]  }
0xfe: {  	v31 =	vmax.f32 v31, $0.0e+00;
	v27 =	vadd.f32 v27, v32;
	v32 =	vld [tilespmem:s2+$0x110]  }
0xff: {  	v19 =	vadd.f32 v19, v23;
	v23 =	vmul.f32 v31, v5;
	v31 =	vld [tilespmem:s24+$0x110]  }
0x100: {  	v27 =	vmax.f32 v27, $0.0e+00;
	v28 =	vadd.f32 v28, v29;
	v29 =	vld [tilespmem:s2+$0x150]  }
0x101: {  	v23 =	vadd.f32 v23, v24;
	v24 =	vmul.f32 v27, v9;
	v27 =	vld [tilespmem:s24+$0x150]  }
0x102: {  	v35 =	vld [tilespmem:s2+$0xFFFFFE20];
	v28 =	vmax.f32 v28, $0.0e+00;
	v22 =	vadd.f32 v22, v34  }
0x103: {  	v34 =	vld [tilespmem:s24+$0xFFFFFE20];
	v24 =	vadd.f32 v24, v26;
	v26 =	vmul.f32 v28, v5  }
0x104: {  	v28 =	vld [tilespmem:s2+$0xFFFFFE60];
	v22 =	vmax.f32 v22, $0.0e+00;
	v31 =	vadd.f32 v31, v32  }
0x105: {  	v32 =	vld [tilespmem:s24+$0xFFFFFE60];
	v25 =	vadd.f32 v26, v25;
	v22 =	vmul.f32 v22, v9  }
0x106: {  	v26 =	vld [tilespmem:s2+$0xFFFFFEA0];
	v31 =	vmax.f32 v31, $0.0e+00;
	v27 =	vadd.f32 v27, v29  }
0x107: {  	v29 =	vld [tilespmem:s24+$0xFFFFFEA0];
	v21 =	vadd.f32 v22, v21;
	v22 =	vmul.f32 v31, v5  }
0x108: {  	v31 =	vadd.f32 v34, v35;
	v34 =	vld [tilespmem:s2+$0xFFFFFEE0];
	v27 =	vmax.f32 v27, $0.0e+00  }
0x109: {  	v35 =	vld [tilespmem:s24+$0xFFFFFEE0];
	v22 =	vadd.f32 v22, v33;
	v27 =	vmul.f32 v27, v9  }
0x10a: {  	v31 =	vmax.f32 v31, $0.0e+00;
	v28 =	vadd.f32 v32, v28;
	v32 =	vld [tilespmem:s2+$0xFFFFFF20]  }
0x10b: {  	v31 =	vmul.f32 v31, v6;
	v33 =	vld [tilespmem:s24+$0xFFFFFF20];
	v27 =	vadd.f32 v27, v30  }
0x10c: {  	v28 =	vmax.f32 v28, $0.0e+00;
	v26 =	vadd.f32 v29, v26;
	v29 =	vld [tilespmem:s2+$0xFFFFFF60]  }
0x10d: {  	v30 =	vadd.f32 v31, v18;
	v18 =	vmul.f32 v28, v10;
	v28 =	vld [tilespmem:s24+$0xFFFFFF60]  }
0x10e: {  	v26 =	vmax.f32 v26, $0.0e+00;
	v31 =	vadd.f32 v35, v34;
	v34 =	vld [tilespmem:s2+$0xFFFFFFA0]  }
0x10f: {  	v35 =	vadd.f32 v18, v16;
	v16 =	vmul.f32 v26, v6;
	v18 =	vld [tilespmem:s24+$0xFFFFFFA0]  }
0x110: {  	v26 =	vmax.f32 v31, $0.0e+00;
	v31 =	vadd.f32 v33, v32;
	v32 =	vld [tilespmem:s2+$0xFFFFFFE0]  }
0x111: {  	v33 =	vadd.f32 v16, v17;
	v16 =	vmul.f32 v26, v10;
	v17 =	vld [tilespmem:s24+$0xFFFFFFE0]  }
0x112: {  	v26 =	vmax.f32 v31, $0.0e+00;
	v28 =	vadd.f32 v28, v29;
	v29 =	vld [tilespmem:s2+$0x20]  }
0x113: {  	v31 =	vadd.f32 v16, v15;
	v15 =	vmul.f32 v26, v6;
	v16 =	vld [tilespmem:s24+$0x20]  }
0x114: {  	v26 =	vmax.f32 v28, $0.0e+00;
	v18 =	vadd.f32 v18, v34;
	v28 =	vld [tilespmem:s2+$0x60]  }
0x115: {  	v34 =	vadd.f32 v15, v14;
	v14 =	vmul.f32 v26, v10;
	v15 =	vld [tilespmem:s24+$0x60]  }
0x116: {  	v18 =	vmax.f32 v18, $0.0e+00;
	v17 =	vadd.f32 v17, v32;
	v26 =	vld [tilespmem:s2+$0xA0]  }
0x117: {  	v13 =	vadd.f32 v14, v13;
	v14 =	vmul.f32 v18, v6;
	v18 =	vld [tilespmem:s24+$0xA0]  }
0x118: {  	v17 =	vmax.f32 v17, $0.0e+00;
	v16 =	vadd.f32 v16, v29;
	v29 =	vld [tilespmem:s2+$0xE0]  }
0x119: {  	v32 =	vadd.f32 v14, v20;
	v14 =	vmul.f32 v17, v10;
	v17 =	vld [tilespmem:s24+$0xE0]  }
0x11a: {  	v16 =	vmax.f32 v16, $0.0e+00;
	v15 =	vadd.f32 v15, v28;
	v20 =	vld [tilespmem:s2+$0x120]  }
0x11b: {  	v28 =	vadd.f32 v14, v19;
	v14 =	vmul.f32 v16, v6;
	v19 =	vld [tilespmem:s24+$0x120]  }
0x11c: {  	v15 =	vmax.f32 v15, $0.0e+00;
	v16 =	vadd.f32 v18, v26;
	v18 =	vld [tilespmem:s2+$0x160]  }
0x11d: {  	v36 =	vadd.f32 v14, v23;
	v14 =	vmul.f32 v15, v10;
	v15 =	vld [tilespmem:s24+$0x160]  }
0x11e: {  	v23 =	vld [tilespmem:s2+$0xFFFFFE30];
	v26 =	vmax.f32 v16, $0.0e+00;
	v17 =	vadd.f32 v17, v29  }
0x11f: {  	v29 =	vld [tilespmem:s24+$0xFFFFFE30];
	v16 =	vadd.f32 v14, v24;
	v14 =	vmul.f32 v26, v6  }
0x120: {  	v24 =	vld [tilespmem:s2+$0xFFFFFE70];
	v26 =	vmax.f32 v17, $0.0e+00;
	v19 =	vadd.f32 v19, v20  }
0x121: {  	v20 =	vld [tilespmem:s24+$0xFFFFFE70];
	v17 =	vadd.f32 v14, v25;
	v14 =	vmul.f32 v26, v10  }
0x122: {  	v25 =	vld [tilespmem:s2+$0xFFFFFEB0];
	v19 =	vmax.f32 v19, $0.0e+00;
	v15 =	vadd.f32 v15, v18  }
0x123: {  	v26 =	vld [tilespmem:s24+$0xFFFFFEB0];
	v14 =	vadd.f32 v14, v21;
	v18 =	vmul.f32 v19, v6  }
0x124: {  	v19 =	vadd.f32 v29, v23;
	v21 =	vld [tilespmem:s2+$0xFFFFFEF0];
	v23 =	vmax.f32 v15, $0.0e+00  }
0x125: {  	v29 =	vld [tilespmem:s24+$0xFFFFFEF0];
	v15 =	vadd.f32 v18, v22;
	v18 =	vmul.f32 v23, v10  }
0x126: {  	v19 =	vmax.f32 v19, $0.0e+00;
	v20 =	vadd.f32 v20, v24;
	v22 =	vld [tilespmem:s2+$0xFFFFFF30]  }
0x127: {  	v19 =	vmul.f32 v19, v7;
	v23 =	vld [tilespmem:s24+$0xFFFFFF30];
	v18 =	vadd.f32 v18, v27  }
0x128: {  	v20 =	vmax.f32 v20, $0.0e+00;
	v24 =	vadd.f32 v26, v25;
	v25 =	vld [tilespmem:s2+$0xFFFFFF70]  }
0x129: {  	v19 =	vadd.f32 v19, v30;
	v20 =	vmul.f32 v20, v11;
	v26 =	vld [tilespmem:s24+$0xFFFFFF70]  }
0x12a: {  	v24 =	vmax.f32 v24, $0.0e+00;
	v21 =	vadd.f32 v29, v21;
	v27 =	vld [tilespmem:s2+$0xFFFFFFB0]  }
0x12b: {  	v20 =	vadd.f32 v20, v35;
	v24 =	vmul.f32 v24, v7;
	v29 =	vld [tilespmem:s24+$0xFFFFFFB0]  }
0x12c: {  	v21 =	vmax.f32 v21, $0.0e+00;
	v22 =	vadd.f32 v23, v22;
	v23 =	vld [tilespmem:s2+$0xFFFFFFF0]  }
0x12d: {  	v19 =	vadd.f32 v20, v19;
	v20 =	vadd.f32 v24, v33;
	v21 =	vmul.f32 v21, v11;
	v24 =	vld [tilespmem:s24+$0xFFFFFFF0]  }
0x12e: {  	v22 =	vmax.f32 v22, $0.0e+00;
	v25 =	vadd.f32 v26, v25;
	v26 =	vld [tilespmem:s2+$0x30]  }
0x12f: {  	v30 =	vperm.xlane v19, v0;
	v21 =	vadd.f32 v21, v31;
	v22 =	vmul.f32 v22, v7;
	v31 =	vld [tilespmem:s24+$0x30]  }
0x130: {  	v25 =	vmax.f32 v25, $0.0e+00;
	v27 =	vadd.f32 v29, v27;
	v29 =	vld [tilespmem:s2+$0x70]  }
0x131: {  	v21 =	vadd.f32 v21, v20;
	v22 =	vadd.f32 v22, v34;
	v20 =	vmul.f32 v25, v11;
	v33 =	vld [tilespmem:s24+$0x70]  }
0x132: {  	v19 =	vadd.f32 v19, v30;
	v25 =	vmax.f32 v27, $0.0e+00;
	v23 =	vadd.f32 v24, v23;
	v30 =	vld [tilespmem:s2+$0xB0]  }
0x133: {  	v24 =	vperm.xlane v21, v0;
	v13 =	vadd.f32 v20, v13;
	v27 =	vmul.f32 v25, v7;
	v34 =	vld [tilespmem:s24+$0xB0]  }
0x134: {  	v20 =	vperm.xlane v19, v1;
	v35 =	vmax.f32 v23, $0.0e+00;
	v31 =	vadd.f32 v31, v26;
	v23 =	vld [tilespmem:s2+$0xF0]  }
.Ltmp0:
0x135: {  	v25 =	vadd.f32 v13, v22;
	v13 =	vadd.f32 v27, v32;
	v22 =	vmul.f32 v35, v11;
	v26 =	vld [tilespmem:s24+$0xF0];
	(pc) =	sbr.rel @p0 .LBB2_3-.Ltmp0, $4  }
0x136: {  	v21 =	vadd.f32 v21, v24;
	v27 =	vmax.f32 v31, $0.0e+00;
	v29 =	vadd.f32 v33, v29;
	v24 =	vld [tilespmem:s2+$0x130]  }
0x137: {  	v31 =	vperm.xlane v25, v0;
	v33 =	vadd.f32 v22, v28;
	v35 =	vmul.f32 v27, v7;
	v27 =	vld [tilespmem:s24+$0x130]  }
0x138: {  	v22 =	vperm.xlane v21, v1;
	v37 =	vmax.f32 v29, $0.0e+00;
	v32 =	vadd.f32 v34, v30;
	v28 =	vld [tilespmem:s2+$0x170]  }
0x139: {  	s2 =	sadd.s32 $0x400, s2;
	v13 =	vadd.f32 v33, v13;
	v29 =	vadd.f32 v35, v36;
	v33 =	vmul.f32 v37, v11;
	v30 =	vld [tilespmem:s24+$0x170]  }
0x13a: {  	_ =	sdelay $0x1  }
0x13b: {  	v25 =	vadd.f32 v25, v31  }
0x13c: {  	v38 =	vmax.f32 v32, $0.0e+00;
	v23 =	vadd.f32 v26, v23;
	v16 =	vadd.f32 v33, v16  }
0x13d: {  	v39 =	vperm.xlane v13, v0;
	v24 =	vadd.f32 v27, v24;
	v40 =	vadd.f32 v30, v28  }
0x13e: {  	v41 =	vmul.f32 v38, v7;
	v23 =	vmax.f32 v23, $0.0e+00;
	v16 =	vadd.f32 v16, v29  }
0x13f: {  	v23 =	vmul.f32 v23, v11;
	v24 =	vmax.f32 v24, $0.0e+00;
	v27 =	vmax.f32 v40, $0.0e+00  }
0x140: {  	v17 =	vadd.f32 v41, v17;
	v24 =	vmul.f32 v24, v7;
	v27 =	vmul.f32 v27, v11  }
0x141: {  	v13 =	vadd.f32 v13, v39;
	v14 =	vadd.f32 v23, v14  }
0x142: {  	v15 =	vadd.f32 v24, v15;
	v18 =	vadd.f32 v27, v18  }
0x143: {  	v42 =	vperm.xlane v25, v1;
	v43 =	vperm.xlane v16, v0;
	v14 =	vadd.f32 v14, v17  }
0x144: {  	v17 =	vadd.f32 v19, v20;
	v19 =	vperm.xlane v13, v1;
	v15 =	vadd.f32 v18, v15  }
0x145: {  	v45 =	vadd.f32 v25, v42;
	v16 =	vadd.f32 v16, v43;
	v20 =	vperm.xlane v14, v0  }
0x146: {  	v44 =	vperm.xlane v17, v2;
	v13 =	vadd.f32 v13, v19;
	v46 =	vperm.xlane v15, v0  }
0x147: {  	v48 =	vperm.xlane v16, v1;
	v18 =	vadd.f32 v21, v22;
	v14 =	vadd.f32 v14, v20  }
0x148: {  	v19 =	vperm.xlane v45, v2;
	v17 =	vadd.f32 v17, v44;
	v15 =	vadd.f32 v15, v46  }
0x149: {  	v16 =	vadd.f32 v16, v48;
	v47 =	vperm.xlane v18, v2;
	v20 =	vperm.xlane v14, v1  }
0x14a: {  	v49 =	vperm.xlane v13, v2;
	v19 =	vadd.f32 v45, v19;
	v23 =	vperm.xlane v15, v1  }
0x14b: {  	v50 =	vperm.xlane v16, v2;
	v18 =	vadd.f32 v18, v47;
	v14 =	vadd.f32 v14, v20  }
0x14c: {  	v53 =	vperm.xlane v19, v3;
	v20 =	vperm.xlane v17, v3;
	v15 =	vadd.f32 v15, v23  }
0x14d: {  	v13 =	vadd.f32 v13, v49;
	v51 =	vperm.xlane v18, v3;
	v52 =	vperm.xlane v14, v2  }
0x14e: {  	v16 =	vadd.f32 v16, v50;
	v17 =	vadd.f32 v17, v20;
	v54 =	vperm.xlane v15, v2  }
0x14f: {  	v20 =	vperm.xlane v13, v3;
	v14 =	vadd.f32 v14, v52;
	v18 =	vadd.f32 v18, v51  }
0x150: {  	v55 =	vperm.xlane v16, v3;
	[tilespmem:s28+$0xFFFFFE00] =	vst v17;
	v17 =	vadd.f32 v19, v53;
	v15 =	vadd.f32 v15, v54  }
0x151: {  	v13 =	vadd.f32 v13, v20;
	v19 =	vperm.xlane v14, v3;
	[tilespmem:s28+$0xFFFFFE80] =	vst v18  }
0x152: {  	v16 =	vadd.f32 v16, v55;
	[tilespmem:s28+$0xFFFFFF00] =	vst v17;
	v18 =	vperm.xlane v15, v3  }
0x153: {  	[tilespmem:s28+$0xFFFFFF80] =	vst v13;
	v13 =	vadd.f32 v14, v19  }
0x154: {  	[tilespmem:s28+$0x0] =	vst v16;
	v14 =	vadd.f32 v15, v18  }
0x155: {  	[tilespmem:s28+$0x80] =	vst v13  }
0x156: {  	[tilespmem:s28+$0x100] =	vst v14  }
0x157: {  	v13 =	vld [tilespmem:s25+$0xFFFFFC00]  }
0x158: {  	v14 =	vld [tilespmem:s25+$0xFFFFFC80]  }
0x159: {  	v15 =	vld [tilespmem:s25+$0xFFFFFD00]  }
0x15a: {  	v16 =	vld [tilespmem:s25+$0xFFFFFD80]  }
0x15b: {  	v17 =	vld [tilespmem:s25+$0xFFFFFE00]  }
0x15c: {  	v18 =	vld [tilespmem:s25+$0xFFFFFE80]  }
0x15d: {  	v19 =	vld [tilespmem:s25+$0xFFFFFF00]  }
0x15e: {  	v20 =	vld [tilespmem:s25+$0xFFFFFF80]  }
0x15f: {  	v56 =	vld [tilespmem:s25+$0x0]  }
0x160: {  	v57 =	vld [tilespmem:s25+$0x80]  }
0x161: {  	v58 =	vld [tilespmem:s25+$0x100]  }
0x162: {  	v59 =	vld [tilespmem:s25+$0x180]  }
0x163: {  	v60 =	vld [tilespmem:s25+$0x200];
	v13 =	vsel vm0, v13, v14  }
0x164: {  	s2 =	simm.s32 $0x19380;
	v61 =	vld [tilespmem:s25+$0x280];
	v13 =	vsel vm1, v13, v15  }
0x165: {  	v62 =	vld [tilespmem:s2+$0xFFFFFE80];
	v13 =	vsel vm2, v13, v16  }
0x166: {  	v14 =	vld [tilespmem:s25+$0x300];
	v13 =	vsel vm3, v13, v17  }
0x167: {  	v16 =	vld [tilespmem:s2+$0xFFFFFC00];
	v13 =	vsel vm4, v13, v18  }
0x168: {  	v17 =	vld [tilespmem:s2+$0xFFFFFC80];
	v13 =	vsel vm5, v13, v19  }
0x169: {  	v18 =	vld [tilespmem:s2+$0xFFFFFD00];
	v13 =	vsel vm6, v13, v20  }
0x16a: {  	v19 =	vld [tilespmem:s2+$0xFFFFFD80];
	v13 =	vsel vm7, v13, v56  }
0x16b: {  	v20 =	vld [tilespmem:s2+$0xFFFFFE00];
	v13 =	vsel vm8, v13, v57  }
0x16c: {  	v15 =	vld [tilespmem:s25+$0x380];
	v13 =	vsel vm9, v13, v58  }
0x16d: {  	v16 =	vsel vm0, v16, v17;
	v17 =	vld [tilespmem:s2+$0xFFFFFF00];
	v13 =	vsel vm10, v13, v59  }
0x16e: {  	v16 =	vsel vm1, v16, v18;
	v18 =	vld [tilespmem:s2+$0xFFFFFF80];
	v13 =	vsel vm11, v13, v60  }
0x16f: {  	v16 =	vsel vm2, v16, v19;
	v19 =	vld [tilespmem:s2+$0x0];
	v13 =	vsel vm12, v13, v61  }
0x170: {  	v16 =	vsel vm3, v16, v20;
	v13 =	vsel vm13, v13, v14  }
0x171: {  	v16 =	vsel vm4, v16, v62;
	v13 =	vsel vm14, v13, v15  }
0x172: {  	v14 =	vsel vm5, v16, v17;
	v15 =	vsub.f32 $0.0e+00, v13  }
0x173: {  	v14 =	vsel vm6, v14, v18  }
0x174: {  	v14 =	vsel vm7, v14, v19;
	v19 =	vmul.f32 $1.442695020e+00, v15;
	_ =	sdelay $0x1  }
0x175: {  	v20 =	vld [tilespmem:s2+$0x80];
	(erf) = vpow2.f32 v19  }
0x176: {  	v63 =	vld [tilespmem:s2+$0x100]  }
0x177: {  	v17 =	vld [tilespmem:s2+$0x180]  }
0x178: {  	v18 =	vld [tilespmem:s2+$0x200]  }
0x179: {  	v13 =	vld [tilespmem:s2+$0x280]  }
0x17a: {  	v16 =	vsel vm8, v14, v20;
	v14 =	vld [tilespmem:s2+$0x300]  }
0x17b: {  	s25 =	simm.s32 $0x19B80;
	v20 =	vsel vm9, v16, v63;
	v15 =	vld [tilespmem:s2+$0x380]  }
0x17c: {  	v16 =	vld [tilespmem:s25+$0xFFFFFC00];
	v20 =	vsel vm10, v20, v17  }
0x17d: {  	s24 =	simm.s32 $0x40;
	s28 =	simm.s32 $0xC0;
	s2 =	simm.s32 $0x80;
	v17 =	vld [tilespmem:s25+$0xFFFFFC80];
	v18 =	vsel vm11, v20, v18  }
.LBB2_5:
0x17e: {  	p0 =	sne.s32 s28, $0x1C0;
	v19 =	vld [tilespmem:s25+$0xFFFFFD00];
	v13 =	vsel vm12, v18, v13;
	v18 =	vpop (erf)  }
0x17f: {  	v20 =	vld [tilespmem:s25+$0xFFFFFD80];
	v13 =	vsel vm13, v13, v14;
	v14 =	vadd.f32 $1.000000000e+00, v18  }
0x180: {  	v18 =	vld [tilespmem:s25+$0xFFFFFE00];
	v13 =	vsel vm14, v13, v15  }
0x181: {  	v15 =	vld [tilespmem:s25+$0xFFFFFE80];
	v13 =	vsub.f32 $0.0e+00, v13;
	(erf) = vrcp.f32 v14  }
0x182: {  	v14 =	vsel vm0, v16, v17;
	v16 =	vld [tilespmem:s25+$0xFFFFFF00]  }
0x183: {  	v14 =	vsel vm1, v14, v19;
	v17 =	vld [tilespmem:s25+$0xFFFFFF80];
	v13 =	vmul.f32 $1.442695020e+00, v13  }
0x184: {  	v14 =	vsel vm2, v14, v20;
	v19 =	vld [tilespmem:s25+$0x0]  }
0x185: {  	v14 =	vsel vm3, v14, v18;
	v18 =	vld [tilespmem:s25+$0x80];
	(erf) = vpow2.f32 v13  }
0x186: {  	v13 =	vsel vm4, v14, v15;
	v15 =	vld [tilespmem:s25+$0x100]  }
0x187: {  	v13 =	vsel vm5, v13, v16;
	v20 =	vld [tilespmem:s25+$0x180]  }
0x188: {  	v13 =	vsel vm6, v13, v17;
	v21 =	vld [tilespmem:s25+$0x200]  }
.Ltmp1:
0x189: {  	s29 =	sshra.s32 s31, $0x2;
	s31 =	smov.u32 s24;
	v14 =	vsel vm7, v13, v19;
	v13 =	vld [tilespmem:s25+$0x280];
	(pc) =	sbr.rel @p0 .LBB2_5-.Ltmp1, $4  }
0x18a: {  	s24 =	smov.u32 s2;
	s2 =	smov.u32 s28;
	s29 =	sadd.s32 s29, s3;
	v16 =	vsel vm8, v14, v18;
	v14 =	vld [tilespmem:s25+$0x300];
	v17 =	vpop (erf)  }
0x18b: {  	v18 =	vsel vm9, v16, v15;
	v15 =	vld [tilespmem:s25+$0x380];
	s25 =	sadd.s32 $0x800, s25;
	[tilespmem:s29+$0x0] =	vst v17  }
0x18c: {  	v16 =	vld [tilespmem:s25+$0xFFFFFC00];
	v18 =	vsel vm10, v18, v20  }
0x18d: {  	s28 =	sadd.s32 $0x40, s28;
	v17 =	vld [tilespmem:s25+$0xFFFFFC80];
	v18 =	vsel vm11, v18, v21  }
0x18e: {  	v19 =	vld [tilespmem:s25+$0xFFFFFD00]  }
0x18f: {  	v20 =	vld [tilespmem:s25+$0xFFFFFD80]  }
0x190: {  	v21 =	vld [tilespmem:s25+$0xFFFFFE00]  }
0x191: {  	v13 =	vsel vm12, v18, v13;
	v18 =	vld [tilespmem:s25+$0xFFFFFE80]  }
0x192: {  	v13 =	vsel vm13, v13, v14;
	v14 =	vsel vm0, v16, v17;
	v16 =	vld [tilespmem:s25+$0xFFFFFF00]  }
0x193: {  	v13 =	vsel vm14, v13, v15;
	v15 =	vld [tilespmem:s25+$0xFFFFFF80];
	v14 =	vsel vm1, v14, v19  }
0x194: {  	v13 =	vsub.f32 $0.0e+00, v13;
	v17 =	vpop (erf);
	v19 =	vld [tilespmem:s25+$0x0];
	v14 =	vsel vm2, v14, v20  }
0x195: {  	v17 =	vadd.f32 $1.000000000e+00, v17;
	v20 =	vld [tilespmem:s25+$0x80];
	v14 =	vsel vm3, v14, v21  }
0x196: {  	v13 =	vmul.f32 $1.442695020e+00, v13;
	v14 =	vsel vm4, v14, v18;
	v18 =	vld [tilespmem:s25+$0x100]  }
0x197: {  	(erf) = vrcp.f32 v17;
	v14 =	vsel vm5, v14, v16;
	v16 =	vld [tilespmem:s25+$0x180]  }
0x198: {  	(erf) = vpow2.f32 v13;
	v13 =	vsel vm6, v14, v15;
	v14 =	vld [tilespmem:s25+$0x200]  }
0x199: {  	v15 =	vld [tilespmem:s25+$0x280];
	v13 =	vsel vm7, v13, v19  }
0x19a: {  	v17 =	vld [tilespmem:s25+$0x300];
	v13 =	vsel vm8, v13, v20  }
0x19b: {  	v13 =	vsel vm9, v13, v18;
	v18 =	vld [tilespmem:s25+$0x380]  }
0x19c: {  	v13 =	vsel vm10, v13, v16  }
0x19d: {  	v13 =	vsel vm11, v13, v14  }
0x19e: {  	v13 =	vsel vm12, v13, v15  }
0x19f: {  	v13 =	vsel vm13, v13, v17  }
0x1a0: {  	v14 =	vpop (erf);
	v13 =	vsel vm14, v13, v18  }
0x1a1: {  	v15 =	vpop (erf);
	v13 =	vsub.f32 $0.0e+00, v13  }
0x1a2: {  	v15 =	vadd.f32 $1.000000000e+00, v15  }
0x1a3: {  	v13 =	vmul.f32 $1.442695020e+00, v13  }
0x1a4: {  	(erf) = vrcp.f32 v15  }
0x1a5: {  	(erf) = vpow2.f32 v13;
	_ =	sdelay $0x7  }
0x1a6: {  	v13 =	vpop (erf)  }
0x1a7: {  	v15 =	vpop (erf)  }
0x1a8: {  	v15 =	vadd.f32 $1.000000000e+00, v15;
	_ =	sdelay $0x1  }
0x1a9: {  	(erf) = vrcp.f32 v15;
	_ =	sdelay $0x5  }
0x1aa: {  	s31 =	sshra.s32 s31, $0x2  }
0x1ab: {  	s24 =	sshra.s32 s24, $0x2;
	s25 =	sadd.s32 s31, s3  }
0x1ac: {  	s2 =	sshra.s32 s2, $0x2;
	s24 =	sadd.s32 s24, s3;
	[tilespmem:s25+$0x0] =	vst v14  }
0x1ad: {  	s2 =	sadd.s32 s2, s3;
	[tilespmem:s24+$0x0] =	vst v13;
	v13 =	vpop (erf)  }
0x1ae: {  	s25 =	sadd.s32 $0x100, s14;
	[tilespmem:s2+$0x0] =	vst v13  }
0x1af: {  	[tilespmem:s16], [sflag:$0x1] =	stream.indirect.gather [hbm4b:s5+s15], $0x80, s25, s15, $0xb8;
	[tilespmem:$0x1C780] =	vst v63  }
0x1b0: {  	s29 =	sadd.s32 $0x2880, s14  }
0x1b1: {  	[tilespmem:s17], [sflag:$0x2] =	stream.indirect.gather [hbm4b:s6+s15], $0x80, s29, s15, $0xb8;
	[tilespmem:$0x1C780] =	vst v63  }
0x1b2: {  	_ =	swait.ge [sflag:s22], $0x4000  }
0x1b3: {  	[sflag:s22] =	ssyncset.done $0x0  }
0x1b4: {  	[sflag:s22] =	ssyncadd.s32 $0xFFFFC000  }
0x1b5: {  	_ =	swait.ge [sflag:s23], $0x4000  }
0x1b6: {  	[sflag:s23] =	ssyncset.done $0x0  }
0x1b7: {  	s31 =	simm.s32 $0xD100;
	[sflag:s23] =	ssyncadd.s32 $0xFFFFC000  }
0x1b8: {  	s14 =	simm.s32 $0x11100;
	v13 =	vld [tilespmem:s31+$0x1B0]  }
0x1b9: {  	v14 =	vld [tilespmem:s14+$0x1B0]  }
0x1ba: {  	v15 =	vld [tilespmem:s31+$0x1F0]  }
0x1bb: {  	v16 =	vld [tilespmem:s14+$0x1F0]  }
0x1bc: {  	v17 =	vld [tilespmem:s31+$0x1A0]  }
0x1bd: {  	v18 =	vld [tilespmem:s14+$0x1A0]  }
0x1be: {  	v19 =	vld [tilespmem:s31+$0x1E0]  }
0x1bf: {  	v20 =	vld [tilespmem:s14+$0x1E0]  }
0x1c0: {  	v21 =	vld [tilespmem:s31+$0x190]  }
0x1c1: {  	v22 =	vld [tilespmem:s14+$0x190]  }
0x1c2: {  	v23 =	vld [tilespmem:s31+$0x180]  }
0x1c3: {  	v24 =	vld [tilespmem:s14+$0x180]  }
0x1c4: {  	v25 =	vld [tilespmem:s31+$0x1C0]  }
0x1c5: {  	v26 =	vld [tilespmem:s14+$0x1C0]  }
0x1c6: {  	v27 =	vld [tilespmem:s31+$0x1D0]  }
0x1c7: {  	v28 =	vld [tilespmem:s14+$0x1D0]  }
0x1c8: {  	v29 =	vld [tilespmem:s14+$0xFFFFFE00]  }
0x1c9: {  	v30 =	vld [tilespmem:s31+$0xFFFFFE40]  }
0x1ca: {  	v31 =	vld [tilespmem:s14+$0xFFFFFE40]  }
0x1cb: {  	v32 =	vld [tilespmem:s31+$0xFFFFFE80]  }
0x1cc: {  	v33 =	vld [tilespmem:s14+$0xFFFFFE80]  }
0x1cd: {  	v34 =	vld [tilespmem:s31+$0xFFFFFEC0]  }
0x1ce: {  	v35 =	vld [tilespmem:s14+$0xFFFFFEC0]  }
0x1cf: {  	v36 =	vld [tilespmem:s31+$0xFFFFFF00]  }
0x1d0: {  	v37 =	vld [tilespmem:s14+$0xFFFFFF00]  }
0x1d1: {  	v38 =	vld [tilespmem:s31+$0xFFFFFF40]  }
0x1d2: {  	v39 =	vld [tilespmem:s14+$0xFFFFFF40]  }
0x1d3: {  	v40 =	vld [tilespmem:s31+$0xFFFFFF80]  }
0x1d4: {  	v41 =	vld [tilespmem:s14+$0xFFFFFF80]  }
0x1d5: {  	v42 =	vld [tilespmem:s31+$0xFFFFFFC0]  }
0x1d6: {  	v43 =	vld [tilespmem:s14+$0xFFFFFFC0]  }
0x1d7: {  	v44 =	vld [tilespmem:s31+$0x0]  }
0x1d8: {  	v45 =	vld [tilespmem:s14+$0x0]  }
0x1d9: {  	v46 =	vld [tilespmem:s31+$0x40]  }
0x1da: {  	v47 =	vld [tilespmem:s14+$0x140]  }
0x1db: {  	v49 =	vld [tilespmem:s14+$0xFFFFFED0]  }
0x1dc: {  	v54 =	vld [tilespmem:s31+$0xFFFFFF10]  }
0x1dd: {  	v56 =	vld [tilespmem:s14+$0xFFFFFF10]  }
0x1de: {  	v58 =	vld [tilespmem:s31+$0xFFFFFF50];
	v13 =	vadd.f32 v14, v13;
	v17 =	vadd.f32 v18, v17  }
0x1df: {  	v62 =	vld [tilespmem:s14+$0xFFFFFF50];
	v15 =	vadd.f32 v16, v15;
	v18 =	vadd.f32 v24, v23  }
0x1e0: {  	v50 =	vld [tilespmem:s14+$0xFFFFFF90];
	v23 =	vadd.f32 v26, v25;
	v21 =	vadd.f32 v22, v21  }
0x1e1: {  	v51 =	vld [tilespmem:s31+$0xFFFFFFD0];
	v19 =	vadd.f32 v20, v19;
	v30 =	vadd.f32 v31, v30  }
0x1e2: {  	v52 =	vld [tilespmem:s14+$0x50];
	v32 =	vadd.f32 v33, v32;
	v53 =	vadd.f32 v35, v34  }
0x1e3: {  	v14 =	vld [tilespmem:s14+$0x40];
	v55 =	vadd.f32 v37, v36;
	v57 =	vadd.f32 v39, v38  }
0x1e4: {  	v16 =	vld [tilespmem:s31+$0x80];
	v59 =	vadd.f32 v41, v40;
	v60 =	vadd.f32 v43, v42  }
0x1e5: {  	v24 =	vld [tilespmem:s14+$0x80];
	v63 =	vadd.f32 v45, v44;
	v34 =	vadd.f32 v56, v54  }
0x1e6: {  	v20 =	vld [tilespmem:s31+$0xC0];
	v38 =	vadd.f32 v62, v58;
	v18 =	vmax.f32 v18, $0.0e+00;
	v22 =	vmax.f32 v23, $0.0e+00  }
0x1e7: {  	v25 =	vld [tilespmem:s14+$0xC0];
	v23 =	vadd.f32 v28, v27;
	v21 =	vmax.f32 v21, $0.0e+00;
	v17 =	vmax.f32 v17, $0.0e+00  }
0x1e8: {  	v26 =	vld [tilespmem:s31+$0x100];
	v19 =	vmax.f32 v19, $0.0e+00;
	v13 =	vmax.f32 v13, $0.0e+00;
	v15 =	vmax.f32 v15, $0.0e+00  }
0x1e9: {  	v31 =	vld [tilespmem:s31+$0xFFFFFED0];
	v30 =	vmax.f32 v30, $0.0e+00;
	v32 =	vmax.f32 v32, $0.0e+00;
	v33 =	vmax.f32 v53, $0.0e+00  }
0x1ea: {  	v54 =	vld [tilespmem:s31+$0x150];
	v35 =	vmax.f32 v55, $0.0e+00;
	v37 =	vmax.f32 v57, $0.0e+00;
	v39 =	vmax.f32 v59, $0.0e+00  }
0x1eb: {  	v56 =	vld [tilespmem:s31+$0xFFFFFE20];
	v40 =	vmax.f32 v60, $0.0e+00;
	v43 =	vmax.f32 v63, $0.0e+00;
	v18 =	vmul.f32 v18, v4  }
0x1ec: {  	v58 =	vld [tilespmem:s14+$0xFFFFFE20];
	v34 =	vmax.f32 v34, $0.0e+00;
	v22 =	vmul.f32 v22, v8;
	v21 =	vmul.f32 v21, v5  }
0x1ed: {  	v62 =	vld [tilespmem:s31+$0xFFFFFEA0];
	v17 =	vmul.f32 v17, v6;
	v19 =	vmul.f32 v19, v10;
	v23 =	vmax.f32 v23, $0.0e+00  }
0x1ee: {  	v27 =	vld [tilespmem:s14+$0x100];
	v18 =	vadd.f32 v18, v12;
	v22 =	vadd.f32 $0.0e+00, v22;
	v23 =	vmul.f32 v23, v9  }
0x1ef: {  	v28 =	vld [tilespmem:s31+$0x140];
	v38 =	vmax.f32 v38, $0.0e+00;
	v13 =	vmul.f32 v13, v7;
	v30 =	vmul.f32 v30, v8  }
0x1f0: {  	v53 =	vld [tilespmem:s31+$0x110];
	v15 =	vmul.f32 v15, v11;
	v18 =	vadd.f32 v21, v18;
	v21 =	vadd.f32 v23, v22  }
0x1f1: {  	v55 =	vld [tilespmem:s14+$0x150];
	v32 =	vmul.f32 v32, v4;
	v33 =	vmul.f32 v33, v8;
	v30 =	vadd.f32 $0.0e+00, v30  }
0x1f2: {  	v59 =	vld [tilespmem:s31+$0xFFFFFE60];
	v35 =	vmul.f32 v35, v4;
	v17 =	vadd.f32 v17, v18;
	v18 =	vadd.f32 v19, v21  }
0x1f3: {  	v37 =	vmul.f32 v37, v8;
	v20 =	vadd.f32 v25, v20;
	v25 =	vld [tilespmem:s14+$0xFFFFFFD0];
	v31 =	vadd.f32 v49, v31  }
0x1f4: {  	v39 =	vmul.f32 v39, v4;
	v49 =	vld [tilespmem:s14+$0xFFFFFEE0];
	v13 =	vadd.f32 v13, v17;
	v15 =	vadd.f32 v15, v18  }
0x1f5: {  	v57 =	vmul.f32 v34, v5;
	v32 =	vadd.f32 v32, v12;
	v34 =	vadd.f32 v58, v56;
	v56 =	vld [tilespmem:s31+$0x60]  }
0x1f6: {  	v40 =	vmul.f32 v40, v8;
	v14 =	vadd.f32 v14, v46;
	v22 =	vld [tilespmem:s31+$0xFFFFFE00];
	v13 =	vadd.f32 v15, v13  }
0x1f7: {  	v43 =	vmul.f32 v43, v4;
	v16 =	vadd.f32 v24, v16;
	v33 =	vadd.f32 $0.0e+00, v33;
	v23 =	vld [tilespmem:s31+$0xFFFFFE10]  }
0x1f8: {  	v35 =	vadd.f32 v35, v12;
	v28 =	vadd.f32 v47, v28;
	v47 =	vld [tilespmem:s14+$0x160];
	v48 =	vperm.xlane v13, v0  }
0x1f9: {  	v37 =	vadd.f32 $0.0e+00, v37;
	v39 =	vadd.f32 v39, v12;
	v31 =	vmax.f32 v31, $0.0e+00;
	v19 =	vld [tilespmem:s14+$0xFFFFFE10]  }
0x1fa: {  	v40 =	vadd.f32 $0.0e+00, v40;
	v31 =	vmul.f32 v31, v9;
	v21 =	vld [tilespmem:s31+$0xFFFFFE50];
	v13 =	vadd.f32 v13, v48  }
0x1fb: {  	v60 =	vmul.f32 v38, v9;
	v26 =	vadd.f32 v27, v26;
	v25 =	vadd.f32 v25, v51;
	v51 =	vld [tilespmem:s14+$0xFFFFFF20]  }
0x1fc: {  	v31 =	vadd.f32 v31, v33;
	v33 =	vadd.f32 v57, v35;
	v57 =	vld [tilespmem:s14+$0x60];
	v61 =	vperm.xlane v13, v1  }
0x1fd: {  	v14 =	vmax.f32 v14, $0.0e+00;
	v16 =	vmax.f32 v16, $0.0e+00;
	v35 =	vadd.f32 v60, v37;
	v60 =	vld [tilespmem:s14+$0xA0]  }
0x1fe: {  	v20 =	vmax.f32 v20, $0.0e+00;
	v14 =	vmul.f32 v14, v8;
	v17 =	vld [tilespmem:s14+$0xFFFFFE50];
	v13 =	vadd.f32 v13, v61  }
0x1ff: {  	v43 =	vadd.f32 v43, v12;
	v16 =	vmul.f32 v16, v4;
	v20 =	vmul.f32 v20, v8;
	v18 =	vld [tilespmem:s31+$0xFFFFFE90]  }
0x200: {  	v26 =	vmax.f32 v26, $0.0e+00;
	v22 =	vadd.f32 v29, v22;
	v15 =	vld [tilespmem:s14+$0xFFFFFE90];
	v24 =	vperm.xlane v13, v2  }
0x201: {  	v28 =	vmax.f32 v28, $0.0e+00;
	v14 =	vadd.f32 $0.0e+00, v14;
	v16 =	vadd.f32 v16, v12;
	v29 =	vld [tilespmem:s31+$0x10]  }
0x202: {  	v22 =	vmax.f32 v22, $0.0e+00;
	v19 =	vadd.f32 v19, v23;
	v23 =	vld [tilespmem:s31+$0x50];
	v13 =	vadd.f32 v13, v24  }
0x203: {  	v20 =	vadd.f32 $0.0e+00, v20;
	v22 =	vmul.f32 v22, v4;
	v17 =	vadd.f32 v17, v21;
	v21 =	vld [tilespmem:s31+$0x90]  }
0x204: {  	v26 =	vmul.f32 v26, v4;
	v19 =	vmax.f32 v19, $0.0e+00;
	v48 =	vld [tilespmem:s31+$0xFFFFFF90];
	v27 =	vperm.xlane v13, v3  }
0x205: {  	v22 =	vadd.f32 v22, v12;
	v19 =	vmul.f32 v19, v5;
	v15 =	vadd.f32 v15, v18;
	v18 =	vld [tilespmem:s31+$0xD0]  }
0x206: {  	v28 =	vmul.f32 v28, v8;
	v17 =	vmax.f32 v17, $0.0e+00;
	v13 =	vadd.f32 v13, v27;
	v27 =	vld [tilespmem:s14+$0x90]  }
0x207: {  	v26 =	vadd.f32 v26, v12;
	v19 =	vadd.f32 v19, v22;
	v17 =	vmul.f32 v17, v9;
	v22 =	vld [tilespmem:s14+$0xD0]  }
0x208: {  	v25 =	vmax.f32 v25, $0.0e+00;
	v28 =	vadd.f32 $0.0e+00, v28;
	v23 =	vadd.f32 v52, v23;
	v52 =	vld [tilespmem:s14+$0xFFFFFF60]  }
0x209: {  	v25 =	vmul.f32 v25, v9;
	v15 =	vmax.f32 v15, $0.0e+00;
	v17 =	vadd.f32 v17, v30;
	v30 =	vld [tilespmem:s14+$0x110]  }
0x20a: {  	v15 =	vmul.f32 v15, v5;
	v61 =	vld [tilespmem:s14+$0xFFFFFE60];
	v23 =	vmax.f32 v23, $0.0e+00;
	v41 =	vadd.f32 v50, v48  }
0x20b: {  	v25 =	vadd.f32 v25, v40;
	v23 =	vmul.f32 v23, v9;
	v24 =	vld [tilespmem:s14+$0x10];
	v21 =	vadd.f32 v27, v21  }
0x20c: {  	v48 =	vld [tilespmem:s14+$0xFFFFFEA0];
	v15 =	vadd.f32 v15, v32;
	v41 =	vmax.f32 v41, $0.0e+00;
	v18 =	vadd.f32 v22, v18  }
0x20d: {  	v50 =	vld [tilespmem:s31+$0xFFFFFF20];
	v32 =	vadd.f32 v55, v54;
	v63 =	vmul.f32 v41, v5;
	v21 =	vmax.f32 v21, $0.0e+00  }
0x20e: {  	v54 =	vld [tilespmem:s14+$0xFFFFFFE0];
	v18 =	vmax.f32 v18, $0.0e+00;
	v30 =	vadd.f32 v30, v53;
	v21 =	vmul.f32 v21, v5  }
0x20f: {  	v55 =	vld [tilespmem:s14+$0x20];
	v14 =	vadd.f32 v23, v14;
	v37 =	vadd.f32 v63, v39;
	v18 =	vmul.f32 v18, v9  }
0x210: {  	v24 =	vadd.f32 v24, v29;
	v29 =	vld [tilespmem:s31+$0xFFFFFEE0];
	v21 =	vadd.f32 v21, v16;
	v16 =	vmax.f32 v30, $0.0e+00  }
0x211: {  	v22 =	vld [tilespmem:s31+$0xFFFFFFA0];
	v18 =	vadd.f32 v18, v20;
	v20 =	vmax.f32 v32, $0.0e+00;
	v16 =	vmul.f32 v16, v5  }
0x212: {  	v23 =	vld [tilespmem:s14+$0xFFFFFFA0];
	v58 =	vadd.f32 v48, v62;
	v40 =	vadd.f32 v51, v50;
	v20 =	vmul.f32 v20, v9  }
0x213: {  	v53 =	vld [tilespmem:s31+$0xFFFFFFE0];
	v24 =	vmax.f32 v24, $0.0e+00;
	v26 =	vadd.f32 v16, v26;
	v16 =	vadd.f32 v61, v59  }
0x214: {  	v20 =	vadd.f32 v20, v28;
	v28 =	vmax.f32 v34, $0.0e+00;
	v24 =	vmul.f32 v24, v5;
	v27 =	vld [tilespmem:s31+$0xFFFFFF60]  }
0x215: {  	v62 =	vld [tilespmem:s14+$0xE0];
	v28 =	vmul.f32 v28, v6;
	v29 =	vadd.f32 v49, v29;
	v16 =	vmax.f32 v16, $0.0e+00  }
0x216: {  	v48 =	vld [tilespmem:s31+$0xFFFFFE30];
	v34 =	vmax.f32 v58, $0.0e+00;
	v24 =	vadd.f32 v24, v43;
	v16 =	vmul.f32 v16, v10  }
0x217: {  	v19 =	vadd.f32 v28, v19;
	v28 =	vmul.f32 v34, v6;
	v29 =	vmax.f32 v29, $0.0e+00;
	v30 =	vld [tilespmem:s31+$0x20]  }
0x218: {  	v50 =	vld [tilespmem:s14+$0xFFFFFE30];
	v63 =	vadd.f32 v16, v17;
	v16 =	vmul.f32 v29, v10;
	v17 =	vmax.f32 v40, $0.0e+00  }
0x219: {  	v51 =	vld [tilespmem:s14+$0xFFFFFE70];
	v28 =	vadd.f32 v28, v15;
	v15 =	vadd.f32 v52, v27;
	v17 =	vmul.f32 v17, v6  }
0x21a: {  	v27 =	vld [tilespmem:s14+$0x120];
	v31 =	vadd.f32 v16, v31;
	v16 =	vadd.f32 v23, v22  }
0x21b: {  	v15 =	vmax.f32 v15, $0.0e+00;
	v59 =	vld [tilespmem:s31+$0xA0];
	v23 =	vadd.f32 v17, v33;
	v17 =	vadd.f32 v54, v53  }
0x21c: {  	v61 =	vld [tilespmem:s31+$0xE0];
	v15 =	vmul.f32 v15, v10;
	v30 =	vadd.f32 v55, v30;
	v16 =	vmax.f32 v16, $0.0e+00  }
0x21d: {  	v49 =	vadd.f32 v57, v56;
	v29 =	vld [tilespmem:s31+$0x120];
	v16 =	vmul.f32 v16, v6;
	v17 =	vmax.f32 v17, $0.0e+00  }
0x21e: {  	v35 =	vadd.f32 v15, v35;
	v22 =	vld [tilespmem:s31+$0x160];
	v15 =	vmul.f32 v17, v10;
	v17 =	vmax.f32 v30, $0.0e+00  }
0x21f: {  	v30 =	vld [tilespmem:s31+$0xFFFFFE70];
	v37 =	vadd.f32 v16, v37;
	v16 =	vmul.f32 v17, v6;
	v17 =	vmax.f32 v49, $0.0e+00  }
0x220: {  	v54 =	vld [tilespmem:s14+$0xFFFFFEB0];
	v52 =	vadd.f32 v15, v25;
	v15 =	vadd.f32 v60, v59;
	v17 =	vmul.f32 v17, v10  }
0x221: {  	v25 =	vld [tilespmem:s31+$0xFFFFFEB0];
	v53 =	vadd.f32 v16, v24;
	v24 =	vadd.f32 v62, v61  }
0x222: {  	v16 =	vadd.f32 v17, v14;
	v14 =	vmax.f32 v15, $0.0e+00;
	v15 =	vadd.f32 v27, v29;
	v27 =	vld [tilespmem:s31+$0xFFFFFEF0]  }
0x223: {  	v29 =	vld [tilespmem:s14+$0xFFFFFEF0];
	v14 =	vmul.f32 v14, v6;
	v17 =	vmax.f32 v24, $0.0e+00;
	v24 =	vadd.f32 v50, v48  }
0x224: {  	v56 =	vld [tilespmem:s31+$0xFFFFFF30];
	v30 =	vadd.f32 v51, v30;
	v55 =	vmul.f32 v17, v10;
	v15 =	vmax.f32 v15, $0.0e+00  }
0x225: {  	v17 =	vadd.f32 v14, v21;
	v21 =	vadd.f32 v47, v22;
	v15 =	vmul.f32 v15, v6;
	v22 =	vld [tilespmem:s14+$0xFFFFFF30]  }
0x226: {  	v14 =	vadd.f32 v55, v18;
	v18 =	vmax.f32 v24, $0.0e+00;
	v24 =	vmax.f32 v30, $0.0e+00;
	v30 =	vld [tilespmem:s31+$0xFFFFFF70]  }
0x227: {  	v15 =	vadd.f32 v15, v26;
	v18 =	vmul.f32 v18, v7;
	v24 =	vmul.f32 v24, v11;
	v26 =	vld [tilespmem:s14+$0xFFFFFF70]  }
0x228: {  	v25 =	vadd.f32 v54, v25;
	v21 =	vmax.f32 v21, $0.0e+00;
	v27 =	vadd.f32 v29, v27;
	v29 =	vld [tilespmem:s31+$0xFFFFFFB0]  }
0x229: {  	v19 =	vadd.f32 v18, v19;
	v18 =	vmul.f32 v21, v10;
	v21 =	vadd.f32 v24, v63;
	v24 =	vld [tilespmem:s14+$0xFFFFFFB0]  }
0x22a: {  	v57 =	vld [tilespmem:s31+$0xFFFFFFF0];
	v25 =	vmax.f32 v25, $0.0e+00;
	v27 =	vmax.f32 v27, $0.0e+00;
	v22 =	vadd.f32 v22, v56  }
0x22b: {  	v18 =	vadd.f32 v18, v20;
	v20 =	vmul.f32 v25, v7;
	v25 =	vmul.f32 v27, v11;
	v27 =	vld [tilespmem:s14+$0xFFFFFFF0]  }
0x22c: {  	v19 =	vadd.f32 v21, v19;
	v21 =	vmax.f32 v22, $0.0e+00;
	v22 =	vadd.f32 v26, v30;
	v26 =	vld [tilespmem:s31+$0x30]  }
0x22d: {  	v20 =	vadd.f32 v20, v28;
	v25 =	vadd.f32 v25, v31;
	v21 =	vmul.f32 v21, v7;
	v28 =	vld [tilespmem:s14+$0x30]  }
0x22e: {  	v30 =	vperm.xlane v19, v0;
	v22 =	vmax.f32 v22, $0.0e+00;
	v24 =	vadd.f32 v24, v29;
	v29 =	vld [tilespmem:s31+$0x70]  }
0x22f: {  	v31 =	vadd.f32 v25, v20;
	v21 =	vadd.f32 v21, v23;
	v20 =	vmul.f32 v22, v11;
	v22 =	vld [tilespmem:s14+$0x70]  }
0x230: {  	v59 =	vld [tilespmem:s14+$0xB0];
	v19 =	vadd.f32 v19, v30;
	v23 =	vmax.f32 v24, $0.0e+00;
	v24 =	vadd.f32 v27, v57  }
0x231: {  	v27 =	vld [tilespmem:s31+$0xB0];
	v30 =	vperm.xlane v31, v0;
	v25 =	vadd.f32 v20, v35;
	v58 =	vmul.f32 v23, v7  }
0x232: {  	v20 =	vperm.xlane v19, v1;
	v23 =	vld [tilespmem:s31+$0xF0];
	v24 =	vmax.f32 v24, $0.0e+00;
	v28 =	vadd.f32 v28, v26  }
0x233: {  	v26 =	vld [tilespmem:s14+$0xF0];
	v25 =	vadd.f32 v25, v21;
	v60 =	vadd.f32 v58, v37;
	v61 =	vmul.f32 v24, v11  }
0x234: {  	v21 =	vadd.f32 v31, v30;
	v24 =	vld [tilespmem:s31+$0x130];
	v28 =	vmax.f32 v28, $0.0e+00;
	v29 =	vadd.f32 v22, v29  }
0x235: {  	v31 =	vperm.xlane v25, v0;
	v30 =	vadd.f32 v61, v52;
	v62 =	vmul.f32 v28, v7;
	v28 =	vld [tilespmem:s14+$0x130]  }
0x236: {  	s25 =	simm.s32 $0x18980;
	v22 =	vperm.xlane v21, v1;
	v32 =	vadd.f32 v59, v27;
	v27 =	vld [tilespmem:s31+$0x170];
	v63 =	vmax.f32 v29, $0.0e+00  }
0x237: {  	s28 =	simm.s32 $0x0;
	s30 =	simm.s32 $0xD500;
	s24 =	simm.s32 $0x18980;
	[tilespmem:s25+$0x180] =	vst v13;
	v13 =	vadd.f32 v30, v60;
	v29 =	vadd.f32 v62, v53;
	v33 =	vmul.f32 v63, v11;
	v30 =	vld [tilespmem:s14+$0x170]  }
.LBB2_7:
0x238: {  	v34 =	vld [tilespmem:s30+$0x1B0];
	v25 =	vadd.f32 v25, v31;
	v31 =	vmax.f32 v32, $0.0e+00;
	v23 =	vadd.f32 v26, v23;
	s14 =	sadd.s32 $0x400, s14  }
0x239: {  	v26 =	vld [tilespmem:s14+$0x1B0];
	v32 =	vperm.xlane v13, v0;
	v16 =	vadd.f32 v33, v16;
	v31 =	vmul.f32 v31, v7  }
0x23a: {  	v33 =	vld [tilespmem:s30+$0x1F0];
	v35 =	vperm.xlane v25, v1;
	v23 =	vmax.f32 v23, $0.0e+00;
	v24 =	vadd.f32 v28, v24  }
0x23b: {  	v28 =	vld [tilespmem:s14+$0x1F0];
	v16 =	vadd.f32 v16, v29;
	v17 =	vadd.f32 v31, v17;
	v23 =	vmul.f32 v23, v11  }
0x23c: {  	v13 =	vadd.f32 v13, v32;
	v29 =	vld [tilespmem:s30+$0x1A0];
	v24 =	vmax.f32 v24, $0.0e+00;
	v27 =	vadd.f32 v30, v27  }
0x23d: {  	v30 =	vld [tilespmem:s14+$0x1A0];
	v31 =	vperm.xlane v16, v0;
	v14 =	vadd.f32 v23, v14;
	v23 =	vmul.f32 v24, v7  }
0x23e: {  	v19 =	vadd.f32 v19, v20;
	v20 =	vperm.xlane v13, v1;
	v24 =	vld [tilespmem:s30+$0x1E0];
	v27 =	vmax.f32 v27, $0.0e+00  }
0x23f: {  	v32 =	vld [tilespmem:s14+$0x1E0];
	v14 =	vadd.f32 v14, v17;
	v15 =	vadd.f32 v23, v15;
	v17 =	vmul.f32 v27, v11  }
0x240: {  	v21 =	vadd.f32 v21, v22;
	v27 =	vperm.xlane v19, v2;
	v16 =	vadd.f32 v16, v31;
	v23 =	vld [tilespmem:s30+$0x190]  }
0x241: {  	v25 =	vadd.f32 v25, v35;
	v22 =	vld [tilespmem:s14+$0x190];
	v31 =	vperm.xlane v14, v0;
	v17 =	vadd.f32 v17, v18  }
0x242: {  	v13 =	vadd.f32 v13, v20;
	v18 =	vperm.xlane v21, v2;
	v20 =	vperm.xlane v16, v1;
	v35 =	vld [tilespmem:s30+$0x180]  }
0x243: {  	v37 =	vperm.xlane v25, v2;
	v36 =	vld [tilespmem:s14+$0x180];
	v31 =	vadd.f32 v14, v31;
	v17 =	vadd.f32 v17, v15  }
0x244: {  	v14 =	vadd.f32 v19, v27;
	v19 =	vperm.xlane v13, v2;
	v20 =	vadd.f32 v16, v20;
	v38 =	vld [tilespmem:s30+$0x1C0]  }
0x245: {  	s28 =	sadd.s32 $0x8, s28;
	v15 =	vadd.f32 v21, v18;
	v27 =	vld [tilespmem:s14+$0x1C0];
	v21 =	vperm.xlane v31, v1;
	v39 =	vperm.xlane v17, v0  }
0x246: {  	p0 =	slt.u32 s28, $0x78;
	v16 =	vadd.f32 v25, v37;
	v13 =	vadd.f32 v13, v19;
	v37 =	vperm.xlane v20, v2;
	v40 =	vld [tilespmem:s30+$0x1D0]  }
0x247: {  	v18 =	vperm.xlane v14, v3;
	v41 =	vld [tilespmem:s14+$0x1D0];
	v25 =	vadd.f32 v31, v21;
	v39 =	vadd.f32 v17, v39  }
0x248: {  	v26 =	vadd.f32 v26, v34;
	v19 =	vperm.xlane v15, v3;
	v17 =	vadd.f32 v20, v37;
	v21 =	vld [tilespmem:s14+$0xFFFFFE00]  }
0x249: {  	v28 =	vadd.f32 v28, v33;
	v29 =	vadd.f32 v30, v29;
	v34 =	vld [tilespmem:s30+$0xFFFFFE40];
	v33 =	vperm.xlane v39, v1  }
0x24a: {  	v35 =	vadd.f32 v36, v35;
	v31 =	vperm.xlane v25, v2;
	v30 =	vld [tilespmem:s14+$0xFFFFFE40];
	v27 =	vadd.f32 v27, v38  }
0x24b: {  	v22 =	vadd.f32 v22, v23;
	v23 =	vadd.f32 v32, v24;
	v20 =	vperm.xlane v16, v3;
	v36 =	vld [tilespmem:s30+$0xFFFFFE80]  }
0x24c: {  	v32 =	vmax.f32 v35, $0.0e+00;
	v24 =	vld [tilespmem:s14+$0xFFFFFE80];
	v27 =	vmax.f32 v27, $0.0e+00;
	v35 =	vadd.f32 v41, v40  }
0x24d: {  	v22 =	vmax.f32 v22, $0.0e+00;
	v32 =	vmul.f32 v32, v4;
	v37 =	vld [tilespmem:s30+$0xFFFFFEC0];
	v27 =	vmul.f32 v27, v8  }
0x24e: {  	v29 =	vmax.f32 v29, $0.0e+00;
	v22 =	vmul.f32 v22, v5;
	v38 =	vld [tilespmem:s14+$0xFFFFFEC0];
	v35 =	vmax.f32 v35, $0.0e+00  }
0x24f: {  	v32 =	vadd.f32 v32, v12;
	v40 =	vld [tilespmem:s30+$0xFFFFFF00];
	v27 =	vadd.f32 $0.0e+00, v27;
	v35 =	vmul.f32 v35, v9  }
0x250: {  	v26 =	vmax.f32 v26, $0.0e+00;
	v29 =	vmul.f32 v29, v6;
	v23 =	vmax.f32 v23, $0.0e+00;
	v41 =	vld [tilespmem:s14+$0xFFFFFF00]  }
0x251: {  	v23 =	vmul.f32 v23, v10;
	v22 =	vadd.f32 v22, v32;
	v42 =	vld [tilespmem:s30+$0xFFFFFF40];
	v27 =	vadd.f32 v35, v27  }
0x252: {  	v26 =	vmul.f32 v26, v7;
	v28 =	vmax.f32 v28, $0.0e+00;
	v30 =	vadd.f32 v30, v34;
	v32 =	vld [tilespmem:s14+$0xFFFFFF40]  }
0x253: {  	v22 =	vadd.f32 v29, v22;
	v34 =	vld [tilespmem:s30+$0xFFFFFF80];
	v23 =	vadd.f32 v23, v27;
	v27 =	vmul.f32 v28, v11  }
0x254: {  	v24 =	vadd.f32 v24, v36;
	v28 =	vmax.f32 v30, $0.0e+00;
	v29 =	vadd.f32 v38, v37;
	v30 =	vld [tilespmem:s14+$0xFFFFFF80]  }
0x255: {  	v22 =	vadd.f32 v26, v22;
	v28 =	vmul.f32 v28, v8;
	v35 =	vld [tilespmem:s30+$0xFFFFFFC0];
	v23 =	vadd.f32 v27, v23  }
0x256: {  	v24 =	vmax.f32 v24, $0.0e+00;
	v26 =	vmax.f32 v29, $0.0e+00;
	v27 =	vadd.f32 v41, v40;
	v29 =	vld [tilespmem:s14+$0xFFFFFFC0]  }
0x257: {  	v24 =	vmul.f32 v24, v4;
	v36 =	vadd.f32 v32, v42;
	v37 =	vld [tilespmem:s30+$0x0];
	v22 =	vadd.f32 v23, v22  }
0x258: {  	v32 =	vadd.f32 $0.0e+00, v28;
	v23 =	vmul.f32 v26, v8;
	v26 =	vmax.f32 v27, $0.0e+00;
	v28 =	vld [tilespmem:s14+$0x0]  }
0x259: {  	v27 =	vmax.f32 v36, $0.0e+00;
	v34 =	vadd.f32 v30, v34;
	v36 =	vld [tilespmem:s30+$0x40];
	v38 =	vperm.xlane v22, v0  }
0x25a: {  	v30 =	vadd.f32 v24, v12;
	v24 =	vmul.f32 v26, v4;
	v26 =	vmul.f32 v27, v8;
	v40 =	vld [tilespmem:s14+$0x40]  }
0x25b: {  	v34 =	vmax.f32 v34, $0.0e+00;
	v35 =	vadd.f32 v29, v35;
	v41 =	vld [tilespmem:s30+$0x80];
	v38 =	vadd.f32 v22, v38  }
0x25c: {  	v29 =	vadd.f32 $0.0e+00, v23;
	v27 =	vadd.f32 v24, v12;
	v22 =	vmul.f32 v34, v4;
	v24 =	vld [tilespmem:s14+$0x80]  }
0x25d: {  	v23 =	vmax.f32 v35, $0.0e+00;
	v34 =	vadd.f32 v28, v37;
	v35 =	vld [tilespmem:s30+$0xC0];
	v37 =	vperm.xlane v38, v1  }
0x25e: {  	v28 =	vadd.f32 $0.0e+00, v26;
	v22 =	vadd.f32 v22, v12;
	v23 =	vmul.f32 v23, v8;
	v26 =	vld [tilespmem:s14+$0xC0]  }
0x25f: {  	v34 =	vmax.f32 v34, $0.0e+00;
	v36 =	vadd.f32 v40, v36;
	v40 =	vld [tilespmem:s30+$0x100];
	v37 =	vadd.f32 v38, v37  }
0x260: {  	v33 =	vadd.f32 v39, v33;
	v23 =	vadd.f32 $0.0e+00, v23;
	v34 =	vmul.f32 v34, v4;
	v38 =	vld [tilespmem:s14+$0x100]  }
0x261: {  	v36 =	vmax.f32 v36, $0.0e+00;
	v39 =	vadd.f32 v24, v41;
	v41 =	vld [tilespmem:s30+$0x140];
	v42 =	vperm.xlane v37, v2  }
0x262: {  	v43 =	vperm.xlane v33, v2;
	v24 =	vadd.f32 v34, v12;
	v34 =	vmul.f32 v36, v8;
	v36 =	vld [tilespmem:s14+$0x140]  }
0x263: {  	v44 =	vld [tilespmem:s30+$0xFFFFFE00];
	v39 =	vmax.f32 v39, $0.0e+00;
	v35 =	vadd.f32 v26, v35;
	v37 =	vadd.f32 v37, v42  }
0x264: {  	v42 =	vld [tilespmem:s30+$0xFFFFFE10];
	v26 =	vadd.f32 $0.0e+00, v34;
	v34 =	vmul.f32 v39, v4;
	v39 =	vadd.f32 v25, v31  }
0x265: {  	v31 =	vld [tilespmem:s14+$0xFFFFFE10];
	v35 =	vmax.f32 v35, $0.0e+00;
	v38 =	vadd.f32 v38, v40;
	v40 =	vperm.xlane v37, v3  }
0x266: {  	v45 =	vld [tilespmem:s30+$0xFFFFFE50];
	v25 =	vadd.f32 v34, v12;
	v34 =	vmul.f32 v35, v8;
	v35 =	vadd.f32 v33, v43  }
0x267: {  	v43 =	vld [tilespmem:s14+$0xFFFFFE50];
	v33 =	vmax.f32 v38, $0.0e+00;
	v36 =	vadd.f32 v36, v41;
	v37 =	vadd.f32 v37, v40  }
0x268: {  	s25 =	sadd.s32 $0x400, s25;
	v38 =	vadd.f32 v21, v44;
	v40 =	vld [tilespmem:s30+$0xFFFFFE90];
	v21 =	vadd.f32 $0.0e+00, v34;
	v33 =	vmul.f32 v33, v4  }
0x269: {  	s29 =	simm.s32 $0x0;
	s2 =	simm.s32 $0x18B80;
	v41 =	vperm.xlane v17, v3;
	v34 =	vld [tilespmem:s14+$0xFFFFFE90];
	v36 =	vmax.f32 v36, $0.0e+00;
	[tilespmem:s25+$0x180] =	vst v37;
	v37 =	vperm.xlane v13, v3  }
0x26a: {  	v38 =	vmax.f32 v38, $0.0e+00;
	v31 =	vadd.f32 v31, v42;
	v42 =	vld [tilespmem:s30+$0xFFFFFED0];
	v36 =	vmul.f32 v36, v8  }
0x26b: {  	v46 =	vperm.xlane v39, v3;
	v33 =	vadd.f32 v33, v12;
	v38 =	vmul.f32 v38, v4;
	v44 =	vld [tilespmem:s14+$0xFFFFFED0]  }
0x26c: {  	v47 =	vmax.f32 v31, $0.0e+00;
	v43 =	vadd.f32 v43, v45;
	v45 =	vld [tilespmem:s30+$0xFFFFFF10];
	v31 =	vadd.f32 $0.0e+00, v36  }
0x26d: {  	v48 =	vperm.xlane v35, v3;
	v36 =	vadd.f32 v38, v12;
	v38 =	vmul.f32 v47, v5;
	v47 =	vld [tilespmem:s14+$0xFFFFFF10]  }
0x26e: {  	v14 =	vadd.f32 v14, v18;
	v43 =	vmax.f32 v43, $0.0e+00;
	v34 =	vadd.f32 v34, v40;
	v40 =	vld [tilespmem:s30+$0xFFFFFF50]  }
0x26f: {  	v15 =	vadd.f32 v15, v19;
	v18 =	vadd.f32 v38, v36;
	v36 =	vmul.f32 v43, v9;
	v38 =	vld [tilespmem:s14+$0xFFFFFF50]  }
0x270: {  	v19 =	vmax.f32 v34, $0.0e+00;
	v34 =	vadd.f32 v44, v42;
	v42 =	vld [tilespmem:s30+$0xFFFFFF90];
	[tilespmem:s24+$0xFFFFFE00] =	vst v14;
	v14 =	vadd.f32 v16, v20  }
0x271: {  	v13 =	vadd.f32 v13, v37;
	v16 =	vadd.f32 v36, v32;
	v19 =	vmul.f32 v19, v5;
	v20 =	vld [tilespmem:s14+$0xFFFFFF90];
	[tilespmem:s24+$0xFFFFFE80] =	vst v15  }
0x272: {  	v15 =	vmax.f32 v34, $0.0e+00;
	v32 =	vadd.f32 v47, v45;
	v34 =	vld [tilespmem:s30+$0xFFFFFFD0];
	[tilespmem:s24+$0xFFFFFF00] =	vst v14;
	v14 =	vadd.f32 v17, v41  }
0x273: {  	v17 =	vadd.f32 v19, v30;
	v15 =	vmul.f32 v15, v9;
	v19 =	vld [tilespmem:s14+$0xFFFFFFD0];
	[tilespmem:s24+$0xFFFFFF80] =	vst v13;
	v13 =	vadd.f32 v39, v46  }
0x274: {  	v30 =	vmax.f32 v32, $0.0e+00;
	v32 =	vadd.f32 v38, v40;
	v36 =	vld [tilespmem:s30+$0x10];
	[tilespmem:s24+$0x0] =	vst v14;
	v14 =	vadd.f32 v35, v48  }
0x275: {  	v15 =	vadd.f32 v15, v29;
	v29 =	vmul.f32 v30, v5;
	v30 =	vld [tilespmem:s14+$0x10];
	[tilespmem:s24+$0x80] =	vst v13  }
0x276: {  	v13 =	vmax.f32 v32, $0.0e+00;
	v20 =	vadd.f32 v20, v42;
	v32 =	vld [tilespmem:s30+$0x50];
	[tilespmem:s24+$0x100] =	vst v14;
	s24 =	smov.u32 s25  }
0x277: {  	v14 =	vadd.f32 v29, v27;
	v13 =	vmul.f32 v13, v9;
	v27 =	vld [tilespmem:s14+$0x50]  }
0x278: {  	v20 =	vmax.f32 v20, $0.0e+00;
	v19 =	vadd.f32 v19, v34;
	v29 =	vld [tilespmem:s30+$0x90]  }
0x279: {  	v13 =	vadd.f32 v13, v28;
	v20 =	vmul.f32 v20, v5;
	v28 =	vld [tilespmem:s14+$0x90]  }
0x27a: {  	v19 =	vmax.f32 v19, $0.0e+00;
	v30 =	vadd.f32 v30, v36;
	v34 =	vld [tilespmem:s30+$0xD0]  }
0x27b: {  	v20 =	vadd.f32 v20, v22;
	v19 =	vmul.f32 v19, v9;
	v22 =	vld [tilespmem:s14+$0xD0]  }
0x27c: {  	v30 =	vmax.f32 v30, $0.0e+00;
	v27 =	vadd.f32 v27, v32;
	v32 =	vld [tilespmem:s30+$0x110]  }
0x27d: {  	v19 =	vadd.f32 v19, v23;
	v23 =	vmul.f32 v30, v5;
	v30 =	vld [tilespmem:s14+$0x110]  }
0x27e: {  	v27 =	vmax.f32 v27, $0.0e+00;
	v28 =	vadd.f32 v28, v29;
	v29 =	vld [tilespmem:s30+$0x150]  }
0x27f: {  	v23 =	vadd.f32 v23, v24;
	v24 =	vmul.f32 v27, v9;
	v27 =	vld [tilespmem:s14+$0x150]  }
0x280: {  	v35 =	vld [tilespmem:s30+$0xFFFFFE20];
	v28 =	vmax.f32 v28, $0.0e+00;
	v22 =	vadd.f32 v22, v34  }
0x281: {  	v34 =	vld [tilespmem:s14+$0xFFFFFE20];
	v24 =	vadd.f32 v24, v26;
	v26 =	vmul.f32 v28, v5  }
0x282: {  	v28 =	vld [tilespmem:s30+$0xFFFFFE60];
	v22 =	vmax.f32 v22, $0.0e+00;
	v30 =	vadd.f32 v30, v32  }
0x283: {  	v32 =	vld [tilespmem:s14+$0xFFFFFE60];
	v25 =	vadd.f32 v26, v25;
	v22 =	vmul.f32 v22, v9  }
0x284: {  	v26 =	vld [tilespmem:s30+$0xFFFFFEA0];
	v30 =	vmax.f32 v30, $0.0e+00;
	v27 =	vadd.f32 v27, v29  }
0x285: {  	v29 =	vld [tilespmem:s14+$0xFFFFFEA0];
	v21 =	vadd.f32 v22, v21;
	v22 =	vmul.f32 v30, v5  }
0x286: {  	v30 =	vadd.f32 v34, v35;
	v34 =	vld [tilespmem:s30+$0xFFFFFEE0];
	v27 =	vmax.f32 v27, $0.0e+00  }
0x287: {  	v35 =	vld [tilespmem:s14+$0xFFFFFEE0];
	v22 =	vadd.f32 v22, v33;
	v27 =	vmul.f32 v27, v9  }
0x288: {  	v30 =	vmax.f32 v30, $0.0e+00;
	v28 =	vadd.f32 v32, v28;
	v32 =	vld [tilespmem:s30+$0xFFFFFF20]  }
0x289: {  	v30 =	vmul.f32 v30, v6;
	v33 =	vld [tilespmem:s14+$0xFFFFFF20];
	v27 =	vadd.f32 v27, v31  }
0x28a: {  	v28 =	vmax.f32 v28, $0.0e+00;
	v26 =	vadd.f32 v29, v26;
	v29 =	vld [tilespmem:s30+$0xFFFFFF60]  }
0x28b: {  	v30 =	vadd.f32 v30, v18;
	v18 =	vmul.f32 v28, v10;
	v28 =	vld [tilespmem:s14+$0xFFFFFF60]  }
0x28c: {  	v26 =	vmax.f32 v26, $0.0e+00;
	v31 =	vadd.f32 v35, v34;
	v34 =	vld [tilespmem:s30+$0xFFFFFFA0]  }
0x28d: {  	v35 =	vadd.f32 v18, v16;
	v16 =	vmul.f32 v26, v6;
	v18 =	vld [tilespmem:s14+$0xFFFFFFA0]  }
0x28e: {  	v26 =	vmax.f32 v31, $0.0e+00;
	v31 =	vadd.f32 v33, v32;
	v32 =	vld [tilespmem:s30+$0xFFFFFFE0]  }
0x28f: {  	v33 =	vadd.f32 v16, v17;
	v16 =	vmul.f32 v26, v10;
	v17 =	vld [tilespmem:s14+$0xFFFFFFE0]  }
0x290: {  	v26 =	vmax.f32 v31, $0.0e+00;
	v28 =	vadd.f32 v28, v29;
	v29 =	vld [tilespmem:s30+$0x20]  }
0x291: {  	v31 =	vadd.f32 v16, v15;
	v15 =	vmul.f32 v26, v6;
	v16 =	vld [tilespmem:s14+$0x20]  }
0x292: {  	v26 =	vmax.f32 v28, $0.0e+00;
	v18 =	vadd.f32 v18, v34;
	v28 =	vld [tilespmem:s30+$0x60]  }
0x293: {  	v34 =	vadd.f32 v15, v14;
	v14 =	vmul.f32 v26, v10;
	v15 =	vld [tilespmem:s14+$0x60]  }
0x294: {  	v18 =	vmax.f32 v18, $0.0e+00;
	v17 =	vadd.f32 v17, v32;
	v26 =	vld [tilespmem:s30+$0xA0]  }
0x295: {  	v13 =	vadd.f32 v14, v13;
	v14 =	vmul.f32 v18, v6;
	v18 =	vld [tilespmem:s14+$0xA0]  }
0x296: {  	v17 =	vmax.f32 v17, $0.0e+00;
	v16 =	vadd.f32 v16, v29;
	v29 =	vld [tilespmem:s30+$0xE0]  }
0x297: {  	v32 =	vadd.f32 v14, v20;
	v14 =	vmul.f32 v17, v10;
	v17 =	vld [tilespmem:s14+$0xE0]  }
0x298: {  	v16 =	vmax.f32 v16, $0.0e+00;
	v15 =	vadd.f32 v15, v28;
	v20 =	vld [tilespmem:s30+$0x120]  }
0x299: {  	v28 =	vadd.f32 v14, v19;
	v14 =	vmul.f32 v16, v6;
	v19 =	vld [tilespmem:s14+$0x120]  }
0x29a: {  	v15 =	vmax.f32 v15, $0.0e+00;
	v16 =	vadd.f32 v18, v26;
	v18 =	vld [tilespmem:s30+$0x160]  }
0x29b: {  	v36 =	vadd.f32 v14, v23;
	v14 =	vmul.f32 v15, v10;
	v15 =	vld [tilespmem:s14+$0x160]  }
0x29c: {  	v23 =	vld [tilespmem:s30+$0xFFFFFE30];
	v26 =	vmax.f32 v16, $0.0e+00;
	v17 =	vadd.f32 v17, v29  }
0x29d: {  	v29 =	vld [tilespmem:s14+$0xFFFFFE30];
	v16 =	vadd.f32 v14, v24;
	v14 =	vmul.f32 v26, v6  }
0x29e: {  	v24 =	vld [tilespmem:s30+$0xFFFFFE70];
	v26 =	vmax.f32 v17, $0.0e+00;
	v19 =	vadd.f32 v19, v20  }
0x29f: {  	v20 =	vld [tilespmem:s14+$0xFFFFFE70];
	v17 =	vadd.f32 v14, v25;
	v14 =	vmul.f32 v26, v10  }
0x2a0: {  	v25 =	vld [tilespmem:s30+$0xFFFFFEB0];
	v19 =	vmax.f32 v19, $0.0e+00;
	v15 =	vadd.f32 v15, v18  }
0x2a1: {  	v26 =	vld [tilespmem:s14+$0xFFFFFEB0];
	v14 =	vadd.f32 v14, v21;
	v18 =	vmul.f32 v19, v6  }
0x2a2: {  	v19 =	vadd.f32 v29, v23;
	v21 =	vld [tilespmem:s30+$0xFFFFFEF0];
	v23 =	vmax.f32 v15, $0.0e+00  }
0x2a3: {  	v29 =	vld [tilespmem:s14+$0xFFFFFEF0];
	v15 =	vadd.f32 v18, v22;
	v18 =	vmul.f32 v23, v10  }
0x2a4: {  	v19 =	vmax.f32 v19, $0.0e+00;
	v20 =	vadd.f32 v20, v24;
	v22 =	vld [tilespmem:s30+$0xFFFFFF30]  }
0x2a5: {  	v19 =	vmul.f32 v19, v7;
	v23 =	vld [tilespmem:s14+$0xFFFFFF30];
	v18 =	vadd.f32 v18, v27  }
0x2a6: {  	v20 =	vmax.f32 v20, $0.0e+00;
	v24 =	vadd.f32 v26, v25;
	v25 =	vld [tilespmem:s30+$0xFFFFFF70]  }
0x2a7: {  	v19 =	vadd.f32 v19, v30;
	v20 =	vmul.f32 v20, v11;
	v26 =	vld [tilespmem:s14+$0xFFFFFF70]  }
0x2a8: {  	v24 =	vmax.f32 v24, $0.0e+00;
	v21 =	vadd.f32 v29, v21;
	v27 =	vld [tilespmem:s30+$0xFFFFFFB0]  }
0x2a9: {  	v20 =	vadd.f32 v20, v35;
	v24 =	vmul.f32 v24, v7;
	v29 =	vld [tilespmem:s14+$0xFFFFFFB0]  }
0x2aa: {  	v21 =	vmax.f32 v21, $0.0e+00;
	v22 =	vadd.f32 v23, v22;
	v23 =	vld [tilespmem:s30+$0xFFFFFFF0]  }
0x2ab: {  	v19 =	vadd.f32 v20, v19;
	v20 =	vadd.f32 v24, v33;
	v21 =	vmul.f32 v21, v11;
	v24 =	vld [tilespmem:s14+$0xFFFFFFF0]  }
0x2ac: {  	v22 =	vmax.f32 v22, $0.0e+00;
	v25 =	vadd.f32 v26, v25;
	v26 =	vld [tilespmem:s30+$0x30]  }
0x2ad: {  	v30 =	vperm.xlane v19, v0;
	v21 =	vadd.f32 v21, v31;
	v22 =	vmul.f32 v22, v7;
	v31 =	vld [tilespmem:s14+$0x30]  }
0x2ae: {  	v25 =	vmax.f32 v25, $0.0e+00;
	v27 =	vadd.f32 v29, v27;
	v29 =	vld [tilespmem:s30+$0x70]  }
0x2af: {  	v21 =	vadd.f32 v21, v20;
	v22 =	vadd.f32 v22, v34;
	v20 =	vmul.f32 v25, v11;
	v33 =	vld [tilespmem:s14+$0x70]  }
0x2b0: {  	v19 =	vadd.f32 v19, v30;
	v25 =	vmax.f32 v27, $0.0e+00;
	v23 =	vadd.f32 v24, v23;
	v27 =	vld [tilespmem:s30+$0xB0]  }
0x2b1: {  	v24 =	vperm.xlane v21, v0;
	v13 =	vadd.f32 v20, v13;
	v30 =	vmul.f32 v25, v7;
	v34 =	vld [tilespmem:s14+$0xB0]  }
0x2b2: {  	v20 =	vperm.xlane v19, v1;
	v35 =	vmax.f32 v23, $0.0e+00;
	v31 =	vadd.f32 v31, v26;
	v23 =	vld [tilespmem:s30+$0xF0]  }
.Ltmp2:
0x2b3: {  	v25 =	vadd.f32 v13, v22;
	v13 =	vadd.f32 v30, v32;
	v22 =	vmul.f32 v35, v11;
	v26 =	vld [tilespmem:s14+$0xF0];
	(pc) =	sbr.rel @p0 .LBB2_7-.Ltmp2, $4  }
0x2b4: {  	v21 =	vadd.f32 v21, v24;
	v30 =	vmax.f32 v31, $0.0e+00;
	v29 =	vadd.f32 v33, v29;
	v24 =	vld [tilespmem:s30+$0x130]  }
0x2b5: {  	v31 =	vperm.xlane v25, v0;
	v33 =	vadd.f32 v22, v28;
	v30 =	vmul.f32 v30, v7;
	v28 =	vld [tilespmem:s14+$0x130]  }
0x2b6: {  	v22 =	vperm.xlane v21, v1;
	v35 =	vmax.f32 v29, $0.0e+00;
	v32 =	vadd.f32 v34, v27;
	v27 =	vld [tilespmem:s30+$0x170]  }
0x2b7: {  	s30 =	sadd.s32 $0x400, s30;
	v13 =	vadd.f32 v33, v13;
	v29 =	vadd.f32 v30, v36;
	v33 =	vmul.f32 v35, v11;
	v30 =	vld [tilespmem:s14+$0x170]  }
0x2b8: {  	_ =	sdelay $0x1  }
0x2b9: {  	v25 =	vadd.f32 v25, v31  }
0x2ba: {  	v39 =	vmax.f32 v32, $0.0e+00;
	v23 =	vadd.f32 v26, v23;
	v16 =	vadd.f32 v33, v16  }
0x2bb: {  	v40 =	vperm.xlane v13, v0;
	v24 =	vadd.f32 v28, v24;
	v27 =	vadd.f32 v30, v27  }
0x2bc: {  	v41 =	vmul.f32 v39, v7;
	v23 =	vmax.f32 v23, $0.0e+00;
	v16 =	vadd.f32 v16, v29  }
0x2bd: {  	v23 =	vmul.f32 v23, v11;
	v24 =	vmax.f32 v24, $0.0e+00;
	v27 =	vmax.f32 v27, $0.0e+00  }
0x2be: {  	v17 =	vadd.f32 v41, v17;
	v24 =	vmul.f32 v24, v7;
	v27 =	vmul.f32 v27, v11  }
0x2bf: {  	v13 =	vadd.f32 v13, v40;
	v14 =	vadd.f32 v23, v14  }
0x2c0: {  	v15 =	vadd.f32 v24, v15;
	v18 =	vadd.f32 v27, v18  }
0x2c1: {  	v42 =	vperm.xlane v25, v1;
	v43 =	vperm.xlane v16, v0;
	v14 =	vadd.f32 v14, v17  }
0x2c2: {  	v17 =	vadd.f32 v19, v20;
	v19 =	vperm.xlane v13, v1;
	v15 =	vadd.f32 v18, v15  }
0x2c3: {  	v45 =	vadd.f32 v25, v42;
	v16 =	vadd.f32 v16, v43;
	v20 =	vperm.xlane v14, v0  }
0x2c4: {  	v44 =	vperm.xlane v17, v2;
	v13 =	vadd.f32 v13, v19;
	v46 =	vperm.xlane v15, v0  }
0x2c5: {  	v48 =	vperm.xlane v16, v1;
	v18 =	vadd.f32 v21, v22;
	v14 =	vadd.f32 v14, v20  }
0x2c6: {  	v19 =	vperm.xlane v45, v2;
	v17 =	vadd.f32 v17, v44;
	v15 =	vadd.f32 v15, v46  }
0x2c7: {  	v16 =	vadd.f32 v16, v48;
	v47 =	vperm.xlane v18, v2;
	v20 =	vperm.xlane v14, v1  }
0x2c8: {  	v49 =	vperm.xlane v13, v2;
	v19 =	vadd.f32 v45, v19;
	v23 =	vperm.xlane v15, v1  }
0x2c9: {  	v50 =	vperm.xlane v16, v2;
	v18 =	vadd.f32 v18, v47;
	v14 =	vadd.f32 v14, v20  }
0x2ca: {  	v53 =	vperm.xlane v19, v3;
	v20 =	vperm.xlane v17, v3;
	v15 =	vadd.f32 v15, v23  }
0x2cb: {  	v13 =	vadd.f32 v13, v49;
	v51 =	vperm.xlane v18, v3;
	v52 =	vperm.xlane v14, v2  }
0x2cc: {  	v16 =	vadd.f32 v16, v50;
	v17 =	vadd.f32 v17, v20;
	v54 =	vperm.xlane v15, v2  }
0x2cd: {  	v20 =	vperm.xlane v13, v3;
	v14 =	vadd.f32 v14, v52;
	v18 =	vadd.f32 v18, v51  }
0x2ce: {  	v55 =	vperm.xlane v16, v3;
	[tilespmem:s24+$0xFFFFFE00] =	vst v17;
	v17 =	vadd.f32 v19, v53;
	v15 =	vadd.f32 v15, v54  }
0x2cf: {  	v13 =	vadd.f32 v13, v20;
	v19 =	vperm.xlane v14, v3;
	[tilespmem:s24+$0xFFFFFE80] =	vst v18  }
0x2d0: {  	v16 =	vadd.f32 v16, v55;
	[tilespmem:s24+$0xFFFFFF00] =	vst v17;
	v18 =	vperm.xlane v15, v3  }
0x2d1: {  	[tilespmem:s24+$0xFFFFFF80] =	vst v13;
	v13 =	vadd.f32 v14, v19  }
0x2d2: {  	[tilespmem:s24+$0x0] =	vst v16;
	v14 =	vadd.f32 v15, v18  }
0x2d3: {  	[tilespmem:s24+$0x80] =	vst v13  }
0x2d4: {  	[tilespmem:s24+$0x100] =	vst v14  }
0x2d5: {  	v13 =	vld [tilespmem:s2+$0xFFFFFC00]  }
0x2d6: {  	v14 =	vld [tilespmem:s2+$0xFFFFFC80]  }
0x2d7: {  	v15 =	vld [tilespmem:s2+$0xFFFFFD00]  }
0x2d8: {  	v16 =	vld [tilespmem:s2+$0xFFFFFD80]  }
0x2d9: {  	v17 =	vld [tilespmem:s2+$0xFFFFFE00]  }
0x2da: {  	v18 =	vld [tilespmem:s2+$0xFFFFFE80]  }
0x2db: {  	v19 =	vld [tilespmem:s2+$0xFFFFFF00]  }
0x2dc: {  	v20 =	vld [tilespmem:s2+$0xFFFFFF80]  }
0x2dd: {  	v56 =	vld [tilespmem:s2+$0x0]  }
0x2de: {  	v57 =	vld [tilespmem:s2+$0x80]  }
0x2df: {  	v58 =	vld [tilespmem:s2+$0x100]  }
0x2e0: {  	v59 =	vld [tilespmem:s2+$0x180]  }
0x2e1: {  	v60 =	vld [tilespmem:s2+$0x200];
	v13 =	vsel vm0, v13, v14  }
0x2e2: {  	s31 =	simm.s32 $0x19380;
	v61 =	vld [tilespmem:s2+$0x280];
	v13 =	vsel vm1, v13, v15  }
0x2e3: {  	v62 =	vld [tilespmem:s31+$0xFFFFFE80];
	v13 =	vsel vm2, v13, v16  }
0x2e4: {  	v14 =	vld [tilespmem:s2+$0x300];
	v13 =	vsel vm3, v13, v17  }
0x2e5: {  	v16 =	vld [tilespmem:s31+$0xFFFFFC00];
	v13 =	vsel vm4, v13, v18  }
0x2e6: {  	v17 =	vld [tilespmem:s31+$0xFFFFFC80];
	v13 =	vsel vm5, v13, v19  }
0x2e7: {  	v18 =	vld [tilespmem:s31+$0xFFFFFD00];
	v13 =	vsel vm6, v13, v20  }
0x2e8: {  	v19 =	vld [tilespmem:s31+$0xFFFFFD80];
	v13 =	vsel vm7, v13, v56  }
0x2e9: {  	v20 =	vld [tilespmem:s31+$0xFFFFFE00];
	v13 =	vsel vm8, v13, v57  }
0x2ea: {  	v15 =	vld [tilespmem:s2+$0x380];
	v13 =	vsel vm9, v13, v58  }
0x2eb: {  	v16 =	vsel vm0, v16, v17;
	v17 =	vld [tilespmem:s31+$0xFFFFFF00];
	v13 =	vsel vm10, v13, v59  }
0x2ec: {  	v16 =	vsel vm1, v16, v18;
	v18 =	vld [tilespmem:s31+$0xFFFFFF80];
	v13 =	vsel vm11, v13, v60  }
0x2ed: {  	v16 =	vsel vm2, v16, v19;
	v19 =	vld [tilespmem:s31+$0x0];
	v13 =	vsel vm12, v13, v61  }
0x2ee: {  	v16 =	vsel vm3, v16, v20;
	v13 =	vsel vm13, v13, v14  }
0x2ef: {  	v16 =	vsel vm4, v16, v62;
	v13 =	vsel vm14, v13, v15  }
0x2f0: {  	v14 =	vsel vm5, v16, v17;
	v15 =	vsub.f32 $0.0e+00, v13  }
0x2f1: {  	v14 =	vsel vm6, v14, v18  }
0x2f2: {  	v14 =	vsel vm7, v14, v19;
	v19 =	vmul.f32 $1.442695020e+00, v15;
	_ =	sdelay $0x1  }
0x2f3: {  	v20 =	vld [tilespmem:s31+$0x80];
	(erf) = vpow2.f32 v19  }
0x2f4: {  	v63 =	vld [tilespmem:s31+$0x100]  }
0x2f5: {  	v17 =	vld [tilespmem:s31+$0x180]  }
0x2f6: {  	v18 =	vld [tilespmem:s31+$0x200]  }
0x2f7: {  	v13 =	vld [tilespmem:s31+$0x280]  }
0x2f8: {  	v16 =	vsel vm8, v14, v20;
	v14 =	vld [tilespmem:s31+$0x300]  }
0x2f9: {  	s24 =	simm.s32 $0x19B80;
	v20 =	vsel vm9, v16, v63;
	v15 =	vld [tilespmem:s31+$0x380]  }
0x2fa: {  	v16 =	vld [tilespmem:s24+$0xFFFFFC00];
	v20 =	vsel vm10, v20, v17  }
0x2fb: {  	s14 =	simm.s32 $0x40;
	s25 =	simm.s32 $0xC0;
	s2 =	simm.s32 $0x80;
	v17 =	vld [tilespmem:s24+$0xFFFFFC80];
	v18 =	vsel vm11, v20, v18  }
.LBB2_9:
0x2fc: {  	p0 =	sne.s32 s25, $0x1C0;
	v19 =	vld [tilespmem:s24+$0xFFFFFD00];
	v13 =	vsel vm12, v18, v13;
	v18 =	vpop (erf)  }
0x2fd: {  	v20 =	vld [tilespmem:s24+$0xFFFFFD80];
	v13 =	vsel vm13, v13, v14;
	v14 =	vadd.f32 $1.000000000e+00, v18  }
0x2fe: {  	v18 =	vld [tilespmem:s24+$0xFFFFFE00];
	v13 =	vsel vm14, v13, v15  }
0x2ff: {  	v15 =	vld [tilespmem:s24+$0xFFFFFE80];
	v13 =	vsub.f32 $0.0e+00, v13;
	(erf) = vrcp.f32 v14  }
0x300: {  	v14 =	vsel vm0, v16, v17;
	v16 =	vld [tilespmem:s24+$0xFFFFFF00]  }
0x301: {  	v14 =	vsel vm1, v14, v19;
	v17 =	vld [tilespmem:s24+$0xFFFFFF80];
	v13 =	vmul.f32 $1.442695020e+00, v13  }
0x302: {  	v14 =	vsel vm2, v14, v20;
	v19 =	vld [tilespmem:s24+$0x0]  }
0x303: {  	v14 =	vsel vm3, v14, v18;
	v18 =	vld [tilespmem:s24+$0x80];
	(erf) = vpow2.f32 v13  }
0x304: {  	v13 =	vsel vm4, v14, v15;
	v15 =	vld [tilespmem:s24+$0x100]  }
0x305: {  	v13 =	vsel vm5, v13, v16;
	v20 =	vld [tilespmem:s24+$0x180]  }
0x306: {  	v13 =	vsel vm6, v13, v17;
	v21 =	vld [tilespmem:s24+$0x200]  }
.Ltmp3:
0x307: {  	s28 =	sshra.s32 s29, $0x2;
	s29 =	smov.u32 s14;
	v14 =	vsel vm7, v13, v19;
	v13 =	vld [tilespmem:s24+$0x280];
	(pc) =	sbr.rel @p0 .LBB2_9-.Ltmp3, $4  }
0x308: {  	s14 =	smov.u32 s2;
	s2 =	smov.u32 s25;
	s28 =	sadd.s32 s28, s1;
	v16 =	vsel vm8, v14, v18;
	v14 =	vld [tilespmem:s24+$0x300];
	v17 =	vpop (erf)  }
0x309: {  	v18 =	vsel vm9, v16, v15;
	v15 =	vld [tilespmem:s24+$0x380];
	s24 =	sadd.s32 $0x800, s24;
	[tilespmem:s28+$0x0] =	vst v17  }
0x30a: {  	v16 =	vld [tilespmem:s24+$0xFFFFFC00];
	v18 =	vsel vm10, v18, v20  }
0x30b: {  	s25 =	sadd.s32 $0x40, s25;
	v17 =	vld [tilespmem:s24+$0xFFFFFC80];
	v18 =	vsel vm11, v18, v21  }
0x30c: {  	v19 =	vld [tilespmem:s24+$0xFFFFFD00]  }
0x30d: {  	v20 =	vld [tilespmem:s24+$0xFFFFFD80]  }
0x30e: {  	v21 =	vld [tilespmem:s24+$0xFFFFFE00]  }
0x30f: {  	v13 =	vsel vm12, v18, v13;
	v55 =	vld [tilespmem:s24+$0xFFFFFE80]  }
0x310: {  	v56 =	vld [tilespmem:s24+$0xFFFFFF00];
	v13 =	vsel vm13, v13, v14;
	v14 =	vsel vm0, v16, v17  }
0x311: {  	v13 =	vsel vm14, v13, v15;
	v15 =	vld [tilespmem:s24+$0xFFFFFF80];
	v14 =	vsel vm1, v14, v19  }
0x312: {  	v57 =	vpop (erf);
	v58 =	vld [tilespmem:s24+$0x0];
	v13 =	vsub.f32 $0.0e+00, v13;
	v14 =	vsel vm2, v14, v20  }
0x313: {  	v59 =	vld [tilespmem:s24+$0x80];
	v17 =	vadd.f32 $1.000000000e+00, v57;
	v14 =	vsel vm3, v14, v21  }
0x314: {  	v60 =	vld [tilespmem:s24+$0x100];
	v13 =	vmul.f32 $1.442695020e+00, v13;
	v14 =	vsel vm4, v14, v55  }
0x315: {  	v61 =	vld [tilespmem:s24+$0x180];
	(erf) = vrcp.f32 v17;
	v14 =	vsel vm5, v14, v56  }
0x316: {  	(erf) = vpow2.f32 v13;
	v13 =	vsel vm6, v14, v15;
	v14 =	vld [tilespmem:s24+$0x200]  }
0x317: {  	v15 =	vld [tilespmem:s24+$0x280];
	v13 =	vsel vm7, v13, v58  }
0x318: {  	v62 =	vld [tilespmem:s24+$0x300];
	v13 =	vsel vm8, v13, v59  }
0x319: {  	v63 =	vld [tilespmem:s24+$0x380];
	v13 =	vsel vm9, v13, v60  }
0x31a: {  	v13 =	vsel vm10, v13, v61  }
0x31b: {  	v13 =	vsel vm11, v13, v14  }
0x31c: {  	v13 =	vsel vm12, v13, v15  }
0x31d: {  	v13 =	vsel vm13, v13, v62  }
0x31e: {  	v14 =	vpop (erf);
	v13 =	vsel vm14, v13, v63  }
0x31f: {  	v15 =	vpop (erf);
	v13 =	vsub.f32 $0.0e+00, v13  }
0x320: {  	v15 =	vadd.f32 $1.000000000e+00, v15  }
0x321: {  	v13 =	vmul.f32 $1.442695020e+00, v13  }
0x322: {  	(erf) = vrcp.f32 v15  }
0x323: {  	(erf) = vpow2.f32 v13;
	_ =	sdelay $0x7  }
0x324: {  	v13 =	vpop (erf)  }
0x325: {  	v15 =	vpop (erf)  }
0x326: {  	v15 =	vadd.f32 $1.000000000e+00, v15;
	_ =	sdelay $0x1  }
0x327: {  	(erf) = vrcp.f32 v15;
	_ =	sdelay $0x3  }
0x328: {  	s13 =	sadd.s32 $0x1, s13  }
0x329: {  	p0 =	sne.s32 s13, $0x26  }
.Ltmp4:
0x32a: {  	s31 =	sshra.s32 s29, $0x2;
	(pc) =	sbr.rel @p0 .LBB2_2-.Ltmp4, $4  }
0x32b: {  	s14 =	sshra.s32 s14, $0x2;
	s24 =	sadd.s32 s31, s1  }
0x32c: {  	s2 =	sshra.s32 s2, $0x2;
	s14 =	sadd.s32 s14, s1;
	[tilespmem:s24+$0x0] =	vst v14  }
0x32d: {  	s2 =	sadd.s32 s2, s1;
	[tilespmem:s14+$0x0] =	vst v13;
	v13 =	vpop (erf)  }
0x32e: {  	s3 =	sadd.s32 $0x100, s3;
	s1 =	sadd.s32 $0x100, s1;
	[tilespmem:s2+$0x0] =	vst v13  }
0x32f: {  	s1 =	simm.s32 $0x2680  }
0x330: {  	[tilespmem:s18], [sflag:$0x3] =	stream.indirect.gather [hbm4b:s5+s15], $0x80, s1, s15, $0xb8;
	[tilespmem:$0x1C780] =	vst v63  }
0x331: {  	s31 =	simm.s32 $0x4E00  }
0x332: {  	[tilespmem:s19], [sflag:$0x4] =	stream.indirect.gather [hbm4b:s6+s15], $0x80, s31, s15, $0xb8;
	[tilespmem:$0x1C780] =	vst v63  }
0x333: {  	_ =	swait.ge [sflag:s20], $0x4000  }
0x334: {  	[sflag:s20] =	ssyncset.done $0x0  }
0x335: {  	[sflag:s20] =	ssyncadd.s32 $0xFFFFC000  }
0x336: {  	_ =	swait.ge [sflag:s21], $0x4000  }
0x337: {  	[sflag:s21] =	ssyncset.done $0x0  }
0x338: {  	s2 =	simm.s32 $0x5100;
	[sflag:s21] =	ssyncadd.s32 $0xFFFFC000  }
0x339: {  	s1 =	simm.s32 $0x9100;
	v13 =	vld [tilespmem:s2+$0x1B0]  }
0x33a: {  	v14 =	vld [tilespmem:s1+$0x1B0]  }
0x33b: {  	v15 =	vld [tilespmem:s2+$0x1F0]  }
0x33c: {  	v16 =	vld [tilespmem:s1+$0x1F0]  }
0x33d: {  	v17 =	vld [tilespmem:s2+$0x1A0]  }
0x33e: {  	v18 =	vld [tilespmem:s1+$0x1A0]  }
0x33f: {  	v19 =	vld [tilespmem:s2+$0x1E0]  }
0x340: {  	v20 =	vld [tilespmem:s1+$0x1E0]  }
0x341: {  	v21 =	vld [tilespmem:s2+$0x190]  }
0x342: {  	v22 =	vld [tilespmem:s1+$0x190]  }
0x343: {  	v23 =	vld [tilespmem:s2+$0x180]  }
0x344: {  	v24 =	vld [tilespmem:s1+$0x180]  }
0x345: {  	v25 =	vld [tilespmem:s2+$0x1C0]  }
0x346: {  	v26 =	vld [tilespmem:s1+$0x1C0]  }
0x347: {  	v27 =	vld [tilespmem:s2+$0x1D0]  }
0x348: {  	v28 =	vld [tilespmem:s1+$0x1D0]  }
0x349: {  	v29 =	vld [tilespmem:s1+$0xFFFFFE00]  }
0x34a: {  	v30 =	vld [tilespmem:s2+$0xFFFFFE40]  }
0x34b: {  	v31 =	vld [tilespmem:s1+$0xFFFFFE40]  }
0x34c: {  	v32 =	vld [tilespmem:s2+$0xFFFFFE80]  }
0x34d: {  	v33 =	vld [tilespmem:s1+$0xFFFFFE80]  }
0x34e: {  	v34 =	vld [tilespmem:s2+$0xFFFFFEC0]  }
0x34f: {  	v35 =	vld [tilespmem:s1+$0xFFFFFEC0]  }
0x350: {  	v36 =	vld [tilespmem:s2+$0xFFFFFF00]  }
0x351: {  	v37 =	vld [tilespmem:s1+$0xFFFFFF00]  }
0x352: {  	v38 =	vld [tilespmem:s2+$0xFFFFFF40]  }
0x353: {  	v39 =	vld [tilespmem:s1+$0xFFFFFF40]  }
0x354: {  	v40 =	vld [tilespmem:s2+$0xFFFFFF80]  }
0x355: {  	v41 =	vld [tilespmem:s1+$0xFFFFFF80]  }
0x356: {  	v42 =	vld [tilespmem:s2+$0xFFFFFFC0]  }
0x357: {  	v43 =	vld [tilespmem:s1+$0xFFFFFFC0]  }
0x358: {  	v44 =	vld [tilespmem:s2+$0x0]  }
0x359: {  	v45 =	vld [tilespmem:s1+$0x0]  }
0x35a: {  	v46 =	vld [tilespmem:s2+$0x40]  }
0x35b: {  	v47 =	vld [tilespmem:s1+$0x140]  }
0x35c: {  	v49 =	vld [tilespmem:s1+$0xFFFFFED0]  }
0x35d: {  	v54 =	vld [tilespmem:s2+$0xFFFFFF10]  }
0x35e: {  	v56 =	vld [tilespmem:s1+$0xFFFFFF10]  }
0x35f: {  	v58 =	vld [tilespmem:s2+$0xFFFFFF50];
	v13 =	vadd.f32 v14, v13;
	v17 =	vadd.f32 v18, v17  }
0x360: {  	v62 =	vld [tilespmem:s1+$0xFFFFFF50];
	v15 =	vadd.f32 v16, v15;
	v18 =	vadd.f32 v24, v23  }
0x361: {  	v50 =	vld [tilespmem:s1+$0xFFFFFF90];
	v23 =	vadd.f32 v26, v25;
	v21 =	vadd.f32 v22, v21  }
0x362: {  	v51 =	vld [tilespmem:s2+$0xFFFFFFD0];
	v19 =	vadd.f32 v20, v19;
	v30 =	vadd.f32 v31, v30  }
0x363: {  	v52 =	vld [tilespmem:s1+$0x50];
	v32 =	vadd.f32 v33, v32;
	v53 =	vadd.f32 v35, v34  }
0x364: {  	v14 =	vld [tilespmem:s1+$0x40];
	v55 =	vadd.f32 v37, v36;
	v57 =	vadd.f32 v39, v38  }
0x365: {  	v16 =	vld [tilespmem:s2+$0x80];
	v59 =	vadd.f32 v41, v40;
	v60 =	vadd.f32 v43, v42  }
0x366: {  	v24 =	vld [tilespmem:s1+$0x80];
	v63 =	vadd.f32 v45, v44;
	v34 =	vadd.f32 v56, v54  }
0x367: {  	v20 =	vld [tilespmem:s2+$0xC0];
	v38 =	vadd.f32 v62, v58;
	v18 =	vmax.f32 v18, $0.0e+00;
	v22 =	vmax.f32 v23, $0.0e+00  }
0x368: {  	v25 =	vld [tilespmem:s1+$0xC0];
	v23 =	vadd.f32 v28, v27;
	v21 =	vmax.f32 v21, $0.0e+00;
	v17 =	vmax.f32 v17, $0.0e+00  }
0x369: {  	v26 =	vld [tilespmem:s2+$0x100];
	v19 =	vmax.f32 v19, $0.0e+00;
	v13 =	vmax.f32 v13, $0.0e+00;
	v15 =	vmax.f32 v15, $0.0e+00  }
0x36a: {  	v31 =	vld [tilespmem:s2+$0xFFFFFED0];
	v30 =	vmax.f32 v30, $0.0e+00;
	v32 =	vmax.f32 v32, $0.0e+00;
	v33 =	vmax.f32 v53, $0.0e+00  }
0x36b: {  	v54 =	vld [tilespmem:s2+$0x150];
	v35 =	vmax.f32 v55, $0.0e+00;
	v37 =	vmax.f32 v57, $0.0e+00;
	v39 =	vmax.f32 v59, $0.0e+00  }
0x36c: {  	v56 =	vld [tilespmem:s2+$0xFFFFFE20];
	v40 =	vmax.f32 v60, $0.0e+00;
	v43 =	vmax.f32 v63, $0.0e+00;
	v18 =	vmul.f32 v18, v4  }
0x36d: {  	v58 =	vld [tilespmem:s1+$0xFFFFFE20];
	v34 =	vmax.f32 v34, $0.0e+00;
	v22 =	vmul.f32 v22, v8;
	v21 =	vmul.f32 v21, v5  }
0x36e: {  	v62 =	vld [tilespmem:s2+$0xFFFFFEA0];
	v17 =	vmul.f32 v17, v6;
	v19 =	vmul.f32 v19, v10;
	v23 =	vmax.f32 v23, $0.0e+00  }
0x36f: {  	v27 =	vld [tilespmem:s1+$0x100];
	v18 =	vadd.f32 v18, v12;
	v22 =	vadd.f32 $0.0e+00, v22;
	v23 =	vmul.f32 v23, v9  }
0x370: {  	v28 =	vld [tilespmem:s2+$0x140];
	v38 =	vmax.f32 v38, $0.0e+00;
	v13 =	vmul.f32 v13, v7;
	v30 =	vmul.f32 v30, v8  }
0x371: {  	v53 =	vld [tilespmem:s2+$0x110];
	v15 =	vmul.f32 v15, v11;
	v18 =	vadd.f32 v21, v18;
	v21 =	vadd.f32 v23, v22  }
0x372: {  	v55 =	vld [tilespmem:s1+$0x150];
	v32 =	vmul.f32 v32, v4;
	v33 =	vmul.f32 v33, v8;
	v30 =	vadd.f32 $0.0e+00, v30  }
0x373: {  	v59 =	vld [tilespmem:s2+$0xFFFFFE60];
	v35 =	vmul.f32 v35, v4;
	v17 =	vadd.f32 v17, v18;
	v18 =	vadd.f32 v19, v21  }
0x374: {  	v37 =	vmul.f32 v37, v8;
	v20 =	vadd.f32 v25, v20;
	v25 =	vld [tilespmem:s1+$0xFFFFFFD0];
	v31 =	vadd.f32 v49, v31  }
0x375: {  	v39 =	vmul.f32 v39, v4;
	v49 =	vld [tilespmem:s1+$0xFFFFFEE0];
	v13 =	vadd.f32 v13, v17;
	v15 =	vadd.f32 v15, v18  }
0x376: {  	v57 =	vmul.f32 v34, v5;
	v32 =	vadd.f32 v32, v12;
	v34 =	vadd.f32 v58, v56;
	v56 =	vld [tilespmem:s2+$0x60]  }
0x377: {  	v40 =	vmul.f32 v40, v8;
	v14 =	vadd.f32 v14, v46;
	v22 =	vld [tilespmem:s2+$0xFFFFFE00];
	v13 =	vadd.f32 v15, v13  }
0x378: {  	v43 =	vmul.f32 v43, v4;
	v16 =	vadd.f32 v24, v16;
	v33 =	vadd.f32 $0.0e+00, v33;
	v23 =	vld [tilespmem:s2+$0xFFFFFE10]  }
0x379: {  	v35 =	vadd.f32 v35, v12;
	v28 =	vadd.f32 v47, v28;
	v47 =	vld [tilespmem:s1+$0x160];
	v48 =	vperm.xlane v13, v0  }
0x37a: {  	v37 =	vadd.f32 $0.0e+00, v37;
	v39 =	vadd.f32 v39, v12;
	v31 =	vmax.f32 v31, $0.0e+00;
	v19 =	vld [tilespmem:s1+$0xFFFFFE10]  }
0x37b: {  	v40 =	vadd.f32 $0.0e+00, v40;
	v31 =	vmul.f32 v31, v9;
	v21 =	vld [tilespmem:s2+$0xFFFFFE50];
	v13 =	vadd.f32 v13, v48  }
0x37c: {  	v60 =	vmul.f32 v38, v9;
	v26 =	vadd.f32 v27, v26;
	v25 =	vadd.f32 v25, v51;
	v51 =	vld [tilespmem:s1+$0xFFFFFF20]  }
0x37d: {  	v31 =	vadd.f32 v31, v33;
	v33 =	vadd.f32 v57, v35;
	v57 =	vld [tilespmem:s1+$0x60];
	v61 =	vperm.xlane v13, v1  }
0x37e: {  	v14 =	vmax.f32 v14, $0.0e+00;
	v16 =	vmax.f32 v16, $0.0e+00;
	v35 =	vadd.f32 v60, v37;
	v60 =	vld [tilespmem:s1+$0xA0]  }
0x37f: {  	v20 =	vmax.f32 v20, $0.0e+00;
	v14 =	vmul.f32 v14, v8;
	v17 =	vld [tilespmem:s1+$0xFFFFFE50];
	v13 =	vadd.f32 v13, v61  }
0x380: {  	v43 =	vadd.f32 v43, v12;
	v16 =	vmul.f32 v16, v4;
	v20 =	vmul.f32 v20, v8;
	v18 =	vld [tilespmem:s2+$0xFFFFFE90]  }
0x381: {  	v26 =	vmax.f32 v26, $0.0e+00;
	v22 =	vadd.f32 v29, v22;
	v15 =	vld [tilespmem:s1+$0xFFFFFE90];
	v24 =	vperm.xlane v13, v2  }
0x382: {  	v28 =	vmax.f32 v28, $0.0e+00;
	v14 =	vadd.f32 $0.0e+00, v14;
	v16 =	vadd.f32 v16, v12;
	v29 =	vld [tilespmem:s2+$0x10]  }
0x383: {  	v22 =	vmax.f32 v22, $0.0e+00;
	v19 =	vadd.f32 v19, v23;
	v23 =	vld [tilespmem:s2+$0x50];
	v13 =	vadd.f32 v13, v24  }
0x384: {  	v20 =	vadd.f32 $0.0e+00, v20;
	v22 =	vmul.f32 v22, v4;
	v17 =	vadd.f32 v17, v21;
	v21 =	vld [tilespmem:s2+$0x90]  }
0x385: {  	v26 =	vmul.f32 v26, v4;
	v19 =	vmax.f32 v19, $0.0e+00;
	v48 =	vld [tilespmem:s2+$0xFFFFFF90];
	v27 =	vperm.xlane v13, v3  }
0x386: {  	v22 =	vadd.f32 v22, v12;
	v19 =	vmul.f32 v19, v5;
	v15 =	vadd.f32 v15, v18;
	v18 =	vld [tilespmem:s2+$0xD0]  }
0x387: {  	v28 =	vmul.f32 v28, v8;
	v17 =	vmax.f32 v17, $0.0e+00;
	v13 =	vadd.f32 v13, v27;
	v27 =	vld [tilespmem:s1+$0x90]  }
0x388: {  	v26 =	vadd.f32 v26, v12;
	v19 =	vadd.f32 v19, v22;
	v17 =	vmul.f32 v17, v9;
	v22 =	vld [tilespmem:s1+$0xD0]  }
0x389: {  	v25 =	vmax.f32 v25, $0.0e+00;
	v28 =	vadd.f32 $0.0e+00, v28;
	v23 =	vadd.f32 v52, v23;
	v52 =	vld [tilespmem:s1+$0xFFFFFF60]  }
0x38a: {  	v25 =	vmul.f32 v25, v9;
	v15 =	vmax.f32 v15, $0.0e+00;
	v17 =	vadd.f32 v17, v30;
	v30 =	vld [tilespmem:s1+$0x110]  }
0x38b: {  	v15 =	vmul.f32 v15, v5;
	v61 =	vld [tilespmem:s1+$0xFFFFFE60];
	v23 =	vmax.f32 v23, $0.0e+00;
	v41 =	vadd.f32 v50, v48  }
0x38c: {  	v25 =	vadd.f32 v25, v40;
	v23 =	vmul.f32 v23, v9;
	v24 =	vld [tilespmem:s1+$0x10];
	v21 =	vadd.f32 v27, v21  }
0x38d: {  	v48 =	vld [tilespmem:s1+$0xFFFFFEA0];
	v15 =	vadd.f32 v15, v32;
	v41 =	vmax.f32 v41, $0.0e+00;
	v18 =	vadd.f32 v22, v18  }
0x38e: {  	v50 =	vld [tilespmem:s2+$0xFFFFFF20];
	v32 =	vadd.f32 v55, v54;
	v63 =	vmul.f32 v41, v5;
	v21 =	vmax.f32 v21, $0.0e+00  }
0x38f: {  	v54 =	vld [tilespmem:s1+$0xFFFFFFE0];
	v18 =	vmax.f32 v18, $0.0e+00;
	v30 =	vadd.f32 v30, v53;
	v21 =	vmul.f32 v21, v5  }
0x390: {  	v55 =	vld [tilespmem:s1+$0x20];
	v14 =	vadd.f32 v23, v14;
	v37 =	vadd.f32 v63, v39;
	v18 =	vmul.f32 v18, v9  }
0x391: {  	v24 =	vadd.f32 v24, v29;
	v29 =	vld [tilespmem:s2+$0xFFFFFEE0];
	v21 =	vadd.f32 v21, v16;
	v16 =	vmax.f32 v30, $0.0e+00  }
0x392: {  	v22 =	vld [tilespmem:s2+$0xFFFFFFA0];
	v18 =	vadd.f32 v18, v20;
	v20 =	vmax.f32 v32, $0.0e+00;
	v16 =	vmul.f32 v16, v5  }
0x393: {  	v23 =	vld [tilespmem:s1+$0xFFFFFFA0];
	v58 =	vadd.f32 v48, v62;
	v40 =	vadd.f32 v51, v50;
	v20 =	vmul.f32 v20, v9  }
0x394: {  	v53 =	vld [tilespmem:s2+$0xFFFFFFE0];
	v24 =	vmax.f32 v24, $0.0e+00;
	v26 =	vadd.f32 v16, v26;
	v16 =	vadd.f32 v61, v59  }
0x395: {  	v20 =	vadd.f32 v20, v28;
	v28 =	vmax.f32 v34, $0.0e+00;
	v24 =	vmul.f32 v24, v5;
	v27 =	vld [tilespmem:s2+$0xFFFFFF60]  }
0x396: {  	v62 =	vld [tilespmem:s1+$0xE0];
	v28 =	vmul.f32 v28, v6;
	v29 =	vadd.f32 v49, v29;
	v16 =	vmax.f32 v16, $0.0e+00  }
0x397: {  	v48 =	vld [tilespmem:s2+$0xFFFFFE30];
	v34 =	vmax.f32 v58, $0.0e+00;
	v24 =	vadd.f32 v24, v43;
	v16 =	vmul.f32 v16, v10  }
0x398: {  	v19 =	vadd.f32 v28, v19;
	v28 =	vmul.f32 v34, v6;
	v29 =	vmax.f32 v29, $0.0e+00;
	v30 =	vld [tilespmem:s2+$0x20]  }
0x399: {  	v50 =	vld [tilespmem:s1+$0xFFFFFE30];
	v63 =	vadd.f32 v16, v17;
	v16 =	vmul.f32 v29, v10;
	v17 =	vmax.f32 v40, $0.0e+00  }
0x39a: {  	v51 =	vld [tilespmem:s1+$0xFFFFFE70];
	v28 =	vadd.f32 v28, v15;
	v15 =	vadd.f32 v52, v27;
	v17 =	vmul.f32 v17, v6  }
0x39b: {  	v27 =	vld [tilespmem:s1+$0x120];
	v31 =	vadd.f32 v16, v31;
	v16 =	vadd.f32 v23, v22  }
0x39c: {  	v15 =	vmax.f32 v15, $0.0e+00;
	v59 =	vld [tilespmem:s2+$0xA0];
	v23 =	vadd.f32 v17, v33;
	v17 =	vadd.f32 v54, v53  }
0x39d: {  	v61 =	vld [tilespmem:s2+$0xE0];
	v15 =	vmul.f32 v15, v10;
	v30 =	vadd.f32 v55, v30;
	v16 =	vmax.f32 v16, $0.0e+00  }
0x39e: {  	v49 =	vadd.f32 v57, v56;
	v29 =	vld [tilespmem:s2+$0x120];
	v16 =	vmul.f32 v16, v6;
	v17 =	vmax.f32 v17, $0.0e+00  }
0x39f: {  	v35 =	vadd.f32 v15, v35;
	v22 =	vld [tilespmem:s2+$0x160];
	v15 =	vmul.f32 v17, v10;
	v17 =	vmax.f32 v30, $0.0e+00  }
0x3a0: {  	v30 =	vld [tilespmem:s2+$0xFFFFFE70];
	v37 =	vadd.f32 v16, v37;
	v16 =	vmul.f32 v17, v6;
	v17 =	vmax.f32 v49, $0.0e+00  }
0x3a1: {  	v54 =	vld [tilespmem:s1+$0xFFFFFEB0];
	v52 =	vadd.f32 v15, v25;
	v15 =	vadd.f32 v60, v59;
	v17 =	vmul.f32 v17, v10  }
0x3a2: {  	v25 =	vld [tilespmem:s2+$0xFFFFFEB0];
	v53 =	vadd.f32 v16, v24;
	v24 =	vadd.f32 v62, v61  }
0x3a3: {  	v16 =	vadd.f32 v17, v14;
	v14 =	vmax.f32 v15, $0.0e+00;
	v15 =	vadd.f32 v27, v29;
	v27 =	vld [tilespmem:s2+$0xFFFFFEF0]  }
0x3a4: {  	v29 =	vld [tilespmem:s1+$0xFFFFFEF0];
	v14 =	vmul.f32 v14, v6;
	v17 =	vmax.f32 v24, $0.0e+00;
	v24 =	vadd.f32 v50, v48  }
0x3a5: {  	v56 =	vld [tilespmem:s2+$0xFFFFFF30];
	v30 =	vadd.f32 v51, v30;
	v55 =	vmul.f32 v17, v10;
	v15 =	vmax.f32 v15, $0.0e+00  }
0x3a6: {  	v17 =	vadd.f32 v14, v21;
	v21 =	vadd.f32 v47, v22;
	v15 =	vmul.f32 v15, v6;
	v22 =	vld [tilespmem:s1+$0xFFFFFF30]  }
0x3a7: {  	v14 =	vadd.f32 v55, v18;
	v18 =	vmax.f32 v24, $0.0e+00;
	v24 =	vmax.f32 v30, $0.0e+00;
	v30 =	vld [tilespmem:s2+$0xFFFFFF70]  }
0x3a8: {  	v15 =	vadd.f32 v15, v26;
	v18 =	vmul.f32 v18, v7;
	v24 =	vmul.f32 v24, v11;
	v26 =	vld [tilespmem:s1+$0xFFFFFF70]  }
0x3a9: {  	v25 =	vadd.f32 v54, v25;
	v21 =	vmax.f32 v21, $0.0e+00;
	v27 =	vadd.f32 v29, v27;
	v29 =	vld [tilespmem:s2+$0xFFFFFFB0]  }
0x3aa: {  	v19 =	vadd.f32 v18, v19;
	v18 =	vmul.f32 v21, v10;
	v21 =	vadd.f32 v24, v63;
	v24 =	vld [tilespmem:s1+$0xFFFFFFB0]  }
0x3ab: {  	v57 =	vld [tilespmem:s2+$0xFFFFFFF0];
	v25 =	vmax.f32 v25, $0.0e+00;
	v27 =	vmax.f32 v27, $0.0e+00;
	v22 =	vadd.f32 v22, v56  }
0x3ac: {  	v18 =	vadd.f32 v18, v20;
	v20 =	vmul.f32 v25, v7;
	v25 =	vmul.f32 v27, v11;
	v27 =	vld [tilespmem:s1+$0xFFFFFFF0]  }
0x3ad: {  	v19 =	vadd.f32 v21, v19;
	v21 =	vmax.f32 v22, $0.0e+00;
	v22 =	vadd.f32 v26, v30;
	v26 =	vld [tilespmem:s2+$0x30]  }
0x3ae: {  	v20 =	vadd.f32 v20, v28;
	v25 =	vadd.f32 v25, v31;
	v21 =	vmul.f32 v21, v7;
	v28 =	vld [tilespmem:s1+$0x30]  }
0x3af: {  	v30 =	vperm.xlane v19, v0;
	v22 =	vmax.f32 v22, $0.0e+00;
	v24 =	vadd.f32 v24, v29;
	v29 =	vld [tilespmem:s2+$0x70]  }
0x3b0: {  	v31 =	vadd.f32 v25, v20;
	v21 =	vadd.f32 v21, v23;
	v20 =	vmul.f32 v22, v11;
	v22 =	vld [tilespmem:s1+$0x70]  }
0x3b1: {  	v59 =	vld [tilespmem:s1+$0xB0];
	v19 =	vadd.f32 v19, v30;
	v23 =	vmax.f32 v24, $0.0e+00;
	v24 =	vadd.f32 v27, v57  }
0x3b2: {  	v27 =	vld [tilespmem:s2+$0xB0];
	v30 =	vperm.xlane v31, v0;
	v25 =	vadd.f32 v20, v35;
	v58 =	vmul.f32 v23, v7  }
0x3b3: {  	v20 =	vperm.xlane v19, v1;
	v23 =	vld [tilespmem:s2+$0xF0];
	v24 =	vmax.f32 v24, $0.0e+00;
	v28 =	vadd.f32 v28, v26  }
0x3b4: {  	v26 =	vld [tilespmem:s1+$0xF0];
	v25 =	vadd.f32 v25, v21;
	v60 =	vadd.f32 v58, v37;
	v61 =	vmul.f32 v24, v11  }
0x3b5: {  	v21 =	vadd.f32 v31, v30;
	v24 =	vld [tilespmem:s2+$0x130];
	v28 =	vmax.f32 v28, $0.0e+00;
	v29 =	vadd.f32 v22, v29  }
0x3b6: {  	v31 =	vperm.xlane v25, v0;
	v30 =	vadd.f32 v61, v52;
	v62 =	vmul.f32 v28, v7;
	v28 =	vld [tilespmem:s1+$0x130]  }
0x3b7: {  	s13 =	simm.s32 $0x18980;
	v22 =	vperm.xlane v21, v1;
	v32 =	vadd.f32 v59, v27;
	v27 =	vld [tilespmem:s2+$0x170];
	v63 =	vmax.f32 v29, $0.0e+00  }
0x3b8: {  	s14 =	simm.s32 $0x0;
	s25 =	simm.s32 $0x5500;
	s3 =	simm.s32 $0x18980;
	[tilespmem:s13+$0x180] =	vst v13;
	v13 =	vadd.f32 v30, v60;
	v29 =	vadd.f32 v62, v53;
	v33 =	vmul.f32 v63, v11;
	v30 =	vld [tilespmem:s1+$0x170]  }
.LBB2_12:
0x3b9: {  	v34 =	vld [tilespmem:s25+$0x1B0];
	v25 =	vadd.f32 v25, v31;
	v31 =	vmax.f32 v32, $0.0e+00;
	v23 =	vadd.f32 v26, v23;
	s1 =	sadd.s32 $0x400, s1  }
0x3ba: {  	v26 =	vld [tilespmem:s1+$0x1B0];
	v32 =	vperm.xlane v13, v0;
	v16 =	vadd.f32 v33, v16;
	v31 =	vmul.f32 v31, v7  }
0x3bb: {  	v33 =	vld [tilespmem:s25+$0x1F0];
	v35 =	vperm.xlane v25, v1;
	v23 =	vmax.f32 v23, $0.0e+00;
	v24 =	vadd.f32 v28, v24  }
0x3bc: {  	v28 =	vld [tilespmem:s1+$0x1F0];
	v16 =	vadd.f32 v16, v29;
	v17 =	vadd.f32 v31, v17;
	v23 =	vmul.f32 v23, v11  }
0x3bd: {  	v13 =	vadd.f32 v13, v32;
	v29 =	vld [tilespmem:s25+$0x1A0];
	v24 =	vmax.f32 v24, $0.0e+00;
	v27 =	vadd.f32 v30, v27  }
0x3be: {  	v30 =	vld [tilespmem:s1+$0x1A0];
	v31 =	vperm.xlane v16, v0;
	v14 =	vadd.f32 v23, v14;
	v23 =	vmul.f32 v24, v7  }
0x3bf: {  	v19 =	vadd.f32 v19, v20;
	v20 =	vperm.xlane v13, v1;
	v24 =	vld [tilespmem:s25+$0x1E0];
	v27 =	vmax.f32 v27, $0.0e+00  }
0x3c0: {  	v32 =	vld [tilespmem:s1+$0x1E0];
	v14 =	vadd.f32 v14, v17;
	v15 =	vadd.f32 v23, v15;
	v17 =	vmul.f32 v27, v11  }
0x3c1: {  	v21 =	vadd.f32 v21, v22;
	v27 =	vperm.xlane v19, v2;
	v16 =	vadd.f32 v16, v31;
	v23 =	vld [tilespmem:s25+$0x190]  }
0x3c2: {  	v25 =	vadd.f32 v25, v35;
	v22 =	vld [tilespmem:s1+$0x190];
	v31 =	vperm.xlane v14, v0;
	v17 =	vadd.f32 v17, v18  }
0x3c3: {  	v13 =	vadd.f32 v13, v20;
	v18 =	vperm.xlane v21, v2;
	v20 =	vperm.xlane v16, v1;
	v35 =	vld [tilespmem:s25+$0x180]  }
0x3c4: {  	v37 =	vperm.xlane v25, v2;
	v36 =	vld [tilespmem:s1+$0x180];
	v31 =	vadd.f32 v14, v31;
	v17 =	vadd.f32 v17, v15  }
0x3c5: {  	v14 =	vadd.f32 v19, v27;
	v19 =	vperm.xlane v13, v2;
	v20 =	vadd.f32 v16, v20;
	v38 =	vld [tilespmem:s25+$0x1C0]  }
0x3c6: {  	s14 =	sadd.s32 $0x8, s14;
	v15 =	vadd.f32 v21, v18;
	v27 =	vld [tilespmem:s1+$0x1C0];
	v21 =	vperm.xlane v31, v1;
	v39 =	vperm.xlane v17, v0  }
0x3c7: {  	p0 =	slt.u32 s14, $0x78;
	v16 =	vadd.f32 v25, v37;
	v13 =	vadd.f32 v13, v19;
	v37 =	vperm.xlane v20, v2;
	v40 =	vld [tilespmem:s25+$0x1D0]  }
0x3c8: {  	v18 =	vperm.xlane v14, v3;
	v41 =	vld [tilespmem:s1+$0x1D0];
	v25 =	vadd.f32 v31, v21;
	v39 =	vadd.f32 v17, v39  }
0x3c9: {  	v26 =	vadd.f32 v26, v34;
	v19 =	vperm.xlane v15, v3;
	v17 =	vadd.f32 v20, v37;
	v21 =	vld [tilespmem:s1+$0xFFFFFE00]  }
0x3ca: {  	v28 =	vadd.f32 v28, v33;
	v29 =	vadd.f32 v30, v29;
	v34 =	vld [tilespmem:s25+$0xFFFFFE40];
	v33 =	vperm.xlane v39, v1  }
0x3cb: {  	v35 =	vadd.f32 v36, v35;
	v31 =	vperm.xlane v25, v2;
	v30 =	vld [tilespmem:s1+$0xFFFFFE40];
	v27 =	vadd.f32 v27, v38  }
0x3cc: {  	v22 =	vadd.f32 v22, v23;
	v23 =	vadd.f32 v32, v24;
	v20 =	vperm.xlane v16, v3;
	v36 =	vld [tilespmem:s25+$0xFFFFFE80]  }
0x3cd: {  	v32 =	vmax.f32 v35, $0.0e+00;
	v24 =	vld [tilespmem:s1+$0xFFFFFE80];
	v27 =	vmax.f32 v27, $0.0e+00;
	v35 =	vadd.f32 v41, v40  }
0x3ce: {  	v22 =	vmax.f32 v22, $0.0e+00;
	v32 =	vmul.f32 v32, v4;
	v37 =	vld [tilespmem:s25+$0xFFFFFEC0];
	v27 =	vmul.f32 v27, v8  }
0x3cf: {  	v29 =	vmax.f32 v29, $0.0e+00;
	v22 =	vmul.f32 v22, v5;
	v38 =	vld [tilespmem:s1+$0xFFFFFEC0];
	v35 =	vmax.f32 v35, $0.0e+00  }
0x3d0: {  	v32 =	vadd.f32 v32, v12;
	v40 =	vld [tilespmem:s25+$0xFFFFFF00];
	v27 =	vadd.f32 $0.0e+00, v27;
	v35 =	vmul.f32 v35, v9  }
0x3d1: {  	v26 =	vmax.f32 v26, $0.0e+00;
	v29 =	vmul.f32 v29, v6;
	v23 =	vmax.f32 v23, $0.0e+00;
	v41 =	vld [tilespmem:s1+$0xFFFFFF00]  }
0x3d2: {  	v23 =	vmul.f32 v23, v10;
	v22 =	vadd.f32 v22, v32;
	v42 =	vld [tilespmem:s25+$0xFFFFFF40];
	v27 =	vadd.f32 v35, v27  }
0x3d3: {  	v26 =	vmul.f32 v26, v7;
	v28 =	vmax.f32 v28, $0.0e+00;
	v30 =	vadd.f32 v30, v34;
	v32 =	vld [tilespmem:s1+$0xFFFFFF40]  }
0x3d4: {  	v22 =	vadd.f32 v29, v22;
	v34 =	vld [tilespmem:s25+$0xFFFFFF80];
	v23 =	vadd.f32 v23, v27;
	v27 =	vmul.f32 v28, v11  }
0x3d5: {  	v24 =	vadd.f32 v24, v36;
	v28 =	vmax.f32 v30, $0.0e+00;
	v29 =	vadd.f32 v38, v37;
	v30 =	vld [tilespmem:s1+$0xFFFFFF80]  }
0x3d6: {  	v22 =	vadd.f32 v26, v22;
	v28 =	vmul.f32 v28, v8;
	v35 =	vld [tilespmem:s25+$0xFFFFFFC0];
	v23 =	vadd.f32 v27, v23  }
0x3d7: {  	v24 =	vmax.f32 v24, $0.0e+00;
	v26 =	vmax.f32 v29, $0.0e+00;
	v27 =	vadd.f32 v41, v40;
	v29 =	vld [tilespmem:s1+$0xFFFFFFC0]  }
0x3d8: {  	v24 =	vmul.f32 v24, v4;
	v36 =	vadd.f32 v32, v42;
	v37 =	vld [tilespmem:s25+$0x0];
	v22 =	vadd.f32 v23, v22  }
0x3d9: {  	v32 =	vadd.f32 $0.0e+00, v28;
	v23 =	vmul.f32 v26, v8;
	v26 =	vmax.f32 v27, $0.0e+00;
	v28 =	vld [tilespmem:s1+$0x0]  }
0x3da: {  	v27 =	vmax.f32 v36, $0.0e+00;
	v34 =	vadd.f32 v30, v34;
	v36 =	vld [tilespmem:s25+$0x40];
	v38 =	vperm.xlane v22, v0  }
0x3db: {  	v30 =	vadd.f32 v24, v12;
	v24 =	vmul.f32 v26, v4;
	v26 =	vmul.f32 v27, v8;
	v40 =	vld [tilespmem:s1+$0x40]  }
0x3dc: {  	v34 =	vmax.f32 v34, $0.0e+00;
	v35 =	vadd.f32 v29, v35;
	v41 =	vld [tilespmem:s25+$0x80];
	v38 =	vadd.f32 v22, v38  }
0x3dd: {  	v29 =	vadd.f32 $0.0e+00, v23;
	v27 =	vadd.f32 v24, v12;
	v22 =	vmul.f32 v34, v4;
	v24 =	vld [tilespmem:s1+$0x80]  }
0x3de: {  	v23 =	vmax.f32 v35, $0.0e+00;
	v34 =	vadd.f32 v28, v37;
	v35 =	vld [tilespmem:s25+$0xC0];
	v37 =	vperm.xlane v38, v1  }
0x3df: {  	v28 =	vadd.f32 $0.0e+00, v26;
	v22 =	vadd.f32 v22, v12;
	v23 =	vmul.f32 v23, v8;
	v26 =	vld [tilespmem:s1+$0xC0]  }
0x3e0: {  	v34 =	vmax.f32 v34, $0.0e+00;
	v36 =	vadd.f32 v40, v36;
	v40 =	vld [tilespmem:s25+$0x100];
	v37 =	vadd.f32 v38, v37  }
0x3e1: {  	v33 =	vadd.f32 v39, v33;
	v23 =	vadd.f32 $0.0e+00, v23;
	v34 =	vmul.f32 v34, v4;
	v38 =	vld [tilespmem:s1+$0x100]  }
0x3e2: {  	v36 =	vmax.f32 v36, $0.0e+00;
	v39 =	vadd.f32 v24, v41;
	v41 =	vld [tilespmem:s25+$0x140];
	v42 =	vperm.xlane v37, v2  }
0x3e3: {  	v43 =	vperm.xlane v33, v2;
	v24 =	vadd.f32 v34, v12;
	v34 =	vmul.f32 v36, v8;
	v36 =	vld [tilespmem:s1+$0x140]  }
0x3e4: {  	v44 =	vld [tilespmem:s25+$0xFFFFFE00];
	v39 =	vmax.f32 v39, $0.0e+00;
	v35 =	vadd.f32 v26, v35;
	v37 =	vadd.f32 v37, v42  }
0x3e5: {  	v42 =	vld [tilespmem:s25+$0xFFFFFE10];
	v26 =	vadd.f32 $0.0e+00, v34;
	v34 =	vmul.f32 v39, v4;
	v39 =	vadd.f32 v25, v31  }
0x3e6: {  	v31 =	vld [tilespmem:s1+$0xFFFFFE10];
	v35 =	vmax.f32 v35, $0.0e+00;
	v38 =	vadd.f32 v38, v40;
	v40 =	vperm.xlane v37, v3  }
0x3e7: {  	v45 =	vld [tilespmem:s25+$0xFFFFFE50];
	v25 =	vadd.f32 v34, v12;
	v34 =	vmul.f32 v35, v8;
	v35 =	vadd.f32 v33, v43  }
0x3e8: {  	v43 =	vld [tilespmem:s1+$0xFFFFFE50];
	v33 =	vmax.f32 v38, $0.0e+00;
	v36 =	vadd.f32 v36, v41;
	v37 =	vadd.f32 v37, v40  }
0x3e9: {  	s13 =	sadd.s32 $0x400, s13;
	v38 =	vadd.f32 v21, v44;
	v40 =	vld [tilespmem:s25+$0xFFFFFE90];
	v21 =	vadd.f32 $0.0e+00, v34;
	v33 =	vmul.f32 v33, v4  }
0x3ea: {  	s24 =	simm.s32 $0x0;
	s2 =	simm.s32 $0x18B80;
	v41 =	vperm.xlane v17, v3;
	v34 =	vld [tilespmem:s1+$0xFFFFFE90];
	v36 =	vmax.f32 v36, $0.0e+00;
	[tilespmem:s13+$0x180] =	vst v37;
	v37 =	vperm.xlane v13, v3  }
0x3eb: {  	v38 =	vmax.f32 v38, $0.0e+00;
	v31 =	vadd.f32 v31, v42;
	v42 =	vld [tilespmem:s25+$0xFFFFFED0];
	v36 =	vmul.f32 v36, v8  }
0x3ec: {  	v46 =	vperm.xlane v39, v3;
	v33 =	vadd.f32 v33, v12;
	v38 =	vmul.f32 v38, v4;
	v44 =	vld [tilespmem:s1+$0xFFFFFED0]  }
0x3ed: {  	v47 =	vmax.f32 v31, $0.0e+00;
	v43 =	vadd.f32 v43, v45;
	v45 =	vld [tilespmem:s25+$0xFFFFFF10];
	v31 =	vadd.f32 $0.0e+00, v36  }
0x3ee: {  	v48 =	vperm.xlane v35, v3;
	v36 =	vadd.f32 v38, v12;
	v38 =	vmul.f32 v47, v5;
	v47 =	vld [tilespmem:s1+$0xFFFFFF10]  }
0x3ef: {  	v14 =	vadd.f32 v14, v18;
	v43 =	vmax.f32 v43, $0.0e+00;
	v34 =	vadd.f32 v34, v40;
	v40 =	vld [tilespmem:s25+$0xFFFFFF50]  }
0x3f0: {  	v15 =	vadd.f32 v15, v19;
	v18 =	vadd.f32 v38, v36;
	v36 =	vmul.f32 v43, v9;
	v38 =	vld [tilespmem:s1+$0xFFFFFF50]  }
0x3f1: {  	v19 =	vmax.f32 v34, $0.0e+00;
	v34 =	vadd.f32 v44, v42;
	v42 =	vld [tilespmem:s25+$0xFFFFFF90];
	[tilespmem:s3+$0xFFFFFE00] =	vst v14;
	v14 =	vadd.f32 v16, v20  }
0x3f2: {  	v13 =	vadd.f32 v13, v37;
	v16 =	vadd.f32 v36, v32;
	v19 =	vmul.f32 v19, v5;
	v20 =	vld [tilespmem:s1+$0xFFFFFF90];
	[tilespmem:s3+$0xFFFFFE80] =	vst v15  }
0x3f3: {  	v15 =	vmax.f32 v34, $0.0e+00;
	v32 =	vadd.f32 v47, v45;
	v34 =	vld [tilespmem:s25+$0xFFFFFFD0];
	[tilespmem:s3+$0xFFFFFF00] =	vst v14;
	v14 =	vadd.f32 v17, v41  }
0x3f4: {  	v17 =	vadd.f32 v19, v30;
	v15 =	vmul.f32 v15, v9;
	v19 =	vld [tilespmem:s1+$0xFFFFFFD0];
	[tilespmem:s3+$0xFFFFFF80] =	vst v13;
	v13 =	vadd.f32 v39, v46  }
0x3f5: {  	v30 =	vmax.f32 v32, $0.0e+00;
	v32 =	vadd.f32 v38, v40;
	v36 =	vld [tilespmem:s25+$0x10];
	[tilespmem:s3+$0x0] =	vst v14;
	v14 =	vadd.f32 v35, v48  }
0x3f6: {  	v15 =	vadd.f32 v15, v29;
	v29 =	vmul.f32 v30, v5;
	v30 =	vld [tilespmem:s1+$0x10];
	[tilespmem:s3+$0x80] =	vst v13  }
0x3f7: {  	v13 =	vmax.f32 v32, $0.0e+00;
	v20 =	vadd.f32 v20, v42;
	v32 =	vld [tilespmem:s25+$0x50];
	[tilespmem:s3+$0x100] =	vst v14;
	s3 =	smov.u32 s13  }
0x3f8: {  	v14 =	vadd.f32 v29, v27;
	v13 =	vmul.f32 v13, v9;
	v27 =	vld [tilespmem:s1+$0x50]  }
0x3f9: {  	v20 =	vmax.f32 v20, $0.0e+00;
	v19 =	vadd.f32 v19, v34;
	v29 =	vld [tilespmem:s25+$0x90]  }
0x3fa: {  	v13 =	vadd.f32 v13, v28;
	v20 =	vmul.f32 v20, v5;
	v28 =	vld [tilespmem:s1+$0x90]  }
0x3fb: {  	v19 =	vmax.f32 v19, $0.0e+00;
	v30 =	vadd.f32 v30, v36;
	v34 =	vld [tilespmem:s25+$0xD0]  }
0x3fc: {  	v20 =	vadd.f32 v20, v22;
	v19 =	vmul.f32 v19, v9;
	v22 =	vld [tilespmem:s1+$0xD0]  }
0x3fd: {  	v30 =	vmax.f32 v30, $0.0e+00;
	v27 =	vadd.f32 v27, v32;
	v32 =	vld [tilespmem:s25+$0x110]  }
0x3fe: {  	v19 =	vadd.f32 v19, v23;
	v23 =	vmul.f32 v30, v5;
	v30 =	vld [tilespmem:s1+$0x110]  }
0x3ff: {  	v27 =	vmax.f32 v27, $0.0e+00;
	v28 =	vadd.f32 v28, v29;
	v29 =	vld [tilespmem:s25+$0x150]  }
0x400: {  	v23 =	vadd.f32 v23, v24;
	v24 =	vmul.f32 v27, v9;
	v27 =	vld [tilespmem:s1+$0x150]  }
0x401: {  	v35 =	vld [tilespmem:s25+$0xFFFFFE20];
	v28 =	vmax.f32 v28, $0.0e+00;
	v22 =	vadd.f32 v22, v34  }
0x402: {  	v34 =	vld [tilespmem:s1+$0xFFFFFE20];
	v24 =	vadd.f32 v24, v26;
	v26 =	vmul.f32 v28, v5  }
0x403: {  	v28 =	vld [tilespmem:s25+$0xFFFFFE60];
	v22 =	vmax.f32 v22, $0.0e+00;
	v30 =	vadd.f32 v30, v32  }
0x404: {  	v32 =	vld [tilespmem:s1+$0xFFFFFE60];
	v25 =	vadd.f32 v26, v25;
	v22 =	vmul.f32 v22, v9  }
0x405: {  	v26 =	vld [tilespmem:s25+$0xFFFFFEA0];
	v30 =	vmax.f32 v30, $0.0e+00;
	v27 =	vadd.f32 v27, v29  }
0x406: {  	v29 =	vld [tilespmem:s1+$0xFFFFFEA0];
	v21 =	vadd.f32 v22, v21;
	v22 =	vmul.f32 v30, v5  }
0x407: {  	v30 =	vadd.f32 v34, v35;
	v34 =	vld [tilespmem:s25+$0xFFFFFEE0];
	v27 =	vmax.f32 v27, $0.0e+00  }
0x408: {  	v35 =	vld [tilespmem:s1+$0xFFFFFEE0];
	v22 =	vadd.f32 v22, v33;
	v27 =	vmul.f32 v27, v9  }
0x409: {  	v30 =	vmax.f32 v30, $0.0e+00;
	v28 =	vadd.f32 v32, v28;
	v32 =	vld [tilespmem:s25+$0xFFFFFF20]  }
0x40a: {  	v30 =	vmul.f32 v30, v6;
	v33 =	vld [tilespmem:s1+$0xFFFFFF20];
	v27 =	vadd.f32 v27, v31  }
0x40b: {  	v28 =	vmax.f32 v28, $0.0e+00;
	v26 =	vadd.f32 v29, v26;
	v29 =	vld [tilespmem:s25+$0xFFFFFF60]  }
0x40c: {  	v30 =	vadd.f32 v30, v18;
	v18 =	vmul.f32 v28, v10;
	v28 =	vld [tilespmem:s1+$0xFFFFFF60]  }
0x40d: {  	v26 =	vmax.f32 v26, $0.0e+00;
	v31 =	vadd.f32 v35, v34;
	v34 =	vld [tilespmem:s25+$0xFFFFFFA0]  }
0x40e: {  	v35 =	vadd.f32 v18, v16;
	v16 =	vmul.f32 v26, v6;
	v18 =	vld [tilespmem:s1+$0xFFFFFFA0]  }
0x40f: {  	v26 =	vmax.f32 v31, $0.0e+00;
	v31 =	vadd.f32 v33, v32;
	v32 =	vld [tilespmem:s25+$0xFFFFFFE0]  }
0x410: {  	v33 =	vadd.f32 v16, v17;
	v16 =	vmul.f32 v26, v10;
	v17 =	vld [tilespmem:s1+$0xFFFFFFE0]  }
0x411: {  	v26 =	vmax.f32 v31, $0.0e+00;
	v28 =	vadd.f32 v28, v29;
	v29 =	vld [tilespmem:s25+$0x20]  }
0x412: {  	v31 =	vadd.f32 v16, v15;
	v15 =	vmul.f32 v26, v6;
	v16 =	vld [tilespmem:s1+$0x20]  }
0x413: {  	v26 =	vmax.f32 v28, $0.0e+00;
	v18 =	vadd.f32 v18, v34;
	v28 =	vld [tilespmem:s25+$0x60]  }
0x414: {  	v34 =	vadd.f32 v15, v14;
	v14 =	vmul.f32 v26, v10;
	v15 =	vld [tilespmem:s1+$0x60]  }
0x415: {  	v18 =	vmax.f32 v18, $0.0e+00;
	v17 =	vadd.f32 v17, v32;
	v26 =	vld [tilespmem:s25+$0xA0]  }
0x416: {  	v13 =	vadd.f32 v14, v13;
	v14 =	vmul.f32 v18, v6;
	v18 =	vld [tilespmem:s1+$0xA0]  }
0x417: {  	v17 =	vmax.f32 v17, $0.0e+00;
	v16 =	vadd.f32 v16, v29;
	v29 =	vld [tilespmem:s25+$0xE0]  }
0x418: {  	v32 =	vadd.f32 v14, v20;
	v14 =	vmul.f32 v17, v10;
	v17 =	vld [tilespmem:s1+$0xE0]  }
0x419: {  	v16 =	vmax.f32 v16, $0.0e+00;
	v15 =	vadd.f32 v15, v28;
	v20 =	vld [tilespmem:s25+$0x120]  }
0x41a: {  	v28 =	vadd.f32 v14, v19;
	v14 =	vmul.f32 v16, v6;
	v19 =	vld [tilespmem:s1+$0x120]  }
0x41b: {  	v15 =	vmax.f32 v15, $0.0e+00;
	v16 =	vadd.f32 v18, v26;
	v18 =	vld [tilespmem:s25+$0x160]  }
0x41c: {  	v36 =	vadd.f32 v14, v23;
	v14 =	vmul.f32 v15, v10;
	v15 =	vld [tilespmem:s1+$0x160]  }
0x41d: {  	v23 =	vld [tilespmem:s25+$0xFFFFFE30];
	v26 =	vmax.f32 v16, $0.0e+00;
	v17 =	vadd.f32 v17, v29  }
0x41e: {  	v29 =	vld [tilespmem:s1+$0xFFFFFE30];
	v16 =	vadd.f32 v14, v24;
	v14 =	vmul.f32 v26, v6  }
0x41f: {  	v24 =	vld [tilespmem:s25+$0xFFFFFE70];
	v26 =	vmax.f32 v17, $0.0e+00;
	v19 =	vadd.f32 v19, v20  }
0x420: {  	v20 =	vld [tilespmem:s1+$0xFFFFFE70];
	v17 =	vadd.f32 v14, v25;
	v14 =	vmul.f32 v26, v10  }
0x421: {  	v25 =	vld [tilespmem:s25+$0xFFFFFEB0];
	v19 =	vmax.f32 v19, $0.0e+00;
	v15 =	vadd.f32 v15, v18  }
0x422: {  	v26 =	vld [tilespmem:s1+$0xFFFFFEB0];
	v14 =	vadd.f32 v14, v21;
	v18 =	vmul.f32 v19, v6  }
0x423: {  	v19 =	vadd.f32 v29, v23;
	v21 =	vld [tilespmem:s25+$0xFFFFFEF0];
	v23 =	vmax.f32 v15, $0.0e+00  }
0x424: {  	v29 =	vld [tilespmem:s1+$0xFFFFFEF0];
	v15 =	vadd.f32 v18, v22;
	v18 =	vmul.f32 v23, v10  }
0x425: {  	v19 =	vmax.f32 v19, $0.0e+00;
	v20 =	vadd.f32 v20, v24;
	v22 =	vld [tilespmem:s25+$0xFFFFFF30]  }
0x426: {  	v19 =	vmul.f32 v19, v7;
	v23 =	vld [tilespmem:s1+$0xFFFFFF30];
	v18 =	vadd.f32 v18, v27  }
0x427: {  	v20 =	vmax.f32 v20, $0.0e+00;
	v24 =	vadd.f32 v26, v25;
	v25 =	vld [tilespmem:s25+$0xFFFFFF70]  }
0x428: {  	v19 =	vadd.f32 v19, v30;
	v20 =	vmul.f32 v20, v11;
	v26 =	vld [tilespmem:s1+$0xFFFFFF70]  }
0x429: {  	v24 =	vmax.f32 v24, $0.0e+00;
	v21 =	vadd.f32 v29, v21;
	v27 =	vld [tilespmem:s25+$0xFFFFFFB0]  }
0x42a: {  	v20 =	vadd.f32 v20, v35;
	v24 =	vmul.f32 v24, v7;
	v29 =	vld [tilespmem:s1+$0xFFFFFFB0]  }
0x42b: {  	v21 =	vmax.f32 v21, $0.0e+00;
	v22 =	vadd.f32 v23, v22;
	v23 =	vld [tilespmem:s25+$0xFFFFFFF0]  }
0x42c: {  	v19 =	vadd.f32 v20, v19;
	v20 =	vadd.f32 v24, v33;
	v21 =	vmul.f32 v21, v11;
	v24 =	vld [tilespmem:s1+$0xFFFFFFF0]  }
0x42d: {  	v22 =	vmax.f32 v22, $0.0e+00;
	v25 =	vadd.f32 v26, v25;
	v26 =	vld [tilespmem:s25+$0x30]  }
0x42e: {  	v30 =	vperm.xlane v19, v0;
	v21 =	vadd.f32 v21, v31;
	v22 =	vmul.f32 v22, v7;
	v31 =	vld [tilespmem:s1+$0x30]  }
0x42f: {  	v25 =	vmax.f32 v25, $0.0e+00;
	v27 =	vadd.f32 v29, v27;
	v29 =	vld [tilespmem:s25+$0x70]  }
0x430: {  	v21 =	vadd.f32 v21, v20;
	v22 =	vadd.f32 v22, v34;
	v20 =	vmul.f32 v25, v11;
	v33 =	vld [tilespmem:s1+$0x70]  }
0x431: {  	v19 =	vadd.f32 v19, v30;
	v25 =	vmax.f32 v27, $0.0e+00;
	v23 =	vadd.f32 v24, v23;
	v27 =	vld [tilespmem:s25+$0xB0]  }
0x432: {  	v24 =	vperm.xlane v21, v0;
	v13 =	vadd.f32 v20, v13;
	v30 =	vmul.f32 v25, v7;
	v34 =	vld [tilespmem:s1+$0xB0]  }
0x433: {  	v20 =	vperm.xlane v19, v1;
	v35 =	vmax.f32 v23, $0.0e+00;
	v31 =	vadd.f32 v31, v26;
	v23 =	vld [tilespmem:s25+$0xF0]  }
.Ltmp5:
0x434: {  	v25 =	vadd.f32 v13, v22;
	v13 =	vadd.f32 v30, v32;
	v22 =	vmul.f32 v35, v11;
	v26 =	vld [tilespmem:s1+$0xF0];
	(pc) =	sbr.rel @p0 .LBB2_12-.Ltmp5, $4  }
0x435: {  	v21 =	vadd.f32 v21, v24;
	v30 =	vmax.f32 v31, $0.0e+00;
	v29 =	vadd.f32 v33, v29;
	v24 =	vld [tilespmem:s25+$0x130]  }
0x436: {  	v31 =	vperm.xlane v25, v0;
	v33 =	vadd.f32 v22, v28;
	v30 =	vmul.f32 v30, v7;
	v28 =	vld [tilespmem:s1+$0x130]  }
0x437: {  	v22 =	vperm.xlane v21, v1;
	v35 =	vmax.f32 v29, $0.0e+00;
	v32 =	vadd.f32 v34, v27;
	v27 =	vld [tilespmem:s25+$0x170]  }
0x438: {  	s25 =	sadd.s32 $0x400, s25;
	v13 =	vadd.f32 v33, v13;
	v29 =	vadd.f32 v30, v36;
	v33 =	vmul.f32 v35, v11;
	v30 =	vld [tilespmem:s1+$0x170]  }
0x439: {  	_ =	sdelay $0x1  }
0x43a: {  	v25 =	vadd.f32 v25, v31  }
0x43b: {  	v39 =	vmax.f32 v32, $0.0e+00;
	v23 =	vadd.f32 v26, v23;
	v16 =	vadd.f32 v33, v16  }
0x43c: {  	v40 =	vperm.xlane v13, v0;
	v24 =	vadd.f32 v28, v24;
	v27 =	vadd.f32 v30, v27  }
0x43d: {  	v41 =	vmul.f32 v39, v7;
	v23 =	vmax.f32 v23, $0.0e+00;
	v16 =	vadd.f32 v16, v29  }
0x43e: {  	v23 =	vmul.f32 v23, v11;
	v24 =	vmax.f32 v24, $0.0e+00;
	v27 =	vmax.f32 v27, $0.0e+00  }
0x43f: {  	v17 =	vadd.f32 v41, v17;
	v24 =	vmul.f32 v24, v7;
	v27 =	vmul.f32 v27, v11  }
0x440: {  	v13 =	vadd.f32 v13, v40;
	v14 =	vadd.f32 v23, v14  }
0x441: {  	v15 =	vadd.f32 v24, v15;
	v18 =	vadd.f32 v27, v18  }
0x442: {  	v42 =	vperm.xlane v25, v1;
	v43 =	vperm.xlane v16, v0;
	v14 =	vadd.f32 v14, v17  }
0x443: {  	v17 =	vadd.f32 v19, v20;
	v19 =	vperm.xlane v13, v1;
	v15 =	vadd.f32 v18, v15  }
0x444: {  	v45 =	vadd.f32 v25, v42;
	v16 =	vadd.f32 v16, v43;
	v20 =	vperm.xlane v14, v0  }
0x445: {  	v44 =	vperm.xlane v17, v2;
	v13 =	vadd.f32 v13, v19;
	v46 =	vperm.xlane v15, v0  }
0x446: {  	v48 =	vperm.xlane v16, v1;
	v18 =	vadd.f32 v21, v22;
	v14 =	vadd.f32 v14, v20  }
0x447: {  	v19 =	vperm.xlane v45, v2;
	v17 =	vadd.f32 v17, v44;
	v15 =	vadd.f32 v15, v46  }
0x448: {  	v16 =	vadd.f32 v16, v48;
	v47 =	vperm.xlane v18, v2;
	v20 =	vperm.xlane v14, v1  }
0x449: {  	v49 =	vperm.xlane v13, v2;
	v19 =	vadd.f32 v45, v19;
	v23 =	vperm.xlane v15, v1  }
0x44a: {  	v50 =	vperm.xlane v16, v2;
	v18 =	vadd.f32 v18, v47;
	v14 =	vadd.f32 v14, v20  }
0x44b: {  	v53 =	vperm.xlane v19, v3;
	v20 =	vperm.xlane v17, v3;
	v15 =	vadd.f32 v15, v23  }
0x44c: {  	v13 =	vadd.f32 v13, v49;
	v51 =	vperm.xlane v18, v3;
	v52 =	vperm.xlane v14, v2  }
0x44d: {  	v16 =	vadd.f32 v16, v50;
	v17 =	vadd.f32 v17, v20;
	v54 =	vperm.xlane v15, v2  }
0x44e: {  	v20 =	vperm.xlane v13, v3;
	v14 =	vadd.f32 v14, v52;
	v18 =	vadd.f32 v18, v51  }
0x44f: {  	v55 =	vperm.xlane v16, v3;
	[tilespmem:s3+$0xFFFFFE00] =	vst v17;
	v17 =	vadd.f32 v19, v53;
	v15 =	vadd.f32 v15, v54  }
0x450: {  	v13 =	vadd.f32 v13, v20;
	v19 =	vperm.xlane v14, v3;
	[tilespmem:s3+$0xFFFFFE80] =	vst v18  }
0x451: {  	v16 =	vadd.f32 v16, v55;
	[tilespmem:s3+$0xFFFFFF00] =	vst v17;
	v18 =	vperm.xlane v15, v3  }
0x452: {  	[tilespmem:s3+$0xFFFFFF80] =	vst v13;
	v13 =	vadd.f32 v14, v19  }
0x453: {  	[tilespmem:s3+$0x0] =	vst v16;
	v14 =	vadd.f32 v15, v18  }
0x454: {  	[tilespmem:s3+$0x80] =	vst v13  }
0x455: {  	[tilespmem:s3+$0x100] =	vst v14  }
0x456: {  	v13 =	vld [tilespmem:s2+$0xFFFFFC00]  }
0x457: {  	v14 =	vld [tilespmem:s2+$0xFFFFFC80]  }
0x458: {  	v15 =	vld [tilespmem:s2+$0xFFFFFD00]  }
0x459: {  	v16 =	vld [tilespmem:s2+$0xFFFFFD80]  }
0x45a: {  	v17 =	vld [tilespmem:s2+$0xFFFFFE00]  }
0x45b: {  	v18 =	vld [tilespmem:s2+$0xFFFFFE80]  }
0x45c: {  	v19 =	vld [tilespmem:s2+$0xFFFFFF00]  }
0x45d: {  	v20 =	vld [tilespmem:s2+$0xFFFFFF80]  }
0x45e: {  	v56 =	vld [tilespmem:s2+$0x0]  }
0x45f: {  	v57 =	vld [tilespmem:s2+$0x80]  }
0x460: {  	v58 =	vld [tilespmem:s2+$0x100]  }
0x461: {  	v59 =	vld [tilespmem:s2+$0x180]  }
0x462: {  	v60 =	vld [tilespmem:s2+$0x200];
	v13 =	vsel vm0, v13, v14  }
0x463: {  	s1 =	simm.s32 $0x19380;
	v61 =	vld [tilespmem:s2+$0x280];
	v13 =	vsel vm1, v13, v15  }
0x464: {  	v62 =	vld [tilespmem:s1+$0xFFFFFE80];
	v13 =	vsel vm2, v13, v16  }
0x465: {  	v14 =	vld [tilespmem:s2+$0x300];
	v13 =	vsel vm3, v13, v17  }
0x466: {  	v16 =	vld [tilespmem:s1+$0xFFFFFC00];
	v13 =	vsel vm4, v13, v18  }
0x467: {  	v17 =	vld [tilespmem:s1+$0xFFFFFC80];
	v13 =	vsel vm5, v13, v19  }
0x468: {  	v18 =	vld [tilespmem:s1+$0xFFFFFD00];
	v13 =	vsel vm6, v13, v20  }
0x469: {  	v19 =	vld [tilespmem:s1+$0xFFFFFD80];
	v13 =	vsel vm7, v13, v56  }
0x46a: {  	v20 =	vld [tilespmem:s1+$0xFFFFFE00];
	v13 =	vsel vm8, v13, v57  }
0x46b: {  	v15 =	vld [tilespmem:s2+$0x380];
	v13 =	vsel vm9, v13, v58  }
0x46c: {  	v16 =	vsel vm0, v16, v17;
	v17 =	vld [tilespmem:s1+$0xFFFFFF00];
	v13 =	vsel vm10, v13, v59  }
0x46d: {  	v16 =	vsel vm1, v16, v18;
	v18 =	vld [tilespmem:s1+$0xFFFFFF80];
	v13 =	vsel vm11, v13, v60  }
0x46e: {  	v16 =	vsel vm2, v16, v19;
	v19 =	vld [tilespmem:s1+$0x0];
	v13 =	vsel vm12, v13, v61  }
0x46f: {  	v16 =	vsel vm3, v16, v20;
	v13 =	vsel vm13, v13, v14  }
0x470: {  	v16 =	vsel vm4, v16, v62;
	v13 =	vsel vm14, v13, v15  }
0x471: {  	v14 =	vsel vm5, v16, v17;
	v15 =	vsub.f32 $0.0e+00, v13  }
0x472: {  	v14 =	vsel vm6, v14, v18  }
0x473: {  	v13 =	vsel vm7, v14, v19;
	v19 =	vmul.f32 $1.442695020e+00, v15;
	_ =	sdelay $0x1  }
0x474: {  	v20 =	vld [tilespmem:s1+$0x80];
	(erf) = vpow2.f32 v19  }
0x475: {  	v63 =	vld [tilespmem:s1+$0x100]  }
0x476: {  	v17 =	vld [tilespmem:s1+$0x180]  }
0x477: {  	v18 =	vld [tilespmem:s1+$0x200]  }
0x478: {  	v14 =	vld [tilespmem:s1+$0x280]  }
0x479: {  	v16 =	vsel vm8, v13, v20;
	v13 =	vld [tilespmem:s1+$0x300]  }
0x47a: {  	s3 =	simm.s32 $0x19B80;
	v20 =	vsel vm9, v16, v63;
	v15 =	vld [tilespmem:s1+$0x380]  }
0x47b: {  	v16 =	vld [tilespmem:s3+$0xFFFFFC00];
	v20 =	vsel vm10, v20, v17  }
0x47c: {  	s13 =	simm.s32 $0xC0;
	s2 =	simm.s32 $0x80;
	s1 =	simm.s32 $0x40;
	v17 =	vld [tilespmem:s3+$0xFFFFFC80];
	v18 =	vsel vm11, v20, v18  }
.LBB2_14:
0x47d: {  	p0 =	sne.s32 s13, $0x1C0;
	v19 =	vld [tilespmem:s3+$0xFFFFFD00];
	v14 =	vsel vm12, v18, v14;
	v18 =	vpop (erf)  }
0x47e: {  	v20 =	vld [tilespmem:s3+$0xFFFFFD80];
	v13 =	vsel vm13, v14, v13;
	v14 =	vadd.f32 $1.000000000e+00, v18  }
0x47f: {  	v18 =	vld [tilespmem:s3+$0xFFFFFE00];
	v13 =	vsel vm14, v13, v15  }
0x480: {  	v15 =	vld [tilespmem:s3+$0xFFFFFE80];
	v13 =	vsub.f32 $0.0e+00, v13;
	(erf) = vrcp.f32 v14  }
0x481: {  	v14 =	vsel vm0, v16, v17;
	v16 =	vld [tilespmem:s3+$0xFFFFFF00]  }
0x482: {  	v14 =	vsel vm1, v14, v19;
	v17 =	vld [tilespmem:s3+$0xFFFFFF80];
	v13 =	vmul.f32 $1.442695020e+00, v13  }
0x483: {  	v14 =	vsel vm2, v14, v20;
	v19 =	vld [tilespmem:s3+$0x0]  }
0x484: {  	v14 =	vsel vm3, v14, v18;
	v18 =	vld [tilespmem:s3+$0x80];
	(erf) = vpow2.f32 v13  }
0x485: {  	v13 =	vsel vm4, v14, v15;
	v15 =	vld [tilespmem:s3+$0x100]  }
0x486: {  	v13 =	vsel vm5, v13, v16;
	v20 =	vld [tilespmem:s3+$0x180]  }
0x487: {  	v13 =	vsel vm6, v13, v17;
	v21 =	vld [tilespmem:s3+$0x200]  }
.Ltmp6:
0x488: {  	v13 =	vsel vm7, v13, v19;
	v14 =	vld [tilespmem:s3+$0x280];
	(pc) =	sbr.rel @p0 .LBB2_14-.Ltmp6, $4  }
0x489: {  	s14 =	sshra.s32 s24, $0x2;
	s24 =	smov.u32 s1;
	s1 =	smov.u32 s2;
	v16 =	vsel vm8, v13, v18;
	v13 =	vld [tilespmem:s3+$0x300];
	v17 =	vpop (erf)  }
0x48a: {  	s2 =	smov.u32 s13;
	v18 =	vsel vm9, v16, v15;
	v15 =	vld [tilespmem:s3+$0x380];
	s3 =	sadd.s32 $0x800, s3;
	[tilespmem:s14+$0x18600] =	vst v17  }
0x48b: {  	v16 =	vld [tilespmem:s3+$0xFFFFFC00];
	v18 =	vsel vm10, v18, v20  }
0x48c: {  	s13 =	sadd.s32 $0x40, s13;
	v17 =	vld [tilespmem:s3+$0xFFFFFC80];
	v18 =	vsel vm11, v18, v21  }
0x48d: {  	v19 =	vld [tilespmem:s3+$0xFFFFFD00]  }
0x48e: {  	v20 =	vld [tilespmem:s3+$0xFFFFFD80]  }
0x48f: {  	v21 =	vld [tilespmem:s3+$0xFFFFFE00]  }
0x490: {  	v14 =	vsel vm12, v18, v14;
	v18 =	vld [tilespmem:s3+$0xFFFFFE80]  }
0x491: {  	v13 =	vsel vm13, v14, v13;
	v14 =	vsel vm0, v16, v17;
	v16 =	vld [tilespmem:s3+$0xFFFFFF00]  }
0x492: {  	v13 =	vsel vm14, v13, v15;
	v15 =	vld [tilespmem:s3+$0xFFFFFF80];
	v14 =	vsel vm1, v14, v19  }
0x493: {  	v13 =	vsub.f32 $0.0e+00, v13;
	v17 =	vpop (erf);
	v19 =	vld [tilespmem:s3+$0x0];
	v14 =	vsel vm2, v14, v20  }
0x494: {  	v17 =	vadd.f32 $1.000000000e+00, v17;
	v20 =	vld [tilespmem:s3+$0x80];
	v14 =	vsel vm3, v14, v21  }
0x495: {  	v13 =	vmul.f32 $1.442695020e+00, v13;
	v14 =	vsel vm4, v14, v18;
	v18 =	vld [tilespmem:s3+$0x100]  }
0x496: {  	(erf) = vrcp.f32 v17;
	v14 =	vsel vm5, v14, v16;
	v16 =	vld [tilespmem:s3+$0x180]  }
0x497: {  	(erf) = vpow2.f32 v13;
	v13 =	vsel vm6, v14, v15;
	v14 =	vld [tilespmem:s3+$0x200]  }
0x498: {  	v15 =	vld [tilespmem:s3+$0x280];
	v13 =	vsel vm7, v13, v19  }
0x499: {  	v17 =	vld [tilespmem:s3+$0x300];
	v13 =	vsel vm8, v13, v20  }
0x49a: {  	v13 =	vsel vm9, v13, v18;
	v18 =	vld [tilespmem:s3+$0x380]  }
0x49b: {  	v13 =	vsel vm10, v13, v16  }
0x49c: {  	v13 =	vsel vm11, v13, v14  }
0x49d: {  	v13 =	vsel vm12, v13, v15  }
0x49e: {  	v13 =	vsel vm13, v13, v17  }
0x49f: {  	v14 =	vpop (erf);
	v13 =	vsel vm14, v13, v18  }
0x4a0: {  	v15 =	vpop (erf);
	v13 =	vsub.f32 $0.0e+00, v13  }
0x4a1: {  	v15 =	vadd.f32 $1.000000000e+00, v15  }
0x4a2: {  	v13 =	vmul.f32 $1.442695020e+00, v13  }
0x4a3: {  	(erf) = vrcp.f32 v15  }
0x4a4: {  	(erf) = vpow2.f32 v13;
	_ =	sdelay $0x7  }
0x4a5: {  	v13 =	vpop (erf)  }
0x4a6: {  	v15 =	vpop (erf)  }
0x4a7: {  	v15 =	vadd.f32 $1.000000000e+00, v15;
	_ =	sdelay $0x1  }
0x4a8: {  	(erf) = vrcp.f32 v15;
	_ =	sdelay $0x6  }
0x4a9: {  	s14 =	sshra.s32 s24, $0x2  }
0x4aa: {  	s1 =	sshra.s32 s1, $0x2;
	[tilespmem:s14+$0x18600] =	vst v14  }
0x4ab: {  	s24 =	sshra.s32 s2, $0x2;
	[tilespmem:s1+$0x18600] =	vst v13;
	v13 =	vpop (erf)  }
0x4ac: {  	s25 =	simm.s32 $0x2700;
	s28 =	simm.s32 $0x14F00;
	[tilespmem:s24+$0x18600] =	vst v13  }
0x4ad: {  	[tilespmem:s28], [sflag:$0x1] =	stream.indirect.gather [hbm4b:s5+s26], $0x80, s25, s26, $0xb8;
	[tilespmem:$0x1C780] =	vst v63  }
0x4ae: {  	s29 =	simm.s32 $0x4E80;
	s30 =	simm.s32 $0x15700  }
0x4af: {  	[tilespmem:s30], [sflag:$0x2] =	stream.indirect.gather [hbm4b:s6+s26], $0x80, s29, s26, $0xb8;
	[tilespmem:$0x1C780] =	vst v63  }
0x4b0: {  	_ =	swait.ge [sflag:s22], $0x4000  }
0x4b1: {  	[sflag:s22] =	ssyncset.done $0x0  }
0x4b2: {  	[sflag:s22] =	ssyncadd.s32 $0xFFFFC000  }
0x4b3: {  	_ =	swait.ge [sflag:s23], $0x4000  }
0x4b4: {  	[sflag:s23] =	ssyncset.done $0x0  }
0x4b5: {  	s31 =	simm.s32 $0xD100;
	[sflag:s23] =	ssyncadd.s32 $0xFFFFC000  }
0x4b6: {  	s1 =	simm.s32 $0x11100;
	v13 =	vld [tilespmem:s31+$0x1B0]  }
0x4b7: {  	v14 =	vld [tilespmem:s1+$0x1B0]  }
0x4b8: {  	v15 =	vld [tilespmem:s31+$0x1F0]  }
0x4b9: {  	v16 =	vld [tilespmem:s1+$0x1F0]  }
0x4ba: {  	v17 =	vld [tilespmem:s31+$0x1A0]  }
0x4bb: {  	v18 =	vld [tilespmem:s1+$0x1A0]  }
0x4bc: {  	v19 =	vld [tilespmem:s31+$0x1E0]  }
0x4bd: {  	v20 =	vld [tilespmem:s1+$0x1E0]  }
0x4be: {  	v21 =	vld [tilespmem:s31+$0x190]  }
0x4bf: {  	v22 =	vld [tilespmem:s1+$0x190]  }
0x4c0: {  	v23 =	vld [tilespmem:s31+$0x180]  }
0x4c1: {  	v24 =	vld [tilespmem:s1+$0x180]  }
0x4c2: {  	v25 =	vld [tilespmem:s31+$0x1C0]  }
0x4c3: {  	v26 =	vld [tilespmem:s1+$0x1C0]  }
0x4c4: {  	v27 =	vld [tilespmem:s31+$0x1D0]  }
0x4c5: {  	v28 =	vld [tilespmem:s1+$0x1D0]  }
0x4c6: {  	v29 =	vld [tilespmem:s1+$0xFFFFFE00]  }
0x4c7: {  	v30 =	vld [tilespmem:s31+$0xFFFFFE40]  }
0x4c8: {  	v31 =	vld [tilespmem:s1+$0xFFFFFE40]  }
0x4c9: {  	v32 =	vld [tilespmem:s31+$0xFFFFFE80]  }
0x4ca: {  	v33 =	vld [tilespmem:s1+$0xFFFFFE80]  }
0x4cb: {  	v34 =	vld [tilespmem:s31+$0xFFFFFEC0]  }
0x4cc: {  	v35 =	vld [tilespmem:s1+$0xFFFFFEC0]  }
0x4cd: {  	v36 =	vld [tilespmem:s31+$0xFFFFFF00]  }
0x4ce: {  	v37 =	vld [tilespmem:s1+$0xFFFFFF00]  }
0x4cf: {  	v38 =	vld [tilespmem:s31+$0xFFFFFF40]  }
0x4d0: {  	v39 =	vld [tilespmem:s1+$0xFFFFFF40]  }
0x4d1: {  	v40 =	vld [tilespmem:s31+$0xFFFFFF80]  }
0x4d2: {  	v41 =	vld [tilespmem:s1+$0xFFFFFF80]  }
0x4d3: {  	v42 =	vld [tilespmem:s31+$0xFFFFFFC0]  }
0x4d4: {  	v43 =	vld [tilespmem:s1+$0xFFFFFFC0]  }
0x4d5: {  	v44 =	vld [tilespmem:s31+$0x0]  }
0x4d6: {  	v45 =	vld [tilespmem:s1+$0x0]  }
0x4d7: {  	v46 =	vld [tilespmem:s31+$0x40]  }
0x4d8: {  	v47 =	vld [tilespmem:s1+$0x140]  }
0x4d9: {  	v49 =	vld [tilespmem:s1+$0xFFFFFED0]  }
0x4da: {  	v54 =	vld [tilespmem:s31+$0xFFFFFF10]  }
0x4db: {  	v56 =	vld [tilespmem:s1+$0xFFFFFF10]  }
0x4dc: {  	v58 =	vld [tilespmem:s31+$0xFFFFFF50];
	v13 =	vadd.f32 v14, v13;
	v17 =	vadd.f32 v18, v17  }
0x4dd: {  	v62 =	vld [tilespmem:s1+$0xFFFFFF50];
	v15 =	vadd.f32 v16, v15;
	v18 =	vadd.f32 v24, v23  }
0x4de: {  	v50 =	vld [tilespmem:s1+$0xFFFFFF90];
	v23 =	vadd.f32 v26, v25;
	v21 =	vadd.f32 v22, v21  }
0x4df: {  	v51 =	vld [tilespmem:s31+$0xFFFFFFD0];
	v19 =	vadd.f32 v20, v19;
	v30 =	vadd.f32 v31, v30  }
0x4e0: {  	v52 =	vld [tilespmem:s1+$0x50];
	v32 =	vadd.f32 v33, v32;
	v53 =	vadd.f32 v35, v34  }
0x4e1: {  	v14 =	vld [tilespmem:s1+$0x40];
	v55 =	vadd.f32 v37, v36;
	v57 =	vadd.f32 v39, v38  }
0x4e2: {  	v16 =	vld [tilespmem:s31+$0x80];
	v59 =	vadd.f32 v41, v40;
	v60 =	vadd.f32 v43, v42  }
0x4e3: {  	v24 =	vld [tilespmem:s1+$0x80];
	v63 =	vadd.f32 v45, v44;
	v34 =	vadd.f32 v56, v54  }
0x4e4: {  	v20 =	vld [tilespmem:s31+$0xC0];
	v38 =	vadd.f32 v62, v58;
	v18 =	vmax.f32 v18, $0.0e+00;
	v22 =	vmax.f32 v23, $0.0e+00  }
0x4e5: {  	v25 =	vld [tilespmem:s1+$0xC0];
	v23 =	vadd.f32 v28, v27;
	v21 =	vmax.f32 v21, $0.0e+00;
	v17 =	vmax.f32 v17, $0.0e+00  }
0x4e6: {  	v26 =	vld [tilespmem:s31+$0x100];
	v19 =	vmax.f32 v19, $0.0e+00;
	v13 =	vmax.f32 v13, $0.0e+00;
	v15 =	vmax.f32 v15, $0.0e+00  }
0x4e7: {  	v31 =	vld [tilespmem:s31+$0xFFFFFED0];
	v30 =	vmax.f32 v30, $0.0e+00;
	v32 =	vmax.f32 v32, $0.0e+00;
	v33 =	vmax.f32 v53, $0.0e+00  }
0x4e8: {  	v54 =	vld [tilespmem:s31+$0x150];
	v35 =	vmax.f32 v55, $0.0e+00;
	v37 =	vmax.f32 v57, $0.0e+00;
	v39 =	vmax.f32 v59, $0.0e+00  }
0x4e9: {  	v56 =	vld [tilespmem:s31+$0xFFFFFE20];
	v40 =	vmax.f32 v60, $0.0e+00;
	v43 =	vmax.f32 v63, $0.0e+00;
	v18 =	vmul.f32 v18, v4  }
0x4ea: {  	v58 =	vld [tilespmem:s1+$0xFFFFFE20];
	v34 =	vmax.f32 v34, $0.0e+00;
	v22 =	vmul.f32 v22, v8;
	v21 =	vmul.f32 v21, v5  }
0x4eb: {  	v62 =	vld [tilespmem:s31+$0xFFFFFEA0];
	v17 =	vmul.f32 v17, v6;
	v19 =	vmul.f32 v19, v10;
	v23 =	vmax.f32 v23, $0.0e+00  }
0x4ec: {  	v27 =	vld [tilespmem:s1+$0x100];
	v18 =	vadd.f32 v18, v12;
	v22 =	vadd.f32 $0.0e+00, v22;
	v23 =	vmul.f32 v23, v9  }
0x4ed: {  	v28 =	vld [tilespmem:s31+$0x140];
	v38 =	vmax.f32 v38, $0.0e+00;
	v13 =	vmul.f32 v13, v7;
	v30 =	vmul.f32 v30, v8  }
0x4ee: {  	v53 =	vld [tilespmem:s31+$0x110];
	v15 =	vmul.f32 v15, v11;
	v18 =	vadd.f32 v21, v18;
	v21 =	vadd.f32 v23, v22  }
0x4ef: {  	v55 =	vld [tilespmem:s1+$0x150];
	v32 =	vmul.f32 v32, v4;
	v33 =	vmul.f32 v33, v8;
	v30 =	vadd.f32 $0.0e+00, v30  }
0x4f0: {  	v59 =	vld [tilespmem:s31+$0xFFFFFE60];
	v35 =	vmul.f32 v35, v4;
	v17 =	vadd.f32 v17, v18;
	v18 =	vadd.f32 v19, v21  }
0x4f1: {  	v37 =	vmul.f32 v37, v8;
	v20 =	vadd.f32 v25, v20;
	v25 =	vld [tilespmem:s1+$0xFFFFFFD0];
	v31 =	vadd.f32 v49, v31  }
0x4f2: {  	v39 =	vmul.f32 v39, v4;
	v49 =	vld [tilespmem:s1+$0xFFFFFEE0];
	v13 =	vadd.f32 v13, v17;
	v15 =	vadd.f32 v15, v18  }
0x4f3: {  	v57 =	vmul.f32 v34, v5;
	v32 =	vadd.f32 v32, v12;
	v34 =	vadd.f32 v58, v56;
	v56 =	vld [tilespmem:s31+$0x60]  }
0x4f4: {  	v40 =	vmul.f32 v40, v8;
	v14 =	vadd.f32 v14, v46;
	v22 =	vld [tilespmem:s31+$0xFFFFFE00];
	v13 =	vadd.f32 v15, v13  }
0x4f5: {  	v43 =	vmul.f32 v43, v4;
	v16 =	vadd.f32 v24, v16;
	v33 =	vadd.f32 $0.0e+00, v33;
	v23 =	vld [tilespmem:s31+$0xFFFFFE10]  }
0x4f6: {  	v35 =	vadd.f32 v35, v12;
	v28 =	vadd.f32 v47, v28;
	v47 =	vld [tilespmem:s1+$0x160];
	v48 =	vperm.xlane v13, v0  }
0x4f7: {  	v37 =	vadd.f32 $0.0e+00, v37;
	v39 =	vadd.f32 v39, v12;
	v31 =	vmax.f32 v31, $0.0e+00;
	v19 =	vld [tilespmem:s1+$0xFFFFFE10]  }
0x4f8: {  	v40 =	vadd.f32 $0.0e+00, v40;
	v31 =	vmul.f32 v31, v9;
	v21 =	vld [tilespmem:s31+$0xFFFFFE50];
	v13 =	vadd.f32 v13, v48  }
0x4f9: {  	v60 =	vmul.f32 v38, v9;
	v26 =	vadd.f32 v27, v26;
	v25 =	vadd.f32 v25, v51;
	v51 =	vld [tilespmem:s1+$0xFFFFFF20]  }
0x4fa: {  	v31 =	vadd.f32 v31, v33;
	v33 =	vadd.f32 v57, v35;
	v57 =	vld [tilespmem:s1+$0x60];
	v61 =	vperm.xlane v13, v1  }
0x4fb: {  	v14 =	vmax.f32 v14, $0.0e+00;
	v16 =	vmax.f32 v16, $0.0e+00;
	v35 =	vadd.f32 v60, v37;
	v60 =	vld [tilespmem:s1+$0xA0]  }
0x4fc: {  	v20 =	vmax.f32 v20, $0.0e+00;
	v14 =	vmul.f32 v14, v8;
	v17 =	vld [tilespmem:s1+$0xFFFFFE50];
	v13 =	vadd.f32 v13, v61  }
0x4fd: {  	v43 =	vadd.f32 v43, v12;
	v16 =	vmul.f32 v16, v4;
	v20 =	vmul.f32 v20, v8;
	v18 =	vld [tilespmem:s31+$0xFFFFFE90]  }
0x4fe: {  	v26 =	vmax.f32 v26, $0.0e+00;
	v22 =	vadd.f32 v29, v22;
	v15 =	vld [tilespmem:s1+$0xFFFFFE90];
	v24 =	vperm.xlane v13, v2  }
0x4ff: {  	v28 =	vmax.f32 v28, $0.0e+00;
	v14 =	vadd.f32 $0.0e+00, v14;
	v16 =	vadd.f32 v16, v12;
	v29 =	vld [tilespmem:s31+$0x10]  }
0x500: {  	v22 =	vmax.f32 v22, $0.0e+00;
	v19 =	vadd.f32 v19, v23;
	v23 =	vld [tilespmem:s31+$0x50];
	v13 =	vadd.f32 v13, v24  }
0x501: {  	v20 =	vadd.f32 $0.0e+00, v20;
	v22 =	vmul.f32 v22, v4;
	v17 =	vadd.f32 v17, v21;
	v21 =	vld [tilespmem:s31+$0x90]  }
0x502: {  	v26 =	vmul.f32 v26, v4;
	v19 =	vmax.f32 v19, $0.0e+00;
	v48 =	vld [tilespmem:s31+$0xFFFFFF90];
	v27 =	vperm.xlane v13, v3  }
0x503: {  	v22 =	vadd.f32 v22, v12;
	v19 =	vmul.f32 v19, v5;
	v15 =	vadd.f32 v15, v18;
	v18 =	vld [tilespmem:s31+$0xD0]  }
0x504: {  	v28 =	vmul.f32 v28, v8;
	v17 =	vmax.f32 v17, $0.0e+00;
	v13 =	vadd.f32 v13, v27;
	v27 =	vld [tilespmem:s1+$0x90]  }
0x505: {  	v26 =	vadd.f32 v26, v12;
	v19 =	vadd.f32 v19, v22;
	v17 =	vmul.f32 v17, v9;
	v22 =	vld [tilespmem:s1+$0xD0]  }
0x506: {  	v25 =	vmax.f32 v25, $0.0e+00;
	v28 =	vadd.f32 $0.0e+00, v28;
	v23 =	vadd.f32 v52, v23;
	v52 =	vld [tilespmem:s1+$0xFFFFFF60]  }
0x507: {  	v25 =	vmul.f32 v25, v9;
	v15 =	vmax.f32 v15, $0.0e+00;
	v17 =	vadd.f32 v17, v30;
	v30 =	vld [tilespmem:s1+$0x110]  }
0x508: {  	v15 =	vmul.f32 v15, v5;
	v61 =	vld [tilespmem:s1+$0xFFFFFE60];
	v23 =	vmax.f32 v23, $0.0e+00;
	v41 =	vadd.f32 v50, v48  }
0x509: {  	v25 =	vadd.f32 v25, v40;
	v23 =	vmul.f32 v23, v9;
	v24 =	vld [tilespmem:s1+$0x10];
	v21 =	vadd.f32 v27, v21  }
0x50a: {  	v48 =	vld [tilespmem:s1+$0xFFFFFEA0];
	v15 =	vadd.f32 v15, v32;
	v41 =	vmax.f32 v41, $0.0e+00;
	v18 =	vadd.f32 v22, v18  }
0x50b: {  	v50 =	vld [tilespmem:s31+$0xFFFFFF20];
	v32 =	vadd.f32 v55, v54;
	v63 =	vmul.f32 v41, v5;
	v21 =	vmax.f32 v21, $0.0e+00  }
0x50c: {  	v54 =	vld [tilespmem:s1+$0xFFFFFFE0];
	v18 =	vmax.f32 v18, $0.0e+00;
	v30 =	vadd.f32 v30, v53;
	v21 =	vmul.f32 v21, v5  }
0x50d: {  	v55 =	vld [tilespmem:s1+$0x20];
	v14 =	vadd.f32 v23, v14;
	v37 =	vadd.f32 v63, v39;
	v18 =	vmul.f32 v18, v9  }
0x50e: {  	v24 =	vadd.f32 v24, v29;
	v29 =	vld [tilespmem:s31+$0xFFFFFEE0];
	v21 =	vadd.f32 v21, v16;
	v16 =	vmax.f32 v30, $0.0e+00  }
0x50f: {  	v22 =	vld [tilespmem:s31+$0xFFFFFFA0];
	v18 =	vadd.f32 v18, v20;
	v20 =	vmax.f32 v32, $0.0e+00;
	v16 =	vmul.f32 v16, v5  }
0x510: {  	v23 =	vld [tilespmem:s1+$0xFFFFFFA0];
	v58 =	vadd.f32 v48, v62;
	v40 =	vadd.f32 v51, v50;
	v20 =	vmul.f32 v20, v9  }
0x511: {  	v53 =	vld [tilespmem:s31+$0xFFFFFFE0];
	v24 =	vmax.f32 v24, $0.0e+00;
	v26 =	vadd.f32 v16, v26;
	v16 =	vadd.f32 v61, v59  }
0x512: {  	v20 =	vadd.f32 v20, v28;
	v28 =	vmax.f32 v34, $0.0e+00;
	v24 =	vmul.f32 v24, v5;
	v27 =	vld [tilespmem:s31+$0xFFFFFF60]  }
0x513: {  	v62 =	vld [tilespmem:s1+$0xE0];
	v28 =	vmul.f32 v28, v6;
	v29 =	vadd.f32 v49, v29;
	v16 =	vmax.f32 v16, $0.0e+00  }
0x514: {  	v48 =	vld [tilespmem:s31+$0xFFFFFE30];
	v34 =	vmax.f32 v58, $0.0e+00;
	v24 =	vadd.f32 v24, v43;
	v16 =	vmul.f32 v16, v10  }
0x515: {  	v19 =	vadd.f32 v28, v19;
	v28 =	vmul.f32 v34, v6;
	v29 =	vmax.f32 v29, $0.0e+00;
	v30 =	vld [tilespmem:s31+$0x20]  }
0x516: {  	v50 =	vld [tilespmem:s1+$0xFFFFFE30];
	v63 =	vadd.f32 v16, v17;
	v16 =	vmul.f32 v29, v10;
	v17 =	vmax.f32 v40, $0.0e+00  }
0x517: {  	v51 =	vld [tilespmem:s1+$0xFFFFFE70];
	v28 =	vadd.f32 v28, v15;
	v15 =	vadd.f32 v52, v27;
	v17 =	vmul.f32 v17, v6  }
0x518: {  	v27 =	vld [tilespmem:s1+$0x120];
	v31 =	vadd.f32 v16, v31;
	v16 =	vadd.f32 v23, v22  }
0x519: {  	v15 =	vmax.f32 v15, $0.0e+00;
	v59 =	vld [tilespmem:s31+$0xA0];
	v23 =	vadd.f32 v17, v33;
	v17 =	vadd.f32 v54, v53  }
0x51a: {  	v61 =	vld [tilespmem:s31+$0xE0];
	v15 =	vmul.f32 v15, v10;
	v30 =	vadd.f32 v55, v30;
	v16 =	vmax.f32 v16, $0.0e+00  }
0x51b: {  	v49 =	vadd.f32 v57, v56;
	v29 =	vld [tilespmem:s31+$0x120];
	v16 =	vmul.f32 v16, v6;
	v17 =	vmax.f32 v17, $0.0e+00  }
0x51c: {  	v35 =	vadd.f32 v15, v35;
	v22 =	vld [tilespmem:s31+$0x160];
	v15 =	vmul.f32 v17, v10;
	v17 =	vmax.f32 v30, $0.0e+00  }
0x51d: {  	v30 =	vld [tilespmem:s31+$0xFFFFFE70];
	v37 =	vadd.f32 v16, v37;
	v16 =	vmul.f32 v17, v6;
	v17 =	vmax.f32 v49, $0.0e+00  }
0x51e: {  	v54 =	vld [tilespmem:s1+$0xFFFFFEB0];
	v52 =	vadd.f32 v15, v25;
	v15 =	vadd.f32 v60, v59;
	v17 =	vmul.f32 v17, v10  }
0x51f: {  	v25 =	vld [tilespmem:s31+$0xFFFFFEB0];
	v53 =	vadd.f32 v16, v24;
	v24 =	vadd.f32 v62, v61  }
0x520: {  	v16 =	vadd.f32 v17, v14;
	v14 =	vmax.f32 v15, $0.0e+00;
	v15 =	vadd.f32 v27, v29;
	v27 =	vld [tilespmem:s31+$0xFFFFFEF0]  }
0x521: {  	v29 =	vld [tilespmem:s1+$0xFFFFFEF0];
	v14 =	vmul.f32 v14, v6;
	v17 =	vmax.f32 v24, $0.0e+00;
	v24 =	vadd.f32 v50, v48  }
0x522: {  	v56 =	vld [tilespmem:s31+$0xFFFFFF30];
	v30 =	vadd.f32 v51, v30;
	v55 =	vmul.f32 v17, v10;
	v15 =	vmax.f32 v15, $0.0e+00  }
0x523: {  	v17 =	vadd.f32 v14, v21;
	v21 =	vadd.f32 v47, v22;
	v15 =	vmul.f32 v15, v6;
	v22 =	vld [tilespmem:s1+$0xFFFFFF30]  }
0x524: {  	v14 =	vadd.f32 v55, v18;
	v18 =	vmax.f32 v24, $0.0e+00;
	v24 =	vmax.f32 v30, $0.0e+00;
	v30 =	vld [tilespmem:s31+$0xFFFFFF70]  }
0x525: {  	v15 =	vadd.f32 v15, v26;
	v18 =	vmul.f32 v18, v7;
	v24 =	vmul.f32 v24, v11;
	v26 =	vld [tilespmem:s1+$0xFFFFFF70]  }
0x526: {  	v25 =	vadd.f32 v54, v25;
	v21 =	vmax.f32 v21, $0.0e+00;
	v27 =	vadd.f32 v29, v27;
	v29 =	vld [tilespmem:s31+$0xFFFFFFB0]  }
0x527: {  	v19 =	vadd.f32 v18, v19;
	v18 =	vmul.f32 v21, v10;
	v21 =	vadd.f32 v24, v63;
	v24 =	vld [tilespmem:s1+$0xFFFFFFB0]  }
0x528: {  	v57 =	vld [tilespmem:s31+$0xFFFFFFF0];
	v25 =	vmax.f32 v25, $0.0e+00;
	v27 =	vmax.f32 v27, $0.0e+00;
	v22 =	vadd.f32 v22, v56  }
0x529: {  	v18 =	vadd.f32 v18, v20;
	v20 =	vmul.f32 v25, v7;
	v25 =	vmul.f32 v27, v11;
	v27 =	vld [tilespmem:s1+$0xFFFFFFF0]  }
0x52a: {  	v19 =	vadd.f32 v21, v19;
	v21 =	vmax.f32 v22, $0.0e+00;
	v22 =	vadd.f32 v26, v30;
	v26 =	vld [tilespmem:s31+$0x30]  }
0x52b: {  	v20 =	vadd.f32 v20, v28;
	v25 =	vadd.f32 v25, v31;
	v21 =	vmul.f32 v21, v7;
	v28 =	vld [tilespmem:s1+$0x30]  }
0x52c: {  	v30 =	vperm.xlane v19, v0;
	v22 =	vmax.f32 v22, $0.0e+00;
	v24 =	vadd.f32 v24, v29;
	v29 =	vld [tilespmem:s31+$0x70]  }
0x52d: {  	v31 =	vadd.f32 v25, v20;
	v21 =	vadd.f32 v21, v23;
	v20 =	vmul.f32 v22, v11;
	v22 =	vld [tilespmem:s1+$0x70]  }
0x52e: {  	v59 =	vld [tilespmem:s1+$0xB0];
	v19 =	vadd.f32 v19, v30;
	v23 =	vmax.f32 v24, $0.0e+00;
	v24 =	vadd.f32 v27, v57  }
0x52f: {  	v27 =	vld [tilespmem:s31+$0xB0];
	v30 =	vperm.xlane v31, v0;
	v25 =	vadd.f32 v20, v35;
	v58 =	vmul.f32 v23, v7  }
0x530: {  	v20 =	vperm.xlane v19, v1;
	v23 =	vld [tilespmem:s31+$0xF0];
	v24 =	vmax.f32 v24, $0.0e+00;
	v28 =	vadd.f32 v28, v26  }
0x531: {  	v26 =	vld [tilespmem:s1+$0xF0];
	v25 =	vadd.f32 v25, v21;
	v60 =	vadd.f32 v58, v37;
	v61 =	vmul.f32 v24, v11  }
0x532: {  	v21 =	vadd.f32 v31, v30;
	v24 =	vld [tilespmem:s31+$0x130];
	v28 =	vmax.f32 v28, $0.0e+00;
	v29 =	vadd.f32 v22, v29  }
0x533: {  	v31 =	vperm.xlane v25, v0;
	v30 =	vadd.f32 v61, v52;
	v62 =	vmul.f32 v28, v7;
	v28 =	vld [tilespmem:s1+$0x130]  }
0x534: {  	s13 =	simm.s32 $0x18980;
	v22 =	vperm.xlane v21, v1;
	v32 =	vadd.f32 v59, v27;
	v27 =	vld [tilespmem:s31+$0x170];
	v63 =	vmax.f32 v29, $0.0e+00  }
0x535: {  	s3 =	simm.s32 $0x18980;
	s14 =	simm.s32 $0x0;
	s25 =	simm.s32 $0xD500;
	[tilespmem:s13+$0x180] =	vst v13;
	v13 =	vadd.f32 v30, v60;
	v29 =	vadd.f32 v62, v53;
	v33 =	vmul.f32 v63, v11;
	v30 =	vld [tilespmem:s1+$0x170]  }
.LBB2_16:
0x536: {  	v34 =	vld [tilespmem:s25+$0x1B0];
	v25 =	vadd.f32 v25, v31;
	v31 =	vmax.f32 v32, $0.0e+00;
	v23 =	vadd.f32 v26, v23;
	s1 =	sadd.s32 $0x400, s1  }
0x537: {  	v26 =	vld [tilespmem:s1+$0x1B0];
	v32 =	vperm.xlane v13, v0;
	v16 =	vadd.f32 v33, v16;
	v31 =	vmul.f32 v31, v7  }
0x538: {  	v33 =	vld [tilespmem:s25+$0x1F0];
	v35 =	vperm.xlane v25, v1;
	v23 =	vmax.f32 v23, $0.0e+00;
	v24 =	vadd.f32 v28, v24  }
0x539: {  	v28 =	vld [tilespmem:s1+$0x1F0];
	v16 =	vadd.f32 v16, v29;
	v17 =	vadd.f32 v31, v17;
	v23 =	vmul.f32 v23, v11  }
0x53a: {  	v13 =	vadd.f32 v13, v32;
	v29 =	vld [tilespmem:s25+$0x1A0];
	v24 =	vmax.f32 v24, $0.0e+00;
	v27 =	vadd.f32 v30, v27  }
0x53b: {  	v30 =	vld [tilespmem:s1+$0x1A0];
	v31 =	vperm.xlane v16, v0;
	v14 =	vadd.f32 v23, v14;
	v23 =	vmul.f32 v24, v7  }
0x53c: {  	v19 =	vadd.f32 v19, v20;
	v20 =	vperm.xlane v13, v1;
	v24 =	vld [tilespmem:s25+$0x1E0];
	v27 =	vmax.f32 v27, $0.0e+00  }
0x53d: {  	v32 =	vld [tilespmem:s1+$0x1E0];
	v14 =	vadd.f32 v14, v17;
	v15 =	vadd.f32 v23, v15;
	v17 =	vmul.f32 v27, v11  }
0x53e: {  	v21 =	vadd.f32 v21, v22;
	v27 =	vperm.xlane v19, v2;
	v16 =	vadd.f32 v16, v31;
	v23 =	vld [tilespmem:s25+$0x190]  }
0x53f: {  	v25 =	vadd.f32 v25, v35;
	v22 =	vld [tilespmem:s1+$0x190];
	v31 =	vperm.xlane v14, v0;
	v17 =	vadd.f32 v17, v18  }
0x540: {  	v13 =	vadd.f32 v13, v20;
	v18 =	vperm.xlane v21, v2;
	v20 =	vperm.xlane v16, v1;
	v35 =	vld [tilespmem:s25+$0x180]  }
0x541: {  	v37 =	vperm.xlane v25, v2;
	v36 =	vld [tilespmem:s1+$0x180];
	v31 =	vadd.f32 v14, v31;
	v17 =	vadd.f32 v17, v15  }
0x542: {  	v14 =	vadd.f32 v19, v27;
	v19 =	vperm.xlane v13, v2;
	v20 =	vadd.f32 v16, v20;
	v38 =	vld [tilespmem:s25+$0x1C0]  }
0x543: {  	s14 =	sadd.s32 $0x8, s14;
	v15 =	vadd.f32 v21, v18;
	v27 =	vld [tilespmem:s1+$0x1C0];
	v21 =	vperm.xlane v31, v1;
	v39 =	vperm.xlane v17, v0  }
0x544: {  	p0 =	slt.u32 s14, $0x78;
	v16 =	vadd.f32 v25, v37;
	v13 =	vadd.f32 v13, v19;
	v37 =	vperm.xlane v20, v2;
	v40 =	vld [tilespmem:s25+$0x1D0]  }
0x545: {  	v18 =	vperm.xlane v14, v3;
	v41 =	vld [tilespmem:s1+$0x1D0];
	v25 =	vadd.f32 v31, v21;
	v39 =	vadd.f32 v17, v39  }
0x546: {  	v26 =	vadd.f32 v26, v34;
	v19 =	vperm.xlane v15, v3;
	v17 =	vadd.f32 v20, v37;
	v21 =	vld [tilespmem:s1+$0xFFFFFE00]  }
0x547: {  	v28 =	vadd.f32 v28, v33;
	v29 =	vadd.f32 v30, v29;
	v34 =	vld [tilespmem:s25+$0xFFFFFE40];
	v33 =	vperm.xlane v39, v1  }
0x548: {  	v35 =	vadd.f32 v36, v35;
	v31 =	vperm.xlane v25, v2;
	v30 =	vld [tilespmem:s1+$0xFFFFFE40];
	v27 =	vadd.f32 v27, v38  }
0x549: {  	v22 =	vadd.f32 v22, v23;
	v23 =	vadd.f32 v32, v24;
	v20 =	vperm.xlane v16, v3;
	v36 =	vld [tilespmem:s25+$0xFFFFFE80]  }
0x54a: {  	v32 =	vmax.f32 v35, $0.0e+00;
	v24 =	vld [tilespmem:s1+$0xFFFFFE80];
	v27 =	vmax.f32 v27, $0.0e+00;
	v35 =	vadd.f32 v41, v40  }
0x54b: {  	v22 =	vmax.f32 v22, $0.0e+00;
	v32 =	vmul.f32 v32, v4;
	v37 =	vld [tilespmem:s25+$0xFFFFFEC0];
	v27 =	vmul.f32 v27, v8  }
0x54c: {  	v29 =	vmax.f32 v29, $0.0e+00;
	v22 =	vmul.f32 v22, v5;
	v38 =	vld [tilespmem:s1+$0xFFFFFEC0];
	v35 =	vmax.f32 v35, $0.0e+00  }
0x54d: {  	v32 =	vadd.f32 v32, v12;
	v40 =	vld [tilespmem:s25+$0xFFFFFF00];
	v27 =	vadd.f32 $0.0e+00, v27;
	v35 =	vmul.f32 v35, v9  }
0x54e: {  	v26 =	vmax.f32 v26, $0.0e+00;
	v29 =	vmul.f32 v29, v6;
	v23 =	vmax.f32 v23, $0.0e+00;
	v41 =	vld [tilespmem:s1+$0xFFFFFF00]  }
0x54f: {  	v23 =	vmul.f32 v23, v10;
	v22 =	vadd.f32 v22, v32;
	v42 =	vld [tilespmem:s25+$0xFFFFFF40];
	v27 =	vadd.f32 v35, v27  }
0x550: {  	v26 =	vmul.f32 v26, v7;
	v28 =	vmax.f32 v28, $0.0e+00;
	v30 =	vadd.f32 v30, v34;
	v32 =	vld [tilespmem:s1+$0xFFFFFF40]  }
0x551: {  	v22 =	vadd.f32 v29, v22;
	v34 =	vld [tilespmem:s25+$0xFFFFFF80];
	v23 =	vadd.f32 v23, v27;
	v27 =	vmul.f32 v28, v11  }
0x552: {  	v24 =	vadd.f32 v24, v36;
	v28 =	vmax.f32 v30, $0.0e+00;
	v29 =	vadd.f32 v38, v37;
	v30 =	vld [tilespmem:s1+$0xFFFFFF80]  }
0x553: {  	v22 =	vadd.f32 v26, v22;
	v28 =	vmul.f32 v28, v8;
	v35 =	vld [tilespmem:s25+$0xFFFFFFC0];
	v23 =	vadd.f32 v27, v23  }
0x554: {  	v24 =	vmax.f32 v24, $0.0e+00;
	v26 =	vmax.f32 v29, $0.0e+00;
	v27 =	vadd.f32 v41, v40;
	v29 =	vld [tilespmem:s1+$0xFFFFFFC0]  }
0x555: {  	v24 =	vmul.f32 v24, v4;
	v36 =	vadd.f32 v32, v42;
	v37 =	vld [tilespmem:s25+$0x0];
	v22 =	vadd.f32 v23, v22  }
0x556: {  	v32 =	vadd.f32 $0.0e+00, v28;
	v23 =	vmul.f32 v26, v8;
	v26 =	vmax.f32 v27, $0.0e+00;
	v28 =	vld [tilespmem:s1+$0x0]  }
0x557: {  	v27 =	vmax.f32 v36, $0.0e+00;
	v34 =	vadd.f32 v30, v34;
	v36 =	vld [tilespmem:s25+$0x40];
	v38 =	vperm.xlane v22, v0  }
0x558: {  	v30 =	vadd.f32 v24, v12;
	v24 =	vmul.f32 v26, v4;
	v26 =	vmul.f32 v27, v8;
	v40 =	vld [tilespmem:s1+$0x40]  }
0x559: {  	v34 =	vmax.f32 v34, $0.0e+00;
	v35 =	vadd.f32 v29, v35;
	v41 =	vld [tilespmem:s25+$0x80];
	v38 =	vadd.f32 v22, v38  }
0x55a: {  	v29 =	vadd.f32 $0.0e+00, v23;
	v27 =	vadd.f32 v24, v12;
	v22 =	vmul.f32 v34, v4;
	v24 =	vld [tilespmem:s1+$0x80]  }
0x55b: {  	v23 =	vmax.f32 v35, $0.0e+00;
	v34 =	vadd.f32 v28, v37;
	v35 =	vld [tilespmem:s25+$0xC0];
	v37 =	vperm.xlane v38, v1  }
0x55c: {  	v28 =	vadd.f32 $0.0e+00, v26;
	v22 =	vadd.f32 v22, v12;
	v23 =	vmul.f32 v23, v8;
	v26 =	vld [tilespmem:s1+$0xC0]  }
0x55d: {  	v34 =	vmax.f32 v34, $0.0e+00;
	v36 =	vadd.f32 v40, v36;
	v40 =	vld [tilespmem:s25+$0x100];
	v37 =	vadd.f32 v38, v37  }
0x55e: {  	v33 =	vadd.f32 v39, v33;
	v23 =	vadd.f32 $0.0e+00, v23;
	v34 =	vmul.f32 v34, v4;
	v38 =	vld [tilespmem:s1+$0x100]  }
0x55f: {  	v36 =	vmax.f32 v36, $0.0e+00;
	v39 =	vadd.f32 v24, v41;
	v41 =	vld [tilespmem:s25+$0x140];
	v42 =	vperm.xlane v37, v2  }
0x560: {  	v43 =	vperm.xlane v33, v2;
	v24 =	vadd.f32 v34, v12;
	v34 =	vmul.f32 v36, v8;
	v36 =	vld [tilespmem:s1+$0x140]  }
0x561: {  	v44 =	vld [tilespmem:s25+$0xFFFFFE00];
	v39 =	vmax.f32 v39, $0.0e+00;
	v35 =	vadd.f32 v26, v35;
	v37 =	vadd.f32 v37, v42  }
0x562: {  	v42 =	vld [tilespmem:s25+$0xFFFFFE10];
	v26 =	vadd.f32 $0.0e+00, v34;
	v34 =	vmul.f32 v39, v4;
	v39 =	vadd.f32 v25, v31  }
0x563: {  	v31 =	vld [tilespmem:s1+$0xFFFFFE10];
	v35 =	vmax.f32 v35, $0.0e+00;
	v38 =	vadd.f32 v38, v40;
	v40 =	vperm.xlane v37, v3  }
0x564: {  	v45 =	vld [tilespmem:s25+$0xFFFFFE50];
	v25 =	vadd.f32 v34, v12;
	v34 =	vmul.f32 v35, v8;
	v35 =	vadd.f32 v33, v43  }
0x565: {  	v43 =	vld [tilespmem:s1+$0xFFFFFE50];
	v33 =	vmax.f32 v38, $0.0e+00;
	v36 =	vadd.f32 v36, v41;
	v37 =	vadd.f32 v37, v40  }
0x566: {  	s13 =	sadd.s32 $0x400, s13;
	v38 =	vadd.f32 v21, v44;
	v40 =	vld [tilespmem:s25+$0xFFFFFE90];
	v21 =	vadd.f32 $0.0e+00, v34;
	v33 =	vmul.f32 v33, v4  }
0x567: {  	s24 =	simm.s32 $0x0;
	s2 =	simm.s32 $0x18B80;
	v41 =	vperm.xlane v17, v3;
	v34 =	vld [tilespmem:s1+$0xFFFFFE90];
	v36 =	vmax.f32 v36, $0.0e+00;
	[tilespmem:s13+$0x180] =	vst v37;
	v37 =	vperm.xlane v13, v3  }
0x568: {  	v38 =	vmax.f32 v38, $0.0e+00;
	v31 =	vadd.f32 v31, v42;
	v42 =	vld [tilespmem:s25+$0xFFFFFED0];
	v36 =	vmul.f32 v36, v8  }
0x569: {  	v46 =	vperm.xlane v39, v3;
	v33 =	vadd.f32 v33, v12;
	v38 =	vmul.f32 v38, v4;
	v44 =	vld [tilespmem:s1+$0xFFFFFED0]  }
0x56a: {  	v47 =	vmax.f32 v31, $0.0e+00;
	v43 =	vadd.f32 v43, v45;
	v45 =	vld [tilespmem:s25+$0xFFFFFF10];
	v31 =	vadd.f32 $0.0e+00, v36  }
0x56b: {  	v48 =	vperm.xlane v35, v3;
	v36 =	vadd.f32 v38, v12;
	v38 =	vmul.f32 v47, v5;
	v47 =	vld [tilespmem:s1+$0xFFFFFF10]  }
0x56c: {  	v14 =	vadd.f32 v14, v18;
	v43 =	vmax.f32 v43, $0.0e+00;
	v34 =	vadd.f32 v34, v40;
	v40 =	vld [tilespmem:s25+$0xFFFFFF50]  }
0x56d: {  	v15 =	vadd.f32 v15, v19;
	v18 =	vadd.f32 v38, v36;
	v36 =	vmul.f32 v43, v9;
	v38 =	vld [tilespmem:s1+$0xFFFFFF50]  }
0x56e: {  	v19 =	vmax.f32 v34, $0.0e+00;
	v34 =	vadd.f32 v44, v42;
	v42 =	vld [tilespmem:s25+$0xFFFFFF90];
	[tilespmem:s3+$0xFFFFFE00] =	vst v14;
	v14 =	vadd.f32 v16, v20  }
0x56f: {  	v13 =	vadd.f32 v13, v37;
	v16 =	vadd.f32 v36, v32;
	v19 =	vmul.f32 v19, v5;
	v20 =	vld [tilespmem:s1+$0xFFFFFF90];
	[tilespmem:s3+$0xFFFFFE80] =	vst v15  }
0x570: {  	v15 =	vmax.f32 v34, $0.0e+00;
	v32 =	vadd.f32 v47, v45;
	v34 =	vld [tilespmem:s25+$0xFFFFFFD0];
	[tilespmem:s3+$0xFFFFFF00] =	vst v14;
	v14 =	vadd.f32 v17, v41  }
0x571: {  	v17 =	vadd.f32 v19, v30;
	v15 =	vmul.f32 v15, v9;
	v19 =	vld [tilespmem:s1+$0xFFFFFFD0];
	[tilespmem:s3+$0xFFFFFF80] =	vst v13;
	v13 =	vadd.f32 v39, v46  }
0x572: {  	v30 =	vmax.f32 v32, $0.0e+00;
	v32 =	vadd.f32 v38, v40;
	v36 =	vld [tilespmem:s25+$0x10];
	[tilespmem:s3+$0x0] =	vst v14;
	v14 =	vadd.f32 v35, v48  }
0x573: {  	v15 =	vadd.f32 v15, v29;
	v29 =	vmul.f32 v30, v5;
	v30 =	vld [tilespmem:s1+$0x10];
	[tilespmem:s3+$0x80] =	vst v13  }
0x574: {  	v13 =	vmax.f32 v32, $0.0e+00;
	v20 =	vadd.f32 v20, v42;
	v32 =	vld [tilespmem:s25+$0x50];
	[tilespmem:s3+$0x100] =	vst v14;
	s3 =	smov.u32 s13  }
0x575: {  	v14 =	vadd.f32 v29, v27;
	v13 =	vmul.f32 v13, v9;
	v27 =	vld [tilespmem:s1+$0x50]  }
0x576: {  	v20 =	vmax.f32 v20, $0.0e+00;
	v19 =	vadd.f32 v19, v34;
	v29 =	vld [tilespmem:s25+$0x90]  }
0x577: {  	v13 =	vadd.f32 v13, v28;
	v20 =	vmul.f32 v20, v5;
	v28 =	vld [tilespmem:s1+$0x90]  }
0x578: {  	v19 =	vmax.f32 v19, $0.0e+00;
	v30 =	vadd.f32 v30, v36;
	v34 =	vld [tilespmem:s25+$0xD0]  }
0x579: {  	v20 =	vadd.f32 v20, v22;
	v19 =	vmul.f32 v19, v9;
	v22 =	vld [tilespmem:s1+$0xD0]  }
0x57a: {  	v30 =	vmax.f32 v30, $0.0e+00;
	v27 =	vadd.f32 v27, v32;
	v32 =	vld [tilespmem:s25+$0x110]  }
0x57b: {  	v19 =	vadd.f32 v19, v23;
	v23 =	vmul.f32 v30, v5;
	v30 =	vld [tilespmem:s1+$0x110]  }
0x57c: {  	v27 =	vmax.f32 v27, $0.0e+00;
	v28 =	vadd.f32 v28, v29;
	v29 =	vld [tilespmem:s25+$0x150]  }
0x57d: {  	v23 =	vadd.f32 v23, v24;
	v24 =	vmul.f32 v27, v9;
	v27 =	vld [tilespmem:s1+$0x150]  }
0x57e: {  	v35 =	vld [tilespmem:s25+$0xFFFFFE20];
	v28 =	vmax.f32 v28, $0.0e+00;
	v22 =	vadd.f32 v22, v34  }
0x57f: {  	v34 =	vld [tilespmem:s1+$0xFFFFFE20];
	v24 =	vadd.f32 v24, v26;
	v26 =	vmul.f32 v28, v5  }
0x580: {  	v28 =	vld [tilespmem:s25+$0xFFFFFE60];
	v22 =	vmax.f32 v22, $0.0e+00;
	v30 =	vadd.f32 v30, v32  }
0x581: {  	v32 =	vld [tilespmem:s1+$0xFFFFFE60];
	v25 =	vadd.f32 v26, v25;
	v22 =	vmul.f32 v22, v9  }
0x582: {  	v26 =	vld [tilespmem:s25+$0xFFFFFEA0];
	v30 =	vmax.f32 v30, $0.0e+00;
	v27 =	vadd.f32 v27, v29  }
0x583: {  	v29 =	vld [tilespmem:s1+$0xFFFFFEA0];
	v21 =	vadd.f32 v22, v21;
	v22 =	vmul.f32 v30, v5  }
0x584: {  	v30 =	vadd.f32 v34, v35;
	v34 =	vld [tilespmem:s25+$0xFFFFFEE0];
	v27 =	vmax.f32 v27, $0.0e+00  }
0x585: {  	v35 =	vld [tilespmem:s1+$0xFFFFFEE0];
	v22 =	vadd.f32 v22, v33;
	v27 =	vmul.f32 v27, v9  }
0x586: {  	v30 =	vmax.f32 v30, $0.0e+00;
	v28 =	vadd.f32 v32, v28;
	v32 =	vld [tilespmem:s25+$0xFFFFFF20]  }
0x587: {  	v30 =	vmul.f32 v30, v6;
	v33 =	vld [tilespmem:s1+$0xFFFFFF20];
	v27 =	vadd.f32 v27, v31  }
0x588: {  	v28 =	vmax.f32 v28, $0.0e+00;
	v26 =	vadd.f32 v29, v26;
	v29 =	vld [tilespmem:s25+$0xFFFFFF60]  }
0x589: {  	v30 =	vadd.f32 v30, v18;
	v18 =	vmul.f32 v28, v10;
	v28 =	vld [tilespmem:s1+$0xFFFFFF60]  }
0x58a: {  	v26 =	vmax.f32 v26, $0.0e+00;
	v31 =	vadd.f32 v35, v34;
	v34 =	vld [tilespmem:s25+$0xFFFFFFA0]  }
0x58b: {  	v35 =	vadd.f32 v18, v16;
	v16 =	vmul.f32 v26, v6;
	v18 =	vld [tilespmem:s1+$0xFFFFFFA0]  }
0x58c: {  	v26 =	vmax.f32 v31, $0.0e+00;
	v31 =	vadd.f32 v33, v32;
	v32 =	vld [tilespmem:s25+$0xFFFFFFE0]  }
0x58d: {  	v33 =	vadd.f32 v16, v17;
	v16 =	vmul.f32 v26, v10;
	v17 =	vld [tilespmem:s1+$0xFFFFFFE0]  }
0x58e: {  	v26 =	vmax.f32 v31, $0.0e+00;
	v28 =	vadd.f32 v28, v29;
	v29 =	vld [tilespmem:s25+$0x20]  }
0x58f: {  	v31 =	vadd.f32 v16, v15;
	v15 =	vmul.f32 v26, v6;
	v16 =	vld [tilespmem:s1+$0x20]  }
0x590: {  	v26 =	vmax.f32 v28, $0.0e+00;
	v18 =	vadd.f32 v18, v34;
	v28 =	vld [tilespmem:s25+$0x60]  }
0x591: {  	v34 =	vadd.f32 v15, v14;
	v14 =	vmul.f32 v26, v10;
	v15 =	vld [tilespmem:s1+$0x60]  }
0x592: {  	v18 =	vmax.f32 v18, $0.0e+00;
	v17 =	vadd.f32 v17, v32;
	v26 =	vld [tilespmem:s25+$0xA0]  }
0x593: {  	v13 =	vadd.f32 v14, v13;
	v14 =	vmul.f32 v18, v6;
	v18 =	vld [tilespmem:s1+$0xA0]  }
0x594: {  	v17 =	vmax.f32 v17, $0.0e+00;
	v16 =	vadd.f32 v16, v29;
	v29 =	vld [tilespmem:s25+$0xE0]  }
0x595: {  	v32 =	vadd.f32 v14, v20;
	v14 =	vmul.f32 v17, v10;
	v17 =	vld [tilespmem:s1+$0xE0]  }
0x596: {  	v16 =	vmax.f32 v16, $0.0e+00;
	v15 =	vadd.f32 v15, v28;
	v20 =	vld [tilespmem:s25+$0x120]  }
0x597: {  	v28 =	vadd.f32 v14, v19;
	v14 =	vmul.f32 v16, v6;
	v19 =	vld [tilespmem:s1+$0x120]  }
0x598: {  	v15 =	vmax.f32 v15, $0.0e+00;
	v16 =	vadd.f32 v18, v26;
	v18 =	vld [tilespmem:s25+$0x160]  }
0x599: {  	v36 =	vadd.f32 v14, v23;
	v14 =	vmul.f32 v15, v10;
	v15 =	vld [tilespmem:s1+$0x160]  }
0x59a: {  	v23 =	vld [tilespmem:s25+$0xFFFFFE30];
	v26 =	vmax.f32 v16, $0.0e+00;
	v17 =	vadd.f32 v17, v29  }
0x59b: {  	v29 =	vld [tilespmem:s1+$0xFFFFFE30];
	v16 =	vadd.f32 v14, v24;
	v14 =	vmul.f32 v26, v6  }
0x59c: {  	v24 =	vld [tilespmem:s25+$0xFFFFFE70];
	v26 =	vmax.f32 v17, $0.0e+00;
	v19 =	vadd.f32 v19, v20  }
0x59d: {  	v20 =	vld [tilespmem:s1+$0xFFFFFE70];
	v17 =	vadd.f32 v14, v25;
	v14 =	vmul.f32 v26, v10  }
0x59e: {  	v25 =	vld [tilespmem:s25+$0xFFFFFEB0];
	v19 =	vmax.f32 v19, $0.0e+00;
	v15 =	vadd.f32 v15, v18  }
0x59f: {  	v26 =	vld [tilespmem:s1+$0xFFFFFEB0];
	v14 =	vadd.f32 v14, v21;
	v18 =	vmul.f32 v19, v6  }
0x5a0: {  	v19 =	vadd.f32 v29, v23;
	v21 =	vld [tilespmem:s25+$0xFFFFFEF0];
	v23 =	vmax.f32 v15, $0.0e+00  }
0x5a1: {  	v29 =	vld [tilespmem:s1+$0xFFFFFEF0];
	v15 =	vadd.f32 v18, v22;
	v18 =	vmul.f32 v23, v10  }
0x5a2: {  	v19 =	vmax.f32 v19, $0.0e+00;
	v20 =	vadd.f32 v20, v24;
	v22 =	vld [tilespmem:s25+$0xFFFFFF30]  }
0x5a3: {  	v19 =	vmul.f32 v19, v7;
	v23 =	vld [tilespmem:s1+$0xFFFFFF30];
	v18 =	vadd.f32 v18, v27  }
0x5a4: {  	v20 =	vmax.f32 v20, $0.0e+00;
	v24 =	vadd.f32 v26, v25;
	v25 =	vld [tilespmem:s25+$0xFFFFFF70]  }
0x5a5: {  	v19 =	vadd.f32 v19, v30;
	v20 =	vmul.f32 v20, v11;
	v26 =	vld [tilespmem:s1+$0xFFFFFF70]  }
0x5a6: {  	v24 =	vmax.f32 v24, $0.0e+00;
	v21 =	vadd.f32 v29, v21;
	v27 =	vld [tilespmem:s25+$0xFFFFFFB0]  }
0x5a7: {  	v20 =	vadd.f32 v20, v35;
	v24 =	vmul.f32 v24, v7;
	v29 =	vld [tilespmem:s1+$0xFFFFFFB0]  }
0x5a8: {  	v21 =	vmax.f32 v21, $0.0e+00;
	v22 =	vadd.f32 v23, v22;
	v23 =	vld [tilespmem:s25+$0xFFFFFFF0]  }
0x5a9: {  	v19 =	vadd.f32 v20, v19;
	v20 =	vadd.f32 v24, v33;
	v21 =	vmul.f32 v21, v11;
	v24 =	vld [tilespmem:s1+$0xFFFFFFF0]  }
0x5aa: {  	v22 =	vmax.f32 v22, $0.0e+00;
	v25 =	vadd.f32 v26, v25;
	v26 =	vld [tilespmem:s25+$0x30]  }
0x5ab: {  	v30 =	vperm.xlane v19, v0;
	v21 =	vadd.f32 v21, v31;
	v22 =	vmul.f32 v22, v7;
	v31 =	vld [tilespmem:s1+$0x30]  }
0x5ac: {  	v25 =	vmax.f32 v25, $0.0e+00;
	v27 =	vadd.f32 v29, v27;
	v29 =	vld [tilespmem:s25+$0x70]  }
0x5ad: {  	v21 =	vadd.f32 v21, v20;
	v22 =	vadd.f32 v22, v34;
	v20 =	vmul.f32 v25, v11;
	v33 =	vld [tilespmem:s1+$0x70]  }
0x5ae: {  	v19 =	vadd.f32 v19, v30;
	v25 =	vmax.f32 v27, $0.0e+00;
	v23 =	vadd.f32 v24, v23;
	v27 =	vld [tilespmem:s25+$0xB0]  }
0x5af: {  	v24 =	vperm.xlane v21, v0;
	v13 =	vadd.f32 v20, v13;
	v30 =	vmul.f32 v25, v7;
	v34 =	vld [tilespmem:s1+$0xB0]  }
0x5b0: {  	v20 =	vperm.xlane v19, v1;
	v35 =	vmax.f32 v23, $0.0e+00;
	v31 =	vadd.f32 v31, v26;
	v23 =	vld [tilespmem:s25+$0xF0]  }
.Ltmp7:
0x5b1: {  	v25 =	vadd.f32 v13, v22;
	v13 =	vadd.f32 v30, v32;
	v22 =	vmul.f32 v35, v11;
	v26 =	vld [tilespmem:s1+$0xF0];
	(pc) =	sbr.rel @p0 .LBB2_16-.Ltmp7, $4  }
0x5b2: {  	v21 =	vadd.f32 v21, v24;
	v30 =	vmax.f32 v31, $0.0e+00;
	v29 =	vadd.f32 v33, v29;
	v24 =	vld [tilespmem:s25+$0x130]  }
0x5b3: {  	v31 =	vperm.xlane v25, v0;
	v33 =	vadd.f32 v22, v28;
	v30 =	vmul.f32 v30, v7;
	v28 =	vld [tilespmem:s1+$0x130]  }
0x5b4: {  	v22 =	vperm.xlane v21, v1;
	v35 =	vmax.f32 v29, $0.0e+00;
	v32 =	vadd.f32 v34, v27;
	v27 =	vld [tilespmem:s25+$0x170]  }
0x5b5: {  	s25 =	sadd.s32 $0x400, s25;
	v13 =	vadd.f32 v33, v13;
	v29 =	vadd.f32 v30, v36;
	v33 =	vmul.f32 v35, v11;
	v30 =	vld [tilespmem:s1+$0x170]  }
0x5b6: {  	_ =	sdelay $0x1  }
0x5b7: {  	v25 =	vadd.f32 v25, v31  }
0x5b8: {  	v39 =	vmax.f32 v32, $0.0e+00;
	v23 =	vadd.f32 v26, v23;
	v16 =	vadd.f32 v33, v16  }
0x5b9: {  	v40 =	vperm.xlane v13, v0;
	v24 =	vadd.f32 v28, v24;
	v27 =	vadd.f32 v30, v27  }
0x5ba: {  	v41 =	vmul.f32 v39, v7;
	v23 =	vmax.f32 v23, $0.0e+00;
	v16 =	vadd.f32 v16, v29  }
0x5bb: {  	v23 =	vmul.f32 v23, v11;
	v24 =	vmax.f32 v24, $0.0e+00;
	v27 =	vmax.f32 v27, $0.0e+00  }
0x5bc: {  	v17 =	vadd.f32 v41, v17;
	v24 =	vmul.f32 v24, v7;
	v27 =	vmul.f32 v27, v11  }
0x5bd: {  	v13 =	vadd.f32 v13, v40;
	v14 =	vadd.f32 v23, v14  }
0x5be: {  	v15 =	vadd.f32 v24, v15;
	v18 =	vadd.f32 v27, v18  }
0x5bf: {  	v42 =	vperm.xlane v25, v1;
	v43 =	vperm.xlane v16, v0;
	v14 =	vadd.f32 v14, v17  }
0x5c0: {  	v17 =	vadd.f32 v19, v20;
	v19 =	vperm.xlane v13, v1;
	v15 =	vadd.f32 v18, v15  }
0x5c1: {  	v45 =	vadd.f32 v25, v42;
	v16 =	vadd.f32 v16, v43;
	v20 =	vperm.xlane v14, v0  }
0x5c2: {  	v44 =	vperm.xlane v17, v2;
	v13 =	vadd.f32 v13, v19;
	v46 =	vperm.xlane v15, v0  }
0x5c3: {  	v48 =	vperm.xlane v16, v1;
	v18 =	vadd.f32 v21, v22;
	v14 =	vadd.f32 v14, v20  }
0x5c4: {  	v19 =	vperm.xlane v45, v2;
	v17 =	vadd.f32 v17, v44;
	v15 =	vadd.f32 v15, v46  }
0x5c5: {  	v16 =	vadd.f32 v16, v48;
	v47 =	vperm.xlane v18, v2;
	v20 =	vperm.xlane v14, v1  }
0x5c6: {  	v49 =	vperm.xlane v13, v2;
	v19 =	vadd.f32 v45, v19;
	v23 =	vperm.xlane v15, v1  }
0x5c7: {  	v50 =	vperm.xlane v16, v2;
	v18 =	vadd.f32 v18, v47;
	v14 =	vadd.f32 v14, v20  }
0x5c8: {  	v53 =	vperm.xlane v19, v3;
	v20 =	vperm.xlane v17, v3;
	v15 =	vadd.f32 v15, v23  }
0x5c9: {  	v13 =	vadd.f32 v13, v49;
	v51 =	vperm.xlane v18, v3;
	v52 =	vperm.xlane v14, v2  }
0x5ca: {  	v16 =	vadd.f32 v16, v50;
	v17 =	vadd.f32 v17, v20;
	v54 =	vperm.xlane v15, v2  }
0x5cb: {  	v20 =	vperm.xlane v13, v3;
	v14 =	vadd.f32 v14, v52;
	v18 =	vadd.f32 v18, v51  }
0x5cc: {  	v55 =	vperm.xlane v16, v3;
	[tilespmem:s3+$0xFFFFFE00] =	vst v17;
	v17 =	vadd.f32 v19, v53;
	v15 =	vadd.f32 v15, v54  }
0x5cd: {  	v13 =	vadd.f32 v13, v20;
	v19 =	vperm.xlane v14, v3;
	[tilespmem:s3+$0xFFFFFE80] =	vst v18  }
0x5ce: {  	v16 =	vadd.f32 v16, v55;
	[tilespmem:s3+$0xFFFFFF00] =	vst v17;
	v18 =	vperm.xlane v15, v3  }
0x5cf: {  	[tilespmem:s3+$0xFFFFFF80] =	vst v13;
	v13 =	vadd.f32 v14, v19  }
0x5d0: {  	[tilespmem:s3+$0x0] =	vst v16;
	v14 =	vadd.f32 v15, v18  }
0x5d1: {  	[tilespmem:s3+$0x80] =	vst v13  }
0x5d2: {  	[tilespmem:s3+$0x100] =	vst v14  }
0x5d3: {  	v13 =	vld [tilespmem:s2+$0xFFFFFC00]  }
0x5d4: {  	v14 =	vld [tilespmem:s2+$0xFFFFFC80]  }
0x5d5: {  	v15 =	vld [tilespmem:s2+$0xFFFFFD00]  }
0x5d6: {  	v16 =	vld [tilespmem:s2+$0xFFFFFD80]  }
0x5d7: {  	v17 =	vld [tilespmem:s2+$0xFFFFFE00]  }
0x5d8: {  	v18 =	vld [tilespmem:s2+$0xFFFFFE80]  }
0x5d9: {  	v19 =	vld [tilespmem:s2+$0xFFFFFF00]  }
0x5da: {  	v20 =	vld [tilespmem:s2+$0xFFFFFF80]  }
0x5db: {  	v56 =	vld [tilespmem:s2+$0x0]  }
0x5dc: {  	v57 =	vld [tilespmem:s2+$0x80]  }
0x5dd: {  	v58 =	vld [tilespmem:s2+$0x100]  }
0x5de: {  	v59 =	vld [tilespmem:s2+$0x180]  }
0x5df: {  	v60 =	vld [tilespmem:s2+$0x200];
	v13 =	vsel vm0, v13, v14  }
0x5e0: {  	s1 =	simm.s32 $0x19380;
	v61 =	vld [tilespmem:s2+$0x280];
	v13 =	vsel vm1, v13, v15  }
0x5e1: {  	v62 =	vld [tilespmem:s1+$0xFFFFFE80];
	v13 =	vsel vm2, v13, v16  }
0x5e2: {  	v14 =	vld [tilespmem:s2+$0x300];
	v13 =	vsel vm3, v13, v17  }
0x5e3: {  	v16 =	vld [tilespmem:s1+$0xFFFFFC00];
	v13 =	vsel vm4, v13, v18  }
0x5e4: {  	v17 =	vld [tilespmem:s1+$0xFFFFFC80];
	v13 =	vsel vm5, v13, v19  }
0x5e5: {  	v18 =	vld [tilespmem:s1+$0xFFFFFD00];
	v13 =	vsel vm6, v13, v20  }
0x5e6: {  	v19 =	vld [tilespmem:s1+$0xFFFFFD80];
	v13 =	vsel vm7, v13, v56  }
0x5e7: {  	v20 =	vld [tilespmem:s1+$0xFFFFFE00];
	v13 =	vsel vm8, v13, v57  }
0x5e8: {  	v15 =	vld [tilespmem:s2+$0x380];
	v13 =	vsel vm9, v13, v58  }
0x5e9: {  	v16 =	vsel vm0, v16, v17;
	v17 =	vld [tilespmem:s1+$0xFFFFFF00];
	v13 =	vsel vm10, v13, v59  }
0x5ea: {  	v16 =	vsel vm1, v16, v18;
	v18 =	vld [tilespmem:s1+$0xFFFFFF80];
	v13 =	vsel vm11, v13, v60  }
0x5eb: {  	v16 =	vsel vm2, v16, v19;
	v19 =	vld [tilespmem:s1+$0x0];
	v13 =	vsel vm12, v13, v61  }
0x5ec: {  	v16 =	vsel vm3, v16, v20;
	v13 =	vsel vm13, v13, v14  }
0x5ed: {  	v16 =	vsel vm4, v16, v62;
	v13 =	vsel vm14, v13, v15  }
0x5ee: {  	v14 =	vsel vm5, v16, v17;
	v15 =	vsub.f32 $0.0e+00, v13  }
0x5ef: {  	v14 =	vsel vm6, v14, v18  }
0x5f0: {  	v13 =	vsel vm7, v14, v19;
	v19 =	vmul.f32 $1.442695020e+00, v15;
	_ =	sdelay $0x1  }
0x5f1: {  	v20 =	vld [tilespmem:s1+$0x80];
	(erf) = vpow2.f32 v19  }
0x5f2: {  	v63 =	vld [tilespmem:s1+$0x100]  }
0x5f3: {  	v17 =	vld [tilespmem:s1+$0x180]  }
0x5f4: {  	v18 =	vld [tilespmem:s1+$0x200]  }
0x5f5: {  	v14 =	vld [tilespmem:s1+$0x280]  }
0x5f6: {  	v16 =	vsel vm8, v13, v20;
	v13 =	vld [tilespmem:s1+$0x300]  }
0x5f7: {  	s3 =	simm.s32 $0x19B80;
	v20 =	vsel vm9, v16, v63;
	v15 =	vld [tilespmem:s1+$0x380]  }
0x5f8: {  	v16 =	vld [tilespmem:s3+$0xFFFFFC00];
	v20 =	vsel vm10, v20, v17  }
0x5f9: {  	s13 =	simm.s32 $0xC0;
	s2 =	simm.s32 $0x80;
	s1 =	simm.s32 $0x40;
	v17 =	vld [tilespmem:s3+$0xFFFFFC80];
	v18 =	vsel vm11, v20, v18  }
.LBB2_18:
0x5fa: {  	p0 =	sne.s32 s13, $0x1C0;
	v19 =	vld [tilespmem:s3+$0xFFFFFD00];
	v14 =	vsel vm12, v18, v14;
	v18 =	vpop (erf)  }
0x5fb: {  	v20 =	vld [tilespmem:s3+$0xFFFFFD80];
	v13 =	vsel vm13, v14, v13;
	v14 =	vadd.f32 $1.000000000e+00, v18  }
0x5fc: {  	v18 =	vld [tilespmem:s3+$0xFFFFFE00];
	v13 =	vsel vm14, v13, v15  }
0x5fd: {  	v15 =	vld [tilespmem:s3+$0xFFFFFE80];
	v13 =	vsub.f32 $0.0e+00, v13;
	(erf) = vrcp.f32 v14  }
0x5fe: {  	v14 =	vsel vm0, v16, v17;
	v16 =	vld [tilespmem:s3+$0xFFFFFF00]  }
0x5ff: {  	v14 =	vsel vm1, v14, v19;
	v17 =	vld [tilespmem:s3+$0xFFFFFF80];
	v13 =	vmul.f32 $1.442695020e+00, v13  }
0x600: {  	v14 =	vsel vm2, v14, v20;
	v19 =	vld [tilespmem:s3+$0x0]  }
0x601: {  	v14 =	vsel vm3, v14, v18;
	v18 =	vld [tilespmem:s3+$0x80];
	(erf) = vpow2.f32 v13  }
0x602: {  	v13 =	vsel vm4, v14, v15;
	v15 =	vld [tilespmem:s3+$0x100]  }
0x603: {  	v13 =	vsel vm5, v13, v16;
	v20 =	vld [tilespmem:s3+$0x180]  }
0x604: {  	v13 =	vsel vm6, v13, v17;
	v21 =	vld [tilespmem:s3+$0x200]  }
.Ltmp8:
0x605: {  	v13 =	vsel vm7, v13, v19;
	v14 =	vld [tilespmem:s3+$0x280];
	(pc) =	sbr.rel @p0 .LBB2_18-.Ltmp8, $4  }
0x606: {  	s14 =	sshra.s32 s24, $0x2;
	s24 =	smov.u32 s1;
	s1 =	smov.u32 s2;
	v16 =	vsel vm8, v13, v18;
	v13 =	vld [tilespmem:s3+$0x300];
	v17 =	vpop (erf)  }
0x607: {  	s2 =	smov.u32 s13;
	v18 =	vsel vm9, v16, v15;
	v15 =	vld [tilespmem:s3+$0x380];
	s3 =	sadd.s32 $0x800, s3;
	[tilespmem:s14+$0x18680] =	vst v17  }
0x608: {  	v16 =	vld [tilespmem:s3+$0xFFFFFC00];
	v18 =	vsel vm10, v18, v20  }
0x609: {  	s13 =	sadd.s32 $0x40, s13;
	v17 =	vld [tilespmem:s3+$0xFFFFFC80];
	v18 =	vsel vm11, v18, v21  }
0x60a: {  	v19 =	vld [tilespmem:s3+$0xFFFFFD00]  }
0x60b: {  	v20 =	vld [tilespmem:s3+$0xFFFFFD80]  }
0x60c: {  	v21 =	vld [tilespmem:s3+$0xFFFFFE00]  }
0x60d: {  	v14 =	vsel vm12, v18, v14;
	v55 =	vld [tilespmem:s3+$0xFFFFFE80]  }
0x60e: {  	v56 =	vld [tilespmem:s3+$0xFFFFFF00];
	v13 =	vsel vm13, v14, v13;
	v14 =	vsel vm0, v16, v17  }
0x60f: {  	v13 =	vsel vm14, v13, v15;
	v15 =	vld [tilespmem:s3+$0xFFFFFF80];
	v14 =	vsel vm1, v14, v19  }
0x610: {  	v57 =	vpop (erf);
	v58 =	vld [tilespmem:s3+$0x0];
	v13 =	vsub.f32 $0.0e+00, v13;
	v14 =	vsel vm2, v14, v20  }
0x611: {  	v59 =	vld [tilespmem:s3+$0x80];
	v17 =	vadd.f32 $1.000000000e+00, v57;
	v14 =	vsel vm3, v14, v21  }
0x612: {  	v60 =	vld [tilespmem:s3+$0x100];
	v13 =	vmul.f32 $1.442695020e+00, v13;
	v14 =	vsel vm4, v14, v55  }
0x613: {  	v61 =	vld [tilespmem:s3+$0x180];
	(erf) = vrcp.f32 v17;
	v14 =	vsel vm5, v14, v56  }
0x614: {  	(erf) = vpow2.f32 v13;
	v13 =	vsel vm6, v14, v15;
	v14 =	vld [tilespmem:s3+$0x200]  }
0x615: {  	v15 =	vld [tilespmem:s3+$0x280];
	v13 =	vsel vm7, v13, v58  }
0x616: {  	v62 =	vld [tilespmem:s3+$0x300];
	v13 =	vsel vm8, v13, v59  }
0x617: {  	v63 =	vld [tilespmem:s3+$0x380];
	v13 =	vsel vm9, v13, v60  }
0x618: {  	v13 =	vsel vm10, v13, v61  }
0x619: {  	v13 =	vsel vm11, v13, v14  }
0x61a: {  	v13 =	vsel vm12, v13, v15  }
0x61b: {  	v13 =	vsel vm13, v13, v62  }
0x61c: {  	v14 =	vpop (erf);
	v13 =	vsel vm14, v13, v63  }
0x61d: {  	v15 =	vpop (erf);
	v13 =	vsub.f32 $0.0e+00, v13  }
0x61e: {  	v15 =	vadd.f32 $1.000000000e+00, v15  }
0x61f: {  	v13 =	vmul.f32 $1.442695020e+00, v13  }
0x620: {  	(erf) = vrcp.f32 v15  }
0x621: {  	(erf) = vpow2.f32 v13;
	_ =	sdelay $0x7  }
0x622: {  	v13 =	vpop (erf)  }
0x623: {  	v15 =	vpop (erf)  }
0x624: {  	v15 =	vadd.f32 $1.000000000e+00, v15;
	_ =	sdelay $0x1  }
0x625: {  	(erf) = vrcp.f32 v15;
	_ =	sdelay $0x6  }
0x626: {  	s30 =	sshra.s32 s24, $0x2  }
0x627: {  	s1 =	sshra.s32 s1, $0x2;
	[tilespmem:s30+$0x18680] =	vst v14  }
0x628: {  	s31 =	sshra.s32 s2, $0x2;
	[tilespmem:s1+$0x18680] =	vst v13;
	v13 =	vpop (erf)  }
0x629: {  	[tilespmem:s31+$0x18680] =	vst v13  }
0x62a: {  	_ =	swait.ge [sflag:s20], $0x800  }
0x62b: {  	[sflag:s20] =	ssyncset.done $0x0  }
0x62c: {  	[sflag:s20] =	ssyncadd.s32 $0xFFFFF800  }
0x62d: {  	_ =	swait.ge [sflag:s21], $0x800  }
0x62e: {  	[sflag:s21] =	ssyncset.done $0x0  }
0x62f: {  	p0 =	por $0x1, $0x1;
	s1 =	simm.s32 $0x0;
	[sflag:s21] =	ssyncadd.s32 $0xFFFFF800  }
.LBB2_20:
0x630: {  	v13 =	vld [tilespmem:s1+$0x14F00]  }
0x631: {  	v14 =	vld [tilespmem:s1+$0x15700]  }
0x632: {  	v15 =	vld [tilespmem:s1+$0x14F40]  }
0x633: {  	v16 =	vld [tilespmem:s1+$0x15740]  }
0x634: {  	v17 =	vld [tilespmem:s1+$0x14F10]  }
0x635: {  	v18 =	vld [tilespmem:s1+$0x15710]  }
0x636: {  	v19 =	vld [tilespmem:s1+$0x14F50]  }
0x637: {  	v20 =	vld [tilespmem:s1+$0x15750]  }
0x638: {  	v21 =	vld [tilespmem:s1+$0x14F20]  }
0x639: {  	v22 =	vld [tilespmem:s1+$0x15720]  }
0x63a: {  	v23 =	vld [tilespmem:s1+$0x14F60]  }
0x63b: {  	v24 =	vld [tilespmem:s1+$0x15760]  }
0x63c: {  	v25 =	vld [tilespmem:s1+$0x14F30]  }
0x63d: {  	v26 =	vld [tilespmem:s1+$0x15730]  }
0x63e: {  	v27 =	vld [tilespmem:s1+$0x14F70]  }
0x63f: {  	v28 =	vld [tilespmem:s1+$0x15770]  }
0x640: {  	v29 =	vld [tilespmem:s1+$0x14F80]  }
0x641: {  	v30 =	vld [tilespmem:s1+$0x15780]  }
0x642: {  	v31 =	vld [tilespmem:s1+$0x14FC0]  }
0x643: {  	v32 =	vld [tilespmem:s1+$0x157C0]  }
0x644: {  	v33 =	vld [tilespmem:s1+$0x14F90]  }
0x645: {  	v34 =	vld [tilespmem:s1+$0x15790]  }
0x646: {  	v35 =	vld [tilespmem:s1+$0x14FD0]  }
0x647: {  	v36 =	vld [tilespmem:s1+$0x157D0]  }
0x648: {  	v37 =	vld [tilespmem:s1+$0x14FA0]  }
0x649: {  	v38 =	vld [tilespmem:s1+$0x157A0]  }
0x64a: {  	v39 =	vld [tilespmem:s1+$0x14FE0]  }
0x64b: {  	v40 =	vld [tilespmem:s1+$0x157E0]  }
0x64c: {  	v41 =	vld [tilespmem:s1+$0x14FB0]  }
0x64d: {  	v62 =	vld [tilespmem:s1+$0x14FF0]  }
0x64e: {  	v42 =	vld [tilespmem:s1+$0x157F0]  }
0x64f: {  	v43 =	vld [tilespmem:s1+$0x15840]  }
0x650: {  	v13 =	vadd.f32 v14, v13;
	v14 =	vld [tilespmem:s1+$0x157B0]  }
0x651: {  	v17 =	vadd.f32 v18, v17;
	v18 =	vld [tilespmem:s1+$0x15000]  }
0x652: {  	v19 =	vadd.f32 v20, v19;
	v20 =	vld [tilespmem:s1+$0x15800]  }
0x653: {  	v21 =	vadd.f32 v22, v21;
	v22 =	vld [tilespmem:s1+$0x15040]  }
0x654: {  	v23 =	vadd.f32 v24, v23;
	v24 =	vld [tilespmem:s1+$0x15010]  }
0x655: {  	v44 =	vadd.f32 v26, v25;
	v25 =	vld [tilespmem:s1+$0x15810]  }
0x656: {  	v26 =	vld [tilespmem:s1+$0x15050]  }
0x657: {  	v49 =	vadd.f32 v30, v29;
	v29 =	vld [tilespmem:s1+$0x15020]  }
0x658: {  	v50 =	vadd.f32 v32, v31;
	v31 =	vld [tilespmem:s1+$0x15060]  }
0x659: {  	v53 =	vadd.f32 v34, v33;
	v34 =	vld [tilespmem:s1+$0x15030]  }
0x65a: {  	v56 =	vadd.f32 v36, v35;
	v35 =	vld [tilespmem:s1+$0x15830]  }
0x65b: {  	v57 =	vadd.f32 v38, v37;
	v37 =	vld [tilespmem:s1+$0x15070]  }
0x65c: {  	v38 =	vld [tilespmem:s1+$0x15080]  }
0x65d: {  	v58 =	vadd.f32 v40, v39;
	v39 =	vld [tilespmem:s1+$0x150A0]  }
0x65e: {  	v15 =	vadd.f32 v16, v15;
	v40 =	vld [tilespmem:s1+$0x158A0]  }
0x65f: {  	v46 =	vadd.f32 v28, v27;
	v16 =	vadd.f32 v42, v62;
	v42 =	vld [tilespmem:s1+$0x159B0]  }
0x660: {  	v48 =	vmax.f32 v44, $0.0e+00;
	v44 =	vld [tilespmem:s1+$0x150B0]  }
0x661: {  	v45 =	vmax.f32 v23, $0.0e+00;
	v23 =	vmax.f32 v46, $0.0e+00;
	v46 =	vld [tilespmem:s1+$0x150F0]  }
0x662: {  	v27 =	vmax.f32 v49, $0.0e+00;
	v49 =	vld [tilespmem:s1+$0x15900]  }
0x663: {  	v28 =	vmax.f32 v50, $0.0e+00;
	v50 =	vld [tilespmem:s1+$0x15140]  }
0x664: {  	v33 =	vmax.f32 v57, $0.0e+00;
	v57 =	vld [tilespmem:s1+$0x15110]  }
0x665: {  	v21 =	vmax.f32 v21, $0.0e+00;
	v36 =	vmax.f32 v58, $0.0e+00;
	v58 =	vld [tilespmem:s1+$0x15910]  }
0x666: {  	v63 =	vmul.f32 v21, v6;
	v21 =	vld [tilespmem:s1+$0x15850]  }
0x667: {  	v52 =	vmul.f32 v23, v11;
	v23 =	vld [tilespmem:s1+$0x15820]  }
0x668: {  	v13 =	vmax.f32 v13, $0.0e+00;
	v15 =	vmax.f32 v15, $0.0e+00;
	v55 =	vmul.f32 v28, v8;
	v28 =	vld [tilespmem:s1+$0x15860]  }
0x669: {  	v17 =	vmax.f32 v17, $0.0e+00;
	v32 =	vmax.f32 v56, $0.0e+00;
	v60 =	vmul.f32 v33, v6;
	v33 =	vld [tilespmem:s1+$0x15870]  }
0x66a: {  	v19 =	vmax.f32 v19, $0.0e+00;
	v13 =	vmul.f32 v13, v4;
	v59 =	vmul.f32 v32, v9;
	v32 =	vld [tilespmem:s1+$0x150C0]  }
0x66b: {  	v30 =	vmax.f32 v53, $0.0e+00;
	v15 =	vmul.f32 v15, v8;
	v62 =	vmul.f32 v36, v10;
	v36 =	vld [tilespmem:s1+$0x158E0]  }
0x66c: {  	v16 =	vmax.f32 v16, $0.0e+00;
	v17 =	vmul.f32 v17, v5;
	v47 =	vmul.f32 v45, v10;
	v45 =	vld [tilespmem:s1+$0x158B0]  }
0x66d: {  	v51 =	vmul.f32 v48, v7;
	v48 =	vld [tilespmem:s1+$0x15100];
	v13 =	vadd.f32 v13, v12;
	v15 =	vadd.f32 $0.0e+00, v15  }
0x66e: {  	v54 =	vmul.f32 v27, v4;
	v27 =	vadd.f32 $0.0e+00, v55;
	v14 =	vadd.f32 v14, v41;
	v41 =	vld [tilespmem:s1+$0x150E0]  }
0x66f: {  	v19 =	vmul.f32 v19, v9;
	v55 =	vld [tilespmem:s1+$0x158F0];
	v18 =	vadd.f32 v20, v18;
	v22 =	vadd.f32 v43, v22  }
0x670: {  	v30 =	vmul.f32 v30, v5;
	v20 =	vld [tilespmem:s1+$0x15940];
	v24 =	vadd.f32 v25, v24;
	v40 =	vadd.f32 v40, v39  }
0x671: {  	v16 =	vmul.f32 v16, v11;
	v25 =	vld [tilespmem:s1+$0x15150];
	v13 =	vadd.f32 v17, v13;
	v15 =	vadd.f32 v19, v15  }
0x672: {  	v39 =	vld [tilespmem:s1+$0x151D0];
	v17 =	vadd.f32 v54, v12;
	v61 =	vadd.f32 v59, v27;
	v14 =	vmax.f32 v14, $0.0e+00  }
0x673: {  	v27 =	vld [tilespmem:s1+$0x158C0];
	v18 =	vmax.f32 v18, $0.0e+00;
	v59 =	vadd.f32 v35, v34;
	v43 =	vadd.f32 v58, v57  }
0x674: {  	v22 =	vmax.f32 v22, $0.0e+00;
	v34 =	vld [tilespmem:s1+$0x15960];
	v21 =	vadd.f32 v21, v26;
	v23 =	vadd.f32 v23, v29  }
0x675: {  	v24 =	vmax.f32 v24, $0.0e+00;
	v35 =	vld [tilespmem:s1+$0x15170];
	v28 =	vadd.f32 v28, v31;
	v44 =	vadd.f32 v45, v44  }
0x676: {  	v18 =	vmul.f32 v18, v4;
	v26 =	vld [tilespmem:s1+$0x15950];
	v13 =	vadd.f32 v63, v13;
	v15 =	vadd.f32 v47, v15  }
0x677: {  	v22 =	vmul.f32 v22, v8;
	v29 =	vld [tilespmem:s1+$0x15120];
	v17 =	vadd.f32 v30, v17;
	v19 =	vadd.f32 v62, v61  }
0x678: {  	v14 =	vmul.f32 v14, v7;
	v31 =	vld [tilespmem:s1+$0x15160];
	v61 =	vadd.f32 v33, v37;
	v18 =	vadd.f32 v18, v12  }
0x679: {  	v24 =	vmul.f32 v24, v5;
	v63 =	vld [tilespmem:s1+$0x15880];
	v22 =	vadd.f32 $0.0e+00, v22;
	v36 =	vadd.f32 v36, v41  }
0x67a: {  	v33 =	vld [tilespmem:s1+$0x15130];
	v62 =	vmax.f32 v59, $0.0e+00;
	v20 =	vadd.f32 v20, v50;
	v13 =	vadd.f32 v51, v13  }
0x67b: {  	v21 =	vmax.f32 v21, $0.0e+00;
	v15 =	vadd.f32 v52, v15;
	v16 =	vadd.f32 v16, v19;
	v19 =	vld [tilespmem:s1+$0x150D0]  }
0x67c: {  	v23 =	vmax.f32 v23, $0.0e+00;
	v17 =	vadd.f32 v60, v17;
	v18 =	vadd.f32 v24, v18;
	v24 =	vld [tilespmem:s1+$0x15930]  }
0x67d: {  	v21 =	vmul.f32 v21, v9;
	v23 =	vmul.f32 v23, v6;
	v13 =	vadd.f32 v15, v13;
	v15 =	vld [tilespmem:s1+$0x15090]  }
0x67e: {  	v60 =	vmax.f32 v28, $0.0e+00;
	v36 =	vmax.f32 v36, $0.0e+00;
	v14 =	vadd.f32 v14, v17;
	v17 =	vld [tilespmem:s1+$0x15890]  }
0x67f: {  	v28 =	vmax.f32 v61, $0.0e+00;
	v27 =	vadd.f32 v27, v32;
	v45 =	vmul.f32 v36, v10;
	v36 =	vld [tilespmem:s1+$0x159A0]  }
0x680: {  	v20 =	vmax.f32 v20, $0.0e+00;
	v21 =	vadd.f32 v21, v22;
	v59 =	vadd.f32 v26, v25;
	v25 =	vld [tilespmem:s1+$0x151F0]  }
0x681: {  	v22 =	vmul.f32 v60, v10;
	v20 =	vmul.f32 v20, v8;
	v26 =	vld [tilespmem:s1+$0x159F0];
	v61 =	vadd.f32 v34, v31  }
0x682: {  	v34 =	vld [tilespmem:s1+$0x15240];
	v18 =	vadd.f32 v23, v18;
	v23 =	vmul.f32 v62, v7;
	v30 =	vadd.f32 v63, v38  }
0x683: {  	v63 =	vmul.f32 v28, v11;
	v28 =	vld [tilespmem:s1+$0x15970];
	v38 =	vmax.f32 v27, $0.0e+00;
	v14 =	vadd.f32 v16, v14  }
0x684: {  	v27 =	vld [tilespmem:s1+$0x15980];
	v51 =	vperm.xlane v13, v0;
	v21 =	vadd.f32 v22, v21;
	v20 =	vadd.f32 $0.0e+00, v20  }
0x685: {  	v62 =	vld [tilespmem:s1+$0x15200];
	v18 =	vadd.f32 v23, v18;
	v32 =	vmax.f32 v30, $0.0e+00;
	v23 =	vmul.f32 v38, v8  }
0x686: {  	v16 =	vld [tilespmem:s1+$0x158D0];
	v13 =	vadd.f32 v13, v51;
	v52 =	vperm.xlane v14, v0;
	v21 =	vadd.f32 v63, v21  }
0x687: {  	v30 =	vld [tilespmem:s1+$0x15990];
	v37 =	vmul.f32 v32, v4;
	v24 =	vadd.f32 v24, v33;
	v15 =	vadd.f32 v17, v15  }
0x688: {  	v58 =	vmax.f32 v43, $0.0e+00;
	v63 =	vld [tilespmem:s1+$0x15A00];
	v23 =	vadd.f32 $0.0e+00, v23;
	v25 =	vadd.f32 v26, v25  }
0x689: {  	v41 =	vmax.f32 v40, $0.0e+00;
	v33 =	vld [tilespmem:s1+$0x15A70];
	v14 =	vadd.f32 v14, v52;
	v22 =	vadd.f32 v37, v12  }
0x68a: {  	v17 =	vld [tilespmem:s1+$0x15180];
	v53 =	vperm.xlane v13, v1;
	v52 =	vadd.f32 v55, v46;
	v28 =	vadd.f32 v28, v35  }
0x68b: {  	v26 =	vld [tilespmem:s1+$0x15270];
	v24 =	vmax.f32 v24, $0.0e+00;
	v15 =	vmax.f32 v15, $0.0e+00;
	v16 =	vadd.f32 v16, v19  }
0x68c: {  	v37 =	vld [tilespmem:s1+$0x15190];
	v43 =	vmul.f32 v24, v7;
	v13 =	vadd.f32 v13, v53;
	v54 =	vperm.xlane v14, v1  }
0x68d: {  	v32 =	vld [tilespmem:s1+$0x159C0];
	v25 =	vmax.f32 v25, $0.0e+00;
	v15 =	vmul.f32 v15, v5;
	v16 =	vmax.f32 v16, $0.0e+00  }
0x68e: {  	v46 =	vld [tilespmem:s1+$0x15210];
	v31 =	vadd.f32 v63, v62;
	v47 =	vperm.xlane v13, v2;
	v14 =	vadd.f32 v14, v54  }
0x68f: {  	v19 =	vld [tilespmem:s1+$0x151C0];
	v15 =	vadd.f32 v15, v22;
	v16 =	vmul.f32 v16, v9;
	v54 =	vadd.f32 v49, v48  }
0x690: {  	v53 =	vld [tilespmem:s1+$0x159D0];
	v22 =	vmul.f32 v41, v6;
	v17 =	vadd.f32 v27, v17;
	v26 =	vadd.f32 v33, v26  }
0x691: {  	v40 =	vmul.f32 v25, v11;
	v63 =	vld [tilespmem:s1+$0x15280];
	v50 =	vadd.f32 v30, v37;
	v13 =	vadd.f32 v13, v47  }
0x692: {  	v41 =	vld [tilespmem:s1+$0x151A0];
	v56 =	vperm.xlane v14, v2;
	v16 =	vadd.f32 v16, v23;
	v22 =	vadd.f32 v22, v15  }
0x693: {  	v48 =	vld [tilespmem:s1+$0x15A10];
	v15 =	vmax.f32 v44, $0.0e+00;
	v38 =	vmax.f32 v54, $0.0e+00;
	v23 =	vmul.f32 v58, v5  }
0x694: {  	v49 =	vld [tilespmem:s1+$0x15250];
	v19 =	vadd.f32 v32, v19;
	v17 =	vmax.f32 v17, $0.0e+00;
	v26 =	vmax.f32 v26, $0.0e+00  }
0x695: {  	v37 =	vld [tilespmem:s1+$0x15AF0];
	v55 =	vmul.f32 v15, v7;
	v15 =	vmax.f32 v52, $0.0e+00;
	v57 =	vmul.f32 v38, v4  }
0x696: {  	v44 =	vld [tilespmem:s1+$0x151E0];
	v17 =	vmul.f32 v17, v4;
	v52 =	vadd.f32 v53, v39;
	v14 =	vadd.f32 v14, v56  }
0x697: {  	v38 =	vld [tilespmem:s1+$0x151B0];
	v54 =	vmax.f32 v50, $0.0e+00;
	v26 =	vmul.f32 v26, v11;
	v51 =	vperm.xlane v13, v3  }
0x698: {  	v53 =	vld [tilespmem:s1+$0x15220];
	v16 =	vadd.f32 v45, v16;
	v56 =	vmul.f32 v15, v11;
	v47 =	vperm.xlane v14, v3  }
0x699: {  	v50 =	vld [tilespmem:s1+$0x152D0];
	v15 =	vadd.f32 v21, v18;
	v45 =	vmax.f32 v28, $0.0e+00;
	v22 =	vadd.f32 v55, v22  }
0x69a: {  	v19 =	vmax.f32 v19, $0.0e+00;
	v18 =	vadd.f32 v57, v12;
	v14 =	vadd.f32 v14, v47;
	v47 =	vld [tilespmem:s1+$0x15920]  }
0x69b: {  	v21 =	vld [tilespmem:s1+$0x159E0];
	v19 =	vmul.f32 v19, v8;
	v17 =	vadd.f32 v17, v12;
	v30 =	vmax.f32 v52, $0.0e+00  }
0x69c: {  	v55 =	vld [tilespmem:s1+$0x15A20];
	v36 =	vadd.f32 v36, v41;
	v41 =	vmax.f32 v31, $0.0e+00;
	v16 =	vadd.f32 v56, v16  }
0x69d: {  	v57 =	vld [tilespmem:s1+$0x15A60];
	v13 =	vadd.f32 v13, v51;
	v30 =	vmul.f32 v30, v9;
	v25 =	vmul.f32 v41, v4  }
0x69e: {  	v51 =	vld [tilespmem:s1+$0x15A50];
	v18 =	vadd.f32 v23, v18;
	v16 =	vadd.f32 v16, v22;
	v22 =	vmax.f32 v59, $0.0e+00  }
0x69f: {  	v56 =	vld [tilespmem:s1+$0x15260];
	v19 =	vadd.f32 $0.0e+00, v19;
	v22 =	vmul.f32 v22, v9;
	v60 =	vadd.f32 v47, v29  }
0x6a0: {  	v59 =	vmax.f32 v36, $0.0e+00;
	v58 =	vadd.f32 v21, v44;
	v21 =	vld [tilespmem:s1+$0x15230];
	v44 =	vadd.f32 v48, v46  }
0x6a1: {  	v48 =	vld [tilespmem:s1+$0x15A90];
	v20 =	vadd.f32 v22, v20;
	v29 =	vmax.f32 v61, $0.0e+00;
	v23 =	vmax.f32 v60, $0.0e+00  }
0x6a2: {  	v22 =	vadd.f32 v55, v53;
	v53 =	vld [tilespmem:s1+$0x152A0];
	v35 =	vmul.f32 v29, v10;
	v23 =	vmul.f32 v23, v6  }
0x6a3: {  	v25 =	vadd.f32 v25, v12;
	v47 =	vmul.f32 v45, v11;
	v61 =	vld [tilespmem:s1+$0x15A30];
	v60 =	vadd.f32 v42, v38  }
0x6a4: {  	v22 =	vmax.f32 v22, $0.0e+00;
	v29 =	vld [tilespmem:s1+$0x15A40];
	v20 =	vadd.f32 v35, v20;
	v18 =	vadd.f32 v23, v18  }
0x6a5: {  	v19 =	vadd.f32 v30, v19;
	v30 =	vmul.f32 v59, v6;
	v22 =	vmul.f32 v22, v6;
	v42 =	vld [tilespmem:s1+$0x15A80]  }
0x6a6: {  	v45 =	vld [tilespmem:s1+$0x15AC0];
	v36 =	vmax.f32 v60, $0.0e+00;
	v20 =	vadd.f32 v47, v20;
	v18 =	vadd.f32 v43, v18  }
0x6a7: {  	v62 =	vmul.f32 v36, v7;
	v23 =	vadd.f32 v51, v49;
	v47 =	vld [tilespmem:s1+$0x15290];
	v49 =	vadd.f32 v57, v56  }
0x6a8: {  	v21 =	vadd.f32 v61, v21;
	v61 =	vld [tilespmem:s1+$0x152B0];
	v18 =	vadd.f32 v20, v18;
	v20 =	vmul.f32 v54, v5  }
0x6a9: {  	v36 =	vld [tilespmem:s1+$0x152F0];
	v29 =	vadd.f32 v29, v34;
	v23 =	vmax.f32 v23, $0.0e+00;
	v52 =	vmax.f32 v49, $0.0e+00  }
0x6aa: {  	v43 =	vld [tilespmem:s1+$0x152C0];
	v57 =	vadd.f32 v42, v63;
	v17 =	vadd.f32 v20, v17;
	v20 =	vmax.f32 v58, $0.0e+00  }
0x6ab: {  	v63 =	vld [tilespmem:s1+$0x15AB0];
	v46 =	vmax.f32 v29, $0.0e+00;
	v23 =	vmul.f32 v23, v9;
	v20 =	vmul.f32 v20, v10  }
0x6ac: {  	v60 =	vld [tilespmem:s1+$0x15AE0];
	v21 =	vmax.f32 v21, $0.0e+00;
	v55 =	vmul.f32 v52, v10;
	v28 =	vmul.f32 v46, v8  }
0x6ad: {  	v51 =	vld [tilespmem:s1+$0x15AD0];
	v27 =	vadd.f32 v48, v47;
	v19 =	vadd.f32 v20, v19;
	v20 =	vmax.f32 v44, $0.0e+00  }
0x6ae: {  	v56 =	vld [tilespmem:s1+$0x15AA0];
	v39 =	vadd.f32 v37, v36;
	v28 =	vadd.f32 $0.0e+00, v28;
	v20 =	vmul.f32 v20, v5  }
0x6af: {  	v21 =	vmul.f32 v21, v7;
	v58 =	vld [tilespmem:s1+$0x152E0];
	v59 =	vadd.f32 v45, v43;
	v17 =	vadd.f32 v30, v17  }
0x6b0: {  	v27 =	vmax.f32 v27, $0.0e+00;
	v38 =	vadd.f32 v63, v61;
	v20 =	vadd.f32 v20, v25  }
0x6b1: {  	v54 =	vadd.f32 v23, v28;
	v23 =	vmax.f32 v59, $0.0e+00;
	v17 =	vadd.f32 v62, v17  }
0x6b2: {  	v62 =	vadd.f32 v51, v50;
	v20 =	vadd.f32 v22, v20;
	v22 =	vmax.f32 v57, $0.0e+00  }
0x6b3: {  	v23 =	vmul.f32 v23, v8;
	v19 =	vadd.f32 v40, v19;
	v22 =	vmul.f32 v22, v4  }
0x6b4: {  	v27 =	vmul.f32 v27, v5;
	v24 =	vadd.f32 v60, v58;
	v25 =	vadd.f32 v56, v53  }
0x6b5: {  	v30 =	vmax.f32 v62, $0.0e+00;
	v23 =	vadd.f32 $0.0e+00, v23;
	v22 =	vadd.f32 v22, v12  }
0x6b6: {  	v17 =	vadd.f32 v19, v17;
	v30 =	vmul.f32 v30, v9;
	v25 =	vmax.f32 v25, $0.0e+00  }
0x6b7: {  	v24 =	vmax.f32 v24, $0.0e+00;
	v25 =	vmul.f32 v25, v6;
	v22 =	vadd.f32 v27, v22  }
0x6b8: {  	v19 =	vadd.f32 v55, v54;
	v24 =	vmul.f32 v24, v10;
	v23 =	vadd.f32 v30, v23  }
0x6b9: {  	v27 =	vmax.f32 v39, $0.0e+00;
	v22 =	vadd.f32 v25, v22;
	v25 =	vmax.f32 v38, $0.0e+00  }
0x6ba: {  	v23 =	vadd.f32 v24, v23;
	v41 =	vmul.f32 v27, v11;
	v40 =	vmul.f32 v25, v7  }
0x6bb: {  	v42 =	vperm.xlane v15, v0;
	v19 =	vadd.f32 v26, v19;
	v20 =	vadd.f32 v21, v20  }
0x6bc: {  	v43 =	vperm.xlane v16, v0;
	v23 =	vadd.f32 v41, v23;
	v22 =	vadd.f32 v40, v22  }
0x6bd: {  	v15 =	vadd.f32 v15, v42;
	v44 =	vperm.xlane v18, v0;
	v19 =	vadd.f32 v19, v20  }
0x6be: {  	v16 =	vadd.f32 v16, v43;
	v45 =	vperm.xlane v17, v0;
	v22 =	vadd.f32 v23, v22  }
0x6bf: {  	v46 =	vperm.xlane v15, v1;
	v18 =	vadd.f32 v18, v44;
	v47 =	vperm.xlane v19, v0  }
0x6c0: {  	v24 =	vperm.xlane v16, v1;
	v17 =	vadd.f32 v17, v45;
	v48 =	vperm.xlane v22, v0  }
0x6c1: {  	v15 =	vadd.f32 v15, v46;
	v49 =	vperm.xlane v18, v1;
	v19 =	vadd.f32 v19, v47  }
0x6c2: {  	v16 =	vadd.f32 v16, v24;
	v50 =	vperm.xlane v17, v1;
	v20 =	vadd.f32 v22, v48  }
0x6c3: {  	v51 =	vperm.xlane v15, v2;
	v18 =	vadd.f32 v18, v49;
	v52 =	vperm.xlane v19, v1  }
0x6c4: {  	v24 =	vperm.xlane v16, v2;
	v17 =	vadd.f32 v17, v50;
	v53 =	vperm.xlane v20, v1  }
0x6c5: {  	v15 =	vadd.f32 v15, v51;
	v54 =	vperm.xlane v18, v2;
	v19 =	vadd.f32 v19, v52  }
0x6c6: {  	v16 =	vadd.f32 v16, v24;
	v55 =	vperm.xlane v17, v2;
	v20 =	vadd.f32 v20, v53  }
0x6c7: {  	v56 =	vperm.xlane v15, v3;
	v18 =	vadd.f32 v18, v54;
	v57 =	vperm.xlane v19, v2  }
0x6c8: {  	v24 =	vperm.xlane v16, v3;
	v17 =	vadd.f32 v17, v55;
	v58 =	vperm.xlane v20, v2  }
0x6c9: {  	[tilespmem:s1+$0x18780] =	vst v13;
	v13 =	vadd.f32 v15, v56;
	v59 =	vperm.xlane v18, v3;
	v15 =	vadd.f32 v19, v57  }
0x6ca: {  	[tilespmem:s1+$0x18800] =	vst v14;
	v14 =	vadd.f32 v16, v24;
	v61 =	vperm.xlane v17, v3;
	v60 =	vadd.f32 v20, v58  }
0x6cb: {  	p1 =	por p0, p0;
	[tilespmem:s1+$0x18880] =	vst v13;
	v13 =	vadd.f32 v18, v59;
	v62 =	vperm.xlane v15, v3  }
.Ltmp9:
0x6cc: {  	[tilespmem:s1+$0x18900] =	vst v14;
	v14 =	vadd.f32 v17, v61;
	v63 =	vperm.xlane v60, v3;
	(pc) =	sbr.rel @p1 .LBB2_20-.Ltmp9, $4  }
0x6cd: {  	[tilespmem:s1+$0x18980] =	vst v13;
	v13 =	vadd.f32 v15, v62  }
0x6ce: {  	[tilespmem:s1+$0x18A00] =	vst v14;
	v14 =	vadd.f32 v60, v63  }
0x6cf: {  	[tilespmem:s1+$0x18A80] =	vst v13  }
0x6d0: {  	p0 =	por $0x0, $0x0;
	[tilespmem:s1+$0x18B00] =	vst v14;
	s1 =	simm.s32 $0x400  }
0x6d1: {  	v4 =	vld [tilespmem:$0x18780]  }
0x6d2: {  	v5 =	vld [tilespmem:$0x18800]  }
0x6d3: {  	v6 =	vld [tilespmem:$0x18880]  }
0x6d4: {  	v7 =	vld [tilespmem:$0x18900]  }
0x6d5: {  	v8 =	vld [tilespmem:$0x18980]  }
0x6d6: {  	v9 =	vld [tilespmem:$0x18A00]  }
0x6d7: {  	v4 =	vsel vm0, v4, v5;
	v5 =	vld [tilespmem:$0x18A80]  }
0x6d8: {  	v56 =	vld [tilespmem:$0x18B00];
	v4 =	vsel vm1, v4, v6  }
0x6d9: {  	v57 =	vld [tilespmem:$0x18B80];
	v4 =	vsel vm2, v4, v7  }
0x6da: {  	v58 =	vld [tilespmem:$0x18C00];
	v4 =	vsel vm3, v4, v8  }
0x6db: {  	v59 =	vld [tilespmem:$0x18C80];
	v4 =	vsel vm4, v4, v9  }
0x6dc: {  	v4 =	vsel vm5, v4, v5;
	v5 =	vld [tilespmem:$0x18D00]  }
0x6dd: {  	v60 =	vld [tilespmem:$0x18D80];
	v4 =	vsel vm6, v4, v56  }
0x6de: {  	v61 =	vld [tilespmem:$0x18E00];
	v4 =	vsel vm7, v4, v57  }
0x6df: {  	v62 =	vld [tilespmem:$0x18E80];
	v4 =	vsel vm8, v4, v58  }
0x6e0: {  	v63 =	vld [tilespmem:$0x18F00];
	v4 =	vsel vm9, v4, v59  }
0x6e1: {  	v4 =	vsel vm10, v4, v5  }
0x6e2: {  	v4 =	vsel vm11, v4, v60  }
0x6e3: {  	v4 =	vsel vm12, v4, v61  }
0x6e4: {  	v4 =	vsel vm13, v4, v62  }
0x6e5: {  	v4 =	vsel vm14, v4, v63  }
0x6e6: {  	v4 =	vsub.f32 $0.0e+00, v4;
	_ =	sdelay $0x1  }
0x6e7: {  	v4 =	vmul.f32 $1.442695020e+00, v4;
	_ =	sdelay $0x1  }
0x6e8: {  	(erf) = vpow2.f32 v4;
	_ =	sdelay $0x8  }
0x6e9: {  	v4 =	vpop (erf)  }
0x6ea: {  	v4 =	vadd.f32 $1.000000000e+00, v4;
	_ =	sdelay $0x1  }
0x6eb: {  	(erf) = vrcp.f32 v4;
	_ =	sdelay $0x7  }
0x6ec: {  	s0 =	sadd.s32 $0x1, s0  }
0x6ed: {  	p0 =	sne.s32 s0, s10;
	v4 =	vpop (erf)  }
.Ltmp10:
0x6ee: {  	s1 =	simm.s32 $0x16000;
	[tilespmem:$0x18700] =	vst v4;
	(pc) =	sbr.rel @p0 .LBB2_1-.Ltmp10, $4  }
0x6ef: {  	[hbm4b:s9+s4] =	stream.linear.scatter [tilespmem:s1], [sflag:$0x5], $0x2710, $0x38;
	[tilespmem:$0x1C780] =	vst v63  }
0x6f0: {  	_ =	swait.ge [sflag:s11], $0x2710  }
0x6f1: {  	[sflag:s11] =	ssyncset.done $0x0  }
0x6f2: {  	[sflag:s11] =	ssyncadd.s32 $0xFFFFD8F0  }
0x6f3: {  	_ =	sfence.sel $0x180000  }
0x6f4: {  	[bflag:$0x0] =	sbarrier.arrive $0xFFFF  }
0x6f5: {  	_ =	strace $0x90000047  }
0x6f6: {  	s0 =	stileid.u32;
	[bflag:$0x2] =	sbarrier.arrive $0xFFFF  }
0x6f7: {  	p0 =	sne.s32 s0, $0x0;
	s0 =	rddreg [dreg:$0x3]  }
0x6f8: {  	s0 =	sadd.s32 @!p0 $0x100000, s0  }
0x6f9: {  	[sflag:s0] =	ssyncadd.tile.s32 @!p0 $0x1;
	_ =	shalt  }
.Lfunc_end2:
_tile_overlayer_lowered:
.L_overlay_start_2:
0x6fa: {  	(tag) =	ssettag $0x2  }
0x6fb: {  	s0 =	rddreg [dreg:$0x0];
	s2 =	stileid.u32  }
0x6fc: {  	s1 =	rddreg [dreg:$0x1];
	p0 =	sne.s32 s2, $0x0  }
0x6fd: {  	s3 =	rddreg [dreg:$0x2];
	[bflag:$0x3] =	sbarrier.arrive $0xFFFF;
	s2 =	simm.s32 @!p0 $0x1C05  }
0x6fe: {  	[timem:s3], [sflag:s2] =	dma.local @!p0 [hbm:s0], s1  }
0x6ff: {  	s0 =	simm.s32 @!p0 $0x5  }
0x700: {  	_ =	swait.ge @!p0 [sflag:s0], s1  }
0x701: {  	s1 =	ssub.s32 @!p0 $0x0, s1;
	[sflag:s0] =	ssyncset.done @!p0 $0x0  }
0x702: {  	[sflag:s0] =	ssyncadd.s32 @!p0 s1  }
0x703: {  	[bflag:$0x3] =	sbarrier.arrive $0xFFFF  }
0x704: {  	_ =	shalt  }

</sc_bundles>
